<compile_context>
chip_gen: v7x
topology: tpu7x:2x2x1
jax: 0.10.2.dev20260603
libtpu: 0.0.44.dev20260713+nightly
codegen_flags: <defaults>
</compile_context>

<pallas_src>
import functools
import jax
import jax.numpy as jnp
from jax import lax
from jax.experimental import pallas as pl
from jax.experimental.pallas import tpu as pltpu
from jax.experimental.pallas import tpu_sc as plsc

N = 10000
E = 320000
D = 128
EPS = 0.1
NC = 2
NS = 16
NW = NC * NS
EPW = E // NW
C = 80
NCH = EPW // C
NPAD = 10240
RPT = NPAD // NS

f32 = jnp.float32
i32 = jnp.int32

_mesh = plsc.VectorSubcoreMesh(core_axis_name="c", subcore_axis_name="s",
                               num_cores=NC, num_subcores=NS)


@functools.partial(
    pl.kernel,
    out_type=jax.ShapeDtypeStruct((NC, NPAD), f32),
    mesh=_mesh,
    scratch_types=[
        pltpu.VMEM((NCH, 2, C), i32),
        pltpu.VMEM((C,), f32),
        pltpu.VMEM((RPT,), f32),
        pltpu.VMEM_SHARED((NPAD,), f32),
        pltpu.SemaphoreType.DMA,
    ],
    compiler_params=pltpu.CompilerParams(needs_layout_passes=False),
)
def _deg_kernel(idx_hbm, out_hbm, didx, ones_v, zbuf, deg_sh, sem):
    cid = lax.axis_index("c")
    sid = lax.axis_index("s")
    wid = sid * NC + cid
    for k in range(C // 16):
        ones_v[pl.ds(k * 16, 16)] = jnp.ones((16,), f32)
    for k in range(RPT // 16):
        zbuf[pl.ds(k * 16, 16)] = jnp.zeros((16,), f32)
    pltpu.sync_copy(zbuf, deg_sh.at[pl.ds(sid * RPT, RPT)])
    pltpu.sync_copy(idx_hbm.at[wid], didx)
    plsc.subcore_barrier()

    def body(c, carry):
        pltpu.async_copy(ones_v, deg_sh.at[didx.at[c].at[1]], sem, add=True)
        return carry

    lax.fori_loop(0, NCH, body, 0)

    def drain(c, carry):
        pltpu.make_async_copy(ones_v, deg_sh.at[pl.ds(0, C)], sem).wait()
        return carry

    lax.fori_loop(0, NCH, drain, 0)
    plsc.subcore_barrier()
    pltpu.sync_copy(deg_sh.at[pl.ds(sid * RPT, RPT)],
                    out_hbm.at[cid].at[pl.ds(sid * RPT, RPT)])


@functools.partial(
    pl.kernel,
    out_type=jax.ShapeDtypeStruct((NC, NPAD, D), f32),
    mesh=_mesh,
    scratch_types=[
        pltpu.VMEM((N,), f32),
        pltpu.VMEM((N,), f32),
        pltpu.VMEM((4, 2, C), i32),
        pltpu.VMEM((C,), f32),
        pltpu.VMEM((2, C, D), f32),
        pltpu.VMEM((8, D), f32),
        pltpu.VMEM_SHARED((NPAD, D), f32),
        pltpu.SemaphoreType.DMA,
        pltpu.SemaphoreType.DMA,
        pltpu.SemaphoreType.DMA,
        pltpu.SemaphoreType.DMA,
    ],
    compiler_params=pltpu.CompilerParams(needs_layout_passes=False),
)
def _edge_kernel(hs_hbm, a_hbm, b_hbm, idx_hbm, out_hbm,
                 av, bv, idx2, ebuf, rows2, zbuf, zsh,
                 sem_i, sem_g0, sem_g1, sem_s):
    cid = lax.axis_index("c")
    sid = lax.axis_index("s")
    wid = sid * NC + cid
    pltpu.async_copy(a_hbm, av, sem_g0)
    pltpu.async_copy(b_hbm, bv, sem_g1)

    for i in range(8):
        for j in range(D // 16):
            zbuf[i, pl.ds(j * 16, 16)] = jnp.zeros((16,), f32)

    def zrow(r, carry):
        pltpu.async_copy(zbuf, zsh.at[pl.ds(sid * RPT + r * 8, 8)], sem_s)
        return carry

    lax.fori_loop(0, RPT // 8, zrow, 0)

    def zdrain(r, carry):
        pltpu.make_async_copy(zbuf, zsh.at[pl.ds(sid * RPT, 8)], sem_s).wait()
        return carry

    lax.fori_loop(0, RPT // 8, zdrain, 0)
    pltpu.make_async_copy(a_hbm, av, sem_g0).wait()
    pltpu.make_async_copy(b_hbm, bv, sem_g1).wait()
    plsc.subcore_barrier()

    widx = idx_hbm.at[wid]
    pltpu.sync_copy(widx.at[0], idx2.at[0])
    pltpu.async_copy(widx.at[1], idx2.at[1], sem_i)
    pltpu.async_copy(hs_hbm.at[idx2.at[0].at[0]], rows2.at[0], sem_g0)

    def mchunk(c, carry):
        p4 = jnp.bitwise_and(c, 3)
        p2 = jnp.bitwise_and(c, 1)
        q2 = 1 - p2
        @plsc.parallel_loop(0, C, 16, unroll=C // 16)
        def _(k16):
            sv = idx2[p4, 0, pl.ds(k16, 16)]
            dv = idx2[p4, 1, pl.ds(k16, 16)]
            x = plsc.load_gather(av, [dv]) + plsc.load_gather(bv, [sv])
            u = jnp.exp(x + x)
            ebuf[pl.ds(k16, 16)] = 1.0 - 2.0 / (u + 1.0)

        @pl.when(c >= 1)
        def _():
            pltpu.make_async_copy(hs_hbm.at[pl.ds(0, C)], rows2.at[0],
                                  sem_s).wait()

        @pl.when(c < NCH - 1)
        def _():
            pltpu.make_async_copy(widx.at[0], idx2.at[0], sem_i).wait()

            @pl.when(c < NCH - 2)
            def _():
                pltpu.async_copy(widx.at[c + 2],
                                 idx2.at[jnp.bitwise_and(c + 2, 3)], sem_i)

            qp4 = jnp.bitwise_and(c + 1, 3)

            @pl.when(q2 == 0)
            def _():
                pltpu.async_copy(hs_hbm.at[idx2.at[qp4].at[0]], rows2.at[q2],
                                 sem_g0)

            @pl.when(q2 == 1)
            def _():
                pltpu.async_copy(hs_hbm.at[idx2.at[qp4].at[0]], rows2.at[q2],
                                 sem_g1)

        @pl.when(p2 == 0)
        def _():
            pltpu.make_async_copy(hs_hbm.at[pl.ds(0, C)], rows2.at[0],
                                  sem_g0).wait()

        @pl.when(p2 == 1)
        def _():
            pltpu.make_async_copy(hs_hbm.at[pl.ds(0, C)], rows2.at[0],
                                  sem_g1).wait()

        @plsc.parallel_loop(0, C, 1, unroll=16)
        def _(i):
            eb = plsc.load_gather(ebuf, [jnp.broadcast_to(i, (16,))])
            for j in range(D // 16):
                rows2[p2, i, pl.ds(j * 16, 16)] = (
                    rows2[p2, i, pl.ds(j * 16, 16)] * eb)
        pltpu.async_copy(rows2.at[p2], zsh.at[idx2.at[p4].at[1]], sem_s,
                         add=True)
        return carry

    lax.fori_loop(0, NCH, mchunk, 0)
    pltpu.make_async_copy(hs_hbm.at[pl.ds(0, C)], rows2.at[0], sem_s).wait()
    plsc.subcore_barrier()
    pltpu.sync_copy(zsh.at[pl.ds(sid * RPT, RPT)],
                    out_hbm.at[cid].at[pl.ds(sid * RPT, RPT)])


B = 2000
GRID = N // B


def _k1_body(feat_ref, w1t_ref, w1b_ref, g1_ref, g2_ref, gb_ref, deg_ref,
             h_ref, hs_ref, a_ref, b_ref, norm_ref):
    h = jnp.maximum(
        jnp.dot(feat_ref[...], w1t_ref[...], preferred_element_type=f32)
        + w1b_ref[...], 0.0)
    h_ref[...] = h
    a_ref[...] = jnp.sum(h * g1_ref[...], axis=1, keepdims=True) + gb_ref[...]
    b_ref[...] = jnp.sum(h * g2_ref[...], axis=1, keepdims=True)
    d = jnp.sum(deg_ref[...], axis=1, keepdims=True)
    nrm = lax.rsqrt(jnp.maximum(d, 1.0))
    norm_ref[...] = nrm
    hs_ref[...] = h * nrm


_k1 = pl.pallas_call(
    _k1_body,
    grid=(GRID,),
    in_specs=[
        pl.BlockSpec((B, D), lambda i: (i, 0)),
        pl.BlockSpec((D, D), lambda i: (0, 0)),
        pl.BlockSpec((1, D), lambda i: (0, 0)),
        pl.BlockSpec((1, D), lambda i: (0, 0)),
        pl.BlockSpec((1, D), lambda i: (0, 0)),
        pl.BlockSpec((1, 1), lambda i: (0, 0)),
        pl.BlockSpec((B, 2), lambda i: (i, 0)),
    ],
    out_specs=[
        pl.BlockSpec((B, D), lambda i: (i, 0)),
        pl.BlockSpec((B, D), lambda i: (i, 0)),
        pl.BlockSpec((B, 1), lambda i: (i, 0)),
        pl.BlockSpec((B, 1), lambda i: (i, 0)),
        pl.BlockSpec((B, 1), lambda i: (i, 0)),
    ],
    out_shape=[
        jax.ShapeDtypeStruct((N, D), f32),
        jax.ShapeDtypeStruct((N, D), f32),
        jax.ShapeDtypeStruct((N, 1), f32),
        jax.ShapeDtypeStruct((N, 1), f32),
        jax.ShapeDtypeStruct((N, 1), f32),
    ],
)


def _k2_body(raw_ref, z0_ref, z1_ref, norm_ref, g1_ref, g2_ref, gb_ref,
             hs_ref, a_ref, b_ref):
    nrm = norm_ref[...]
    h = EPS * raw_ref[...] + nrm * (z0_ref[0] + z1_ref[0])
    hs_ref[...] = h * nrm
    a_ref[...] = jnp.sum(h * g1_ref[...], axis=1, keepdims=True) + gb_ref[...]
    b_ref[...] = jnp.sum(h * g2_ref[...], axis=1, keepdims=True)


_k2 = pl.pallas_call(
    _k2_body,
    grid=(GRID,),
    in_specs=[
        pl.BlockSpec((B, D), lambda i: (i, 0)),
        pl.BlockSpec((1, B, D), lambda i: (0, i, 0)),
        pl.BlockSpec((1, B, D), lambda i: (1, i, 0)),
        pl.BlockSpec((B, 1), lambda i: (i, 0)),
        pl.BlockSpec((1, D), lambda i: (0, 0)),
        pl.BlockSpec((1, D), lambda i: (0, 0)),
        pl.BlockSpec((1, 1), lambda i: (0, 0)),
    ],
    out_specs=[
        pl.BlockSpec((B, D), lambda i: (i, 0)),
        pl.BlockSpec((B, 1), lambda i: (i, 0)),
        pl.BlockSpec((B, 1), lambda i: (i, 0)),
    ],
    out_shape=[
        jax.ShapeDtypeStruct((N, D), f32),
        jax.ShapeDtypeStruct((N, 1), f32),
        jax.ShapeDtypeStruct((N, 1), f32),
    ],
)


def _k3_body(raw_ref, z0_ref, z1_ref, norm_ref, w2t_ref, wb_ref, bias_ref,
             out_ref):
    h = EPS * raw_ref[...] + norm_ref[...] * (z0_ref[0] + z1_ref[0])
    out_ref[...] = (jnp.dot(h, w2t_ref[...], preferred_element_type=f32)
                    + wb_ref[...] + bias_ref[...])


_k3 = pl.pallas_call(
    _k3_body,
    grid=(GRID,),
    in_specs=[
        pl.BlockSpec((B, D), lambda i: (i, 0)),
        pl.BlockSpec((1, B, D), lambda i: (0, i, 0)),
        pl.BlockSpec((1, B, D), lambda i: (1, i, 0)),
        pl.BlockSpec((B, 1), lambda i: (i, 0)),
        pl.BlockSpec((D, D), lambda i: (0, 0)),
        pl.BlockSpec((1, D), lambda i: (0, 0)),
        pl.BlockSpec((1, D), lambda i: (0, 0)),
    ],
    out_specs=pl.BlockSpec((B, D), lambda i: (i, 0)),
    out_shape=jax.ShapeDtypeStruct((N, D), f32),
)


def kernel(feat, edge_index, W1_w, W1_b, gate_w, gate_b, W2_w, W2_b, bias):
    ei = edge_index.astype(i32)
    packed = ei.reshape(2, NW, NCH, C).transpose(1, 2, 0, 3)

    deg_parts = _deg_kernel(packed)
    deg2 = deg_parts[:, :N].T

    w1t = W1_w.T
    g1 = gate_w[:, :D]
    g2 = gate_w[:, D:]
    gb = gate_b.reshape(1, 1)

    raw, hs, a, b, norm = _k1(feat, w1t, W1_b.reshape(1, D), g1, g2, gb, deg2)

    zp = _edge_kernel(hs, a.reshape(N), b.reshape(N), packed)
    hs, a, b = _k2(raw, zp, zp, norm, g1, g2, gb)

    zp = _edge_kernel(hs, a.reshape(N), b.reshape(N), packed)
    rst = _k3(raw, zp, zp, norm, W2_w.T, W2_b.reshape(1, D),
              bias.reshape(1, D))
    return rst

# --- scband reference (transcript-rebuilt; emitter-appended) ---
"""Pipeline reference for scband-faconv-30794915512916 (READ-ONLY COPY).

The authoritative reference and input builder live on the scoring server;
editing this copy changes nothing except your own understanding.
"""

import jax, jax.numpy as jnp
import numpy as np

N_NODES = 10000
N_EDGES = 320000
IN_FEATS = 128
HIDDEN = 128
OUT_FEATS = 128
EPS = 0.1
NUM_LAYERS = 2


def setup_inputs(seed: int = 0) -> dict:
    key = jax.random.key(seed)
    ks = jax.random.split(key, 9)
    feat = jax.random.normal(ks[0], (N_NODES, IN_FEATS), dtype=jnp.float32)
    edge_index = jax.random.randint(ks[1], (2, N_EDGES), 0, N_NODES, dtype=jnp.int64)
    # xavier_normal with gain=1.414 approximations
    W1_w = jax.random.normal(ks[2], (HIDDEN, IN_FEATS), dtype=jnp.float32) * (1.414 * np.sqrt(2.0 / (IN_FEATS + HIDDEN)))
    W1_b = jnp.zeros((HIDDEN,), dtype=jnp.float32)
    gate_w = jax.random.normal(ks[3], (1, 2 * HIDDEN), dtype=jnp.float32) * (1.414 * np.sqrt(2.0 / (2 * HIDDEN + 1)))
    gate_b = jnp.zeros((1,), dtype=jnp.float32)
    W2_w = jax.random.normal(ks[4], (OUT_FEATS, HIDDEN), dtype=jnp.float32) * (1.414 * np.sqrt(2.0 / (HIDDEN + OUT_FEATS)))
    W2_b = jnp.zeros((OUT_FEATS,), dtype=jnp.float32)
    bias = jnp.zeros((OUT_FEATS,), dtype=jnp.float32)
    return {"feat": feat, "edge_index": edge_index, "W1_w": W1_w, "W1_b": W1_b,
            "gate_w": gate_w, "gate_b": gate_b, "W2_w": W2_w, "W2_b": W2_b, "bias": bias}


def reference(feat, edge_index, W1_w, W1_b, gate_w, gate_b, W2_w, W2_b, bias):
    N = feat.shape[0]
    src = edge_index[0]
    dst = edge_index[1]
    # in-degrees (messages flow src -> dst), clamp(min=1), norm = d^{-1/2}
    deg = jnp.maximum(jnp.bincount(dst, length=N).astype(jnp.float32), 1.0)
    norm = deg ** -0.5
    # h^{(0)} = relu(W1 h)  (dropout p=0.0 is identity)
    h = jax.nn.relu(feat @ W1_w.T + W1_b)
    raw = h
    for _ in range(NUM_LAYERS):
        # alpha_{ij} = tanh(g^T [h_dst || h_src])
        cat_h = jnp.concatenate([h[dst], h[src]], axis=1)
        g = jnp.tanh(cat_h @ gate_w.T + gate_b)[:, 0]
        e = g * norm[dst] * norm[src]
        # message: h_src * e, aggregated by sum at dst
        msg = h[src] * e[:, None]
        z = jax.ops.segment_sum(msg, dst, num_segments=N)
        h = EPS * raw + z
    rst = h @ W2_w.T + W2_b
    rst = rst + bias
    return rst

if __name__ == "__main__":
    import jax
    _d = setup_inputs()
    print(jax.jit(kernel)(*tuple(_d.values())))

</pallas_src>

<mosaic_0001>
#map = affine_map<(d0, d1) -> (0, 0, 0, 0)>
#map1 = affine_map<(d0, d1) -> (0, 0)>
module attributes {stable_mosaic.version = 14 : i64} {
  func.func @_deg_kernel(%arg0: i32, %arg1: i32, %arg2: memref<32x125x2x80xi32, #tpu.memory_space<hbm>>, %arg3: memref<2x10240xf32, #tpu.memory_space<hbm>>, %arg4: memref<125x2x80xi32, #tpu.memory_space<vmem>>, %arg5: memref<80xf32, #tpu.memory_space<vmem>>, %arg6: memref<640xf32, #tpu.memory_space<vmem>>, %arg7: memref<10240xf32, #tpu.memory_space<vmem_shared>>, %arg8: memref<!tpu.dma_semaphore, #tpu.memory_space<semaphore_mem>>) attributes {dimension_semantics = [#tpu.dimension_semantics<core_parallel>, #tpu.dimension_semantics<subcore_parallel>], iteration_bounds = array<i64: 2, 16>, scalar_prefetch = 0 : i64, scratch_operands = 5 : i64, tpu.core_type = #tpu.core_type<sc_vector_subcore>, window_params = [{transform_indices = #map}, {transform_indices = #map1}]} {
    %mul3A = arith.constant 2 : i32
    %mul3A_0 = arith.muli %arg1, %mul3A : i32
    %add3A = arith.addi %mul3A_0, %arg0 : i32
    %broadcast_in_dim3A = arith.constant 1.000000e+00 : f32
    %broadcast_in_dim3A_1 = vector.broadcast %broadcast_in_dim3A : f32 to vector<16xf32>
    %swap3A = arith.constant 0 : index
    %swap3A_2 = tpu.vector_load %arg5[%swap3A] {strides = array<i32>} : memref<80xf32, #tpu.memory_space<vmem>>, vector<16xf32>,
    tpu.vector_store %arg5[%swap3A], %broadcast_in_dim3A_1 {strides = array<i32>} : memref<80xf32, #tpu.memory_space<vmem>>, vector<16xf32>,
    %broadcast_in_dim3A_3 = arith.constant 1.000000e+00 : f32
    %broadcast_in_dim3A_4 = vector.broadcast %broadcast_in_dim3A_3 : f32 to vector<16xf32>
    %swap3A_5 = arith.constant 16 : index
    %swap3A_6 = tpu.vector_load %arg5[%swap3A_5] {strides = array<i32>} : memref<80xf32, #tpu.memory_space<vmem>>, vector<16xf32>,
    tpu.vector_store %arg5[%swap3A_5], %broadcast_in_dim3A_4 {strides = array<i32>} : memref<80xf32, #tpu.memory_space<vmem>>, vector<16xf32>,
    %broadcast_in_dim3A_7 = arith.constant 1.000000e+00 : f32
    %broadcast_in_dim3A_8 = vector.broadcast %broadcast_in_dim3A_7 : f32 to vector<16xf32>
    %swap3A_9 = arith.constant 32 : index
    %swap3A_10 = tpu.vector_load %arg5[%swap3A_9] {strides = array<i32>} : memref<80xf32, #tpu.memory_space<vmem>>, vector<16xf32>,
    tpu.vector_store %arg5[%swap3A_9], %broadcast_in_dim3A_8 {strides = array<i32>} : memref<80xf32, #tpu.memory_space<vmem>>, vector<16xf32>,
    %broadcast_in_dim3A_11 = arith.constant 1.000000e+00 : f32
    %broadcast_in_dim3A_12 = vector.broadcast %broadcast_in_dim3A_11 : f32 to vector<16xf32>
    %swap3A_13 = arith.constant 48 : index
    %swap3A_14 = tpu.vector_load %arg5[%swap3A_13] {strides = array<i32>} : memref<80xf32, #tpu.memory_space<vmem>>, vector<16xf32>,
    tpu.vector_store %arg5[%swap3A_13], %broadcast_in_dim3A_12 {strides = array<i32>} : memref<80xf32, #tpu.memory_space<vmem>>, vector<16xf32>,
    %broadcast_in_dim3A_15 = arith.constant 1.000000e+00 : f32
    %broadcast_in_dim3A_16 = vector.broadcast %broadcast_in_dim3A_15 : f32 to vector<16xf32>
    %swap3A_17 = arith.constant 64 : index
    %swap3A_18 = tpu.vector_load %arg5[%swap3A_17] {strides = array<i32>} : memref<80xf32, #tpu.memory_space<vmem>>, vector<16xf32>,
    tpu.vector_store %arg5[%swap3A_17], %broadcast_in_dim3A_16 {strides = array<i32>} : memref<80xf32, #tpu.memory_space<vmem>>, vector<16xf32>,
    %broadcast_in_dim3A_19 = arith.constant 0.000000e+00 : f32
    %broadcast_in_dim3A_20 = vector.broadcast %broadcast_in_dim3A_19 : f32 to vector<16xf32>
    %swap3A_21 = arith.constant 0 : index
    %swap3A_22 = tpu.vector_load %arg6[%swap3A_21] {strides = array<i32>} : memref<640xf32, #tpu.memory_space<vmem>>, vector<16xf32>,
    tpu.vector_store %arg6[%swap3A_21], %broadcast_in_dim3A_20 {strides = array<i32>} : memref<640xf32, #tpu.memory_space<vmem>>, vector<16xf32>,
    %broadcast_in_dim3A_23 = arith.constant 0.000000e+00 : f32
    %broadcast_in_dim3A_24 = vector.broadcast %broadcast_in_dim3A_23 : f32 to vector<16xf32>
    %swap3A_25 = arith.constant 16 : index
    %swap3A_26 = tpu.vector_load %arg6[%swap3A_25] {strides = array<i32>} : memref<640xf32, #tpu.memory_space<vmem>>, vector<16xf32>,
    tpu.vector_store %arg6[%swap3A_25], %broadcast_in_dim3A_24 {strides = array<i32>} : memref<640xf32, #tpu.memory_space<vmem>>, vector<16xf32>,
    %broadcast_in_dim3A_27 = arith.constant 0.000000e+00 : f32
    %broadcast_in_dim3A_28 = vector.broadcast %broadcast_in_dim3A_27 : f32 to vector<16xf32>
    %swap3A_29 = arith.constant 32 : index
    %swap3A_30 = tpu.vector_load %arg6[%swap3A_29] {strides = array<i32>} : memref<640xf32, #tpu.memory_space<vmem>>, vector<16xf32>,
    tpu.vector_store %arg6[%swap3A_29], %broadcast_in_dim3A_28 {strides = array<i32>} : memref<640xf32, #tpu.memory_space<vmem>>, vector<16xf32>,
    %broadcast_in_dim3A_31 = arith.constant 0.000000e+00 : f32
    %broadcast_in_dim3A_32 = vector.broadcast %broadcast_in_dim3A_31 : f32 to vector<16xf32>
    %swap3A_33 = arith.constant 48 : index
    %swap3A_34 = tpu.vector_load %arg6[%swap3A_33] {strides = array<i32>} : memref<640xf32, #tpu.memory_space<vmem>>, vector<16xf32>,
    tpu.vector_store %arg6[%swap3A_33], %broadcast_in_dim3A_32 {strides = array<i32>} : memref<640xf32, #tpu.memory_space<vmem>>, vector<16xf32>,
    %broadcast_in_dim3A_35 = arith.constant 0.000000e+00 : f32
    %broadcast_in_dim3A_36 = vector.broadcast %broadcast_in_dim3A_35 : f32 to vector<16xf32>
    %swap3A_37 = arith.constant 64 : index
    %swap3A_38 = tpu.vector_load %arg6[%swap3A_37] {strides = array<i32>} : memref<640xf32, #tpu.memory_space<vmem>>, vector<16xf32>,
    tpu.vector_store %arg6[%swap3A_37], %broadcast_in_dim3A_36 {strides = array<i32>} : memref<640xf32, #tpu.memory_space<vmem>>, vector<16xf32>,
    %broadcast_in_dim3A_39 = arith.constant 0.000000e+00 : f32
    %broadcast_in_dim3A_40 = vector.broadcast %broadcast_in_dim3A_39 : f32 to vector<16xf32>
    %swap3A_41 = arith.constant 80 : index
    %swap3A_42 = tpu.vector_load %arg6[%swap3A_41] {strides = array<i32>} : memref<640xf32, #tpu.memory_space<vmem>>, vector<16xf32>,
    tpu.vector_store %arg6[%swap3A_41], %broadcast_in_dim3A_40 {strides = array<i32>} : memref<640xf32, #tpu.memory_space<vmem>>, vector<16xf32>,
    %broadcast_in_dim3A_43 = arith.constant 0.000000e+00 : f32
    %broadcast_in_dim3A_44 = vector.broadcast %broadcast_in_dim3A_43 : f32 to vector<16xf32>
    %swap3A_45 = arith.constant 96 : index
    %swap3A_46 = tpu.vector_load %arg6[%swap3A_45] {strides = array<i32>} : memref<640xf32, #tpu.memory_space<vmem>>, vector<16xf32>,
    tpu.vector_store %arg6[%swap3A_45], %broadcast_in_dim3A_44 {strides = array<i32>} : memref<640xf32, #tpu.memory_space<vmem>>, vector<16xf32>,
    %broadcast_in_dim3A_47 = arith.constant 0.000000e+00 : f32
    %broadcast_in_dim3A_48 = vector.broadcast %broadcast_in_dim3A_47 : f32 to vector<16xf32>
    %swap3A_49 = arith.constant 112 : index
    %swap3A_50 = tpu.vector_load %arg6[%swap3A_49] {strides = array<i32>} : memref<640xf32, #tpu.memory_space<vmem>>, vector<16xf32>,
    tpu.vector_store %arg6[%swap3A_49], %broadcast_in_dim3A_48 {strides = array<i32>} : memref<640xf32, #tpu.memory_space<vmem>>, vector<16xf32>,
    %broadcast_in_dim3A_51 = arith.constant 0.000000e+00 : f32
    %broadcast_in_dim3A_52 = vector.broadcast %broadcast_in_dim3A_51 : f32 to vector<16xf32>
    %swap3A_53 = arith.constant 128 : index
    %swap3A_54 = tpu.vector_load %arg6[%swap3A_53] {strides = array<i32>} : memref<640xf32, #tpu.memory_space<vmem>>, vector<16xf32>,
    tpu.vector_store %arg6[%swap3A_53], %broadcast_in_dim3A_52 {strides = array<i32>} : memref<640xf32, #tpu.memory_space<vmem>>, vector<16xf32>,
    %broadcast_in_dim3A_55 = arith.constant 0.000000e+00 : f32
    %broadcast_in_dim3A_56 = vector.broadcast %broadcast_in_dim3A_55 : f32 to vector<16xf32>
    %swap3A_57 = arith.constant 144 : index
    %swap3A_58 = tpu.vector_load %arg6[%swap3A_57] {strides = array<i32>} : memref<640xf32, #tpu.memory_space<vmem>>, vector<16xf32>,
    tpu.vector_store %arg6[%swap3A_57], %broadcast_in_dim3A_56 {strides = array<i32>} : memref<640xf32, #tpu.memory_space<vmem>>, vector<16xf32>,
    %broadcast_in_dim3A_59 = arith.constant 0.000000e+00 : f32
    %broadcast_in_dim3A_60 = vector.broadcast %broadcast_in_dim3A_59 : f32 to vector<16xf32>
    %swap3A_61 = arith.constant 160 : index
    %swap3A_62 = tpu.vector_load %arg6[%swap3A_61] {strides = array<i32>} : memref<640xf32, #tpu.memory_space<vmem>>, vector<16xf32>,
    tpu.vector_store %arg6[%swap3A_61], %broadcast_in_dim3A_60 {strides = array<i32>} : memref<640xf32, #tpu.memory_space<vmem>>, vector<16xf32>,
    %broadcast_in_dim3A_63 = arith.constant 0.000000e+00 : f32
    %broadcast_in_dim3A_64 = vector.broadcast %broadcast_in_dim3A_63 : f32 to vector<16xf32>
    %swap3A_65 = arith.constant 176 : index
    %swap3A_66 = tpu.vector_load %arg6[%swap3A_65] {strides = array<i32>} : memref<640xf32, #tpu.memory_space<vmem>>, vector<16xf32>,
    tpu.vector_store %arg6[%swap3A_65], %broadcast_in_dim3A_64 {strides = array<i32>} : memref<640xf32, #tpu.memory_space<vmem>>, vector<16xf32>,
    %broadcast_in_dim3A_67 = arith.constant 0.000000e+00 : f32
    %broadcast_in_dim3A_68 = vector.broadcast %broadcast_in_dim3A_67 : f32 to vector<16xf32>
    %swap3A_69 = arith.constant 192 : index
    %swap3A_70 = tpu.vector_load %arg6[%swap3A_69] {strides = array<i32>} : memref<640xf32, #tpu.memory_space<vmem>>, vector<16xf32>,
    tpu.vector_store %arg6[%swap3A_69], %broadcast_in_dim3A_68 {strides = array<i32>} : memref<640xf32, #tpu.memory_space<vmem>>, vector<16xf32>,
    %broadcast_in_dim3A_71 = arith.constant 0.000000e+00 : f32
    %broadcast_in_dim3A_72 = vector.broadcast %broadcast_in_dim3A_71 : f32 to vector<16xf32>
    %swap3A_73 = arith.constant 208 : index
    %swap3A_74 = tpu.vector_load %arg6[%swap3A_73] {strides = array<i32>} : memref<640xf32, #tpu.memory_space<vmem>>, vector<16xf32>,
    tpu.vector_store %arg6[%swap3A_73], %broadcast_in_dim3A_72 {strides = array<i32>} : memref<640xf32, #tpu.memory_space<vmem>>, vector<16xf32>,
    %broadcast_in_dim3A_75 = arith.constant 0.000000e+00 : f32
    %broadcast_in_dim3A_76 = vector.broadcast %broadcast_in_dim3A_75 : f32 to vector<16xf32>
    %swap3A_77 = arith.constant 224 : index
    %swap3A_78 = tpu.vector_load %arg6[%swap3A_77] {strides = array<i32>} : memref<640xf32, #tpu.memory_space<vmem>>, vector<16xf32>,
    tpu.vector_store %arg6[%swap3A_77], %broadcast_in_dim3A_76 {strides = array<i32>} : memref<640xf32, #tpu.memory_space<vmem>>, vector<16xf32>,
    %broadcast_in_dim3A_79 = arith.constant 0.000000e+00 : f32
    %broadcast_in_dim3A_80 = vector.broadcast %broadcast_in_dim3A_79 : f32 to vector<16xf32>
    %swap3A_81 = arith.constant 240 : index
    %swap3A_82 = tpu.vector_load %arg6[%swap3A_81] {strides = array<i32>} : memref<640xf32, #tpu.memory_space<vmem>>, vector<16xf32>,
    tpu.vector_store %arg6[%swap3A_81], %broadcast_in_dim3A_80 {strides = array<i32>} : memref<640xf32, #tpu.memory_space<vmem>>, vector<16xf32>,
    %broadcast_in_dim3A_83 = arith.constant 0.000000e+00 : f32
    %broadcast_in_dim3A_84 = vector.broadcast %broadcast_in_dim3A_83 : f32 to vector<16xf32>
    %swap3A_85 = arith.constant 256 : index
    %swap3A_86 = tpu.vector_load %arg6[%swap3A_85] {strides = array<i32>} : memref<640xf32, #tpu.memory_space<vmem>>, vector<16xf32>,
    tpu.vector_store %arg6[%swap3A_85], %broadcast_in_dim3A_84 {strides = array<i32>} : memref<640xf32, #tpu.memory_space<vmem>>, vector<16xf32>,
    %broadcast_in_dim3A_87 = arith.constant 0.000000e+00 : f32
    %broadcast_in_dim3A_88 = vector.broadcast %broadcast_in_dim3A_87 : f32 to vector<16xf32>
    %swap3A_89 = arith.constant 272 : index
    %swap3A_90 = tpu.vector_load %arg6[%swap3A_89] {strides = array<i32>} : memref<640xf32, #tpu.memory_space<vmem>>, vector<16xf32>,
    tpu.vector_store %arg6[%swap3A_89], %broadcast_in_dim3A_88 {strides = array<i32>} : memref<640xf32, #tpu.memory_space<vmem>>, vector<16xf32>,
    %broadcast_in_dim3A_91 = arith.constant 0.000000e+00 : f32
    %broadcast_in_dim3A_92 = vector.broadcast %broadcast_in_dim3A_91 : f32 to vector<16xf32>
    %swap3A_93 = arith.constant 288 : index
    %swap3A_94 = tpu.vector_load %arg6[%swap3A_93] {strides = array<i32>} : memref<640xf32, #tpu.memory_space<vmem>>, vector<16xf32>,
    tpu.vector_store %arg6[%swap3A_93], %broadcast_in_dim3A_92 {strides = array<i32>} : memref<640xf32, #tpu.memory_space<vmem>>, vector<16xf32>,
    %broadcast_in_dim3A_95 = arith.constant 0.000000e+00 : f32
    %broadcast_in_dim3A_96 = vector.broadcast %broadcast_in_dim3A_95 : f32 to vector<16xf32>
    %swap3A_97 = arith.constant 304 : index
    %swap3A_98 = tpu.vector_load %arg6[%swap3A_97] {strides = array<i32>} : memref<640xf32, #tpu.memory_space<vmem>>, vector<16xf32>,
    tpu.vector_store %arg6[%swap3A_97], %broadcast_in_dim3A_96 {strides = array<i32>} : memref<640xf32, #tpu.memory_space<vmem>>, vector<16xf32>,
    %broadcast_in_dim3A_99 = arith.constant 0.000000e+00 : f32
    %broadcast_in_dim3A_100 = vector.broadcast %broadcast_in_dim3A_99 : f32 to vector<16xf32>
    %swap3A_101 = arith.constant 320 : index
    %swap3A_102 = tpu.vector_load %arg6[%swap3A_101] {strides = array<i32>} : memref<640xf32, #tpu.memory_space<vmem>>, vector<16xf32>,
    tpu.vector_store %arg6[%swap3A_101], %broadcast_in_dim3A_100 {strides = array<i32>} : memref<640xf32, #tpu.memory_space<vmem>>, vector<16xf32>,
    %broadcast_in_dim3A_103 = arith.constant 0.000000e+00 : f32
    %broadcast_in_dim3A_104 = vector.broadcast %broadcast_in_dim3A_103 : f32 to vector<16xf32>
    %swap3A_105 = arith.constant 336 : index
    %swap3A_106 = tpu.vector_load %arg6[%swap3A_105] {strides = array<i32>} : memref<640xf32, #tpu.memory_space<vmem>>, vector<16xf32>,
    tpu.vector_store %arg6[%swap3A_105], %broadcast_in_dim3A_104 {strides = array<i32>} : memref<640xf32, #tpu.memory_space<vmem>>, vector<16xf32>,
    %broadcast_in_dim3A_107 = arith.constant 0.000000e+00 : f32
    %broadcast_in_dim3A_108 = vector.broadcast %broadcast_in_dim3A_107 : f32 to vector<16xf32>
    %swap3A_109 = arith.constant 352 : index
    %swap3A_110 = tpu.vector_load %arg6[%swap3A_109] {strides = array<i32>} : memref<640xf32, #tpu.memory_space<vmem>>, vector<16xf32>,
    tpu.vector_store %arg6[%swap3A_109], %broadcast_in_dim3A_108 {strides = array<i32>} : memref<640xf32, #tpu.memory_space<vmem>>, vector<16xf32>,
    %broadcast_in_dim3A_111 = arith.constant 0.000000e+00 : f32
    %broadcast_in_dim3A_112 = vector.broadcast %broadcast_in_dim3A_111 : f32 to vector<16xf32>
    %swap3A_113 = arith.constant 368 : index
    %swap3A_114 = tpu.vector_load %arg6[%swap3A_113] {strides = array<i32>} : memref<640xf32, #tpu.memory_space<vmem>>, vector<16xf32>,
    tpu.vector_store %arg6[%swap3A_113], %broadcast_in_dim3A_112 {strides = array<i32>} : memref<640xf32, #tpu.memory_space<vmem>>, vector<16xf32>,
    %broadcast_in_dim3A_115 = arith.constant 0.000000e+00 : f32
    %broadcast_in_dim3A_116 = vector.broadcast %broadcast_in_dim3A_115 : f32 to vector<16xf32>
    %swap3A_117 = arith.constant 384 : index
    %swap3A_118 = tpu.vector_load %arg6[%swap3A_117] {strides = array<i32>} : memref<640xf32, #tpu.memory_space<vmem>>, vector<16xf32>,
    tpu.vector_store %arg6[%swap3A_117], %broadcast_in_dim3A_116 {strides = array<i32>} : memref<640xf32, #tpu.memory_space<vmem>>, vector<16xf32>,
    %broadcast_in_dim3A_119 = arith.constant 0.000000e+00 : f32
    %broadcast_in_dim3A_120 = vector.broadcast %broadcast_in_dim3A_119 : f32 to vector<16xf32>
    %swap3A_121 = arith.constant 400 : index
    %swap3A_122 = tpu.vector_load %arg6[%swap3A_121] {strides = array<i32>} : memref<640xf32, #tpu.memory_space<vmem>>, vector<16xf32>,
    tpu.vector_store %arg6[%swap3A_121], %broadcast_in_dim3A_120 {strides = array<i32>} : memref<640xf32, #tpu.memory_space<vmem>>, vector<16xf32>,
    %broadcast_in_dim3A_123 = arith.constant 0.000000e+00 : f32
    %broadcast_in_dim3A_124 = vector.broadcast %broadcast_in_dim3A_123 : f32 to vector<16xf32>
    %swap3A_125 = arith.constant 416 : index
    %swap3A_126 = tpu.vector_load %arg6[%swap3A_125] {strides = array<i32>} : memref<640xf32, #tpu.memory_space<vmem>>, vector<16xf32>,
    tpu.vector_store %arg6[%swap3A_125], %broadcast_in_dim3A_124 {strides = array<i32>} : memref<640xf32, #tpu.memory_space<vmem>>, vector<16xf32>,
    %broadcast_in_dim3A_127 = arith.constant 0.000000e+00 : f32
    %broadcast_in_dim3A_128 = vector.broadcast %broadcast_in_dim3A_127 : f32 to vector<16xf32>
    %swap3A_129 = arith.constant 432 : index
    %swap3A_130 = tpu.vector_load %arg6[%swap3A_129] {strides = array<i32>} : memref<640xf32, #tpu.memory_space<vmem>>, vector<16xf32>,
    tpu.vector_store %arg6[%swap3A_129], %broadcast_in_dim3A_128 {strides = array<i32>} : memref<640xf32, #tpu.memory_space<vmem>>, vector<16xf32>,
    %broadcast_in_dim3A_131 = arith.constant 0.000000e+00 : f32
    %broadcast_in_dim3A_132 = vector.broadcast %broadcast_in_dim3A_131 : f32 to vector<16xf32>
    %swap3A_133 = arith.constant 448 : index
    %swap3A_134 = tpu.vector_load %arg6[%swap3A_133] {strides = array<i32>} : memref<640xf32, #tpu.memory_space<vmem>>, vector<16xf32>,
    tpu.vector_store %arg6[%swap3A_133], %broadcast_in_dim3A_132 {strides = array<i32>} : memref<640xf32, #tpu.memory_space<vmem>>, vector<16xf32>,
    %broadcast_in_dim3A_135 = arith.constant 0.000000e+00 : f32
    %broadcast_in_dim3A_136 = vector.broadcast %broadcast_in_dim3A_135 : f32 to vector<16xf32>
    %swap3A_137 = arith.constant 464 : index
    %swap3A_138 = tpu.vector_load %arg6[%swap3A_137] {strides = array<i32>} : memref<640xf32, #tpu.memory_space<vmem>>, vector<16xf32>,
    tpu.vector_store %arg6[%swap3A_137], %broadcast_in_dim3A_136 {strides = array<i32>} : memref<640xf32, #tpu.memory_space<vmem>>, vector<16xf32>,
    %broadcast_in_dim3A_139 = arith.constant 0.000000e+00 : f32
    %broadcast_in_dim3A_140 = vector.broadcast %broadcast_in_dim3A_139 : f32 to vector<16xf32>
    %swap3A_141 = arith.constant 480 : index
    %swap3A_142 = tpu.vector_load %arg6[%swap3A_141] {strides = array<i32>} : memref<640xf32, #tpu.memory_space<vmem>>, vector<16xf32>,
    tpu.vector_store %arg6[%swap3A_141], %broadcast_in_dim3A_140 {strides = array<i32>} : memref<640xf32, #tpu.memory_space<vmem>>, vector<16xf32>,
    %broadcast_in_dim3A_143 = arith.constant 0.000000e+00 : f32
    %broadcast_in_dim3A_144 = vector.broadcast %broadcast_in_dim3A_143 : f32 to vector<16xf32>
    %swap3A_145 = arith.constant 496 : index
    %swap3A_146 = tpu.vector_load %arg6[%swap3A_145] {strides = array<i32>} : memref<640xf32, #tpu.memory_space<vmem>>, vector<16xf32>,
    tpu.vector_store %arg6[%swap3A_145], %broadcast_in_dim3A_144 {strides = array<i32>} : memref<640xf32, #tpu.memory_space<vmem>>, vector<16xf32>,
    %broadcast_in_dim3A_147 = arith.constant 0.000000e+00 : f32
    %broadcast_in_dim3A_148 = vector.broadcast %broadcast_in_dim3A_147 : f32 to vector<16xf32>
    %swap3A_149 = arith.constant 512 : index
    %swap3A_150 = tpu.vector_load %arg6[%swap3A_149] {strides = array<i32>} : memref<640xf32, #tpu.memory_space<vmem>>, vector<16xf32>,
    tpu.vector_store %arg6[%swap3A_149], %broadcast_in_dim3A_148 {strides = array<i32>} : memref<640xf32, #tpu.memory_space<vmem>>, vector<16xf32>,
    %broadcast_in_dim3A_151 = arith.constant 0.000000e+00 : f32
    %broadcast_in_dim3A_152 = vector.broadcast %broadcast_in_dim3A_151 : f32 to vector<16xf32>
    %swap3A_153 = arith.constant 528 : index
    %swap3A_154 = tpu.vector_load %arg6[%swap3A_153] {strides = array<i32>} : memref<640xf32, #tpu.memory_space<vmem>>, vector<16xf32>,
    tpu.vector_store %arg6[%swap3A_153], %broadcast_in_dim3A_152 {strides = array<i32>} : memref<640xf32, #tpu.memory_space<vmem>>, vector<16xf32>,
    %broadcast_in_dim3A_155 = arith.constant 0.000000e+00 : f32
    %broadcast_in_dim3A_156 = vector.broadcast %broadcast_in_dim3A_155 : f32 to vector<16xf32>
    %swap3A_157 = arith.constant 544 : index
    %swap3A_158 = tpu.vector_load %arg6[%swap3A_157] {strides = array<i32>} : memref<640xf32, #tpu.memory_space<vmem>>, vector<16xf32>,
    tpu.vector_store %arg6[%swap3A_157], %broadcast_in_dim3A_156 {strides = array<i32>} : memref<640xf32, #tpu.memory_space<vmem>>, vector<16xf32>,
    %broadcast_in_dim3A_159 = arith.constant 0.000000e+00 : f32
    %broadcast_in_dim3A_160 = vector.broadcast %broadcast_in_dim3A_159 : f32 to vector<16xf32>
    %swap3A_161 = arith.constant 560 : index
    %swap3A_162 = tpu.vector_load %arg6[%swap3A_161] {strides = array<i32>} : memref<640xf32, #tpu.memory_space<vmem>>, vector<16xf32>,
    tpu.vector_store %arg6[%swap3A_161], %broadcast_in_dim3A_160 {strides = array<i32>} : memref<640xf32, #tpu.memory_space<vmem>>, vector<16xf32>,
    %broadcast_in_dim3A_163 = arith.constant 0.000000e+00 : f32
    %broadcast_in_dim3A_164 = vector.broadcast %broadcast_in_dim3A_163 : f32 to vector<16xf32>
    %swap3A_165 = arith.constant 576 : index
    %swap3A_166 = tpu.vector_load %arg6[%swap3A_165] {strides = array<i32>} : memref<640xf32, #tpu.memory_space<vmem>>, vector<16xf32>,
    tpu.vector_store %arg6[%swap3A_165], %broadcast_in_dim3A_164 {strides = array<i32>} : memref<640xf32, #tpu.memory_space<vmem>>, vector<16xf32>,
    %broadcast_in_dim3A_167 = arith.constant 0.000000e+00 : f32
    %broadcast_in_dim3A_168 = vector.broadcast %broadcast_in_dim3A_167 : f32 to vector<16xf32>
    %swap3A_169 = arith.constant 592 : index
    %swap3A_170 = tpu.vector_load %arg6[%swap3A_169] {strides = array<i32>} : memref<640xf32, #tpu.memory_space<vmem>>, vector<16xf32>,
    tpu.vector_store %arg6[%swap3A_169], %broadcast_in_dim3A_168 {strides = array<i32>} : memref<640xf32, #tpu.memory_space<vmem>>, vector<16xf32>,
    %broadcast_in_dim3A_171 = arith.constant 0.000000e+00 : f32
    %broadcast_in_dim3A_172 = vector.broadcast %broadcast_in_dim3A_171 : f32 to vector<16xf32>
    %swap3A_173 = arith.constant 608 : index
    %swap3A_174 = tpu.vector_load %arg6[%swap3A_173] {strides = array<i32>} : memref<640xf32, #tpu.memory_space<vmem>>, vector<16xf32>,
    tpu.vector_store %arg6[%swap3A_173], %broadcast_in_dim3A_172 {strides = array<i32>} : memref<640xf32, #tpu.memory_space<vmem>>, vector<16xf32>,
    %broadcast_in_dim3A_175 = arith.constant 0.000000e+00 : f32
    %broadcast_in_dim3A_176 = vector.broadcast %broadcast_in_dim3A_175 : f32 to vector<16xf32>
    %swap3A_177 = arith.constant 624 : index
    %swap3A_178 = tpu.vector_load %arg6[%swap3A_177] {strides = array<i32>} : memref<640xf32, #tpu.memory_space<vmem>>, vector<16xf32>,
    tpu.vector_store %arg6[%swap3A_177], %broadcast_in_dim3A_176 {strides = array<i32>} : memref<640xf32, #tpu.memory_space<vmem>>, vector<16xf32>,
    %mul3A_179 = arith.constant 640 : i32
    %mul3A_180 = arith.muli %arg1, %mul3A_179 : i32
    "tpu.region"() ({
      %run_scoped3A = tpu.sem_alloc : memref<!tpu.dma_semaphore, #tpu.memory_space<semaphore_mem>>
      %dma_start3A = tpu.memref_slice %arg7[%mul3A_180] : memref<10240xf32, #tpu.memory_space<vmem_shared>> -> memref<640xf32, #tpu.memory_space<vmem_shared>>
      %dma_start3A_197 = tpu.memref_slice %arg7[%mul3A_180] : memref<10240xf32, #tpu.memory_space<vmem_shared>> -> memref<640xf32, #tpu.memory_space<vmem_shared>>
      tpu.enqueue_dma source(%arg6 : memref<640xf32, #tpu.memory_space<vmem>>) target(%dma_start3A_197 : memref<640xf32, #tpu.memory_space<vmem_shared>>) target_semaphore(%run_scoped3A : memref<!tpu.dma_semaphore, #tpu.memory_space<semaphore_mem>>)
      %dma_wait3A = tpu.memref_slice %arg7[%mul3A_180] : memref<10240xf32, #tpu.memory_space<vmem_shared>> -> memref<640xf32, #tpu.memory_space<vmem_shared>>
      %dma_wait3A_198 = tpu.memref_slice %arg7[%mul3A_180] : memref<10240xf32, #tpu.memory_space<vmem_shared>> -> memref<640xf32, #tpu.memory_space<vmem_shared>>
      tpu.wait_dma2 semaphore(%run_scoped3A : memref<!tpu.dma_semaphore, #tpu.memory_space<semaphore_mem>>) src(%arg6 : memref<640xf32, #tpu.memory_space<vmem>>) dst(%dma_wait3A_198 : memref<640xf32, #tpu.memory_space<vmem_shared>>)
      tpu.yield
    }) : () -> ()
    "tpu.region"() ({
      %run_scoped3A = tpu.sem_alloc : memref<!tpu.dma_semaphore, #tpu.memory_space<semaphore_mem>>
      %dma_start3A = arith.constant 0 : i32
      %dma_start3A_197 = arith.constant 0 : i32
      %dma_start3A_198 = arith.constant 0 : i32
      %dma_start3A_199 = tpu.memref_slice %arg2[%add3A, %dma_start3A, %dma_start3A_197, %dma_start3A_198] : memref<32x125x2x80xi32, #tpu.memory_space<hbm>> -> memref<1x125x2x80xi32, #tpu.memory_space<hbm>>
      %dma_start3A_200 = tpu.memref_squeeze %dma_start3A_199 : memref<1x125x2x80xi32, #tpu.memory_space<hbm>> -> memref<125x2x80xi32, #tpu.memory_space<hbm>>
      %dma_start3A_201 = arith.constant 0 : i32
      %dma_start3A_202 = arith.constant 0 : i32
      %dma_start3A_203 = arith.constant 0 : i32
      %dma_start3A_204 = tpu.memref_slice %arg2[%add3A, %dma_start3A_201, %dma_start3A_202, %dma_start3A_203] : memref<32x125x2x80xi32, #tpu.memory_space<hbm>> -> memref<1x125x2x80xi32, #tpu.memory_space<hbm>>
      %dma_start3A_205 = tpu.memref_squeeze %dma_start3A_204 : memref<1x125x2x80xi32, #tpu.memory_space<hbm>> -> memref<125x2x80xi32, #tpu.memory_space<hbm>>
      tpu.enqueue_dma source(%dma_start3A_205 : memref<125x2x80xi32, #tpu.memory_space<hbm>>) target(%arg4 : memref<125x2x80xi32, #tpu.memory_space<vmem>>) target_semaphore(%run_scoped3A : memref<!tpu.dma_semaphore, #tpu.memory_space<semaphore_mem>>)
      %dma_wait3A = arith.constant 0 : i32
      %dma_wait3A_206 = arith.constant 0 : i32
      %dma_wait3A_207 = arith.constant 0 : i32
      %dma_wait3A_208 = tpu.memref_slice %arg2[%add3A, %dma_wait3A, %dma_wait3A_206, %dma_wait3A_207] : memref<32x125x2x80xi32, #tpu.memory_space<hbm>> -> memref<1x125x2x80xi32, #tpu.memory_space<hbm>>
      %dma_wait3A_209 = tpu.memref_squeeze %dma_wait3A_208 : memref<1x125x2x80xi32, #tpu.memory_space<hbm>> -> memref<125x2x80xi32, #tpu.memory_space<hbm>>
      %dma_wait3A_210 = arith.constant 0 : i32
      %dma_wait3A_211 = arith.constant 0 : i32
      %dma_wait3A_212 = arith.constant 0 : i32
      %dma_wait3A_213 = tpu.memref_slice %arg2[%add3A, %dma_wait3A_210, %dma_wait3A_211, %dma_wait3A_212] : memref<32x125x2x80xi32, #tpu.memory_space<hbm>> -> memref<1x125x2x80xi32, #tpu.memory_space<hbm>>
      %dma_wait3A_214 = tpu.memref_squeeze %dma_wait3A_213 : memref<1x125x2x80xi32, #tpu.memory_space<hbm>> -> memref<125x2x80xi32, #tpu.memory_space<hbm>>
      tpu.wait_dma2 semaphore(%run_scoped3A : memref<!tpu.dma_semaphore, #tpu.memory_space<semaphore_mem>>) src(%dma_wait3A_214 : memref<125x2x80xi32, #tpu.memory_space<hbm>>) dst(%arg4 : memref<125x2x80xi32, #tpu.memory_space<vmem>>)
      tpu.yield
    }) : () -> ()
    %barrier3A = arith.constant 0 : index
    tpu.barrier barrier_id(%barrier3A)
    %scan3A = arith.constant 0 : i32
    %scan3A_181 = arith.constant 0 : i32
    %scan3A_182 = arith.constant 125 : i32
    %scan3A_183 = arith.addi %scan3A_181, %scan3A_182 : i32
    %scan3A_184 = arith.constant 1 : i32
    scf.for %scan3A_197 = %scan3A_181 to %scan3A_183 step %scan3A_184  : i32 {
      %dma_start3A = arith.constant 1 : i32
      %dma_start3A_198 = arith.constant 0 : i32
      %dma_start3A_199 = arith.constant 0 : i32
      %dma_start3A_200 = tpu.memref_slice %arg4[%scan3A_197, %dma_start3A_198, %dma_start3A_199] : memref<125x2x80xi32, #tpu.memory_space<vmem>> -> memref<1x2x80xi32, #tpu.memory_space<vmem>>
      %dma_start3A_201 = tpu.memref_squeeze %dma_start3A_200 : memref<1x2x80xi32, #tpu.memory_space<vmem>> -> memref<2x80xi32, #tpu.memory_space<vmem>>
      %dma_start3A_202 = arith.constant 0 : i32
      %dma_start3A_203 = tpu.memref_slice %dma_start3A_201[%dma_start3A, %dma_start3A_202] : memref<2x80xi32, #tpu.memory_space<vmem>> -> memref<1x80xi32, #tpu.memory_space<vmem>>
      %dma_start3A_204 = tpu.memref_squeeze %dma_start3A_203 : memref<1x80xi32, #tpu.memory_space<vmem>> -> memref<80xi32, #tpu.memory_space<vmem>>
      %dma_start3A_205 = arith.constant 0 : i32
      %dma_start3A_206 = tpu.memref_slice %arg7[%dma_start3A_205] : memref<10240xf32, #tpu.memory_space<vmem_shared>> -> memref<10240xf32, #tpu.memory_space<vmem_shared>>
      tpu.enqueue_indirect_dma source(%arg5 : memref<80xf32, #tpu.memory_space<vmem>>) target(%dma_start3A_206 : memref<10240xf32, #tpu.memory_space<vmem_shared>>) offsets(%dma_start3A_204 : memref<80xi32, #tpu.memory_space<vmem>>) semaphore(%arg8 : memref<!tpu.dma_semaphore, #tpu.memory_space<semaphore_mem>>) {add = true}
    }
    %scan3A_185 = arith.constant 125 : i32
    %scan3A_186 = arith.constant 0 : i32
    %scan3A_187 = arith.constant 0 : i32
    %scan3A_188 = arith.constant 125 : i32
    %scan3A_189 = arith.addi %scan3A_187, %scan3A_188 : i32
    %scan3A_190 = arith.constant 1 : i32
    scf.for %scan3A_197 = %scan3A_187 to %scan3A_189 step %scan3A_190  : i32 {
      %dma_wait3A = arith.constant 0 : i32
      %dma_wait3A_198 = tpu.memref_slice %arg7[%dma_wait3A] : memref<10240xf32, #tpu.memory_space<vmem_shared>> -> memref<80xf32, #tpu.memory_space<vmem_shared>>
      %dma_wait3A_199 = arith.constant 0 : i32
      %dma_wait3A_200 = tpu.memref_slice %arg7[%dma_wait3A_199] : memref<10240xf32, #tpu.memory_space<vmem_shared>> -> memref<80xf32, #tpu.memory_space<vmem_shared>>
      tpu.wait_dma2 semaphore(%arg8 : memref<!tpu.dma_semaphore, #tpu.memory_space<semaphore_mem>>) src(%arg5 : memref<80xf32, #tpu.memory_space<vmem>>) dst(%dma_wait3A_200 : memref<80xf32, #tpu.memory_space<vmem_shared>>)
    }
    %scan3A_191 = arith.constant 125 : i32
    %barrier3A_192 = arith.constant 0 : index
    tpu.barrier barrier_id(%barrier3A_192)
    %mul3A_193 = arith.constant 640 : i32
    %mul3A_194 = arith.muli %arg1, %mul3A_193 : i32
    %mul3A_195 = arith.constant 640 : i32
    %mul3A_196 = arith.muli %arg1, %mul3A_195 : i32
    "tpu.region"() ({
      %run_scoped3A = tpu.sem_alloc : memref<!tpu.dma_semaphore, #tpu.memory_space<semaphore_mem>>
      %dma_start3A = arith.constant 0 : i32
      %dma_start3A_197 = tpu.memref_slice %arg3[%arg0, %dma_start3A] : memref<2x10240xf32, #tpu.memory_space<hbm>> -> memref<1x10240xf32, #tpu.memory_space<hbm>>
      %dma_start3A_198 = tpu.memref_squeeze %dma_start3A_197 : memref<1x10240xf32, #tpu.memory_space<hbm>> -> memref<10240xf32, #tpu.memory_space<hbm>>
      %dma_start3A_199 = tpu.memref_slice %dma_start3A_198[%mul3A_196] : memref<10240xf32, #tpu.memory_space<hbm>> -> memref<640xf32, #tpu.memory_space<hbm>>
      %dma_start3A_200 = tpu.memref_slice %arg7[%mul3A_194] : memref<10240xf32, #tpu.memory_space<vmem_shared>> -> memref<640xf32, #tpu.memory_space<vmem_shared>>
      tpu.enqueue_dma source(%dma_start3A_200 : memref<640xf32, #tpu.memory_space<vmem_shared>>) target(%dma_start3A_199 : memref<640xf32, #tpu.memory_space<hbm>>) target_semaphore(%run_scoped3A : memref<!tpu.dma_semaphore, #tpu.memory_space<semaphore_mem>>)
      %dma_wait3A = arith.constant 0 : i32
      %dma_wait3A_201 = tpu.memref_slice %arg3[%arg0, %dma_wait3A] : memref<2x10240xf32, #tpu.memory_space<hbm>> -> memref<1x10240xf32, #tpu.memory_space<hbm>>
      %dma_wait3A_202 = tpu.memref_squeeze %dma_wait3A_201 : memref<1x10240xf32, #tpu.memory_space<hbm>> -> memref<10240xf32, #tpu.memory_space<hbm>>
      %dma_wait3A_203 = tpu.memref_slice %dma_wait3A_202[%mul3A_196] : memref<10240xf32, #tpu.memory_space<hbm>> -> memref<640xf32, #tpu.memory_space<hbm>>
      %dma_wait3A_204 = tpu.memref_slice %arg7[%mul3A_194] : memref<10240xf32, #tpu.memory_space<vmem_shared>> -> memref<640xf32, #tpu.memory_space<vmem_shared>>
      tpu.wait_dma2 semaphore(%run_scoped3A : memref<!tpu.dma_semaphore, #tpu.memory_space<semaphore_mem>>) src(%dma_wait3A_204 : memref<640xf32, #tpu.memory_space<vmem_shared>>) dst(%dma_wait3A_203 : memref<640xf32, #tpu.memory_space<hbm>>)
      tpu.yield
    }) : () -> ()
    return
  }
}

#map = affine_map<(d0, d1) -> (0, 0)>
#map1 = affine_map<(d0, d1) -> (0)>
#map2 = affine_map<(d0, d1) -> (0, 0, 0, 0)>
#map3 = affine_map<(d0, d1) -> (0, 0, 0)>
module attributes {stable_mosaic.version = 14 : i64} {
  func.func @_edge_kernel(%arg0: i32, %arg1: i32, %arg2: memref<10000x128xf32, #tpu.memory_space<hbm>>, %arg3: memref<10000xf32, #tpu.memory_space<hbm>>, %arg4: memref<10000xf32, #tpu.memory_space<hbm>>, %arg5: memref<32x125x2x80xi32, #tpu.memory_space<hbm>>, %arg6: memref<2x10240x128xf32, #tpu.memory_space<hbm>>, %arg7: memref<10000xf32, #tpu.memory_space<vmem>>, %arg8: memref<10000xf32, #tpu.memory_space<vmem>>, %arg9: memref<4x2x80xi32, #tpu.memory_space<vmem>>, %arg10: memref<80xf32, #tpu.memory_space<vmem>>, %arg11: memref<2x80x128xf32, #tpu.memory_space<vmem>>, %arg12: memref<8x128xf32, #tpu.memory_space<vmem>>, %arg13: memref<10240x128xf32, #tpu.memory_space<vmem_shared>>, %arg14: memref<!tpu.dma_semaphore, #tpu.memory_space<semaphore_mem>>, %arg15: memref<!tpu.dma_semaphore, #tpu.memory_space<semaphore_mem>>, %arg16: memref<!tpu.dma_semaphore, #tpu.memory_space<semaphore_mem>>, %arg17: memref<!tpu.dma_semaphore, #tpu.memory_space<semaphore_mem>>) attributes {dimension_semantics = [#tpu.dimension_semantics<core_parallel>, #tpu.dimension_semantics<subcore_parallel>], iteration_bounds = array<i64: 2, 16>, scalar_prefetch = 0 : i64, scratch_operands = 11 : i64, tpu.core_type = #tpu.core_type<sc_vector_subcore>, window_params = [{transform_indices = #map}, {transform_indices = #map1}, {transform_indices = #map1}, {transform_indices = #map2}, {transform_indices = #map3}]} {
    %mul3A = arith.constant 2 : i32
    %mul3A_0 = arith.muli %arg1, %mul3A : i32
    %add3A = arith.addi %mul3A_0, %arg0 : i32
    tpu.enqueue_dma source(%arg3 : memref<10000xf32, #tpu.memory_space<hbm>>) target(%arg7 : memref<10000xf32, #tpu.memory_space<vmem>>) target_semaphore(%arg15 : memref<!tpu.dma_semaphore, #tpu.memory_space<semaphore_mem>>)
    tpu.enqueue_dma source(%arg4 : memref<10000xf32, #tpu.memory_space<hbm>>) target(%arg8 : memref<10000xf32, #tpu.memory_space<vmem>>) target_semaphore(%arg16 : memref<!tpu.dma_semaphore, #tpu.memory_space<semaphore_mem>>)
    %broadcast_in_dim3A = arith.constant 0.000000e+00 : f32
    %broadcast_in_dim3A_1 = vector.broadcast %broadcast_in_dim3A : f32 to vector<16xf32>
    %swap3A = arith.constant 0 : i32
    %swap3A_2 = arith.index_cast %swap3A : i32 to index
    %swap3A_3 = arith.constant 0 : index
    %swap3A_4 = tpu.vector_load %arg12[%swap3A_2, %swap3A_3] {strides = array<i32>} : memref<8x128xf32, #tpu.memory_space<vmem>>, vector<16xf32>,
    tpu.vector_store %arg12[%swap3A_2, %swap3A_3], %broadcast_in_dim3A_1 {strides = array<i32>} : memref<8x128xf32, #tpu.memory_space<vmem>>, vector<16xf32>,
    %broadcast_in_dim3A_5 = arith.constant 0.000000e+00 : f32
    %broadcast_in_dim3A_6 = vector.broadcast %broadcast_in_dim3A_5 : f32 to vector<16xf32>
    %swap3A_7 = arith.constant 0 : i32
    %swap3A_8 = arith.index_cast %swap3A_7 : i32 to index
    %swap3A_9 = arith.constant 16 : index
    %swap3A_10 = tpu.vector_load %arg12[%swap3A_8, %swap3A_9] {strides = array<i32>} : memref<8x128xf32, #tpu.memory_space<vmem>>, vector<16xf32>,
    tpu.vector_store %arg12[%swap3A_8, %swap3A_9], %broadcast_in_dim3A_6 {strides = array<i32>} : memref<8x128xf32, #tpu.memory_space<vmem>>, vector<16xf32>,
    %broadcast_in_dim3A_11 = arith.constant 0.000000e+00 : f32
    %broadcast_in_dim3A_12 = vector.broadcast %broadcast_in_dim3A_11 : f32 to vector<16xf32>
    %swap3A_13 = arith.constant 0 : i32
    %swap3A_14 = arith.index_cast %swap3A_13 : i32 to index
    %swap3A_15 = arith.constant 32 : index
    %swap3A_16 = tpu.vector_load %arg12[%swap3A_14, %swap3A_15] {strides = array<i32>} : memref<8x128xf32, #tpu.memory_space<vmem>>, vector<16xf32>,
    tpu.vector_store %arg12[%swap3A_14, %swap3A_15], %broadcast_in_dim3A_12 {strides = array<i32>} : memref<8x128xf32, #tpu.memory_space<vmem>>, vector<16xf32>,
    %broadcast_in_dim3A_17 = arith.constant 0.000000e+00 : f32
    %broadcast_in_dim3A_18 = vector.broadcast %broadcast_in_dim3A_17 : f32 to vector<16xf32>
    %swap3A_19 = arith.constant 0 : i32
    %swap3A_20 = arith.index_cast %swap3A_19 : i32 to index
    %swap3A_21 = arith.constant 48 : index
    %swap3A_22 = tpu.vector_load %arg12[%swap3A_20, %swap3A_21] {strides = array<i32>} : memref<8x128xf32, #tpu.memory_space<vmem>>, vector<16xf32>,
    tpu.vector_store %arg12[%swap3A_20, %swap3A_21], %broadcast_in_dim3A_18 {strides = array<i32>} : memref<8x128xf32, #tpu.memory_space<vmem>>, vector<16xf32>,
    %broadcast_in_dim3A_23 = arith.constant 0.000000e+00 : f32
    %broadcast_in_dim3A_24 = vector.broadcast %broadcast_in_dim3A_23 : f32 to vector<16xf32>
    %swap3A_25 = arith.constant 0 : i32
    %swap3A_26 = arith.index_cast %swap3A_25 : i32 to index
    %swap3A_27 = arith.constant 64 : index
    %swap3A_28 = tpu.vector_load %arg12[%swap3A_26, %swap3A_27] {strides = array<i32>} : memref<8x128xf32, #tpu.memory_space<vmem>>, vector<16xf32>,
    tpu.vector_store %arg12[%swap3A_26, %swap3A_27], %broadcast_in_dim3A_24 {strides = array<i32>} : memref<8x128xf32, #tpu.memory_space<vmem>>, vector<16xf32>,
    %broadcast_in_dim3A_29 = arith.constant 0.000000e+00 : f32
    %broadcast_in_dim3A_30 = vector.broadcast %broadcast_in_dim3A_29 : f32 to vector<16xf32>
    %swap3A_31 = arith.constant 0 : i32
    %swap3A_32 = arith.index_cast %swap3A_31 : i32 to index
    %swap3A_33 = arith.constant 80 : index
    %swap3A_34 = tpu.vector_load %arg12[%swap3A_32, %swap3A_33] {strides = array<i32>} : memref<8x128xf32, #tpu.memory_space<vmem>>, vector<16xf32>,
    tpu.vector_store %arg12[%swap3A_32, %swap3A_33], %broadcast_in_dim3A_30 {strides = array<i32>} : memref<8x128xf32, #tpu.memory_space<vmem>>, vector<16xf32>,
    %broadcast_in_dim3A_35 = arith.constant 0.000000e+00 : f32
    %broadcast_in_dim3A_36 = vector.broadcast %broadcast_in_dim3A_35 : f32 to vector<16xf32>
    %swap3A_37 = arith.constant 0 : i32
    %swap3A_38 = arith.index_cast %swap3A_37 : i32 to index
    %swap3A_39 = arith.constant 96 : index
    %swap3A_40 = tpu.vector_load %arg12[%swap3A_38, %swap3A_39] {strides = array<i32>} : memref<8x128xf32, #tpu.memory_space<vmem>>, vector<16xf32>,
    tpu.vector_store %arg12[%swap3A_38, %swap3A_39], %broadcast_in_dim3A_36 {strides = array<i32>} : memref<8x128xf32, #tpu.memory_space<vmem>>, vector<16xf32>,
    %broadcast_in_dim3A_41 = arith.constant 0.000000e+00 : f32
    %broadcast_in_dim3A_42 = vector.broadcast %broadcast_in_dim3A_41 : f32 to vector<16xf32>
    %swap3A_43 = arith.constant 0 : i32
    %swap3A_44 = arith.index_cast %swap3A_43 : i32 to index
    %swap3A_45 = arith.constant 112 : index
    %swap3A_46 = tpu.vector_load %arg12[%swap3A_44, %swap3A_45] {strides = array<i32>} : memref<8x128xf32, #tpu.memory_space<vmem>>, vector<16xf32>,
    tpu.vector_store %arg12[%swap3A_44, %swap3A_45], %broadcast_in_dim3A_42 {strides = array<i32>} : memref<8x128xf32, #tpu.memory_space<vmem>>, vector<16xf32>,
    %broadcast_in_dim3A_47 = arith.constant 0.000000e+00 : f32
    %broadcast_in_dim3A_48 = vector.broadcast %broadcast_in_dim3A_47 : f32 to vector<16xf32>
    %swap3A_49 = arith.constant 1 : i32
    %swap3A_50 = arith.index_cast %swap3A_49 : i32 to index
    %swap3A_51 = arith.constant 0 : index
    %swap3A_52 = tpu.vector_load %arg12[%swap3A_50, %swap3A_51] {strides = array<i32>} : memref<8x128xf32, #tpu.memory_space<vmem>>, vector<16xf32>,
    tpu.vector_store %arg12[%swap3A_50, %swap3A_51], %broadcast_in_dim3A_48 {strides = array<i32>} : memref<8x128xf32, #tpu.memory_space<vmem>>, vector<16xf32>,
    %broadcast_in_dim3A_53 = arith.constant 0.000000e+00 : f32
    %broadcast_in_dim3A_54 = vector.broadcast %broadcast_in_dim3A_53 : f32 to vector<16xf32>
    %swap3A_55 = arith.constant 1 : i32
    %swap3A_56 = arith.index_cast %swap3A_55 : i32 to index
    %swap3A_57 = arith.constant 16 : index
    %swap3A_58 = tpu.vector_load %arg12[%swap3A_56, %swap3A_57] {strides = array<i32>} : memref<8x128xf32, #tpu.memory_space<vmem>>, vector<16xf32>,
    tpu.vector_store %arg12[%swap3A_56, %swap3A_57], %broadcast_in_dim3A_54 {strides = array<i32>} : memref<8x128xf32, #tpu.memory_space<vmem>>, vector<16xf32>,
    %broadcast_in_dim3A_59 = arith.constant 0.000000e+00 : f32
    %broadcast_in_dim3A_60 = vector.broadcast %broadcast_in_dim3A_59 : f32 to vector<16xf32>
    %swap3A_61 = arith.constant 1 : i32
    %swap3A_62 = arith.index_cast %swap3A_61 : i32 to index
    %swap3A_63 = arith.constant 32 : index
    %swap3A_64 = tpu.vector_load %arg12[%swap3A_62, %swap3A_63] {strides = array<i32>} : memref<8x128xf32, #tpu.memory_space<vmem>>, vector<16xf32>,
    tpu.vector_store %arg12[%swap3A_62, %swap3A_63], %broadcast_in_dim3A_60 {strides = array<i32>} : memref<8x128xf32, #tpu.memory_space<vmem>>, vector<16xf32>,
    %broadcast_in_dim3A_65 = arith.constant 0.000000e+00 : f32
    %broadcast_in_dim3A_66 = vector.broadcast %broadcast_in_dim3A_65 : f32 to vector<16xf32>
    %swap3A_67 = arith.constant 1 : i32
    %swap3A_68 = arith.index_cast %swap3A_67 : i32 to index
    %swap3A_69 = arith.constant 48 : index
    %swap3A_70 = tpu.vector_load %arg12[%swap3A_68, %swap3A_69] {strides = array<i32>} : memref<8x128xf32, #tpu.memory_space<vmem>>, vector<16xf32>,
    tpu.vector_store %arg12[%swap3A_68, %swap3A_69], %broadcast_in_dim3A_66 {strides = array<i32>} : memref<8x128xf32, #tpu.memory_space<vmem>>, vector<16xf32>,
    %broadcast_in_dim3A_71 = arith.constant 0.000000e+00 : f32
    %broadcast_in_dim3A_72 = vector.broadcast %broadcast_in_dim3A_71 : f32 to vector<16xf32>
    %swap3A_73 = arith.constant 1 : i32
    %swap3A_74 = arith.index_cast %swap3A_73 : i32 to index
    %swap3A_75 = arith.constant 64 : index
    %swap3A_76 = tpu.vector_load %arg12[%swap3A_74, %swap3A_75] {strides = array<i32>} : memref<8x128xf32, #tpu.memory_space<vmem>>, vector<16xf32>,
    tpu.vector_store %arg12[%swap3A_74, %swap3A_75], %broadcast_in_dim3A_72 {strides = array<i32>} : memref<8x128xf32, #tpu.memory_space<vmem>>, vector<16xf32>,
    %broadcast_in_dim3A_77 = arith.constant 0.000000e+00 : f32
    %broadcast_in_dim3A_78 = vector.broadcast %broadcast_in_dim3A_77 : f32 to vector<16xf32>
    %swap3A_79 = arith.constant 1 : i32
    %swap3A_80 = arith.index_cast %swap3A_79 : i32 to index
    %swap3A_81 = arith.constant 80 : index
    %swap3A_82 = tpu.vector_load %arg12[%swap3A_80, %swap3A_81] {strides = array<i32>} : memref<8x128xf32, #tpu.memory_space<vmem>>, vector<16xf32>,
    tpu.vector_store %arg12[%swap3A_80, %swap3A_81], %broadcast_in_dim3A_78 {strides = array<i32>} : memref<8x128xf32, #tpu.memory_space<vmem>>, vector<16xf32>,
    %broadcast_in_dim3A_83 = arith.constant 0.000000e+00 : f32
    %broadcast_in_dim3A_84 = vector.broadcast %broadcast_in_dim3A_83 : f32 to vector<16xf32>
    %swap3A_85 = arith.constant 1 : i32
    %swap3A_86 = arith.index_cast %swap3A_85 : i32 to index
    %swap3A_87 = arith.constant 96 : index
    %swap3A_88 = tpu.vector_load %arg12[%swap3A_86, %swap3A_87] {strides = array<i32>} : memref<8x128xf32, #tpu.memory_space<vmem>>, vector<16xf32>,
    tpu.vector_store %arg12[%swap3A_86, %swap3A_87], %broadcast_in_dim3A_84 {strides = array<i32>} : memref<8x128xf32, #tpu.memory_space<vmem>>, vector<16xf32>,
    %broadcast_in_dim3A_89 = arith.constant 0.000000e+00 : f32
    %broadcast_in_dim3A_90 = vector.broadcast %broadcast_in_dim3A_89 : f32 to vector<16xf32>
    %swap3A_91 = arith.constant 1 : i32
    %swap3A_92 = arith.index_cast %swap3A_91 : i32 to index
    %swap3A_93 = arith.constant 112 : index
    %swap3A_94 = tpu.vector_load %arg12[%swap3A_92, %swap3A_93] {strides = array<i32>} : memref<8x128xf32, #tpu.memory_space<vmem>>, vector<16xf32>,
    tpu.vector_store %arg12[%swap3A_92, %swap3A_93], %broadcast_in_dim3A_90 {strides = array<i32>} : memref<8x128xf32, #tpu.memory_space<vmem>>, vector<16xf32>,
    %broadcast_in_dim3A_95 = arith.constant 0.000000e+00 : f32
    %broadcast_in_dim3A_96 = vector.broadcast %broadcast_in_dim3A_95 : f32 to vector<16xf32>
    %swap3A_97 = arith.constant 2 : i32
    %swap3A_98 = arith.index_cast %swap3A_97 : i32 to index
    %swap3A_99 = arith.constant 0 : index
    %swap3A_100 = tpu.vector_load %arg12[%swap3A_98, %swap3A_99] {strides = array<i32>} : memref<8x128xf32, #tpu.memory_space<vmem>>, vector<16xf32>,
    tpu.vector_store %arg12[%swap3A_98, %swap3A_99], %broadcast_in_dim3A_96 {strides = array<i32>} : memref<8x128xf32, #tpu.memory_space<vmem>>, vector<16xf32>,
    %broadcast_in_dim3A_101 = arith.constant 0.000000e+00 : f32
    %broadcast_in_dim3A_102 = vector.broadcast %broadcast_in_dim3A_101 : f32 to vector<16xf32>
    %swap3A_103 = arith.constant 2 : i32
    %swap3A_104 = arith.index_cast %swap3A_103 : i32 to index
    %swap3A_105 = arith.constant 16 : index
    %swap3A_106 = tpu.vector_load %arg12[%swap3A_104, %swap3A_105] {strides = array<i32>} : memref<8x128xf32, #tpu.memory_space<vmem>>, vector<16xf32>,
    tpu.vector_store %arg12[%swap3A_104, %swap3A_105], %broadcast_in_dim3A_102 {strides = array<i32>} : memref<8x128xf32, #tpu.memory_space<vmem>>, vector<16xf32>,
    %broadcast_in_dim3A_107 = arith.constant 0.000000e+00 : f32
    %broadcast_in_dim3A_108 = vector.broadcast %broadcast_in_dim3A_107 : f32 to vector<16xf32>
    %swap3A_109 = arith.constant 2 : i32
    %swap3A_110 = arith.index_cast %swap3A_109 : i32 to index
    %swap3A_111 = arith.constant 32 : index
    %swap3A_112 = tpu.vector_load %arg12[%swap3A_110, %swap3A_111] {strides = array<i32>} : memref<8x128xf32, #tpu.memory_space<vmem>>, vector<16xf32>,
    tpu.vector_store %arg12[%swap3A_110, %swap3A_111], %broadcast_in_dim3A_108 {strides = array<i32>} : memref<8x128xf32, #tpu.memory_space<vmem>>, vector<16xf32>,
    %broadcast_in_dim3A_113 = arith.constant 0.000000e+00 : f32
    %broadcast_in_dim3A_114 = vector.broadcast %broadcast_in_dim3A_113 : f32 to vector<16xf32>
    %swap3A_115 = arith.constant 2 : i32
    %swap3A_116 = arith.index_cast %swap3A_115 : i32 to index
    %swap3A_117 = arith.constant 48 : index
    %swap3A_118 = tpu.vector_load %arg12[%swap3A_116, %swap3A_117] {strides = array<i32>} : memref<8x128xf32, #tpu.memory_space<vmem>>, vector<16xf32>,
    tpu.vector_store %arg12[%swap3A_116, %swap3A_117], %broadcast_in_dim3A_114 {strides = array<i32>} : memref<8x128xf32, #tpu.memory_space<vmem>>, vector<16xf32>,
    %broadcast_in_dim3A_119 = arith.constant 0.000000e+00 : f32
    %broadcast_in_dim3A_120 = vector.broadcast %broadcast_in_dim3A_119 : f32 to vector<16xf32>
    %swap3A_121 = arith.constant 2 : i32
    %swap3A_122 = arith.index_cast %swap3A_121 : i32 to index
    %swap3A_123 = arith.constant 64 : index
    %swap3A_124 = tpu.vector_load %arg12[%swap3A_122, %swap3A_123] {strides = array<i32>} : memref<8x128xf32, #tpu.memory_space<vmem>>, vector<16xf32>,
    tpu.vector_store %arg12[%swap3A_122, %swap3A_123], %broadcast_in_dim3A_120 {strides = array<i32>} : memref<8x128xf32, #tpu.memory_space<vmem>>, vector<16xf32>,
    %broadcast_in_dim3A_125 = arith.constant 0.000000e+00 : f32
    %broadcast_in_dim3A_126 = vector.broadcast %broadcast_in_dim3A_125 : f32 to vector<16xf32>
    %swap3A_127 = arith.constant 2 : i32
    %swap3A_128 = arith.index_cast %swap3A_127 : i32 to index
    %swap3A_129 = arith.constant 80 : index
    %swap3A_130 = tpu.vector_load %arg12[%swap3A_128, %swap3A_129] {strides = array<i32>} : memref<8x128xf32, #tpu.memory_space<vmem>>, vector<16xf32>,
    tpu.vector_store %arg12[%swap3A_128, %swap3A_129], %broadcast_in_dim3A_126 {strides = array<i32>} : memref<8x128xf32, #tpu.memory_space<vmem>>, vector<16xf32>,
    %broadcast_in_dim3A_131 = arith.constant 0.000000e+00 : f32
    %broadcast_in_dim3A_132 = vector.broadcast %broadcast_in_dim3A_131 : f32 to vector<16xf32>
    %swap3A_133 = arith.constant 2 : i32
    %swap3A_134 = arith.index_cast %swap3A_133 : i32 to index
    %swap3A_135 = arith.constant 96 : index
    %swap3A_136 = tpu.vector_load %arg12[%swap3A_134, %swap3A_135] {strides = array<i32>} : memref<8x128xf32, #tpu.memory_space<vmem>>, vector<16xf32>,
    tpu.vector_store %arg12[%swap3A_134, %swap3A_135], %broadcast_in_dim3A_132 {strides = array<i32>} : memref<8x128xf32, #tpu.memory_space<vmem>>, vector<16xf32>,
    %broadcast_in_dim3A_137 = arith.constant 0.000000e+00 : f32
    %broadcast_in_dim3A_138 = vector.broadcast %broadcast_in_dim3A_137 : f32 to vector<16xf32>
    %swap3A_139 = arith.constant 2 : i32
    %swap3A_140 = arith.index_cast %swap3A_139 : i32 to index
    %swap3A_141 = arith.constant 112 : index
    %swap3A_142 = tpu.vector_load %arg12[%swap3A_140, %swap3A_141] {strides = array<i32>} : memref<8x128xf32, #tpu.memory_space<vmem>>, vector<16xf32>,
    tpu.vector_store %arg12[%swap3A_140, %swap3A_141], %broadcast_in_dim3A_138 {strides = array<i32>} : memref<8x128xf32, #tpu.memory_space<vmem>>, vector<16xf32>,
    %broadcast_in_dim3A_143 = arith.constant 0.000000e+00 : f32
    %broadcast_in_dim3A_144 = vector.broadcast %broadcast_in_dim3A_143 : f32 to vector<16xf32>
    %swap3A_145 = arith.constant 3 : i32
    %swap3A_146 = arith.index_cast %swap3A_145 : i32 to index
    %swap3A_147 = arith.constant 0 : index
    %swap3A_148 = tpu.vector_load %arg12[%swap3A_146, %swap3A_147] {strides = array<i32>} : memref<8x128xf32, #tpu.memory_space<vmem>>, vector<16xf32>,
    tpu.vector_store %arg12[%swap3A_146, %swap3A_147], %broadcast_in_dim3A_144 {strides = array<i32>} : memref<8x128xf32, #tpu.memory_space<vmem>>, vector<16xf32>,
    %broadcast_in_dim3A_149 = arith.constant 0.000000e+00 : f32
    %broadcast_in_dim3A_150 = vector.broadcast %broadcast_in_dim3A_149 : f32 to vector<16xf32>
    %swap3A_151 = arith.constant 3 : i32
    %swap3A_152 = arith.index_cast %swap3A_151 : i32 to index
    %swap3A_153 = arith.constant 16 : index
    %swap3A_154 = tpu.vector_load %arg12[%swap3A_152, %swap3A_153] {strides = array<i32>} : memref<8x128xf32, #tpu.memory_space<vmem>>, vector<16xf32>,
    tpu.vector_store %arg12[%swap3A_152, %swap3A_153], %broadcast_in_dim3A_150 {strides = array<i32>} : memref<8x128xf32, #tpu.memory_space<vmem>>, vector<16xf32>,
    %broadcast_in_dim3A_155 = arith.constant 0.000000e+00 : f32
    %broadcast_in_dim3A_156 = vector.broadcast %broadcast_in_dim3A_155 : f32 to vector<16xf32>
    %swap3A_157 = arith.constant 3 : i32
    %swap3A_158 = arith.index_cast %swap3A_157 : i32 to index
    %swap3A_159 = arith.constant 32 : index
    %swap3A_160 = tpu.vector_load %arg12[%swap3A_158, %swap3A_159] {strides = array<i32>} : memref<8x128xf32, #tpu.memory_space<vmem>>, vector<16xf32>,
    tpu.vector_store %arg12[%swap3A_158, %swap3A_159], %broadcast_in_dim3A_156 {strides = array<i32>} : memref<8x128xf32, #tpu.memory_space<vmem>>, vector<16xf32>,
    %broadcast_in_dim3A_161 = arith.constant 0.000000e+00 : f32
    %broadcast_in_dim3A_162 = vector.broadcast %broadcast_in_dim3A_161 : f32 to vector<16xf32>
    %swap3A_163 = arith.constant 3 : i32
    %swap3A_164 = arith.index_cast %swap3A_163 : i32 to index
    %swap3A_165 = arith.constant 48 : index
    %swap3A_166 = tpu.vector_load %arg12[%swap3A_164, %swap3A_165] {strides = array<i32>} : memref<8x128xf32, #tpu.memory_space<vmem>>, vector<16xf32>,
    tpu.vector_store %arg12[%swap3A_164, %swap3A_165], %broadcast_in_dim3A_162 {strides = array<i32>} : memref<8x128xf32, #tpu.memory_space<vmem>>, vector<16xf32>,
    %broadcast_in_dim3A_167 = arith.constant 0.000000e+00 : f32
    %broadcast_in_dim3A_168 = vector.broadcast %broadcast_in_dim3A_167 : f32 to vector<16xf32>
    %swap3A_169 = arith.constant 3 : i32
    %swap3A_170 = arith.index_cast %swap3A_169 : i32 to index
    %swap3A_171 = arith.constant 64 : index
    %swap3A_172 = tpu.vector_load %arg12[%swap3A_170, %swap3A_171] {strides = array<i32>} : memref<8x128xf32, #tpu.memory_space<vmem>>, vector<16xf32>,
    tpu.vector_store %arg12[%swap3A_170, %swap3A_171], %broadcast_in_dim3A_168 {strides = array<i32>} : memref<8x128xf32, #tpu.memory_space<vmem>>, vector<16xf32>,
    %broadcast_in_dim3A_173 = arith.constant 0.000000e+00 : f32
    %broadcast_in_dim3A_174 = vector.broadcast %broadcast_in_dim3A_173 : f32 to vector<16xf32>
    %swap3A_175 = arith.constant 3 : i32
    %swap3A_176 = arith.index_cast %swap3A_175 : i32 to index
    %swap3A_177 = arith.constant 80 : index
    %swap3A_178 = tpu.vector_load %arg12[%swap3A_176, %swap3A_177] {strides = array<i32>} : memref<8x128xf32, #tpu.memory_space<vmem>>, vector<16xf32>,
    tpu.vector_store %arg12[%swap3A_176, %swap3A_177], %broadcast_in_dim3A_174 {strides = array<i32>} : memref<8x128xf32, #tpu.memory_space<vmem>>, vector<16xf32>,
    %broadcast_in_dim3A_179 = arith.constant 0.000000e+00 : f32
    %broadcast_in_dim3A_180 = vector.broadcast %broadcast_in_dim3A_179 : f32 to vector<16xf32>
    %swap3A_181 = arith.constant 3 : i32
    %swap3A_182 = arith.index_cast %swap3A_181 : i32 to index
    %swap3A_183 = arith.constant 96 : index
    %swap3A_184 = tpu.vector_load %arg12[%swap3A_182, %swap3A_183] {strides = array<i32>} : memref<8x128xf32, #tpu.memory_space<vmem>>, vector<16xf32>,
    tpu.vector_store %arg12[%swap3A_182, %swap3A_183], %broadcast_in_dim3A_180 {strides = array<i32>} : memref<8x128xf32, #tpu.memory_space<vmem>>, vector<16xf32>,
    %broadcast_in_dim3A_185 = arith.constant 0.000000e+00 : f32
    %broadcast_in_dim3A_186 = vector.broadcast %broadcast_in_dim3A_185 : f32 to vector<16xf32>
    %swap3A_187 = arith.constant 3 : i32
    %swap3A_188 = arith.index_cast %swap3A_187 : i32 to index
    %swap3A_189 = arith.constant 112 : index
    %swap3A_190 = tpu.vector_load %arg12[%swap3A_188, %swap3A_189] {strides = array<i32>} : memref<8x128xf32, #tpu.memory_space<vmem>>, vector<16xf32>,
    tpu.vector_store %arg12[%swap3A_188, %swap3A_189], %broadcast_in_dim3A_186 {strides = array<i32>} : memref<8x128xf32, #tpu.memory_space<vmem>>, vector<16xf32>,
    %broadcast_in_dim3A_191 = arith.constant 0.000000e+00 : f32
    %broadcast_in_dim3A_192 = vector.broadcast %broadcast_in_dim3A_191 : f32 to vector<16xf32>
    %swap3A_193 = arith.constant 4 : i32
    %swap3A_194 = arith.index_cast %swap3A_193 : i32 to index
    %swap3A_195 = arith.constant 0 : index
    %swap3A_196 = tpu.vector_load %arg12[%swap3A_194, %swap3A_195] {strides = array<i32>} : memref<8x128xf32, #tpu.memory_space<vmem>>, vector<16xf32>,
    tpu.vector_store %arg12[%swap3A_194, %swap3A_195], %broadcast_in_dim3A_192 {strides = array<i32>} : memref<8x128xf32, #tpu.memory_space<vmem>>, vector<16xf32>,
    %broadcast_in_dim3A_197 = arith.constant 0.000000e+00 : f32
    %broadcast_in_dim3A_198 = vector.broadcast %broadcast_in_dim3A_197 : f32 to vector<16xf32>
    %swap3A_199 = arith.constant 4 : i32
    %swap3A_200 = arith.index_cast %swap3A_199 : i32 to index
    %swap3A_201 = arith.constant 16 : index
    %swap3A_202 = tpu.vector_load %arg12[%swap3A_200, %swap3A_201] {strides = array<i32>} : memref<8x128xf32, #tpu.memory_space<vmem>>, vector<16xf32>,
    tpu.vector_store %arg12[%swap3A_200, %swap3A_201], %broadcast_in_dim3A_198 {strides = array<i32>} : memref<8x128xf32, #tpu.memory_space<vmem>>, vector<16xf32>,
    %broadcast_in_dim3A_203 = arith.constant 0.000000e+00 : f32
    %broadcast_in_dim3A_204 = vector.broadcast %broadcast_in_dim3A_203 : f32 to vector<16xf32>
    %swap3A_205 = arith.constant 4 : i32
    %swap3A_206 = arith.index_cast %swap3A_205 : i32 to index
    %swap3A_207 = arith.constant 32 : index
    %swap3A_208 = tpu.vector_load %arg12[%swap3A_206, %swap3A_207] {strides = array<i32>} : memref<8x128xf32, #tpu.memory_space<vmem>>, vector<16xf32>,
    tpu.vector_store %arg12[%swap3A_206, %swap3A_207], %broadcast_in_dim3A_204 {strides = array<i32>} : memref<8x128xf32, #tpu.memory_space<vmem>>, vector<16xf32>,
    %broadcast_in_dim3A_209 = arith.constant 0.000000e+00 : f32
    %broadcast_in_dim3A_210 = vector.broadcast %broadcast_in_dim3A_209 : f32 to vector<16xf32>
    %swap3A_211 = arith.constant 4 : i32
    %swap3A_212 = arith.index_cast %swap3A_211 : i32 to index
    %swap3A_213 = arith.constant 48 : index
    %swap3A_214 = tpu.vector_load %arg12[%swap3A_212, %swap3A_213] {strides = array<i32>} : memref<8x128xf32, #tpu.memory_space<vmem>>, vector<16xf32>,
    tpu.vector_store %arg12[%swap3A_212, %swap3A_213], %broadcast_in_dim3A_210 {strides = array<i32>} : memref<8x128xf32, #tpu.memory_space<vmem>>, vector<16xf32>,
    %broadcast_in_dim3A_215 = arith.constant 0.000000e+00 : f32
    %broadcast_in_dim3A_216 = vector.broadcast %broadcast_in_dim3A_215 : f32 to vector<16xf32>
    %swap3A_217 = arith.constant 4 : i32
    %swap3A_218 = arith.index_cast %swap3A_217 : i32 to index
    %swap3A_219 = arith.constant 64 : index
    %swap3A_220 = tpu.vector_load %arg12[%swap3A_218, %swap3A_219] {strides = array<i32>} : memref<8x128xf32, #tpu.memory_space<vmem>>, vector<16xf32>,
    tpu.vector_store %arg12[%swap3A_218, %swap3A_219], %broadcast_in_dim3A_216 {strides = array<i32>} : memref<8x128xf32, #tpu.memory_space<vmem>>, vector<16xf32>,
    %broadcast_in_dim3A_221 = arith.constant 0.000000e+00 : f32
    %broadcast_in_dim3A_222 = vector.broadcast %broadcast_in_dim3A_221 : f32 to vector<16xf32>
    %swap3A_223 = arith.constant 4 : i32
    %swap3A_224 = arith.index_cast %swap3A_223 : i32 to index
    %swap3A_225 = arith.constant 80 : index
    %swap3A_226 = tpu.vector_load %arg12[%swap3A_224, %swap3A_225] {strides = array<i32>} : memref<8x128xf32, #tpu.memory_space<vmem>>, vector<16xf32>,
    tpu.vector_store %arg12[%swap3A_224, %swap3A_225], %broadcast_in_dim3A_222 {strides = array<i32>} : memref<8x128xf32, #tpu.memory_space<vmem>>, vector<16xf32>,
    %broadcast_in_dim3A_227 = arith.constant 0.000000e+00 : f32
    %broadcast_in_dim3A_228 = vector.broadcast %broadcast_in_dim3A_227 : f32 to vector<16xf32>
    %swap3A_229 = arith.constant 4 : i32
    %swap3A_230 = arith.index_cast %swap3A_229 : i32 to index
    %swap3A_231 = arith.constant 96 : index
    %swap3A_232 = tpu.vector_load %arg12[%swap3A_230, %swap3A_231] {strides = array<i32>} : memref<8x128xf32, #tpu.memory_space<vmem>>, vector<16xf32>,
    tpu.vector_store %arg12[%swap3A_230, %swap3A_231], %broadcast_in_dim3A_228 {strides = array<i32>} : memref<8x128xf32, #tpu.memory_space<vmem>>, vector<16xf32>,
    %broadcast_in_dim3A_233 = arith.constant 0.000000e+00 : f32
    %broadcast_in_dim3A_234 = vector.broadcast %broadcast_in_dim3A_233 : f32 to vector<16xf32>
    %swap3A_235 = arith.constant 4 : i32
    %swap3A_236 = arith.index_cast %swap3A_235 : i32 to index
    %swap3A_237 = arith.constant 112 : index
    %swap3A_238 = tpu.vector_load %arg12[%swap3A_236, %swap3A_237] {strides = array<i32>} : memref<8x128xf32, #tpu.memory_space<vmem>>, vector<16xf32>,
    tpu.vector_store %arg12[%swap3A_236, %swap3A_237], %broadcast_in_dim3A_234 {strides = array<i32>} : memref<8x128xf32, #tpu.memory_space<vmem>>, vector<16xf32>,
    %broadcast_in_dim3A_239 = arith.constant 0.000000e+00 : f32
    %broadcast_in_dim3A_240 = vector.broadcast %broadcast_in_dim3A_239 : f32 to vector<16xf32>
    %swap3A_241 = arith.constant 5 : i32
    %swap3A_242 = arith.index_cast %swap3A_241 : i32 to index
    %swap3A_243 = arith.constant 0 : index
    %swap3A_244 = tpu.vector_load %arg12[%swap3A_242, %swap3A_243] {strides = array<i32>} : memref<8x128xf32, #tpu.memory_space<vmem>>, vector<16xf32>,
    tpu.vector_store %arg12[%swap3A_242, %swap3A_243], %broadcast_in_dim3A_240 {strides = array<i32>} : memref<8x128xf32, #tpu.memory_space<vmem>>, vector<16xf32>,
    %broadcast_in_dim3A_245 = arith.constant 0.000000e+00 : f32
    %broadcast_in_dim3A_246 = vector.broadcast %broadcast_in_dim3A_245 : f32 to vector<16xf32>
    %swap3A_247 = arith.constant 5 : i32
    %swap3A_248 = arith.index_cast %swap3A_247 : i32 to index
    %swap3A_249 = arith.constant 16 : index
    %swap3A_250 = tpu.vector_load %arg12[%swap3A_248, %swap3A_249] {strides = array<i32>} : memref<8x128xf32, #tpu.memory_space<vmem>>, vector<16xf32>,
    tpu.vector_store %arg12[%swap3A_248, %swap3A_249], %broadcast_in_dim3A_246 {strides = array<i32>} : memref<8x128xf32, #tpu.memory_space<vmem>>, vector<16xf32>,
    %broadcast_in_dim3A_251 = arith.constant 0.000000e+00 : f32
    %broadcast_in_dim3A_252 = vector.broadcast %broadcast_in_dim3A_251 : f32 to vector<16xf32>
    %swap3A_253 = arith.constant 5 : i32
    %swap3A_254 = arith.index_cast %swap3A_253 : i32 to index
    %swap3A_255 = arith.constant 32 : index
    %swap3A_256 = tpu.vector_load %arg12[%swap3A_254, %swap3A_255] {strides = array<i32>} : memref<8x128xf32, #tpu.memory_space<vmem>>, vector<16xf32>,
    tpu.vector_store %arg12[%swap3A_254, %swap3A_255], %broadcast_in_dim3A_252 {strides = array<i32>} : memref<8x128xf32, #tpu.memory_space<vmem>>, vector<16xf32>,
    %broadcast_in_dim3A_257 = arith.constant 0.000000e+00 : f32
    %broadcast_in_dim3A_258 = vector.broadcast %broadcast_in_dim3A_257 : f32 to vector<16xf32>
    %swap3A_259 = arith.constant 5 : i32
    %swap3A_260 = arith.index_cast %swap3A_259 : i32 to index
    %swap3A_261 = arith.constant 48 : index
    %swap3A_262 = tpu.vector_load %arg12[%swap3A_260, %swap3A_261] {strides = array<i32>} : memref<8x128xf32, #tpu.memory_space<vmem>>, vector<16xf32>,
    tpu.vector_store %arg12[%swap3A_260, %swap3A_261], %broadcast_in_dim3A_258 {strides = array<i32>} : memref<8x128xf32, #tpu.memory_space<vmem>>, vector<16xf32>,
    %broadcast_in_dim3A_263 = arith.constant 0.000000e+00 : f32
    %broadcast_in_dim3A_264 = vector.broadcast %broadcast_in_dim3A_263 : f32 to vector<16xf32>
    %swap3A_265 = arith.constant 5 : i32
    %swap3A_266 = arith.index_cast %swap3A_265 : i32 to index
    %swap3A_267 = arith.constant 64 : index
    %swap3A_268 = tpu.vector_load %arg12[%swap3A_266, %swap3A_267] {strides = array<i32>} : memref<8x128xf32, #tpu.memory_space<vmem>>, vector<16xf32>,
    tpu.vector_store %arg12[%swap3A_266, %swap3A_267], %broadcast_in_dim3A_264 {strides = array<i32>} : memref<8x128xf32, #tpu.memory_space<vmem>>, vector<16xf32>,
    %broadcast_in_dim3A_269 = arith.constant 0.000000e+00 : f32
    %broadcast_in_dim3A_270 = vector.broadcast %broadcast_in_dim3A_269 : f32 to vector<16xf32>
    %swap3A_271 = arith.constant 5 : i32
    %swap3A_272 = arith.index_cast %swap3A_271 : i32 to index
    %swap3A_273 = arith.constant 80 : index
    %swap3A_274 = tpu.vector_load %arg12[%swap3A_272, %swap3A_273] {strides = array<i32>} : memref<8x128xf32, #tpu.memory_space<vmem>>, vector<16xf32>,
    tpu.vector_store %arg12[%swap3A_272, %swap3A_273], %broadcast_in_dim3A_270 {strides = array<i32>} : memref<8x128xf32, #tpu.memory_space<vmem>>, vector<16xf32>,
    %broadcast_in_dim3A_275 = arith.constant 0.000000e+00 : f32
    %broadcast_in_dim3A_276 = vector.broadcast %broadcast_in_dim3A_275 : f32 to vector<16xf32>
    %swap3A_277 = arith.constant 5 : i32
    %swap3A_278 = arith.index_cast %swap3A_277 : i32 to index
    %swap3A_279 = arith.constant 96 : index
    %swap3A_280 = tpu.vector_load %arg12[%swap3A_278, %swap3A_279] {strides = array<i32>} : memref<8x128xf32, #tpu.memory_space<vmem>>, vector<16xf32>,
    tpu.vector_store %arg12[%swap3A_278, %swap3A_279], %broadcast_in_dim3A_276 {strides = array<i32>} : memref<8x128xf32, #tpu.memory_space<vmem>>, vector<16xf32>,
    %broadcast_in_dim3A_281 = arith.constant 0.000000e+00 : f32
    %broadcast_in_dim3A_282 = vector.broadcast %broadcast_in_dim3A_281 : f32 to vector<16xf32>
    %swap3A_283 = arith.constant 5 : i32
    %swap3A_284 = arith.index_cast %swap3A_283 : i32 to index
    %swap3A_285 = arith.constant 112 : index
    %swap3A_286 = tpu.vector_load %arg12[%swap3A_284, %swap3A_285] {strides = array<i32>} : memref<8x128xf32, #tpu.memory_space<vmem>>, vector<16xf32>,
    tpu.vector_store %arg12[%swap3A_284, %swap3A_285], %broadcast_in_dim3A_282 {strides = array<i32>} : memref<8x128xf32, #tpu.memory_space<vmem>>, vector<16xf32>,
    %broadcast_in_dim3A_287 = arith.constant 0.000000e+00 : f32
    %broadcast_in_dim3A_288 = vector.broadcast %broadcast_in_dim3A_287 : f32 to vector<16xf32>
    %swap3A_289 = arith.constant 6 : i32
    %swap3A_290 = arith.index_cast %swap3A_289 : i32 to index
    %swap3A_291 = arith.constant 0 : index
    %swap3A_292 = tpu.vector_load %arg12[%swap3A_290, %swap3A_291] {strides = array<i32>} : memref<8x128xf32, #tpu.memory_space<vmem>>, vector<16xf32>,
    tpu.vector_store %arg12[%swap3A_290, %swap3A_291], %broadcast_in_dim3A_288 {strides = array<i32>} : memref<8x128xf32, #tpu.memory_space<vmem>>, vector<16xf32>,
    %broadcast_in_dim3A_293 = arith.constant 0.000000e+00 : f32
    %broadcast_in_dim3A_294 = vector.broadcast %broadcast_in_dim3A_293 : f32 to vector<16xf32>
    %swap3A_295 = arith.constant 6 : i32
    %swap3A_296 = arith.index_cast %swap3A_295 : i32 to index
    %swap3A_297 = arith.constant 16 : index
    %swap3A_298 = tpu.vector_load %arg12[%swap3A_296, %swap3A_297] {strides = array<i32>} : memref<8x128xf32, #tpu.memory_space<vmem>>, vector<16xf32>,
    tpu.vector_store %arg12[%swap3A_296, %swap3A_297], %broadcast_in_dim3A_294 {strides = array<i32>} : memref<8x128xf32, #tpu.memory_space<vmem>>, vector<16xf32>,
    %broadcast_in_dim3A_299 = arith.constant 0.000000e+00 : f32
    %broadcast_in_dim3A_300 = vector.broadcast %broadcast_in_dim3A_299 : f32 to vector<16xf32>
    %swap3A_301 = arith.constant 6 : i32
    %swap3A_302 = arith.index_cast %swap3A_301 : i32 to index
    %swap3A_303 = arith.constant 32 : index
    %swap3A_304 = tpu.vector_load %arg12[%swap3A_302, %swap3A_303] {strides = array<i32>} : memref<8x128xf32, #tpu.memory_space<vmem>>, vector<16xf32>,
    tpu.vector_store %arg12[%swap3A_302, %swap3A_303], %broadcast_in_dim3A_300 {strides = array<i32>} : memref<8x128xf32, #tpu.memory_space<vmem>>, vector<16xf32>,
    %broadcast_in_dim3A_305 = arith.constant 0.000000e+00 : f32
    %broadcast_in_dim3A_306 = vector.broadcast %broadcast_in_dim3A_305 : f32 to vector<16xf32>
    %swap3A_307 = arith.constant 6 : i32
    %swap3A_308 = arith.index_cast %swap3A_307 : i32 to index
    %swap3A_309 = arith.constant 48 : index
    %swap3A_310 = tpu.vector_load %arg12[%swap3A_308, %swap3A_309] {strides = array<i32>} : memref<8x128xf32, #tpu.memory_space<vmem>>, vector<16xf32>,
    tpu.vector_store %arg12[%swap3A_308, %swap3A_309], %broadcast_in_dim3A_306 {strides = array<i32>} : memref<8x128xf32, #tpu.memory_space<vmem>>, vector<16xf32>,
    %broadcast_in_dim3A_311 = arith.constant 0.000000e+00 : f32
    %broadcast_in_dim3A_312 = vector.broadcast %broadcast_in_dim3A_311 : f32 to vector<16xf32>
    %swap3A_313 = arith.constant 6 : i32
    %swap3A_314 = arith.index_cast %swap3A_313 : i32 to index
    %swap3A_315 = arith.constant 64 : index
    %swap3A_316 = tpu.vector_load %arg12[%swap3A_314, %swap3A_315] {strides = array<i32>} : memref<8x128xf32, #tpu.memory_space<vmem>>, vector<16xf32>,
    tpu.vector_store %arg12[%swap3A_314, %swap3A_315], %broadcast_in_dim3A_312 {strides = array<i32>} : memref<8x128xf32, #tpu.memory_space<vmem>>, vector<16xf32>,
    %broadcast_in_dim3A_317 = arith.constant 0.000000e+00 : f32
    %broadcast_in_dim3A_318 = vector.broadcast %broadcast_in_dim3A_317 : f32 to vector<16xf32>
    %swap3A_319 = arith.constant 6 : i32
    %swap3A_320 = arith.index_cast %swap3A_319 : i32 to index
    %swap3A_321 = arith.constant 80 : index
    %swap3A_322 = tpu.vector_load %arg12[%swap3A_320, %swap3A_321] {strides = array<i32>} : memref<8x128xf32, #tpu.memory_space<vmem>>, vector<16xf32>,
    tpu.vector_store %arg12[%swap3A_320, %swap3A_321], %broadcast_in_dim3A_318 {strides = array<i32>} : memref<8x128xf32, #tpu.memory_space<vmem>>, vector<16xf32>,
    %broadcast_in_dim3A_323 = arith.constant 0.000000e+00 : f32
    %broadcast_in_dim3A_324 = vector.broadcast %broadcast_in_dim3A_323 : f32 to vector<16xf32>
    %swap3A_325 = arith.constant 6 : i32
    %swap3A_326 = arith.index_cast %swap3A_325 : i32 to index
    %swap3A_327 = arith.constant 96 : index
    %swap3A_328 = tpu.vector_load %arg12[%swap3A_326, %swap3A_327] {strides = array<i32>} : memref<8x128xf32, #tpu.memory_space<vmem>>, vector<16xf32>,
    tpu.vector_store %arg12[%swap3A_326, %swap3A_327], %broadcast_in_dim3A_324 {strides = array<i32>} : memref<8x128xf32, #tpu.memory_space<vmem>>, vector<16xf32>,
    %broadcast_in_dim3A_329 = arith.constant 0.000000e+00 : f32
    %broadcast_in_dim3A_330 = vector.broadcast %broadcast_in_dim3A_329 : f32 to vector<16xf32>
    %swap3A_331 = arith.constant 6 : i32
    %swap3A_332 = arith.index_cast %swap3A_331 : i32 to index
    %swap3A_333 = arith.constant 112 : index
    %swap3A_334 = tpu.vector_load %arg12[%swap3A_332, %swap3A_333] {strides = array<i32>} : memref<8x128xf32, #tpu.memory_space<vmem>>, vector<16xf32>,
    tpu.vector_store %arg12[%swap3A_332, %swap3A_333], %broadcast_in_dim3A_330 {strides = array<i32>} : memref<8x128xf32, #tpu.memory_space<vmem>>, vector<16xf32>,
    %broadcast_in_dim3A_335 = arith.constant 0.000000e+00 : f32
    %broadcast_in_dim3A_336 = vector.broadcast %broadcast_in_dim3A_335 : f32 to vector<16xf32>
    %swap3A_337 = arith.constant 7 : i32
    %swap3A_338 = arith.index_cast %swap3A_337 : i32 to index
    %swap3A_339 = arith.constant 0 : index
    %swap3A_340 = tpu.vector_load %arg12[%swap3A_338, %swap3A_339] {strides = array<i32>} : memref<8x128xf32, #tpu.memory_space<vmem>>, vector<16xf32>,
    tpu.vector_store %arg12[%swap3A_338, %swap3A_339], %broadcast_in_dim3A_336 {strides = array<i32>} : memref<8x128xf32, #tpu.memory_space<vmem>>, vector<16xf32>,
    %broadcast_in_dim3A_341 = arith.constant 0.000000e+00 : f32
    %broadcast_in_dim3A_342 = vector.broadcast %broadcast_in_dim3A_341 : f32 to vector<16xf32>
    %swap3A_343 = arith.constant 7 : i32
    %swap3A_344 = arith.index_cast %swap3A_343 : i32 to index
    %swap3A_345 = arith.constant 16 : index
    %swap3A_346 = tpu.vector_load %arg12[%swap3A_344, %swap3A_345] {strides = array<i32>} : memref<8x128xf32, #tpu.memory_space<vmem>>, vector<16xf32>,
    tpu.vector_store %arg12[%swap3A_344, %swap3A_345], %broadcast_in_dim3A_342 {strides = array<i32>} : memref<8x128xf32, #tpu.memory_space<vmem>>, vector<16xf32>,
    %broadcast_in_dim3A_347 = arith.constant 0.000000e+00 : f32
    %broadcast_in_dim3A_348 = vector.broadcast %broadcast_in_dim3A_347 : f32 to vector<16xf32>
    %swap3A_349 = arith.constant 7 : i32
    %swap3A_350 = arith.index_cast %swap3A_349 : i32 to index
    %swap3A_351 = arith.constant 32 : index
    %swap3A_352 = tpu.vector_load %arg12[%swap3A_350, %swap3A_351] {strides = array<i32>} : memref<8x128xf32, #tpu.memory_space<vmem>>, vector<16xf32>,
    tpu.vector_store %arg12[%swap3A_350, %swap3A_351], %broadcast_in_dim3A_348 {strides = array<i32>} : memref<8x128xf32, #tpu.memory_space<vmem>>, vector<16xf32>,
    %broadcast_in_dim3A_353 = arith.constant 0.000000e+00 : f32
    %broadcast_in_dim3A_354 = vector.broadcast %broadcast_in_dim3A_353 : f32 to vector<16xf32>
    %swap3A_355 = arith.constant 7 : i32
    %swap3A_356 = arith.index_cast %swap3A_355 : i32 to index
    %swap3A_357 = arith.constant 48 : index
    %swap3A_358 = tpu.vector_load %arg12[%swap3A_356, %swap3A_357] {strides = array<i32>} : memref<8x128xf32, #tpu.memory_space<vmem>>, vector<16xf32>,
    tpu.vector_store %arg12[%swap3A_356, %swap3A_357], %broadcast_in_dim3A_354 {strides = array<i32>} : memref<8x128xf32, #tpu.memory_space<vmem>>, vector<16xf32>,
    %broadcast_in_dim3A_359 = arith.constant 0.000000e+00 : f32
    %broadcast_in_dim3A_360 = vector.broadcast %broadcast_in_dim3A_359 : f32 to vector<16xf32>
    %swap3A_361 = arith.constant 7 : i32
    %swap3A_362 = arith.index_cast %swap3A_361 : i32 to index
    %swap3A_363 = arith.constant 64 : index
    %swap3A_364 = tpu.vector_load %arg12[%swap3A_362, %swap3A_363] {strides = array<i32>} : memref<8x128xf32, #tpu.memory_space<vmem>>, vector<16xf32>,
    tpu.vector_store %arg12[%swap3A_362, %swap3A_363], %broadcast_in_dim3A_360 {strides = array<i32>} : memref<8x128xf32, #tpu.memory_space<vmem>>, vector<16xf32>,
    %broadcast_in_dim3A_365 = arith.constant 0.000000e+00 : f32
    %broadcast_in_dim3A_366 = vector.broadcast %broadcast_in_dim3A_365 : f32 to vector<16xf32>
    %swap3A_367 = arith.constant 7 : i32
    %swap3A_368 = arith.index_cast %swap3A_367 : i32 to index
    %swap3A_369 = arith.constant 80 : index
    %swap3A_370 = tpu.vector_load %arg12[%swap3A_368, %swap3A_369] {strides = array<i32>} : memref<8x128xf32, #tpu.memory_space<vmem>>, vector<16xf32>,
    tpu.vector_store %arg12[%swap3A_368, %swap3A_369], %broadcast_in_dim3A_366 {strides = array<i32>} : memref<8x128xf32, #tpu.memory_space<vmem>>, vector<16xf32>,
    %broadcast_in_dim3A_371 = arith.constant 0.000000e+00 : f32
    %broadcast_in_dim3A_372 = vector.broadcast %broadcast_in_dim3A_371 : f32 to vector<16xf32>
    %swap3A_373 = arith.constant 7 : i32
    %swap3A_374 = arith.index_cast %swap3A_373 : i32 to index
    %swap3A_375 = arith.constant 96 : index
    %swap3A_376 = tpu.vector_load %arg12[%swap3A_374, %swap3A_375] {strides = array<i32>} : memref<8x128xf32, #tpu.memory_space<vmem>>, vector<16xf32>,
    tpu.vector_store %arg12[%swap3A_374, %swap3A_375], %broadcast_in_dim3A_372 {strides = array<i32>} : memref<8x128xf32, #tpu.memory_space<vmem>>, vector<16xf32>,
    %broadcast_in_dim3A_377 = arith.constant 0.000000e+00 : f32
    %broadcast_in_dim3A_378 = vector.broadcast %broadcast_in_dim3A_377 : f32 to vector<16xf32>
    %swap3A_379 = arith.constant 7 : i32
    %swap3A_380 = arith.index_cast %swap3A_379 : i32 to index
    %swap3A_381 = arith.constant 112 : index
    %swap3A_382 = tpu.vector_load %arg12[%swap3A_380, %swap3A_381] {strides = array<i32>} : memref<8x128xf32, #tpu.memory_space<vmem>>, vector<16xf32>,
    tpu.vector_store %arg12[%swap3A_380, %swap3A_381], %broadcast_in_dim3A_378 {strides = array<i32>} : memref<8x128xf32, #tpu.memory_space<vmem>>, vector<16xf32>,
    %scan3A = arith.constant 0 : i32
    %scan3A_383 = arith.constant 0 : i32
    %scan3A_384 = arith.constant 80 : i32
    %scan3A_385 = arith.addi %scan3A_383, %scan3A_384 : i32
    %scan3A_386 = arith.constant 1 : i32
    scf.for %scan3A_464 = %scan3A_383 to %scan3A_385 step %scan3A_386  : i32 {
      %mul3A_465 = arith.constant 640 : i32
      %mul3A_466 = arith.muli %arg1, %mul3A_465 : i32
      %mul3A_467 = arith.constant 8 : i32
      %mul3A_468 = arith.muli %scan3A_464, %mul3A_467 : i32
      %add3A_469 = arith.addi %mul3A_466, %mul3A_468 : i32
      %dma_start3A_470 = arith.constant 0 : i32
      %dma_start3A_471 = tpu.memref_slice %arg13[%add3A_469, %dma_start3A_470] : memref<10240x128xf32, #tpu.memory_space<vmem_shared>> -> memref<8x128xf32, #tpu.memory_space<vmem_shared>>
      %dma_start3A_472 = arith.constant 0 : i32
      %dma_start3A_473 = tpu.memref_slice %arg13[%add3A_469, %dma_start3A_472] : memref<10240x128xf32, #tpu.memory_space<vmem_shared>> -> memref<8x128xf32, #tpu.memory_space<vmem_shared>>
      tpu.enqueue_dma source(%arg12 : memref<8x128xf32, #tpu.memory_space<vmem>>) target(%dma_start3A_473 : memref<8x128xf32, #tpu.memory_space<vmem_shared>>) target_semaphore(%arg17 : memref<!tpu.dma_semaphore, #tpu.memory_space<semaphore_mem>>)
    }
    %scan3A_387 = arith.constant 80 : i32
    %scan3A_388 = arith.constant 0 : i32
    %scan3A_389 = arith.constant 0 : i32
    %scan3A_390 = arith.constant 80 : i32
    %scan3A_391 = arith.addi %scan3A_389, %scan3A_390 : i32
    %scan3A_392 = arith.constant 1 : i32
    scf.for %scan3A_464 = %scan3A_389 to %scan3A_391 step %scan3A_392  : i32 {
      %mul3A_465 = arith.constant 640 : i32
      %mul3A_466 = arith.muli %arg1, %mul3A_465 : i32
      %dma_wait3A_467 = arith.constant 0 : i32
      %dma_wait3A_468 = tpu.memref_slice %arg13[%mul3A_466, %dma_wait3A_467] : memref<10240x128xf32, #tpu.memory_space<vmem_shared>> -> memref<8x128xf32, #tpu.memory_space<vmem_shared>>
      %dma_wait3A_469 = arith.constant 0 : i32
      %dma_wait3A_470 = tpu.memref_slice %arg13[%mul3A_466, %dma_wait3A_469] : memref<10240x128xf32, #tpu.memory_space<vmem_shared>> -> memref<8x128xf32, #tpu.memory_space<vmem_shared>>
      tpu.wait_dma2 semaphore(%arg17 : memref<!tpu.dma_semaphore, #tpu.memory_space<semaphore_mem>>) src(%arg12 : memref<8x128xf32, #tpu.memory_space<vmem>>) dst(%dma_wait3A_470 : memref<8x128xf32, #tpu.memory_space<vmem_shared>>)
    }
    %scan3A_393 = arith.constant 80 : i32
    tpu.wait_dma2 semaphore(%arg15 : memref<!tpu.dma_semaphore, #tpu.memory_space<semaphore_mem>>) src(%arg3 : memref<10000xf32, #tpu.memory_space<hbm>>) dst(%arg7 : memref<10000xf32, #tpu.memory_space<vmem>>)
    tpu.wait_dma2 semaphore(%arg16 : memref<!tpu.dma_semaphore, #tpu.memory_space<semaphore_mem>>) src(%arg4 : memref<10000xf32, #tpu.memory_space<hbm>>) dst(%arg8 : memref<10000xf32, #tpu.memory_space<vmem>>)
    %barrier3A = arith.constant 0 : index
    tpu.barrier barrier_id(%barrier3A)
    %run_scoped3A = arith.constant 0 : i32
    %run_scoped3A_394 = arith.constant 0 : i32
    "tpu.region"() ({
      %run_scoped3A_464 = tpu.sem_alloc : memref<!tpu.dma_semaphore, #tpu.memory_space<semaphore_mem>>
      %dma_start3A_465 = arith.constant 0 : i32
      %dma_start3A_466 = arith.constant 0 : i32
      %dma_start3A_467 = tpu.memref_slice %arg9[%run_scoped3A_394, %dma_start3A_465, %dma_start3A_466] : memref<4x2x80xi32, #tpu.memory_space<vmem>> -> memref<1x2x80xi32, #tpu.memory_space<vmem>>
      %dma_start3A_468 = tpu.memref_squeeze %dma_start3A_467 : memref<1x2x80xi32, #tpu.memory_space<vmem>> -> memref<2x80xi32, #tpu.memory_space<vmem>>
      %dma_start3A_469 = arith.constant 0 : i32
      %dma_start3A_470 = arith.constant 0 : i32
      %dma_start3A_471 = arith.constant 0 : i32
      %dma_start3A_472 = tpu.memref_slice %arg5[%add3A, %dma_start3A_469, %dma_start3A_470, %dma_start3A_471] : memref<32x125x2x80xi32, #tpu.memory_space<hbm>> -> memref<1x125x2x80xi32, #tpu.memory_space<hbm>>
      %dma_start3A_473 = tpu.memref_squeeze %dma_start3A_472 : memref<1x125x2x80xi32, #tpu.memory_space<hbm>> -> memref<125x2x80xi32, #tpu.memory_space<hbm>>
      %dma_start3A_474 = arith.constant 0 : i32
      %dma_start3A_475 = arith.constant 0 : i32
      %dma_start3A_476 = tpu.memref_slice %dma_start3A_473[%run_scoped3A, %dma_start3A_474, %dma_start3A_475] : memref<125x2x80xi32, #tpu.memory_space<hbm>> -> memref<1x2x80xi32, #tpu.memory_space<hbm>>
      %dma_start3A_477 = tpu.memref_squeeze %dma_start3A_476 : memref<1x2x80xi32, #tpu.memory_space<hbm>> -> memref<2x80xi32, #tpu.memory_space<hbm>>
      %dma_start3A_478 = arith.constant 0 : i32
      %dma_start3A_479 = arith.constant 0 : i32
      %dma_start3A_480 = tpu.memref_slice %arg9[%run_scoped3A_394, %dma_start3A_478, %dma_start3A_479] : memref<4x2x80xi32, #tpu.memory_space<vmem>> -> memref<1x2x80xi32, #tpu.memory_space<vmem>>
      %dma_start3A_481 = tpu.memref_squeeze %dma_start3A_480 : memref<1x2x80xi32, #tpu.memory_space<vmem>> -> memref<2x80xi32, #tpu.memory_space<vmem>>
      %dma_start3A_482 = arith.constant 0 : i32
      %dma_start3A_483 = arith.constant 0 : i32
      %dma_start3A_484 = arith.constant 0 : i32
      %dma_start3A_485 = tpu.memref_slice %arg5[%add3A, %dma_start3A_482, %dma_start3A_483, %dma_start3A_484] : memref<32x125x2x80xi32, #tpu.memory_space<hbm>> -> memref<1x125x2x80xi32, #tpu.memory_space<hbm>>
      %dma_start3A_486 = tpu.memref_squeeze %dma_start3A_485 : memref<1x125x2x80xi32, #tpu.memory_space<hbm>> -> memref<125x2x80xi32, #tpu.memory_space<hbm>>
      %dma_start3A_487 = arith.constant 0 : i32
      %dma_start3A_488 = arith.constant 0 : i32
      %dma_start3A_489 = tpu.memref_slice %dma_start3A_486[%run_scoped3A, %dma_start3A_487, %dma_start3A_488] : memref<125x2x80xi32, #tpu.memory_space<hbm>> -> memref<1x2x80xi32, #tpu.memory_space<hbm>>
      %dma_start3A_490 = tpu.memref_squeeze %dma_start3A_489 : memref<1x2x80xi32, #tpu.memory_space<hbm>> -> memref<2x80xi32, #tpu.memory_space<hbm>>
      tpu.enqueue_dma source(%dma_start3A_490 : memref<2x80xi32, #tpu.memory_space<hbm>>) target(%dma_start3A_481 : memref<2x80xi32, #tpu.memory_space<vmem>>) target_semaphore(%run_scoped3A_464 : memref<!tpu.dma_semaphore, #tpu.memory_space<semaphore_mem>>)
      %dma_wait3A_491 = arith.constant 0 : i32
      %dma_wait3A_492 = arith.constant 0 : i32
      %dma_wait3A_493 = tpu.memref_slice %arg9[%run_scoped3A_394, %dma_wait3A_491, %dma_wait3A_492] : memref<4x2x80xi32, #tpu.memory_space<vmem>> -> memref<1x2x80xi32, #tpu.memory_space<vmem>>
      %dma_wait3A_494 = tpu.memref_squeeze %dma_wait3A_493 : memref<1x2x80xi32, #tpu.memory_space<vmem>> -> memref<2x80xi32, #tpu.memory_space<vmem>>
      %dma_wait3A_495 = arith.constant 0 : i32
      %dma_wait3A_496 = arith.constant 0 : i32
      %dma_wait3A_497 = arith.constant 0 : i32
      %dma_wait3A_498 = tpu.memref_slice %arg5[%add3A, %dma_wait3A_495, %dma_wait3A_496, %dma_wait3A_497] : memref<32x125x2x80xi32, #tpu.memory_space<hbm>> -> memref<1x125x2x80xi32, #tpu.memory_space<hbm>>
      %dma_wait3A_499 = tpu.memref_squeeze %dma_wait3A_498 : memref<1x125x2x80xi32, #tpu.memory_space<hbm>> -> memref<125x2x80xi32, #tpu.memory_space<hbm>>
      %dma_wait3A_500 = arith.constant 0 : i32
      %dma_wait3A_501 = arith.constant 0 : i32
      %dma_wait3A_502 = tpu.memref_slice %dma_wait3A_499[%run_scoped3A, %dma_wait3A_500, %dma_wait3A_501] : memref<125x2x80xi32, #tpu.memory_space<hbm>> -> memref<1x2x80xi32, #tpu.memory_space<hbm>>
      %dma_wait3A_503 = tpu.memref_squeeze %dma_wait3A_502 : memref<1x2x80xi32, #tpu.memory_space<hbm>> -> memref<2x80xi32, #tpu.memory_space<hbm>>
      %dma_wait3A_504 = arith.constant 0 : i32
      %dma_wait3A_505 = arith.constant 0 : i32
      %dma_wait3A_506 = tpu.memref_slice %arg9[%run_scoped3A_394, %dma_wait3A_504, %dma_wait3A_505] : memref<4x2x80xi32, #tpu.memory_space<vmem>> -> memref<1x2x80xi32, #tpu.memory_space<vmem>>
      %dma_wait3A_507 = tpu.memref_squeeze %dma_wait3A_506 : memref<1x2x80xi32, #tpu.memory_space<vmem>> -> memref<2x80xi32, #tpu.memory_space<vmem>>
      %dma_wait3A_508 = arith.constant 0 : i32
      %dma_wait3A_509 = arith.constant 0 : i32
      %dma_wait3A_510 = arith.constant 0 : i32
      %dma_wait3A_511 = tpu.memref_slice %arg5[%add3A, %dma_wait3A_508, %dma_wait3A_509, %dma_wait3A_510] : memref<32x125x2x80xi32, #tpu.memory_space<hbm>> -> memref<1x125x2x80xi32, #tpu.memory_space<hbm>>
      %dma_wait3A_512 = tpu.memref_squeeze %dma_wait3A_511 : memref<1x125x2x80xi32, #tpu.memory_space<hbm>> -> memref<125x2x80xi32, #tpu.memory_space<hbm>>
      %dma_wait3A_513 = arith.constant 0 : i32
      %dma_wait3A_514 = arith.constant 0 : i32
      %dma_wait3A_515 = tpu.memref_slice %dma_wait3A_512[%run_scoped3A, %dma_wait3A_513, %dma_wait3A_514] : memref<125x2x80xi32, #tpu.memory_space<hbm>> -> memref<1x2x80xi32, #tpu.memory_space<hbm>>
      %dma_wait3A_516 = tpu.memref_squeeze %dma_wait3A_515 : memref<1x2x80xi32, #tpu.memory_space<hbm>> -> memref<2x80xi32, #tpu.memory_space<hbm>>
      tpu.wait_dma2 semaphore(%run_scoped3A_464 : memref<!tpu.dma_semaphore, #tpu.memory_space<semaphore_mem>>) src(%dma_wait3A_516 : memref<2x80xi32, #tpu.memory_space<hbm>>) dst(%dma_wait3A_507 : memref<2x80xi32, #tpu.memory_space<vmem>>)
      tpu.yield
    }) : () -> ()
    %dma_start3A = arith.constant 1 : i32
    %dma_start3A_395 = arith.constant 1 : i32
    %dma_start3A_396 = arith.constant 0 : i32
    %dma_start3A_397 = arith.constant 0 : i32
    %dma_start3A_398 = tpu.memref_slice %arg9[%dma_start3A_395, %dma_start3A_396, %dma_start3A_397] : memref<4x2x80xi32, #tpu.memory_space<vmem>> -> memref<1x2x80xi32, #tpu.memory_space<vmem>>
    %dma_start3A_399 = tpu.memref_squeeze %dma_start3A_398 : memref<1x2x80xi32, #tpu.memory_space<vmem>> -> memref<2x80xi32, #tpu.memory_space<vmem>>
    %dma_start3A_400 = arith.constant 0 : i32
    %dma_start3A_401 = arith.constant 0 : i32
    %dma_start3A_402 = arith.constant 0 : i32
    %dma_start3A_403 = tpu.memref_slice %arg5[%add3A, %dma_start3A_400, %dma_start3A_401, %dma_start3A_402] : memref<32x125x2x80xi32, #tpu.memory_space<hbm>> -> memref<1x125x2x80xi32, #tpu.memory_space<hbm>>
    %dma_start3A_404 = tpu.memref_squeeze %dma_start3A_403 : memref<1x125x2x80xi32, #tpu.memory_space<hbm>> -> memref<125x2x80xi32, #tpu.memory_space<hbm>>
    %dma_start3A_405 = arith.constant 0 : i32
    %dma_start3A_406 = arith.constant 0 : i32
    %dma_start3A_407 = tpu.memref_slice %dma_start3A_404[%dma_start3A, %dma_start3A_405, %dma_start3A_406] : memref<125x2x80xi32, #tpu.memory_space<hbm>> -> memref<1x2x80xi32, #tpu.memory_space<hbm>>
    %dma_start3A_408 = tpu.memref_squeeze %dma_start3A_407 : memref<1x2x80xi32, #tpu.memory_space<hbm>> -> memref<2x80xi32, #tpu.memory_space<hbm>>
    %dma_start3A_409 = arith.constant 0 : i32
    %dma_start3A_410 = arith.constant 0 : i32
    %dma_start3A_411 = tpu.memref_slice %arg9[%dma_start3A_395, %dma_start3A_409, %dma_start3A_410] : memref<4x2x80xi32, #tpu.memory_space<vmem>> -> memref<1x2x80xi32, #tpu.memory_space<vmem>>
    %dma_start3A_412 = tpu.memref_squeeze %dma_start3A_411 : memref<1x2x80xi32, #tpu.memory_space<vmem>> -> memref<2x80xi32, #tpu.memory_space<vmem>>
    %dma_start3A_413 = arith.constant 0 : i32
    %dma_start3A_414 = arith.constant 0 : i32
    %dma_start3A_415 = arith.constant 0 : i32
    %dma_start3A_416 = tpu.memref_slice %arg5[%add3A, %dma_start3A_413, %dma_start3A_414, %dma_start3A_415] : memref<32x125x2x80xi32, #tpu.memory_space<hbm>> -> memref<1x125x2x80xi32, #tpu.memory_space<hbm>>
    %dma_start3A_417 = tpu.memref_squeeze %dma_start3A_416 : memref<1x125x2x80xi32, #tpu.memory_space<hbm>> -> memref<125x2x80xi32, #tpu.memory_space<hbm>>
    %dma_start3A_418 = arith.constant 0 : i32
    %dma_start3A_419 = arith.constant 0 : i32
    %dma_start3A_420 = tpu.memref_slice %dma_start3A_417[%dma_start3A, %dma_start3A_418, %dma_start3A_419] : memref<125x2x80xi32, #tpu.memory_space<hbm>> -> memref<1x2x80xi32, #tpu.memory_space<hbm>>
    %dma_start3A_421 = tpu.memref_squeeze %dma_start3A_420 : memref<1x2x80xi32, #tpu.memory_space<hbm>> -> memref<2x80xi32, #tpu.memory_space<hbm>>
    tpu.enqueue_dma source(%dma_start3A_421 : memref<2x80xi32, #tpu.memory_space<hbm>>) target(%dma_start3A_412 : memref<2x80xi32, #tpu.memory_space<vmem>>) target_semaphore(%arg14 : memref<!tpu.dma_semaphore, #tpu.memory_space<semaphore_mem>>)
    %dma_start3A_422 = arith.constant 0 : i32
    %dma_start3A_423 = arith.constant 0 : i32
    %dma_start3A_424 = arith.constant 0 : i32
    %dma_start3A_425 = arith.constant 0 : i32
    %dma_start3A_426 = arith.constant 0 : i32
    %dma_start3A_427 = tpu.memref_slice %arg11[%dma_start3A_424, %dma_start3A_425, %dma_start3A_426] : memref<2x80x128xf32, #tpu.memory_space<vmem>> -> memref<1x80x128xf32, #tpu.memory_space<vmem>>
    %dma_start3A_428 = tpu.memref_squeeze %dma_start3A_427 : memref<1x80x128xf32, #tpu.memory_space<vmem>> -> memref<80x128xf32, #tpu.memory_space<vmem>>
    %dma_start3A_429 = arith.constant 0 : i32
    %dma_start3A_430 = arith.constant 0 : i32
    %dma_start3A_431 = tpu.memref_slice %arg9[%dma_start3A_422, %dma_start3A_429, %dma_start3A_430] : memref<4x2x80xi32, #tpu.memory_space<vmem>> -> memref<1x2x80xi32, #tpu.memory_space<vmem>>
    %dma_start3A_432 = tpu.memref_squeeze %dma_start3A_431 : memref<1x2x80xi32, #tpu.memory_space<vmem>> -> memref<2x80xi32, #tpu.memory_space<vmem>>
    %dma_start3A_433 = arith.constant 0 : i32
    %dma_start3A_434 = tpu.memref_slice %dma_start3A_432[%dma_start3A_423, %dma_start3A_433] : memref<2x80xi32, #tpu.memory_space<vmem>> -> memref<1x80xi32, #tpu.memory_space<vmem>>
    %dma_start3A_435 = tpu.memref_squeeze %dma_start3A_434 : memref<1x80xi32, #tpu.memory_space<vmem>> -> memref<80xi32, #tpu.memory_space<vmem>>
    %dma_start3A_436 = arith.constant 0 : i32
    %dma_start3A_437 = arith.constant 0 : i32
    %dma_start3A_438 = tpu.memref_slice %arg2[%dma_start3A_436, %dma_start3A_437] : memref<10000x128xf32, #tpu.memory_space<hbm>> -> memref<10000x128xf32, #tpu.memory_space<hbm>>
    tpu.enqueue_indirect_dma source(%dma_start3A_438 : memref<10000x128xf32, #tpu.memory_space<hbm>>) target(%dma_start3A_428 : memref<80x128xf32, #tpu.memory_space<vmem>>) offsets(%dma_start3A_435 : memref<80xi32, #tpu.memory_space<vmem>>) semaphore(%arg15 : memref<!tpu.dma_semaphore, #tpu.memory_space<semaphore_mem>>)
    %scan3A_439 = arith.constant 0 : i32
    %scan3A_440 = arith.constant 0 : i32
    %scan3A_441 = arith.constant 125 : i32
    %scan3A_442 = arith.addi %scan3A_440, %scan3A_441 : i32
    %scan3A_443 = arith.constant 1 : i32
    scf.for %scan3A_464 = %scan3A_440 to %scan3A_442 step %scan3A_443  : i32 {
      %and3A = arith.constant 3 : i32
      %and3A_465 = arith.andi %scan3A_464, %and3A : i32
      %and3A_466 = arith.constant 1 : i32
      %and3A_467 = arith.andi %scan3A_464, %and3A_466 : i32
      %sub3A = arith.constant 1 : i32
      %sub3A_468 = arith.subi %sub3A, %and3A_467 : i32
      %parallel_loop3A = arith.constant 0 : i32
      %parallel_loop3A_469 = arith.constant 80 : i32
      %parallel_loop3A_470 = arith.constant 16 : i32
      scf.for %parallel_loop3A_504 = %parallel_loop3A to %parallel_loop3A_469 step %parallel_loop3A_470  : i32 {
        %parallel_loop3A_505 = arith.constant 0 : i32
        %parallel_loop3A_506 = arith.index_cast %and3A_465 : i32 to index
        %parallel_loop3A_507 = arith.index_cast %parallel_loop3A_505 : i32 to index
        %parallel_loop3A_508 = arith.index_cast %parallel_loop3A_504 : i32 to index
        %parallel_loop3A_509 = tpu.vector_load %arg9[%parallel_loop3A_506, %parallel_loop3A_507, %parallel_loop3A_508] {strides = array<i32>} : memref<4x2x80xi32, #tpu.memory_space<vmem>>, vector<16xi32>,
        %parallel_loop3A_510 = arith.constant 1 : i32
        %parallel_loop3A_511 = arith.index_cast %and3A_465 : i32 to index
        %parallel_loop3A_512 = arith.index_cast %parallel_loop3A_510 : i32 to index
        %parallel_loop3A_513 = arith.index_cast %parallel_loop3A_504 : i32 to index
        %parallel_loop3A_514 = tpu.vector_load %arg9[%parallel_loop3A_511, %parallel_loop3A_512, %parallel_loop3A_513] {strides = array<i32>} : memref<4x2x80xi32, #tpu.memory_space<vmem>>, vector<16xi32>,
        %parallel_loop3A_515 = tpu.vector_load_idx %arg7[%parallel_loop3A_514] : memref<10000xf32, #tpu.memory_space<vmem>>[vector<16xi32>], vector<16xf32>,
        %parallel_loop3A_516 = tpu.vector_load_idx %arg8[%parallel_loop3A_509] : memref<10000xf32, #tpu.memory_space<vmem>>[vector<16xi32>], vector<16xf32>,
        %parallel_loop3A_517 = arith.addf %parallel_loop3A_515, %parallel_loop3A_516 : vector<16xf32>
        %parallel_loop3A_518 = arith.addf %parallel_loop3A_517, %parallel_loop3A_517 : vector<16xf32>
        %parallel_loop3A_519 = math.exp %parallel_loop3A_518 : vector<16xf32>
        %parallel_loop3A_520 = arith.constant 1.000000e+00 : f32
        %parallel_loop3A_521 = vector.broadcast %parallel_loop3A_520 : f32 to vector<16xf32>
        %parallel_loop3A_522 = arith.addf %parallel_loop3A_519, %parallel_loop3A_521 : vector<16xf32>
        %parallel_loop3A_523 = arith.constant 2.000000e+00 : f32
        %parallel_loop3A_524 = vector.broadcast %parallel_loop3A_523 : f32 to vector<16xf32>
        %parallel_loop3A_525 = arith.divf %parallel_loop3A_524, %parallel_loop3A_522 : vector<16xf32>
        %parallel_loop3A_526 = arith.constant 1.000000e+00 : f32
        %parallel_loop3A_527 = vector.broadcast %parallel_loop3A_526 : f32 to vector<16xf32>
        %parallel_loop3A_528 = arith.subf %parallel_loop3A_527, %parallel_loop3A_525 : vector<16xf32>
        %parallel_loop3A_529 = arith.index_cast %parallel_loop3A_504 : i32 to index
        %parallel_loop3A_530 = tpu.vector_load %arg10[%parallel_loop3A_529] {strides = array<i32>} : memref<80xf32, #tpu.memory_space<vmem>>, vector<16xf32>,
        tpu.vector_store %arg10[%parallel_loop3A_529], %parallel_loop3A_528 {strides = array<i32>} : memref<80xf32, #tpu.memory_space<vmem>>, vector<16xf32>,
      } {sc.loop_unroll_factor = 5 : i64, sc.parallel_access}
      %ge3A = arith.constant 1 : i32
      %ge3A_471 = arith.cmpi sge, %scan3A_464, %ge3A : i32
      %convert_element_type3A = arith.extui %ge3A_471 : i1 to i32
      %cond3A = arith.constant 0 : i32
      %cond3A_472 = arith.cmpi ne, %convert_element_type3A, %cond3A : i32
      scf.if %cond3A_472 {
        %dma_wait3A_504 = arith.constant 0 : i32
        %dma_wait3A_505 = arith.constant 0 : i32
        %dma_wait3A_506 = arith.constant 0 : i32
        %dma_wait3A_507 = tpu.memref_slice %arg11[%dma_wait3A_504, %dma_wait3A_505, %dma_wait3A_506] : memref<2x80x128xf32, #tpu.memory_space<vmem>> -> memref<1x80x128xf32, #tpu.memory_space<vmem>>
        %dma_wait3A_508 = tpu.memref_squeeze %dma_wait3A_507 : memref<1x80x128xf32, #tpu.memory_space<vmem>> -> memref<80x128xf32, #tpu.memory_space<vmem>>
        %dma_wait3A_509 = arith.constant 0 : i32
        %dma_wait3A_510 = arith.constant 0 : i32
        %dma_wait3A_511 = tpu.memref_slice %arg2[%dma_wait3A_509, %dma_wait3A_510] : memref<10000x128xf32, #tpu.memory_space<hbm>> -> memref<80x128xf32, #tpu.memory_space<hbm>>
        %dma_wait3A_512 = arith.constant 0 : i32
        %dma_wait3A_513 = arith.constant 0 : i32
        %dma_wait3A_514 = tpu.memref_slice %arg11[%dma_wait3A_504, %dma_wait3A_512, %dma_wait3A_513] : memref<2x80x128xf32, #tpu.memory_space<vmem>> -> memref<1x80x128xf32, #tpu.memory_space<vmem>>
        %dma_wait3A_515 = tpu.memref_squeeze %dma_wait3A_514 : memref<1x80x128xf32, #tpu.memory_space<vmem>> -> memref<80x128xf32, #tpu.memory_space<vmem>>
        %dma_wait3A_516 = arith.constant 0 : i32
        %dma_wait3A_517 = arith.constant 0 : i32
        %dma_wait3A_518 = tpu.memref_slice %arg2[%dma_wait3A_516, %dma_wait3A_517] : memref<10000x128xf32, #tpu.memory_space<hbm>> -> memref<80x128xf32, #tpu.memory_space<hbm>>
        tpu.wait_dma2 semaphore(%arg17 : memref<!tpu.dma_semaphore, #tpu.memory_space<semaphore_mem>>) src(%dma_wait3A_518 : memref<80x128xf32, #tpu.memory_space<hbm>>) dst(%dma_wait3A_515 : memref<80x128xf32, #tpu.memory_space<vmem>>)
      } else {
      }
      %lt3A = arith.constant 124 : i32
      %lt3A_473 = arith.cmpi slt, %scan3A_464, %lt3A : i32
      %convert_element_type3A_474 = arith.extui %lt3A_473 : i1 to i32
      %cond3A_475 = arith.constant 0 : i32
      %cond3A_476 = arith.cmpi ne, %convert_element_type3A_474, %cond3A_475 : i32
      scf.if %cond3A_476 {
        %dma_wait3A_504 = arith.constant 0 : i32
        %dma_wait3A_505 = arith.constant 0 : i32
        %dma_wait3A_506 = arith.constant 0 : i32
        %dma_wait3A_507 = arith.constant 0 : i32
        %dma_wait3A_508 = tpu.memref_slice %arg9[%dma_wait3A_505, %dma_wait3A_506, %dma_wait3A_507] : memref<4x2x80xi32, #tpu.memory_space<vmem>> -> memref<1x2x80xi32, #tpu.memory_space<vmem>>
        %dma_wait3A_509 = tpu.memref_squeeze %dma_wait3A_508 : memref<1x2x80xi32, #tpu.memory_space<vmem>> -> memref<2x80xi32, #tpu.memory_space<vmem>>
        %dma_wait3A_510 = arith.constant 0 : i32
        %dma_wait3A_511 = arith.constant 0 : i32
        %dma_wait3A_512 = arith.constant 0 : i32
        %dma_wait3A_513 = tpu.memref_slice %arg5[%add3A, %dma_wait3A_510, %dma_wait3A_511, %dma_wait3A_512] : memref<32x125x2x80xi32, #tpu.memory_space<hbm>> -> memref<1x125x2x80xi32, #tpu.memory_space<hbm>>
        %dma_wait3A_514 = tpu.memref_squeeze %dma_wait3A_513 : memref<1x125x2x80xi32, #tpu.memory_space<hbm>> -> memref<125x2x80xi32, #tpu.memory_space<hbm>>
        %dma_wait3A_515 = arith.constant 0 : i32
        %dma_wait3A_516 = arith.constant 0 : i32
        %dma_wait3A_517 = tpu.memref_slice %dma_wait3A_514[%dma_wait3A_504, %dma_wait3A_515, %dma_wait3A_516] : memref<125x2x80xi32, #tpu.memory_space<hbm>> -> memref<1x2x80xi32, #tpu.memory_space<hbm>>
        %dma_wait3A_518 = tpu.memref_squeeze %dma_wait3A_517 : memref<1x2x80xi32, #tpu.memory_space<hbm>> -> memref<2x80xi32, #tpu.memory_space<hbm>>
        %dma_wait3A_519 = arith.constant 0 : i32
        %dma_wait3A_520 = arith.constant 0 : i32
        %dma_wait3A_521 = tpu.memref_slice %arg9[%dma_wait3A_505, %dma_wait3A_519, %dma_wait3A_520] : memref<4x2x80xi32, #tpu.memory_space<vmem>> -> memref<1x2x80xi32, #tpu.memory_space<vmem>>
        %dma_wait3A_522 = tpu.memref_squeeze %dma_wait3A_521 : memref<1x2x80xi32, #tpu.memory_space<vmem>> -> memref<2x80xi32, #tpu.memory_space<vmem>>
        %dma_wait3A_523 = arith.constant 0 : i32
        %dma_wait3A_524 = arith.constant 0 : i32
        %dma_wait3A_525 = arith.constant 0 : i32
        %dma_wait3A_526 = tpu.memref_slice %arg5[%add3A, %dma_wait3A_523, %dma_wait3A_524, %dma_wait3A_525] : memref<32x125x2x80xi32, #tpu.memory_space<hbm>> -> memref<1x125x2x80xi32, #tpu.memory_space<hbm>>
        %dma_wait3A_527 = tpu.memref_squeeze %dma_wait3A_526 : memref<1x125x2x80xi32, #tpu.memory_space<hbm>> -> memref<125x2x80xi32, #tpu.memory_space<hbm>>
        %dma_wait3A_528 = arith.constant 0 : i32
        %dma_wait3A_529 = arith.constant 0 : i32
        %dma_wait3A_530 = tpu.memref_slice %dma_wait3A_527[%dma_wait3A_504, %dma_wait3A_528, %dma_wait3A_529] : memref<125x2x80xi32, #tpu.memory_space<hbm>> -> memref<1x2x80xi32, #tpu.memory_space<hbm>>
        %dma_wait3A_531 = tpu.memref_squeeze %dma_wait3A_530 : memref<1x2x80xi32, #tpu.memory_space<hbm>> -> memref<2x80xi32, #tpu.memory_space<hbm>>
        tpu.wait_dma2 semaphore(%arg14 : memref<!tpu.dma_semaphore, #tpu.memory_space<semaphore_mem>>) src(%dma_wait3A_531 : memref<2x80xi32, #tpu.memory_space<hbm>>) dst(%dma_wait3A_522 : memref<2x80xi32, #tpu.memory_space<vmem>>)
        %lt3A_532 = arith.constant 123 : i32
        %lt3A_533 = arith.cmpi slt, %scan3A_464, %lt3A_532 : i32
        %convert_element_type3A_534 = arith.extui %lt3A_533 : i1 to i32
        %cond3A_535 = arith.constant 0 : i32
        %cond3A_536 = arith.cmpi ne, %convert_element_type3A_534, %cond3A_535 : i32
        scf.if %cond3A_536 {
          %add3A_551 = arith.constant 2 : i32
          %add3A_552 = arith.addi %scan3A_464, %add3A_551 : i32
          %add3A_553 = arith.constant 2 : i32
          %add3A_554 = arith.addi %scan3A_464, %add3A_553 : i32
          %and3A_555 = arith.constant 3 : i32
          %and3A_556 = arith.andi %add3A_554, %and3A_555 : i32
          %dma_start3A_557 = arith.constant 0 : i32
          %dma_start3A_558 = arith.constant 0 : i32
          %dma_start3A_559 = tpu.memref_slice %arg9[%and3A_556, %dma_start3A_557, %dma_start3A_558] : memref<4x2x80xi32, #tpu.memory_space<vmem>> -> memref<1x2x80xi32, #tpu.memory_space<vmem>>
          %dma_start3A_560 = tpu.memref_squeeze %dma_start3A_559 : memref<1x2x80xi32, #tpu.memory_space<vmem>> -> memref<2x80xi32, #tpu.memory_space<vmem>>
          %dma_start3A_561 = arith.constant 0 : i32
          %dma_start3A_562 = arith.constant 0 : i32
          %dma_start3A_563 = arith.constant 0 : i32
          %dma_start3A_564 = tpu.memref_slice %arg5[%add3A, %dma_start3A_561, %dma_start3A_562, %dma_start3A_563] : memref<32x125x2x80xi32, #tpu.memory_space<hbm>> -> memref<1x125x2x80xi32, #tpu.memory_space<hbm>>
          %dma_start3A_565 = tpu.memref_squeeze %dma_start3A_564 : memref<1x125x2x80xi32, #tpu.memory_space<hbm>> -> memref<125x2x80xi32, #tpu.memory_space<hbm>>
          %dma_start3A_566 = arith.constant 0 : i32
          %dma_start3A_567 = arith.constant 0 : i32
          %dma_start3A_568 = tpu.memref_slice %dma_start3A_565[%add3A_552, %dma_start3A_566, %dma_start3A_567] : memref<125x2x80xi32, #tpu.memory_space<hbm>> -> memref<1x2x80xi32, #tpu.memory_space<hbm>>
          %dma_start3A_569 = tpu.memref_squeeze %dma_start3A_568 : memref<1x2x80xi32, #tpu.memory_space<hbm>> -> memref<2x80xi32, #tpu.memory_space<hbm>>
          %dma_start3A_570 = arith.constant 0 : i32
          %dma_start3A_571 = arith.constant 0 : i32
          %dma_start3A_572 = tpu.memref_slice %arg9[%and3A_556, %dma_start3A_570, %dma_start3A_571] : memref<4x2x80xi32, #tpu.memory_space<vmem>> -> memref<1x2x80xi32, #tpu.memory_space<vmem>>
          %dma_start3A_573 = tpu.memref_squeeze %dma_start3A_572 : memref<1x2x80xi32, #tpu.memory_space<vmem>> -> memref<2x80xi32, #tpu.memory_space<vmem>>
          %dma_start3A_574 = arith.constant 0 : i32
          %dma_start3A_575 = arith.constant 0 : i32
          %dma_start3A_576 = arith.constant 0 : i32
          %dma_start3A_577 = tpu.memref_slice %arg5[%add3A, %dma_start3A_574, %dma_start3A_575, %dma_start3A_576] : memref<32x125x2x80xi32, #tpu.memory_space<hbm>> -> memref<1x125x2x80xi32, #tpu.memory_space<hbm>>
          %dma_start3A_578 = tpu.memref_squeeze %dma_start3A_577 : memref<1x125x2x80xi32, #tpu.memory_space<hbm>> -> memref<125x2x80xi32, #tpu.memory_space<hbm>>
          %dma_start3A_579 = arith.constant 0 : i32
          %dma_start3A_580 = arith.constant 0 : i32
          %dma_start3A_581 = tpu.memref_slice %dma_start3A_578[%add3A_552, %dma_start3A_579, %dma_start3A_580] : memref<125x2x80xi32, #tpu.memory_space<hbm>> -> memref<1x2x80xi32, #tpu.memory_space<hbm>>
          %dma_start3A_582 = tpu.memref_squeeze %dma_start3A_581 : memref<1x2x80xi32, #tpu.memory_space<hbm>> -> memref<2x80xi32, #tpu.memory_space<hbm>>
          tpu.enqueue_dma source(%dma_start3A_582 : memref<2x80xi32, #tpu.memory_space<hbm>>) target(%dma_start3A_573 : memref<2x80xi32, #tpu.memory_space<vmem>>) target_semaphore(%arg14 : memref<!tpu.dma_semaphore, #tpu.memory_space<semaphore_mem>>)
        } else {
        }
        %add3A_537 = arith.constant 1 : i32
        %add3A_538 = arith.addi %scan3A_464, %add3A_537 : i32
        %and3A_539 = arith.constant 3 : i32
        %and3A_540 = arith.andi %add3A_538, %and3A_539 : i32
        %eq3A_541 = arith.constant 0 : i32
        %eq3A_542 = arith.cmpi eq, %sub3A_468, %eq3A_541 : i32
        %convert_element_type3A_543 = arith.extui %eq3A_542 : i1 to i32
        %cond3A_544 = arith.constant 0 : i32
        %cond3A_545 = arith.cmpi ne, %convert_element_type3A_543, %cond3A_544 : i32
        scf.if %cond3A_545 {
          %dma_start3A_551 = arith.constant 0 : i32
          %dma_start3A_552 = arith.constant 0 : i32
          %dma_start3A_553 = arith.constant 0 : i32
          %dma_start3A_554 = tpu.memref_slice %arg11[%sub3A_468, %dma_start3A_552, %dma_start3A_553] : memref<2x80x128xf32, #tpu.memory_space<vmem>> -> memref<1x80x128xf32, #tpu.memory_space<vmem>>
          %dma_start3A_555 = tpu.memref_squeeze %dma_start3A_554 : memref<1x80x128xf32, #tpu.memory_space<vmem>> -> memref<80x128xf32, #tpu.memory_space<vmem>>
          %dma_start3A_556 = arith.constant 0 : i32
          %dma_start3A_557 = arith.constant 0 : i32
          %dma_start3A_558 = tpu.memref_slice %arg9[%and3A_540, %dma_start3A_556, %dma_start3A_557] : memref<4x2x80xi32, #tpu.memory_space<vmem>> -> memref<1x2x80xi32, #tpu.memory_space<vmem>>
          %dma_start3A_559 = tpu.memref_squeeze %dma_start3A_558 : memref<1x2x80xi32, #tpu.memory_space<vmem>> -> memref<2x80xi32, #tpu.memory_space<vmem>>
          %dma_start3A_560 = arith.constant 0 : i32
          %dma_start3A_561 = tpu.memref_slice %dma_start3A_559[%dma_start3A_551, %dma_start3A_560] : memref<2x80xi32, #tpu.memory_space<vmem>> -> memref<1x80xi32, #tpu.memory_space<vmem>>
          %dma_start3A_562 = tpu.memref_squeeze %dma_start3A_561 : memref<1x80xi32, #tpu.memory_space<vmem>> -> memref<80xi32, #tpu.memory_space<vmem>>
          %dma_start3A_563 = arith.constant 0 : i32
          %dma_start3A_564 = arith.constant 0 : i32
          %dma_start3A_565 = tpu.memref_slice %arg2[%dma_start3A_563, %dma_start3A_564] : memref<10000x128xf32, #tpu.memory_space<hbm>> -> memref<10000x128xf32, #tpu.memory_space<hbm>>
          tpu.enqueue_indirect_dma source(%dma_start3A_565 : memref<10000x128xf32, #tpu.memory_space<hbm>>) target(%dma_start3A_555 : memref<80x128xf32, #tpu.memory_space<vmem>>) offsets(%dma_start3A_562 : memref<80xi32, #tpu.memory_space<vmem>>) semaphore(%arg15 : memref<!tpu.dma_semaphore, #tpu.memory_space<semaphore_mem>>)
        } else {
        }
        %eq3A_546 = arith.constant 1 : i32
        %eq3A_547 = arith.cmpi eq, %sub3A_468, %eq3A_546 : i32
        %convert_element_type3A_548 = arith.extui %eq3A_547 : i1 to i32
        %cond3A_549 = arith.constant 0 : i32
        %cond3A_550 = arith.cmpi ne, %convert_element_type3A_548, %cond3A_549 : i32
        scf.if %cond3A_550 {
          %dma_start3A_551 = arith.constant 0 : i32
          %dma_start3A_552 = arith.constant 0 : i32
          %dma_start3A_553 = arith.constant 0 : i32
          %dma_start3A_554 = tpu.memref_slice %arg11[%sub3A_468, %dma_start3A_552, %dma_start3A_553] : memref<2x80x128xf32, #tpu.memory_space<vmem>> -> memref<1x80x128xf32, #tpu.memory_space<vmem>>
          %dma_start3A_555 = tpu.memref_squeeze %dma_start3A_554 : memref<1x80x128xf32, #tpu.memory_space<vmem>> -> memref<80x128xf32, #tpu.memory_space<vmem>>
          %dma_start3A_556 = arith.constant 0 : i32
          %dma_start3A_557 = arith.constant 0 : i32
          %dma_start3A_558 = tpu.memref_slice %arg9[%and3A_540, %dma_start3A_556, %dma_start3A_557] : memref<4x2x80xi32, #tpu.memory_space<vmem>> -> memref<1x2x80xi32, #tpu.memory_space<vmem>>
          %dma_start3A_559 = tpu.memref_squeeze %dma_start3A_558 : memref<1x2x80xi32, #tpu.memory_space<vmem>> -> memref<2x80xi32, #tpu.memory_space<vmem>>
          %dma_start3A_560 = arith.constant 0 : i32
          %dma_start3A_561 = tpu.memref_slice %dma_start3A_559[%dma_start3A_551, %dma_start3A_560] : memref<2x80xi32, #tpu.memory_space<vmem>> -> memref<1x80xi32, #tpu.memory_space<vmem>>
          %dma_start3A_562 = tpu.memref_squeeze %dma_start3A_561 : memref<1x80xi32, #tpu.memory_space<vmem>> -> memref<80xi32, #tpu.memory_space<vmem>>
          %dma_start3A_563 = arith.constant 0 : i32
          %dma_start3A_564 = arith.constant 0 : i32
          %dma_start3A_565 = tpu.memref_slice %arg2[%dma_start3A_563, %dma_start3A_564] : memref<10000x128xf32, #tpu.memory_space<hbm>> -> memref<10000x128xf32, #tpu.memory_space<hbm>>
          tpu.enqueue_indirect_dma source(%dma_start3A_565 : memref<10000x128xf32, #tpu.memory_space<hbm>>) target(%dma_start3A_555 : memref<80x128xf32, #tpu.memory_space<vmem>>) offsets(%dma_start3A_562 : memref<80xi32, #tpu.memory_space<vmem>>) semaphore(%arg16 : memref<!tpu.dma_semaphore, #tpu.memory_space<semaphore_mem>>)
        } else {
        }
      } else {
      }
      %eq3A = arith.constant 0 : i32
      %eq3A_477 = arith.cmpi eq, %and3A_467, %eq3A : i32
      %convert_element_type3A_478 = arith.extui %eq3A_477 : i1 to i32
      %cond3A_479 = arith.constant 0 : i32
      %cond3A_480 = arith.cmpi ne, %convert_element_type3A_478, %cond3A_479 : i32
      scf.if %cond3A_480 {
        %dma_wait3A_504 = arith.constant 0 : i32
        %dma_wait3A_505 = arith.constant 0 : i32
        %dma_wait3A_506 = arith.constant 0 : i32
        %dma_wait3A_507 = tpu.memref_slice %arg11[%dma_wait3A_504, %dma_wait3A_505, %dma_wait3A_506] : memref<2x80x128xf32, #tpu.memory_space<vmem>> -> memref<1x80x128xf32, #tpu.memory_space<vmem>>
        %dma_wait3A_508 = tpu.memref_squeeze %dma_wait3A_507 : memref<1x80x128xf32, #tpu.memory_space<vmem>> -> memref<80x128xf32, #tpu.memory_space<vmem>>
        %dma_wait3A_509 = arith.constant 0 : i32
        %dma_wait3A_510 = arith.constant 0 : i32
        %dma_wait3A_511 = tpu.memref_slice %arg2[%dma_wait3A_509, %dma_wait3A_510] : memref<10000x128xf32, #tpu.memory_space<hbm>> -> memref<80x128xf32, #tpu.memory_space<hbm>>
        %dma_wait3A_512 = arith.constant 0 : i32
        %dma_wait3A_513 = arith.constant 0 : i32
        %dma_wait3A_514 = tpu.memref_slice %arg11[%dma_wait3A_504, %dma_wait3A_512, %dma_wait3A_513] : memref<2x80x128xf32, #tpu.memory_space<vmem>> -> memref<1x80x128xf32, #tpu.memory_space<vmem>>
        %dma_wait3A_515 = tpu.memref_squeeze %dma_wait3A_514 : memref<1x80x128xf32, #tpu.memory_space<vmem>> -> memref<80x128xf32, #tpu.memory_space<vmem>>
        %dma_wait3A_516 = arith.constant 0 : i32
        %dma_wait3A_517 = arith.constant 0 : i32
        %dma_wait3A_518 = tpu.memref_slice %arg2[%dma_wait3A_516, %dma_wait3A_517] : memref<10000x128xf32, #tpu.memory_space<hbm>> -> memref<80x128xf32, #tpu.memory_space<hbm>>
        tpu.wait_dma2 semaphore(%arg15 : memref<!tpu.dma_semaphore, #tpu.memory_space<semaphore_mem>>) src(%dma_wait3A_518 : memref<80x128xf32, #tpu.memory_space<hbm>>) dst(%dma_wait3A_515 : memref<80x128xf32, #tpu.memory_space<vmem>>)
      } else {
      }
      %eq3A_481 = arith.constant 1 : i32
      %eq3A_482 = arith.cmpi eq, %and3A_467, %eq3A_481 : i32
      %convert_element_type3A_483 = arith.extui %eq3A_482 : i1 to i32
      %cond3A_484 = arith.constant 0 : i32
      %cond3A_485 = arith.cmpi ne, %convert_element_type3A_483, %cond3A_484 : i32
      scf.if %cond3A_485 {
        %dma_wait3A_504 = arith.constant 0 : i32
        %dma_wait3A_505 = arith.constant 0 : i32
        %dma_wait3A_506 = arith.constant 0 : i32
        %dma_wait3A_507 = tpu.memref_slice %arg11[%dma_wait3A_504, %dma_wait3A_505, %dma_wait3A_506] : memref<2x80x128xf32, #tpu.memory_space<vmem>> -> memref<1x80x128xf32, #tpu.memory_space<vmem>>
        %dma_wait3A_508 = tpu.memref_squeeze %dma_wait3A_507 : memref<1x80x128xf32, #tpu.memory_space<vmem>> -> memref<80x128xf32, #tpu.memory_space<vmem>>
        %dma_wait3A_509 = arith.constant 0 : i32
        %dma_wait3A_510 = arith.constant 0 : i32
        %dma_wait3A_511 = tpu.memref_slice %arg2[%dma_wait3A_509, %dma_wait3A_510] : memref<10000x128xf32, #tpu.memory_space<hbm>> -> memref<80x128xf32, #tpu.memory_space<hbm>>
        %dma_wait3A_512 = arith.constant 0 : i32
        %dma_wait3A_513 = arith.constant 0 : i32
        %dma_wait3A_514 = tpu.memref_slice %arg11[%dma_wait3A_504, %dma_wait3A_512, %dma_wait3A_513] : memref<2x80x128xf32, #tpu.memory_space<vmem>> -> memref<1x80x128xf32, #tpu.memory_space<vmem>>
        %dma_wait3A_515 = tpu.memref_squeeze %dma_wait3A_514 : memref<1x80x128xf32, #tpu.memory_space<vmem>> -> memref<80x128xf32, #tpu.memory_space<vmem>>
        %dma_wait3A_516 = arith.constant 0 : i32
        %dma_wait3A_517 = arith.constant 0 : i32
        %dma_wait3A_518 = tpu.memref_slice %arg2[%dma_wait3A_516, %dma_wait3A_517] : memref<10000x128xf32, #tpu.memory_space<hbm>> -> memref<80x128xf32, #tpu.memory_space<hbm>>
        tpu.wait_dma2 semaphore(%arg16 : memref<!tpu.dma_semaphore, #tpu.memory_space<semaphore_mem>>) src(%dma_wait3A_518 : memref<80x128xf32, #tpu.memory_space<hbm>>) dst(%dma_wait3A_515 : memref<80x128xf32, #tpu.memory_space<vmem>>)
      } else {
      }
      %parallel_loop3A_486 = arith.constant 0 : i32
      %parallel_loop3A_487 = arith.constant 80 : i32
      %parallel_loop3A_488 = arith.constant 1 : i32
      scf.for %parallel_loop3A_504 = %parallel_loop3A_486 to %parallel_loop3A_487 step %parallel_loop3A_488  : i32 {
        %parallel_loop3A_505 = vector.broadcast %parallel_loop3A_504 : i32 to vector<16xi32>
        %parallel_loop3A_506 = tpu.vector_load_idx %arg10[%parallel_loop3A_505] : memref<80xf32, #tpu.memory_space<vmem>>[vector<16xi32>], vector<16xf32>,
        %parallel_loop3A_507 = arith.index_cast %and3A_467 : i32 to index
        %parallel_loop3A_508 = arith.index_cast %parallel_loop3A_504 : i32 to index
        %parallel_loop3A_509 = arith.constant 0 : index
        %parallel_loop3A_510 = tpu.vector_load %arg11[%parallel_loop3A_507, %parallel_loop3A_508, %parallel_loop3A_509] {strides = array<i32>} : memref<2x80x128xf32, #tpu.memory_space<vmem>>, vector<16xf32>,
        %parallel_loop3A_511 = arith.mulf %parallel_loop3A_510, %parallel_loop3A_506 : vector<16xf32>
        %parallel_loop3A_512 = arith.index_cast %and3A_467 : i32 to index
        %parallel_loop3A_513 = arith.index_cast %parallel_loop3A_504 : i32 to index
        %parallel_loop3A_514 = arith.constant 0 : index
        %parallel_loop3A_515 = tpu.vector_load %arg11[%parallel_loop3A_512, %parallel_loop3A_513, %parallel_loop3A_514] {strides = array<i32>} : memref<2x80x128xf32, #tpu.memory_space<vmem>>, vector<16xf32>,
        tpu.vector_store %arg11[%parallel_loop3A_512, %parallel_loop3A_513, %parallel_loop3A_514], %parallel_loop3A_511 {strides = array<i32>} : memref<2x80x128xf32, #tpu.memory_space<vmem>>, vector<16xf32>,
        %parallel_loop3A_516 = arith.index_cast %and3A_467 : i32 to index
        %parallel_loop3A_517 = arith.index_cast %parallel_loop3A_504 : i32 to index
        %parallel_loop3A_518 = arith.constant 16 : index
        %parallel_loop3A_519 = tpu.vector_load %arg11[%parallel_loop3A_516, %parallel_loop3A_517, %parallel_loop3A_518] {strides = array<i32>} : memref<2x80x128xf32, #tpu.memory_space<vmem>>, vector<16xf32>,
        %parallel_loop3A_520 = arith.mulf %parallel_loop3A_519, %parallel_loop3A_506 : vector<16xf32>
        %parallel_loop3A_521 = arith.index_cast %and3A_467 : i32 to index
        %parallel_loop3A_522 = arith.index_cast %parallel_loop3A_504 : i32 to index
        %parallel_loop3A_523 = arith.constant 16 : index
        %parallel_loop3A_524 = tpu.vector_load %arg11[%parallel_loop3A_521, %parallel_loop3A_522, %parallel_loop3A_523] {strides = array<i32>} : memref<2x80x128xf32, #tpu.memory_space<vmem>>, vector<16xf32>,
        tpu.vector_store %arg11[%parallel_loop3A_521, %parallel_loop3A_522, %parallel_loop3A_523], %parallel_loop3A_520 {strides = array<i32>} : memref<2x80x128xf32, #tpu.memory_space<vmem>>, vector<16xf32>,
        %parallel_loop3A_525 = arith.index_cast %and3A_467 : i32 to index
        %parallel_loop3A_526 = arith.index_cast %parallel_loop3A_504 : i32 to index
        %parallel_loop3A_527 = arith.constant 32 : index
        %parallel_loop3A_528 = tpu.vector_load %arg11[%parallel_loop3A_525, %parallel_loop3A_526, %parallel_loop3A_527] {strides = array<i32>} : memref<2x80x128xf32, #tpu.memory_space<vmem>>, vector<16xf32>,
        %parallel_loop3A_529 = arith.mulf %parallel_loop3A_528, %parallel_loop3A_506 : vector<16xf32>
        %parallel_loop3A_530 = arith.index_cast %and3A_467 : i32 to index
        %parallel_loop3A_531 = arith.index_cast %parallel_loop3A_504 : i32 to index
        %parallel_loop3A_532 = arith.constant 32 : index
        %parallel_loop3A_533 = tpu.vector_load %arg11[%parallel_loop3A_530, %parallel_loop3A_531, %parallel_loop3A_532] {strides = array<i32>} : memref<2x80x128xf32, #tpu.memory_space<vmem>>, vector<16xf32>,
        tpu.vector_store %arg11[%parallel_loop3A_530, %parallel_loop3A_531, %parallel_loop3A_532], %parallel_loop3A_529 {strides = array<i32>} : memref<2x80x128xf32, #tpu.memory_space<vmem>>, vector<16xf32>,
        %parallel_loop3A_534 = arith.index_cast %and3A_467 : i32 to index
        %parallel_loop3A_535 = arith.index_cast %parallel_loop3A_504 : i32 to index
        %parallel_loop3A_536 = arith.constant 48 : index
        %parallel_loop3A_537 = tpu.vector_load %arg11[%parallel_loop3A_534, %parallel_loop3A_535, %parallel_loop3A_536] {strides = array<i32>} : memref<2x80x128xf32, #tpu.memory_space<vmem>>, vector<16xf32>,
        %parallel_loop3A_538 = arith.mulf %parallel_loop3A_537, %parallel_loop3A_506 : vector<16xf32>
        %parallel_loop3A_539 = arith.index_cast %and3A_467 : i32 to index
        %parallel_loop3A_540 = arith.index_cast %parallel_loop3A_504 : i32 to index
        %parallel_loop3A_541 = arith.constant 48 : index
        %parallel_loop3A_542 = tpu.vector_load %arg11[%parallel_loop3A_539, %parallel_loop3A_540, %parallel_loop3A_541] {strides = array<i32>} : memref<2x80x128xf32, #tpu.memory_space<vmem>>, vector<16xf32>,
        tpu.vector_store %arg11[%parallel_loop3A_539, %parallel_loop3A_540, %parallel_loop3A_541], %parallel_loop3A_538 {strides = array<i32>} : memref<2x80x128xf32, #tpu.memory_space<vmem>>, vector<16xf32>,
        %parallel_loop3A_543 = arith.index_cast %and3A_467 : i32 to index
        %parallel_loop3A_544 = arith.index_cast %parallel_loop3A_504 : i32 to index
        %parallel_loop3A_545 = arith.constant 64 : index
        %parallel_loop3A_546 = tpu.vector_load %arg11[%parallel_loop3A_543, %parallel_loop3A_544, %parallel_loop3A_545] {strides = array<i32>} : memref<2x80x128xf32, #tpu.memory_space<vmem>>, vector<16xf32>,
        %parallel_loop3A_547 = arith.mulf %parallel_loop3A_546, %parallel_loop3A_506 : vector<16xf32>
        %parallel_loop3A_548 = arith.index_cast %and3A_467 : i32 to index
        %parallel_loop3A_549 = arith.index_cast %parallel_loop3A_504 : i32 to index
        %parallel_loop3A_550 = arith.constant 64 : index
        %parallel_loop3A_551 = tpu.vector_load %arg11[%parallel_loop3A_548, %parallel_loop3A_549, %parallel_loop3A_550] {strides = array<i32>} : memref<2x80x128xf32, #tpu.memory_space<vmem>>, vector<16xf32>,
        tpu.vector_store %arg11[%parallel_loop3A_548, %parallel_loop3A_549, %parallel_loop3A_550], %parallel_loop3A_547 {strides = array<i32>} : memref<2x80x128xf32, #tpu.memory_space<vmem>>, vector<16xf32>,
        %parallel_loop3A_552 = arith.index_cast %and3A_467 : i32 to index
        %parallel_loop3A_553 = arith.index_cast %parallel_loop3A_504 : i32 to index
        %parallel_loop3A_554 = arith.constant 80 : index
        %parallel_loop3A_555 = tpu.vector_load %arg11[%parallel_loop3A_552, %parallel_loop3A_553, %parallel_loop3A_554] {strides = array<i32>} : memref<2x80x128xf32, #tpu.memory_space<vmem>>, vector<16xf32>,
        %parallel_loop3A_556 = arith.mulf %parallel_loop3A_555, %parallel_loop3A_506 : vector<16xf32>
        %parallel_loop3A_557 = arith.index_cast %and3A_467 : i32 to index
        %parallel_loop3A_558 = arith.index_cast %parallel_loop3A_504 : i32 to index
        %parallel_loop3A_559 = arith.constant 80 : index
        %parallel_loop3A_560 = tpu.vector_load %arg11[%parallel_loop3A_557, %parallel_loop3A_558, %parallel_loop3A_559] {strides = array<i32>} : memref<2x80x128xf32, #tpu.memory_space<vmem>>, vector<16xf32>,
        tpu.vector_store %arg11[%parallel_loop3A_557, %parallel_loop3A_558, %parallel_loop3A_559], %parallel_loop3A_556 {strides = array<i32>} : memref<2x80x128xf32, #tpu.memory_space<vmem>>, vector<16xf32>,
        %parallel_loop3A_561 = arith.index_cast %and3A_467 : i32 to index
        %parallel_loop3A_562 = arith.index_cast %parallel_loop3A_504 : i32 to index
        %parallel_loop3A_563 = arith.constant 96 : index
        %parallel_loop3A_564 = tpu.vector_load %arg11[%parallel_loop3A_561, %parallel_loop3A_562, %parallel_loop3A_563] {strides = array<i32>} : memref<2x80x128xf32, #tpu.memory_space<vmem>>, vector<16xf32>,
        %parallel_loop3A_565 = arith.mulf %parallel_loop3A_564, %parallel_loop3A_506 : vector<16xf32>
        %parallel_loop3A_566 = arith.index_cast %and3A_467 : i32 to index
        %parallel_loop3A_567 = arith.index_cast %parallel_loop3A_504 : i32 to index
        %parallel_loop3A_568 = arith.constant 96 : index
        %parallel_loop3A_569 = tpu.vector_load %arg11[%parallel_loop3A_566, %parallel_loop3A_567, %parallel_loop3A_568] {strides = array<i32>} : memref<2x80x128xf32, #tpu.memory_space<vmem>>, vector<16xf32>,
        tpu.vector_store %arg11[%parallel_loop3A_566, %parallel_loop3A_567, %parallel_loop3A_568], %parallel_loop3A_565 {strides = array<i32>} : memref<2x80x128xf32, #tpu.memory_space<vmem>>, vector<16xf32>,
        %parallel_loop3A_570 = arith.index_cast %and3A_467 : i32 to index
        %parallel_loop3A_571 = arith.index_cast %parallel_loop3A_504 : i32 to index
        %parallel_loop3A_572 = arith.constant 112 : index
        %parallel_loop3A_573 = tpu.vector_load %arg11[%parallel_loop3A_570, %parallel_loop3A_571, %parallel_loop3A_572] {strides = array<i32>} : memref<2x80x128xf32, #tpu.memory_space<vmem>>, vector<16xf32>,
        %parallel_loop3A_574 = arith.mulf %parallel_loop3A_573, %parallel_loop3A_506 : vector<16xf32>
        %parallel_loop3A_575 = arith.index_cast %and3A_467 : i32 to index
        %parallel_loop3A_576 = arith.index_cast %parallel_loop3A_504 : i32 to index
        %parallel_loop3A_577 = arith.constant 112 : index
        %parallel_loop3A_578 = tpu.vector_load %arg11[%parallel_loop3A_575, %parallel_loop3A_576, %parallel_loop3A_577] {strides = array<i32>} : memref<2x80x128xf32, #tpu.memory_space<vmem>>, vector<16xf32>,
        tpu.vector_store %arg11[%parallel_loop3A_575, %parallel_loop3A_576, %parallel_loop3A_577], %parallel_loop3A_574 {strides = array<i32>} : memref<2x80x128xf32, #tpu.memory_space<vmem>>, vector<16xf32>,
      } {sc.loop_unroll_factor = 16 : i64, sc.parallel_access}
      %dma_start3A_489 = arith.constant 1 : i32
      %dma_start3A_490 = arith.constant 0 : i32
      %dma_start3A_491 = arith.constant 0 : i32
      %dma_start3A_492 = tpu.memref_slice %arg11[%and3A_467, %dma_start3A_490, %dma_start3A_491] : memref<2x80x128xf32, #tpu.memory_space<vmem>> -> memref<1x80x128xf32, #tpu.memory_space<vmem>>
      %dma_start3A_493 = tpu.memref_squeeze %dma_start3A_492 : memref<1x80x128xf32, #tpu.memory_space<vmem>> -> memref<80x128xf32, #tpu.memory_space<vmem>>
      %dma_start3A_494 = arith.constant 0 : i32
      %dma_start3A_495 = arith.constant 0 : i32
      %dma_start3A_496 = tpu.memref_slice %arg9[%and3A_465, %dma_start3A_494, %dma_start3A_495] : memref<4x2x80xi32, #tpu.memory_space<vmem>> -> memref<1x2x80xi32, #tpu.memory_space<vmem>>
      %dma_start3A_497 = tpu.memref_squeeze %dma_start3A_496 : memref<1x2x80xi32, #tpu.memory_space<vmem>> -> memref<2x80xi32, #tpu.memory_space<vmem>>
      %dma_start3A_498 = arith.constant 0 : i32
      %dma_start3A_499 = tpu.memref_slice %dma_start3A_497[%dma_start3A_489, %dma_start3A_498] : memref<2x80xi32, #tpu.memory_space<vmem>> -> memref<1x80xi32, #tpu.memory_space<vmem>>
      %dma_start3A_500 = tpu.memref_squeeze %dma_start3A_499 : memref<1x80xi32, #tpu.memory_space<vmem>> -> memref<80xi32, #tpu.memory_space<vmem>>
      %dma_start3A_501 = arith.constant 0 : i32
      %dma_start3A_502 = arith.constant 0 : i32
      %dma_start3A_503 = tpu.memref_slice %arg13[%dma_start3A_501, %dma_start3A_502] : memref<10240x128xf32, #tpu.memory_space<vmem_shared>> -> memref<10240x128xf32, #tpu.memory_space<vmem_shared>>
      tpu.enqueue_indirect_dma source(%dma_start3A_493 : memref<80x128xf32, #tpu.memory_space<vmem>>) target(%dma_start3A_503 : memref<10240x128xf32, #tpu.memory_space<vmem_shared>>) offsets(%dma_start3A_500 : memref<80xi32, #tpu.memory_space<vmem>>) semaphore(%arg17 : memref<!tpu.dma_semaphore, #tpu.memory_space<semaphore_mem>>) {add = true}
    }
    %scan3A_444 = arith.constant 125 : i32
    %dma_wait3A = arith.constant 0 : i32
    %dma_wait3A_445 = arith.constant 0 : i32
    %dma_wait3A_446 = arith.constant 0 : i32
    %dma_wait3A_447 = tpu.memref_slice %arg11[%dma_wait3A, %dma_wait3A_445, %dma_wait3A_446] : memref<2x80x128xf32, #tpu.memory_space<vmem>> -> memref<1x80x128xf32, #tpu.memory_space<vmem>>
    %dma_wait3A_448 = tpu.memref_squeeze %dma_wait3A_447 : memref<1x80x128xf32, #tpu.memory_space<vmem>> -> memref<80x128xf32, #tpu.memory_space<vmem>>
    %dma_wait3A_449 = arith.constant 0 : i32
    %dma_wait3A_450 = arith.constant 0 : i32
    %dma_wait3A_451 = tpu.memref_slice %arg2[%dma_wait3A_449, %dma_wait3A_450] : memref<10000x128xf32, #tpu.memory_space<hbm>> -> memref<80x128xf32, #tpu.memory_space<hbm>>
    %dma_wait3A_452 = arith.constant 0 : i32
    %dma_wait3A_453 = arith.constant 0 : i32
    %dma_wait3A_454 = tpu.memref_slice %arg11[%dma_wait3A, %dma_wait3A_452, %dma_wait3A_453] : memref<2x80x128xf32, #tpu.memory_space<vmem>> -> memref<1x80x128xf32, #tpu.memory_space<vmem>>
    %dma_wait3A_455 = tpu.memref_squeeze %dma_wait3A_454 : memref<1x80x128xf32, #tpu.memory_space<vmem>> -> memref<80x128xf32, #tpu.memory_space<vmem>>
    %dma_wait3A_456 = arith.constant 0 : i32
    %dma_wait3A_457 = arith.constant 0 : i32
    %dma_wait3A_458 = tpu.memref_slice %arg2[%dma_wait3A_456, %dma_wait3A_457] : memref<10000x128xf32, #tpu.memory_space<hbm>> -> memref<80x128xf32, #tpu.memory_space<hbm>>
    tpu.wait_dma2 semaphore(%arg17 : memref<!tpu.dma_semaphore, #tpu.memory_space<semaphore_mem>>) src(%dma_wait3A_458 : memref<80x128xf32, #tpu.memory_space<hbm>>) dst(%dma_wait3A_455 : memref<80x128xf32, #tpu.memory_space<vmem>>)
    %barrier3A_459 = arith.constant 0 : index
    tpu.barrier barrier_id(%barrier3A_459)
    %mul3A_460 = arith.constant 640 : i32
    %mul3A_461 = arith.muli %arg1, %mul3A_460 : i32
    %mul3A_462 = arith.constant 640 : i32
    %mul3A_463 = arith.muli %arg1, %mul3A_462 : i32
    "tpu.region"() ({
      %run_scoped3A_464 = tpu.sem_alloc : memref<!tpu.dma_semaphore, #tpu.memory_space<semaphore_mem>>
      %dma_start3A_465 = arith.constant 0 : i32
      %dma_start3A_466 = arith.constant 0 : i32
      %dma_start3A_467 = tpu.memref_slice %arg6[%arg0, %dma_start3A_465, %dma_start3A_466] : memref<2x10240x128xf32, #tpu.memory_space<hbm>> -> memref<1x10240x128xf32, #tpu.memory_space<hbm>>
      %dma_start3A_468 = tpu.memref_squeeze %dma_start3A_467 : memref<1x10240x128xf32, #tpu.memory_space<hbm>> -> memref<10240x128xf32, #tpu.memory_space<hbm>>
      %dma_start3A_469 = arith.constant 0 : i32
      %dma_start3A_470 = tpu.memref_slice %dma_start3A_468[%mul3A_463, %dma_start3A_469] : memref<10240x128xf32, #tpu.memory_space<hbm>> -> memref<640x128xf32, #tpu.memory_space<hbm>>
      %dma_start3A_471 = arith.constant 0 : i32
      %dma_start3A_472 = tpu.memref_slice %arg13[%mul3A_461, %dma_start3A_471] : memref<10240x128xf32, #tpu.memory_space<vmem_shared>> -> memref<640x128xf32, #tpu.memory_space<vmem_shared>>
      tpu.enqueue_dma source(%dma_start3A_472 : memref<640x128xf32, #tpu.memory_space<vmem_shared>>) target(%dma_start3A_470 : memref<640x128xf32, #tpu.memory_space<hbm>>) target_semaphore(%run_scoped3A_464 : memref<!tpu.dma_semaphore, #tpu.memory_space<semaphore_mem>>)
      %dma_wait3A_473 = arith.constant 0 : i32
      %dma_wait3A_474 = arith.constant 0 : i32
      %dma_wait3A_475 = tpu.memref_slice %arg6[%arg0, %dma_wait3A_473, %dma_wait3A_474] : memref<2x10240x128xf32, #tpu.memory_space<hbm>> -> memref<1x10240x128xf32, #tpu.memory_space<hbm>>
      %dma_wait3A_476 = tpu.memref_squeeze %dma_wait3A_475 : memref<1x10240x128xf32, #tpu.memory_space<hbm>> -> memref<10240x128xf32, #tpu.memory_space<hbm>>
      %dma_wait3A_477 = arith.constant 0 : i32
      %dma_wait3A_478 = tpu.memref_slice %dma_wait3A_476[%mul3A_463, %dma_wait3A_477] : memref<10240x128xf32, #tpu.memory_space<hbm>> -> memref<640x128xf32, #tpu.memory_space<hbm>>
      %dma_wait3A_479 = arith.constant 0 : i32
      %dma_wait3A_480 = tpu.memref_slice %arg13[%mul3A_461, %dma_wait3A_479] : memref<10240x128xf32, #tpu.memory_space<vmem_shared>> -> memref<640x128xf32, #tpu.memory_space<vmem_shared>>
      tpu.wait_dma2 semaphore(%run_scoped3A_464 : memref<!tpu.dma_semaphore, #tpu.memory_space<semaphore_mem>>) src(%dma_wait3A_480 : memref<640x128xf32, #tpu.memory_space<vmem_shared>>) dst(%dma_wait3A_478 : memref<640x128xf32, #tpu.memory_space<hbm>>)
      tpu.yield
    }) : () -> ()
    return
  }
}

#map = affine_map<(d0, d1) -> (0, 0)>
#map1 = affine_map<(d0, d1) -> (0)>
#map2 = affine_map<(d0, d1) -> (0, 0, 0, 0)>
#map3 = affine_map<(d0, d1) -> (0, 0, 0)>
module attributes {stable_mosaic.version = 14 : i64} {
  func.func @_edge_kernel(%arg0: i32, %arg1: i32, %arg2: memref<10000x128xf32, #tpu.memory_space<hbm>>, %arg3: memref<10000xf32, #tpu.memory_space<hbm>>, %arg4: memref<10000xf32, #tpu.memory_space<hbm>>, %arg5: memref<32x125x2x80xi32, #tpu.memory_space<hbm>>, %arg6: memref<2x10240x128xf32, #tpu.memory_space<hbm>>, %arg7: memref<10000xf32, #tpu.memory_space<vmem>>, %arg8: memref<10000xf32, #tpu.memory_space<vmem>>, %arg9: memref<4x2x80xi32, #tpu.memory_space<vmem>>, %arg10: memref<80xf32, #tpu.memory_space<vmem>>, %arg11: memref<2x80x128xf32, #tpu.memory_space<vmem>>, %arg12: memref<8x128xf32, #tpu.memory_space<vmem>>, %arg13: memref<10240x128xf32, #tpu.memory_space<vmem_shared>>, %arg14: memref<!tpu.dma_semaphore, #tpu.memory_space<semaphore_mem>>, %arg15: memref<!tpu.dma_semaphore, #tpu.memory_space<semaphore_mem>>, %arg16: memref<!tpu.dma_semaphore, #tpu.memory_space<semaphore_mem>>, %arg17: memref<!tpu.dma_semaphore, #tpu.memory_space<semaphore_mem>>) attributes {dimension_semantics = [#tpu.dimension_semantics<core_parallel>, #tpu.dimension_semantics<subcore_parallel>], iteration_bounds = array<i64: 2, 16>, scalar_prefetch = 0 : i64, scratch_operands = 11 : i64, tpu.core_type = #tpu.core_type<sc_vector_subcore>, window_params = [{transform_indices = #map}, {transform_indices = #map1}, {transform_indices = #map1}, {transform_indices = #map2}, {transform_indices = #map3}]} {
    %mul3A = arith.constant 2 : i32
    %mul3A_0 = arith.muli %arg1, %mul3A : i32
    %add3A = arith.addi %mul3A_0, %arg0 : i32
    tpu.enqueue_dma source(%arg3 : memref<10000xf32, #tpu.memory_space<hbm>>) target(%arg7 : memref<10000xf32, #tpu.memory_space<vmem>>) target_semaphore(%arg15 : memref<!tpu.dma_semaphore, #tpu.memory_space<semaphore_mem>>)
    tpu.enqueue_dma source(%arg4 : memref<10000xf32, #tpu.memory_space<hbm>>) target(%arg8 : memref<10000xf32, #tpu.memory_space<vmem>>) target_semaphore(%arg16 : memref<!tpu.dma_semaphore, #tpu.memory_space<semaphore_mem>>)
    %broadcast_in_dim3A = arith.constant 0.000000e+00 : f32
    %broadcast_in_dim3A_1 = vector.broadcast %broadcast_in_dim3A : f32 to vector<16xf32>
    %swap3A = arith.constant 0 : i32
    %swap3A_2 = arith.index_cast %swap3A : i32 to index
    %swap3A_3 = arith.constant 0 : index
    %swap3A_4 = tpu.vector_load %arg12[%swap3A_2, %swap3A_3] {strides = array<i32>} : memref<8x128xf32, #tpu.memory_space<vmem>>, vector<16xf32>,
    tpu.vector_store %arg12[%swap3A_2, %swap3A_3], %broadcast_in_dim3A_1 {strides = array<i32>} : memref<8x128xf32, #tpu.memory_space<vmem>>, vector<16xf32>,
    %broadcast_in_dim3A_5 = arith.constant 0.000000e+00 : f32
    %broadcast_in_dim3A_6 = vector.broadcast %broadcast_in_dim3A_5 : f32 to vector<16xf32>
    %swap3A_7 = arith.constant 0 : i32
    %swap3A_8 = arith.index_cast %swap3A_7 : i32 to index
    %swap3A_9 = arith.constant 16 : index
    %swap3A_10 = tpu.vector_load %arg12[%swap3A_8, %swap3A_9] {strides = array<i32>} : memref<8x128xf32, #tpu.memory_space<vmem>>, vector<16xf32>,
    tpu.vector_store %arg12[%swap3A_8, %swap3A_9], %broadcast_in_dim3A_6 {strides = array<i32>} : memref<8x128xf32, #tpu.memory_space<vmem>>, vector<16xf32>,
    %broadcast_in_dim3A_11 = arith.constant 0.000000e+00 : f32
    %broadcast_in_dim3A_12 = vector.broadcast %broadcast_in_dim3A_11 : f32 to vector<16xf32>
    %swap3A_13 = arith.constant 0 : i32
    %swap3A_14 = arith.index_cast %swap3A_13 : i32 to index
    %swap3A_15 = arith.constant 32 : index
    %swap3A_16 = tpu.vector_load %arg12[%swap3A_14, %swap3A_15] {strides = array<i32>} : memref<8x128xf32, #tpu.memory_space<vmem>>, vector<16xf32>,
    tpu.vector_store %arg12[%swap3A_14, %swap3A_15], %broadcast_in_dim3A_12 {strides = array<i32>} : memref<8x128xf32, #tpu.memory_space<vmem>>, vector<16xf32>,
    %broadcast_in_dim3A_17 = arith.constant 0.000000e+00 : f32
    %broadcast_in_dim3A_18 = vector.broadcast %broadcast_in_dim3A_17 : f32 to vector<16xf32>
    %swap3A_19 = arith.constant 0 : i32
    %swap3A_20 = arith.index_cast %swap3A_19 : i32 to index
    %swap3A_21 = arith.constant 48 : index
    %swap3A_22 = tpu.vector_load %arg12[%swap3A_20, %swap3A_21] {strides = array<i32>} : memref<8x128xf32, #tpu.memory_space<vmem>>, vector<16xf32>,
    tpu.vector_store %arg12[%swap3A_20, %swap3A_21], %broadcast_in_dim3A_18 {strides = array<i32>} : memref<8x128xf32, #tpu.memory_space<vmem>>, vector<16xf32>,
    %broadcast_in_dim3A_23 = arith.constant 0.000000e+00 : f32
    %broadcast_in_dim3A_24 = vector.broadcast %broadcast_in_dim3A_23 : f32 to vector<16xf32>
    %swap3A_25 = arith.constant 0 : i32
    %swap3A_26 = arith.index_cast %swap3A_25 : i32 to index
    %swap3A_27 = arith.constant 64 : index
    %swap3A_28 = tpu.vector_load %arg12[%swap3A_26, %swap3A_27] {strides = array<i32>} : memref<8x128xf32, #tpu.memory_space<vmem>>, vector<16xf32>,
    tpu.vector_store %arg12[%swap3A_26, %swap3A_27], %broadcast_in_dim3A_24 {strides = array<i32>} : memref<8x128xf32, #tpu.memory_space<vmem>>, vector<16xf32>,
    %broadcast_in_dim3A_29 = arith.constant 0.000000e+00 : f32
    %broadcast_in_dim3A_30 = vector.broadcast %broadcast_in_dim3A_29 : f32 to vector<16xf32>
    %swap3A_31 = arith.constant 0 : i32
    %swap3A_32 = arith.index_cast %swap3A_31 : i32 to index
    %swap3A_33 = arith.constant 80 : index
    %swap3A_34 = tpu.vector_load %arg12[%swap3A_32, %swap3A_33] {strides = array<i32>} : memref<8x128xf32, #tpu.memory_space<vmem>>, vector<16xf32>,
    tpu.vector_store %arg12[%swap3A_32, %swap3A_33], %broadcast_in_dim3A_30 {strides = array<i32>} : memref<8x128xf32, #tpu.memory_space<vmem>>, vector<16xf32>,
    %broadcast_in_dim3A_35 = arith.constant 0.000000e+00 : f32
    %broadcast_in_dim3A_36 = vector.broadcast %broadcast_in_dim3A_35 : f32 to vector<16xf32>
    %swap3A_37 = arith.constant 0 : i32
    %swap3A_38 = arith.index_cast %swap3A_37 : i32 to index
    %swap3A_39 = arith.constant 96 : index
    %swap3A_40 = tpu.vector_load %arg12[%swap3A_38, %swap3A_39] {strides = array<i32>} : memref<8x128xf32, #tpu.memory_space<vmem>>, vector<16xf32>,
    tpu.vector_store %arg12[%swap3A_38, %swap3A_39], %broadcast_in_dim3A_36 {strides = array<i32>} : memref<8x128xf32, #tpu.memory_space<vmem>>, vector<16xf32>,
    %broadcast_in_dim3A_41 = arith.constant 0.000000e+00 : f32
    %broadcast_in_dim3A_42 = vector.broadcast %broadcast_in_dim3A_41 : f32 to vector<16xf32>
    %swap3A_43 = arith.constant 0 : i32
    %swap3A_44 = arith.index_cast %swap3A_43 : i32 to index
    %swap3A_45 = arith.constant 112 : index
    %swap3A_46 = tpu.vector_load %arg12[%swap3A_44, %swap3A_45] {strides = array<i32>} : memref<8x128xf32, #tpu.memory_space<vmem>>, vector<16xf32>,
    tpu.vector_store %arg12[%swap3A_44, %swap3A_45], %broadcast_in_dim3A_42 {strides = array<i32>} : memref<8x128xf32, #tpu.memory_space<vmem>>, vector<16xf32>,
    %broadcast_in_dim3A_47 = arith.constant 0.000000e+00 : f32
    %broadcast_in_dim3A_48 = vector.broadcast %broadcast_in_dim3A_47 : f32 to vector<16xf32>
    %swap3A_49 = arith.constant 1 : i32
    %swap3A_50 = arith.index_cast %swap3A_49 : i32 to index
    %swap3A_51 = arith.constant 0 : index
    %swap3A_52 = tpu.vector_load %arg12[%swap3A_50, %swap3A_51] {strides = array<i32>} : memref<8x128xf32, #tpu.memory_space<vmem>>, vector<16xf32>,
    tpu.vector_store %arg12[%swap3A_50, %swap3A_51], %broadcast_in_dim3A_48 {strides = array<i32>} : memref<8x128xf32, #tpu.memory_space<vmem>>, vector<16xf32>,
    %broadcast_in_dim3A_53 = arith.constant 0.000000e+00 : f32
    %broadcast_in_dim3A_54 = vector.broadcast %broadcast_in_dim3A_53 : f32 to vector<16xf32>
    %swap3A_55 = arith.constant 1 : i32
    %swap3A_56 = arith.index_cast %swap3A_55 : i32 to index
    %swap3A_57 = arith.constant 16 : index
    %swap3A_58 = tpu.vector_load %arg12[%swap3A_56, %swap3A_57] {strides = array<i32>} : memref<8x128xf32, #tpu.memory_space<vmem>>, vector<16xf32>,
    tpu.vector_store %arg12[%swap3A_56, %swap3A_57], %broadcast_in_dim3A_54 {strides = array<i32>} : memref<8x128xf32, #tpu.memory_space<vmem>>, vector<16xf32>,
    %broadcast_in_dim3A_59 = arith.constant 0.000000e+00 : f32
    %broadcast_in_dim3A_60 = vector.broadcast %broadcast_in_dim3A_59 : f32 to vector<16xf32>
    %swap3A_61 = arith.constant 1 : i32
    %swap3A_62 = arith.index_cast %swap3A_61 : i32 to index
    %swap3A_63 = arith.constant 32 : index
    %swap3A_64 = tpu.vector_load %arg12[%swap3A_62, %swap3A_63] {strides = array<i32>} : memref<8x128xf32, #tpu.memory_space<vmem>>, vector<16xf32>,
    tpu.vector_store %arg12[%swap3A_62, %swap3A_63], %broadcast_in_dim3A_60 {strides = array<i32>} : memref<8x128xf32, #tpu.memory_space<vmem>>, vector<16xf32>,
    %broadcast_in_dim3A_65 = arith.constant 0.000000e+00 : f32
    %broadcast_in_dim3A_66 = vector.broadcast %broadcast_in_dim3A_65 : f32 to vector<16xf32>
    %swap3A_67 = arith.constant 1 : i32
    %swap3A_68 = arith.index_cast %swap3A_67 : i32 to index
    %swap3A_69 = arith.constant 48 : index
    %swap3A_70 = tpu.vector_load %arg12[%swap3A_68, %swap3A_69] {strides = array<i32>} : memref<8x128xf32, #tpu.memory_space<vmem>>, vector<16xf32>,
    tpu.vector_store %arg12[%swap3A_68, %swap3A_69], %broadcast_in_dim3A_66 {strides = array<i32>} : memref<8x128xf32, #tpu.memory_space<vmem>>, vector<16xf32>,
    %broadcast_in_dim3A_71 = arith.constant 0.000000e+00 : f32
    %broadcast_in_dim3A_72 = vector.broadcast %broadcast_in_dim3A_71 : f32 to vector<16xf32>
    %swap3A_73 = arith.constant 1 : i32
    %swap3A_74 = arith.index_cast %swap3A_73 : i32 to index
    %swap3A_75 = arith.constant 64 : index
    %swap3A_76 = tpu.vector_load %arg12[%swap3A_74, %swap3A_75] {strides = array<i32>} : memref<8x128xf32, #tpu.memory_space<vmem>>, vector<16xf32>,
    tpu.vector_store %arg12[%swap3A_74, %swap3A_75], %broadcast_in_dim3A_72 {strides = array<i32>} : memref<8x128xf32, #tpu.memory_space<vmem>>, vector<16xf32>,
    %broadcast_in_dim3A_77 = arith.constant 0.000000e+00 : f32
    %broadcast_in_dim3A_78 = vector.broadcast %broadcast_in_dim3A_77 : f32 to vector<16xf32>
    %swap3A_79 = arith.constant 1 : i32
    %swap3A_80 = arith.index_cast %swap3A_79 : i32 to index
    %swap3A_81 = arith.constant 80 : index
    %swap3A_82 = tpu.vector_load %arg12[%swap3A_80, %swap3A_81] {strides = array<i32>} : memref<8x128xf32, #tpu.memory_space<vmem>>, vector<16xf32>,
    tpu.vector_store %arg12[%swap3A_80, %swap3A_81], %broadcast_in_dim3A_78 {strides = array<i32>} : memref<8x128xf32, #tpu.memory_space<vmem>>, vector<16xf32>,
    %broadcast_in_dim3A_83 = arith.constant 0.000000e+00 : f32
    %broadcast_in_dim3A_84 = vector.broadcast %broadcast_in_dim3A_83 : f32 to vector<16xf32>
    %swap3A_85 = arith.constant 1 : i32
    %swap3A_86 = arith.index_cast %swap3A_85 : i32 to index
    %swap3A_87 = arith.constant 96 : index
    %swap3A_88 = tpu.vector_load %arg12[%swap3A_86, %swap3A_87] {strides = array<i32>} : memref<8x128xf32, #tpu.memory_space<vmem>>, vector<16xf32>,
    tpu.vector_store %arg12[%swap3A_86, %swap3A_87], %broadcast_in_dim3A_84 {strides = array<i32>} : memref<8x128xf32, #tpu.memory_space<vmem>>, vector<16xf32>,
    %broadcast_in_dim3A_89 = arith.constant 0.000000e+00 : f32
    %broadcast_in_dim3A_90 = vector.broadcast %broadcast_in_dim3A_89 : f32 to vector<16xf32>
    %swap3A_91 = arith.constant 1 : i32
    %swap3A_92 = arith.index_cast %swap3A_91 : i32 to index
    %swap3A_93 = arith.constant 112 : index
    %swap3A_94 = tpu.vector_load %arg12[%swap3A_92, %swap3A_93] {strides = array<i32>} : memref<8x128xf32, #tpu.memory_space<vmem>>, vector<16xf32>,
    tpu.vector_store %arg12[%swap3A_92, %swap3A_93], %broadcast_in_dim3A_90 {strides = array<i32>} : memref<8x128xf32, #tpu.memory_space<vmem>>, vector<16xf32>,
    %broadcast_in_dim3A_95 = arith.constant 0.000000e+00 : f32
    %broadcast_in_dim3A_96 = vector.broadcast %broadcast_in_dim3A_95 : f32 to vector<16xf32>
    %swap3A_97 = arith.constant 2 : i32
    %swap3A_98 = arith.index_cast %swap3A_97 : i32 to index
    %swap3A_99 = arith.constant 0 : index
    %swap3A_100 = tpu.vector_load %arg12[%swap3A_98, %swap3A_99] {strides = array<i32>} : memref<8x128xf32, #tpu.memory_space<vmem>>, vector<16xf32>,
    tpu.vector_store %arg12[%swap3A_98, %swap3A_99], %broadcast_in_dim3A_96 {strides = array<i32>} : memref<8x128xf32, #tpu.memory_space<vmem>>, vector<16xf32>,
    %broadcast_in_dim3A_101 = arith.constant 0.000000e+00 : f32
    %broadcast_in_dim3A_102 = vector.broadcast %broadcast_in_dim3A_101 : f32 to vector<16xf32>
    %swap3A_103 = arith.constant 2 : i32
    %swap3A_104 = arith.index_cast %swap3A_103 : i32 to index
    %swap3A_105 = arith.constant 16 : index
    %swap3A_106 = tpu.vector_load %arg12[%swap3A_104, %swap3A_105] {strides = array<i32>} : memref<8x128xf32, #tpu.memory_space<vmem>>, vector<16xf32>,
    tpu.vector_store %arg12[%swap3A_104, %swap3A_105], %broadcast_in_dim3A_102 {strides = array<i32>} : memref<8x128xf32, #tpu.memory_space<vmem>>, vector<16xf32>,
    %broadcast_in_dim3A_107 = arith.constant 0.000000e+00 : f32
    %broadcast_in_dim3A_108 = vector.broadcast %broadcast_in_dim3A_107 : f32 to vector<16xf32>
    %swap3A_109 = arith.constant 2 : i32
    %swap3A_110 = arith.index_cast %swap3A_109 : i32 to index
    %swap3A_111 = arith.constant 32 : index
    %swap3A_112 = tpu.vector_load %arg12[%swap3A_110, %swap3A_111] {strides = array<i32>} : memref<8x128xf32, #tpu.memory_space<vmem>>, vector<16xf32>,
    tpu.vector_store %arg12[%swap3A_110, %swap3A_111], %broadcast_in_dim3A_108 {strides = array<i32>} : memref<8x128xf32, #tpu.memory_space<vmem>>, vector<16xf32>,
    %broadcast_in_dim3A_113 = arith.constant 0.000000e+00 : f32
    %broadcast_in_dim3A_114 = vector.broadcast %broadcast_in_dim3A_113 : f32 to vector<16xf32>
    %swap3A_115 = arith.constant 2 : i32
    %swap3A_116 = arith.index_cast %swap3A_115 : i32 to index
    %swap3A_117 = arith.constant 48 : index
    %swap3A_118 = tpu.vector_load %arg12[%swap3A_116, %swap3A_117] {strides = array<i32>} : memref<8x128xf32, #tpu.memory_space<vmem>>, vector<16xf32>,
    tpu.vector_store %arg12[%swap3A_116, %swap3A_117], %broadcast_in_dim3A_114 {strides = array<i32>} : memref<8x128xf32, #tpu.memory_space<vmem>>, vector<16xf32>,
    %broadcast_in_dim3A_119 = arith.constant 0.000000e+00 : f32
    %broadcast_in_dim3A_120 = vector.broadcast %broadcast_in_dim3A_119 : f32 to vector<16xf32>
    %swap3A_121 = arith.constant 2 : i32
    %swap3A_122 = arith.index_cast %swap3A_121 : i32 to index
    %swap3A_123 = arith.constant 64 : index
    %swap3A_124 = tpu.vector_load %arg12[%swap3A_122, %swap3A_123] {strides = array<i32>} : memref<8x128xf32, #tpu.memory_space<vmem>>, vector<16xf32>,
    tpu.vector_store %arg12[%swap3A_122, %swap3A_123], %broadcast_in_dim3A_120 {strides = array<i32>} : memref<8x128xf32, #tpu.memory_space<vmem>>, vector<16xf32>,
    %broadcast_in_dim3A_125 = arith.constant 0.000000e+00 : f32
    %broadcast_in_dim3A_126 = vector.broadcast %broadcast_in_dim3A_125 : f32 to vector<16xf32>
    %swap3A_127 = arith.constant 2 : i32
    %swap3A_128 = arith.index_cast %swap3A_127 : i32 to index
    %swap3A_129 = arith.constant 80 : index
    %swap3A_130 = tpu.vector_load %arg12[%swap3A_128, %swap3A_129] {strides = array<i32>} : memref<8x128xf32, #tpu.memory_space<vmem>>, vector<16xf32>,
    tpu.vector_store %arg12[%swap3A_128, %swap3A_129], %broadcast_in_dim3A_126 {strides = array<i32>} : memref<8x128xf32, #tpu.memory_space<vmem>>, vector<16xf32>,
    %broadcast_in_dim3A_131 = arith.constant 0.000000e+00 : f32
    %broadcast_in_dim3A_132 = vector.broadcast %broadcast_in_dim3A_131 : f32 to vector<16xf32>
    %swap3A_133 = arith.constant 2 : i32
    %swap3A_134 = arith.index_cast %swap3A_133 : i32 to index
    %swap3A_135 = arith.constant 96 : index
    %swap3A_136 = tpu.vector_load %arg12[%swap3A_134, %swap3A_135] {strides = array<i32>} : memref<8x128xf32, #tpu.memory_space<vmem>>, vector<16xf32>,
    tpu.vector_store %arg12[%swap3A_134, %swap3A_135], %broadcast_in_dim3A_132 {strides = array<i32>} : memref<8x128xf32, #tpu.memory_space<vmem>>, vector<16xf32>,
    %broadcast_in_dim3A_137 = arith.constant 0.000000e+00 : f32
    %broadcast_in_dim3A_138 = vector.broadcast %broadcast_in_dim3A_137 : f32 to vector<16xf32>
    %swap3A_139 = arith.constant 2 : i32
    %swap3A_140 = arith.index_cast %swap3A_139 : i32 to index
    %swap3A_141 = arith.constant 112 : index
    %swap3A_142 = tpu.vector_load %arg12[%swap3A_140, %swap3A_141] {strides = array<i32>} : memref<8x128xf32, #tpu.memory_space<vmem>>, vector<16xf32>,
    tpu.vector_store %arg12[%swap3A_140, %swap3A_141], %broadcast_in_dim3A_138 {strides = array<i32>} : memref<8x128xf32, #tpu.memory_space<vmem>>, vector<16xf32>,
    %broadcast_in_dim3A_143 = arith.constant 0.000000e+00 : f32
    %broadcast_in_dim3A_144 = vector.broadcast %broadcast_in_dim3A_143 : f32 to vector<16xf32>
    %swap3A_145 = arith.constant 3 : i32
    %swap3A_146 = arith.index_cast %swap3A_145 : i32 to index
    %swap3A_147 = arith.constant 0 : index
    %swap3A_148 = tpu.vector_load %arg12[%swap3A_146, %swap3A_147] {strides = array<i32>} : memref<8x128xf32, #tpu.memory_space<vmem>>, vector<16xf32>,
    tpu.vector_store %arg12[%swap3A_146, %swap3A_147], %broadcast_in_dim3A_144 {strides = array<i32>} : memref<8x128xf32, #tpu.memory_space<vmem>>, vector<16xf32>,
    %broadcast_in_dim3A_149 = arith.constant 0.000000e+00 : f32
    %broadcast_in_dim3A_150 = vector.broadcast %broadcast_in_dim3A_149 : f32 to vector<16xf32>
    %swap3A_151 = arith.constant 3 : i32
    %swap3A_152 = arith.index_cast %swap3A_151 : i32 to index
    %swap3A_153 = arith.constant 16 : index
    %swap3A_154 = tpu.vector_load %arg12[%swap3A_152, %swap3A_153] {strides = array<i32>} : memref<8x128xf32, #tpu.memory_space<vmem>>, vector<16xf32>,
    tpu.vector_store %arg12[%swap3A_152, %swap3A_153], %broadcast_in_dim3A_150 {strides = array<i32>} : memref<8x128xf32, #tpu.memory_space<vmem>>, vector<16xf32>,
    %broadcast_in_dim3A_155 = arith.constant 0.000000e+00 : f32
    %broadcast_in_dim3A_156 = vector.broadcast %broadcast_in_dim3A_155 : f32 to vector<16xf32>
    %swap3A_157 = arith.constant 3 : i32
    %swap3A_158 = arith.index_cast %swap3A_157 : i32 to index
    %swap3A_159 = arith.constant 32 : index
    %swap3A_160 = tpu.vector_load %arg12[%swap3A_158, %swap3A_159] {strides = array<i32>} : memref<8x128xf32, #tpu.memory_space<vmem>>, vector<16xf32>,
    tpu.vector_store %arg12[%swap3A_158, %swap3A_159], %broadcast_in_dim3A_156 {strides = array<i32>} : memref<8x128xf32, #tpu.memory_space<vmem>>, vector<16xf32>,
    %broadcast_in_dim3A_161 = arith.constant 0.000000e+00 : f32
    %broadcast_in_dim3A_162 = vector.broadcast %broadcast_in_dim3A_161 : f32 to vector<16xf32>
    %swap3A_163 = arith.constant 3 : i32
    %swap3A_164 = arith.index_cast %swap3A_163 : i32 to index
    %swap3A_165 = arith.constant 48 : index
    %swap3A_166 = tpu.vector_load %arg12[%swap3A_164, %swap3A_165] {strides = array<i32>} : memref<8x128xf32, #tpu.memory_space<vmem>>, vector<16xf32>,
    tpu.vector_store %arg12[%swap3A_164, %swap3A_165], %broadcast_in_dim3A_162 {strides = array<i32>} : memref<8x128xf32, #tpu.memory_space<vmem>>, vector<16xf32>,
    %broadcast_in_dim3A_167 = arith.constant 0.000000e+00 : f32
    %broadcast_in_dim3A_168 = vector.broadcast %broadcast_in_dim3A_167 : f32 to vector<16xf32>
    %swap3A_169 = arith.constant 3 : i32
    %swap3A_170 = arith.index_cast %swap3A_169 : i32 to index
    %swap3A_171 = arith.constant 64 : index
    %swap3A_172 = tpu.vector_load %arg12[%swap3A_170, %swap3A_171] {strides = array<i32>} : memref<8x128xf32, #tpu.memory_space<vmem>>, vector<16xf32>,
    tpu.vector_store %arg12[%swap3A_170, %swap3A_171], %broadcast_in_dim3A_168 {strides = array<i32>} : memref<8x128xf32, #tpu.memory_space<vmem>>, vector<16xf32>,
    %broadcast_in_dim3A_173 = arith.constant 0.000000e+00 : f32
    %broadcast_in_dim3A_174 = vector.broadcast %broadcast_in_dim3A_173 : f32 to vector<16xf32>
    %swap3A_175 = arith.constant 3 : i32
    %swap3A_176 = arith.index_cast %swap3A_175 : i32 to index
    %swap3A_177 = arith.constant 80 : index
    %swap3A_178 = tpu.vector_load %arg12[%swap3A_176, %swap3A_177] {strides = array<i32>} : memref<8x128xf32, #tpu.memory_space<vmem>>, vector<16xf32>,
    tpu.vector_store %arg12[%swap3A_176, %swap3A_177], %broadcast_in_dim3A_174 {strides = array<i32>} : memref<8x128xf32, #tpu.memory_space<vmem>>, vector<16xf32>,
    %broadcast_in_dim3A_179 = arith.constant 0.000000e+00 : f32
    %broadcast_in_dim3A_180 = vector.broadcast %broadcast_in_dim3A_179 : f32 to vector<16xf32>
    %swap3A_181 = arith.constant 3 : i32
    %swap3A_182 = arith.index_cast %swap3A_181 : i32 to index
    %swap3A_183 = arith.constant 96 : index
    %swap3A_184 = tpu.vector_load %arg12[%swap3A_182, %swap3A_183] {strides = array<i32>} : memref<8x128xf32, #tpu.memory_space<vmem>>, vector<16xf32>,
    tpu.vector_store %arg12[%swap3A_182, %swap3A_183], %broadcast_in_dim3A_180 {strides = array<i32>} : memref<8x128xf32, #tpu.memory_space<vmem>>, vector<16xf32>,
    %broadcast_in_dim3A_185 = arith.constant 0.000000e+00 : f32
    %broadcast_in_dim3A_186 = vector.broadcast %broadcast_in_dim3A_185 : f32 to vector<16xf32>
    %swap3A_187 = arith.constant 3 : i32
    %swap3A_188 = arith.index_cast %swap3A_187 : i32 to index
    %swap3A_189 = arith.constant 112 : index
    %swap3A_190 = tpu.vector_load %arg12[%swap3A_188, %swap3A_189] {strides = array<i32>} : memref<8x128xf32, #tpu.memory_space<vmem>>, vector<16xf32>,
    tpu.vector_store %arg12[%swap3A_188, %swap3A_189], %broadcast_in_dim3A_186 {strides = array<i32>} : memref<8x128xf32, #tpu.memory_space<vmem>>, vector<16xf32>,
    %broadcast_in_dim3A_191 = arith.constant 0.000000e+00 : f32
    %broadcast_in_dim3A_192 = vector.broadcast %broadcast_in_dim3A_191 : f32 to vector<16xf32>
    %swap3A_193 = arith.constant 4 : i32
    %swap3A_194 = arith.index_cast %swap3A_193 : i32 to index
    %swap3A_195 = arith.constant 0 : index
    %swap3A_196 = tpu.vector_load %arg12[%swap3A_194, %swap3A_195] {strides = array<i32>} : memref<8x128xf32, #tpu.memory_space<vmem>>, vector<16xf32>,
    tpu.vector_store %arg12[%swap3A_194, %swap3A_195], %broadcast_in_dim3A_192 {strides = array<i32>} : memref<8x128xf32, #tpu.memory_space<vmem>>, vector<16xf32>,
    %broadcast_in_dim3A_197 = arith.constant 0.000000e+00 : f32
    %broadcast_in_dim3A_198 = vector.broadcast %broadcast_in_dim3A_197 : f32 to vector<16xf32>
    %swap3A_199 = arith.constant 4 : i32
    %swap3A_200 = arith.index_cast %swap3A_199 : i32 to index
    %swap3A_201 = arith.constant 16 : index
    %swap3A_202 = tpu.vector_load %arg12[%swap3A_200, %swap3A_201] {strides = array<i32>} : memref<8x128xf32, #tpu.memory_space<vmem>>, vector<16xf32>,
    tpu.vector_store %arg12[%swap3A_200, %swap3A_201], %broadcast_in_dim3A_198 {strides = array<i32>} : memref<8x128xf32, #tpu.memory_space<vmem>>, vector<16xf32>,
    %broadcast_in_dim3A_203 = arith.constant 0.000000e+00 : f32
    %broadcast_in_dim3A_204 = vector.broadcast %broadcast_in_dim3A_203 : f32 to vector<16xf32>
    %swap3A_205 = arith.constant 4 : i32
    %swap3A_206 = arith.index_cast %swap3A_205 : i32 to index
    %swap3A_207 = arith.constant 32 : index
    %swap3A_208 = tpu.vector_load %arg12[%swap3A_206, %swap3A_207] {strides = array<i32>} : memref<8x128xf32, #tpu.memory_space<vmem>>, vector<16xf32>,
    tpu.vector_store %arg12[%swap3A_206, %swap3A_207], %broadcast_in_dim3A_204 {strides = array<i32>} : memref<8x128xf32, #tpu.memory_space<vmem>>, vector<16xf32>,
    %broadcast_in_dim3A_209 = arith.constant 0.000000e+00 : f32
    %broadcast_in_dim3A_210 = vector.broadcast %broadcast_in_dim3A_209 : f32 to vector<16xf32>
    %swap3A_211 = arith.constant 4 : i32
    %swap3A_212 = arith.index_cast %swap3A_211 : i32 to index
    %swap3A_213 = arith.constant 48 : index
    %swap3A_214 = tpu.vector_load %arg12[%swap3A_212, %swap3A_213] {strides = array<i32>} : memref<8x128xf32, #tpu.memory_space<vmem>>, vector<16xf32>,
    tpu.vector_store %arg12[%swap3A_212, %swap3A_213], %broadcast_in_dim3A_210 {strides = array<i32>} : memref<8x128xf32, #tpu.memory_space<vmem>>, vector<16xf32>,
    %broadcast_in_dim3A_215 = arith.constant 0.000000e+00 : f32
    %broadcast_in_dim3A_216 = vector.broadcast %broadcast_in_dim3A_215 : f32 to vector<16xf32>
    %swap3A_217 = arith.constant 4 : i32
    %swap3A_218 = arith.index_cast %swap3A_217 : i32 to index
    %swap3A_219 = arith.constant 64 : index
    %swap3A_220 = tpu.vector_load %arg12[%swap3A_218, %swap3A_219] {strides = array<i32>} : memref<8x128xf32, #tpu.memory_space<vmem>>, vector<16xf32>,
    tpu.vector_store %arg12[%swap3A_218, %swap3A_219], %broadcast_in_dim3A_216 {strides = array<i32>} : memref<8x128xf32, #tpu.memory_space<vmem>>, vector<16xf32>,
    %broadcast_in_dim3A_221 = arith.constant 0.000000e+00 : f32
    %broadcast_in_dim3A_222 = vector.broadcast %broadcast_in_dim3A_221 : f32 to vector<16xf32>
    %swap3A_223 = arith.constant 4 : i32
    %swap3A_224 = arith.index_cast %swap3A_223 : i32 to index
    %swap3A_225 = arith.constant 80 : index
    %swap3A_226 = tpu.vector_load %arg12[%swap3A_224, %swap3A_225] {strides = array<i32>} : memref<8x128xf32, #tpu.memory_space<vmem>>, vector<16xf32>,
    tpu.vector_store %arg12[%swap3A_224, %swap3A_225], %broadcast_in_dim3A_222 {strides = array<i32>} : memref<8x128xf32, #tpu.memory_space<vmem>>, vector<16xf32>,
    %broadcast_in_dim3A_227 = arith.constant 0.000000e+00 : f32
    %broadcast_in_dim3A_228 = vector.broadcast %broadcast_in_dim3A_227 : f32 to vector<16xf32>
    %swap3A_229 = arith.constant 4 : i32
    %swap3A_230 = arith.index_cast %swap3A_229 : i32 to index
    %swap3A_231 = arith.constant 96 : index
    %swap3A_232 = tpu.vector_load %arg12[%swap3A_230, %swap3A_231] {strides = array<i32>} : memref<8x128xf32, #tpu.memory_space<vmem>>, vector<16xf32>,
    tpu.vector_store %arg12[%swap3A_230, %swap3A_231], %broadcast_in_dim3A_228 {strides = array<i32>} : memref<8x128xf32, #tpu.memory_space<vmem>>, vector<16xf32>,
    %broadcast_in_dim3A_233 = arith.constant 0.000000e+00 : f32
    %broadcast_in_dim3A_234 = vector.broadcast %broadcast_in_dim3A_233 : f32 to vector<16xf32>
    %swap3A_235 = arith.constant 4 : i32
    %swap3A_236 = arith.index_cast %swap3A_235 : i32 to index
    %swap3A_237 = arith.constant 112 : index
    %swap3A_238 = tpu.vector_load %arg12[%swap3A_236, %swap3A_237] {strides = array<i32>} : memref<8x128xf32, #tpu.memory_space<vmem>>, vector<16xf32>,
    tpu.vector_store %arg12[%swap3A_236, %swap3A_237], %broadcast_in_dim3A_234 {strides = array<i32>} : memref<8x128xf32, #tpu.memory_space<vmem>>, vector<16xf32>,
    %broadcast_in_dim3A_239 = arith.constant 0.000000e+00 : f32
    %broadcast_in_dim3A_240 = vector.broadcast %broadcast_in_dim3A_239 : f32 to vector<16xf32>
    %swap3A_241 = arith.constant 5 : i32
    %swap3A_242 = arith.index_cast %swap3A_241 : i32 to index
    %swap3A_243 = arith.constant 0 : index
    %swap3A_244 = tpu.vector_load %arg12[%swap3A_242, %swap3A_243] {strides = array<i32>} : memref<8x128xf32, #tpu.memory_space<vmem>>, vector<16xf32>,
    tpu.vector_store %arg12[%swap3A_242, %swap3A_243], %broadcast_in_dim3A_240 {strides = array<i32>} : memref<8x128xf32, #tpu.memory_space<vmem>>, vector<16xf32>,
    %broadcast_in_dim3A_245 = arith.constant 0.000000e+00 : f32
    %broadcast_in_dim3A_246 = vector.broadcast %broadcast_in_dim3A_245 : f32 to vector<16xf32>
    %swap3A_247 = arith.constant 5 : i32
    %swap3A_248 = arith.index_cast %swap3A_247 : i32 to index
    %swap3A_249 = arith.constant 16 : index
    %swap3A_250 = tpu.vector_load %arg12[%swap3A_248, %swap3A_249] {strides = array<i32>} : memref<8x128xf32, #tpu.memory_space<vmem>>, vector<16xf32>,
    tpu.vector_store %arg12[%swap3A_248, %swap3A_249], %broadcast_in_dim3A_246 {strides = array<i32>} : memref<8x128xf32, #tpu.memory_space<vmem>>, vector<16xf32>,
    %broadcast_in_dim3A_251 = arith.constant 0.000000e+00 : f32
    %broadcast_in_dim3A_252 = vector.broadcast %broadcast_in_dim3A_251 : f32 to vector<16xf32>
    %swap3A_253 = arith.constant 5 : i32
    %swap3A_254 = arith.index_cast %swap3A_253 : i32 to index
    %swap3A_255 = arith.constant 32 : index
    %swap3A_256 = tpu.vector_load %arg12[%swap3A_254, %swap3A_255] {strides = array<i32>} : memref<8x128xf32, #tpu.memory_space<vmem>>, vector<16xf32>,
    tpu.vector_store %arg12[%swap3A_254, %swap3A_255], %broadcast_in_dim3A_252 {strides = array<i32>} : memref<8x128xf32, #tpu.memory_space<vmem>>, vector<16xf32>,
    %broadcast_in_dim3A_257 = arith.constant 0.000000e+00 : f32
    %broadcast_in_dim3A_258 = vector.broadcast %broadcast_in_dim3A_257 : f32 to vector<16xf32>
    %swap3A_259 = arith.constant 5 : i32
    %swap3A_260 = arith.index_cast %swap3A_259 : i32 to index
    %swap3A_261 = arith.constant 48 : index
    %swap3A_262 = tpu.vector_load %arg12[%swap3A_260, %swap3A_261] {strides = array<i32>} : memref<8x128xf32, #tpu.memory_space<vmem>>, vector<16xf32>,
    tpu.vector_store %arg12[%swap3A_260, %swap3A_261], %broadcast_in_dim3A_258 {strides = array<i32>} : memref<8x128xf32, #tpu.memory_space<vmem>>, vector<16xf32>,
    %broadcast_in_dim3A_263 = arith.constant 0.000000e+00 : f32
    %broadcast_in_dim3A_264 = vector.broadcast %broadcast_in_dim3A_263 : f32 to vector<16xf32>
    %swap3A_265 = arith.constant 5 : i32
    %swap3A_266 = arith.index_cast %swap3A_265 : i32 to index
    %swap3A_267 = arith.constant 64 : index
    %swap3A_268 = tpu.vector_load %arg12[%swap3A_266, %swap3A_267] {strides = array<i32>} : memref<8x128xf32, #tpu.memory_space<vmem>>, vector<16xf32>,
    tpu.vector_store %arg12[%swap3A_266, %swap3A_267], %broadcast_in_dim3A_264 {strides = array<i32>} : memref<8x128xf32, #tpu.memory_space<vmem>>, vector<16xf32>,
    %broadcast_in_dim3A_269 = arith.constant 0.000000e+00 : f32
    %broadcast_in_dim3A_270 = vector.broadcast %broadcast_in_dim3A_269 : f32 to vector<16xf32>
    %swap3A_271 = arith.constant 5 : i32
    %swap3A_272 = arith.index_cast %swap3A_271 : i32 to index
    %swap3A_273 = arith.constant 80 : index
    %swap3A_274 = tpu.vector_load %arg12[%swap3A_272, %swap3A_273] {strides = array<i32>} : memref<8x128xf32, #tpu.memory_space<vmem>>, vector<16xf32>,
    tpu.vector_store %arg12[%swap3A_272, %swap3A_273], %broadcast_in_dim3A_270 {strides = array<i32>} : memref<8x128xf32, #tpu.memory_space<vmem>>, vector<16xf32>,
    %broadcast_in_dim3A_275 = arith.constant 0.000000e+00 : f32
    %broadcast_in_dim3A_276 = vector.broadcast %broadcast_in_dim3A_275 : f32 to vector<16xf32>
    %swap3A_277 = arith.constant 5 : i32
    %swap3A_278 = arith.index_cast %swap3A_277 : i32 to index
    %swap3A_279 = arith.constant 96 : index
    %swap3A_280 = tpu.vector_load %arg12[%swap3A_278, %swap3A_279] {strides = array<i32>} : memref<8x128xf32, #tpu.memory_space<vmem>>, vector<16xf32>,
    tpu.vector_store %arg12[%swap3A_278, %swap3A_279], %broadcast_in_dim3A_276 {strides = array<i32>} : memref<8x128xf32, #tpu.memory_space<vmem>>, vector<16xf32>,
    %broadcast_in_dim3A_281 = arith.constant 0.000000e+00 : f32
    %broadcast_in_dim3A_282 = vector.broadcast %broadcast_in_dim3A_281 : f32 to vector<16xf32>
    %swap3A_283 = arith.constant 5 : i32
    %swap3A_284 = arith.index_cast %swap3A_283 : i32 to index
    %swap3A_285 = arith.constant 112 : index
    %swap3A_286 = tpu.vector_load %arg12[%swap3A_284, %swap3A_285] {strides = array<i32>} : memref<8x128xf32, #tpu.memory_space<vmem>>, vector<16xf32>,
    tpu.vector_store %arg12[%swap3A_284, %swap3A_285], %broadcast_in_dim3A_282 {strides = array<i32>} : memref<8x128xf32, #tpu.memory_space<vmem>>, vector<16xf32>,
    %broadcast_in_dim3A_287 = arith.constant 0.000000e+00 : f32
    %broadcast_in_dim3A_288 = vector.broadcast %broadcast_in_dim3A_287 : f32 to vector<16xf32>
    %swap3A_289 = arith.constant 6 : i32
    %swap3A_290 = arith.index_cast %swap3A_289 : i32 to index
    %swap3A_291 = arith.constant 0 : index
    %swap3A_292 = tpu.vector_load %arg12[%swap3A_290, %swap3A_291] {strides = array<i32>} : memref<8x128xf32, #tpu.memory_space<vmem>>, vector<16xf32>,
    tpu.vector_store %arg12[%swap3A_290, %swap3A_291], %broadcast_in_dim3A_288 {strides = array<i32>} : memref<8x128xf32, #tpu.memory_space<vmem>>, vector<16xf32>,
    %broadcast_in_dim3A_293 = arith.constant 0.000000e+00 : f32
    %broadcast_in_dim3A_294 = vector.broadcast %broadcast_in_dim3A_293 : f32 to vector<16xf32>
    %swap3A_295 = arith.constant 6 : i32
    %swap3A_296 = arith.index_cast %swap3A_295 : i32 to index
    %swap3A_297 = arith.constant 16 : index
    %swap3A_298 = tpu.vector_load %arg12[%swap3A_296, %swap3A_297] {strides = array<i32>} : memref<8x128xf32, #tpu.memory_space<vmem>>, vector<16xf32>,
    tpu.vector_store %arg12[%swap3A_296, %swap3A_297], %broadcast_in_dim3A_294 {strides = array<i32>} : memref<8x128xf32, #tpu.memory_space<vmem>>, vector<16xf32>,
    %broadcast_in_dim3A_299 = arith.constant 0.000000e+00 : f32
    %broadcast_in_dim3A_300 = vector.broadcast %broadcast_in_dim3A_299 : f32 to vector<16xf32>
    %swap3A_301 = arith.constant 6 : i32
    %swap3A_302 = arith.index_cast %swap3A_301 : i32 to index
    %swap3A_303 = arith.constant 32 : index
    %swap3A_304 = tpu.vector_load %arg12[%swap3A_302, %swap3A_303] {strides = array<i32>} : memref<8x128xf32, #tpu.memory_space<vmem>>, vector<16xf32>,
    tpu.vector_store %arg12[%swap3A_302, %swap3A_303], %broadcast_in_dim3A_300 {strides = array<i32>} : memref<8x128xf32, #tpu.memory_space<vmem>>, vector<16xf32>,
    %broadcast_in_dim3A_305 = arith.constant 0.000000e+00 : f32
    %broadcast_in_dim3A_306 = vector.broadcast %broadcast_in_dim3A_305 : f32 to vector<16xf32>
    %swap3A_307 = arith.constant 6 : i32
    %swap3A_308 = arith.index_cast %swap3A_307 : i32 to index
    %swap3A_309 = arith.constant 48 : index
    %swap3A_310 = tpu.vector_load %arg12[%swap3A_308, %swap3A_309] {strides = array<i32>} : memref<8x128xf32, #tpu.memory_space<vmem>>, vector<16xf32>,
    tpu.vector_store %arg12[%swap3A_308, %swap3A_309], %broadcast_in_dim3A_306 {strides = array<i32>} : memref<8x128xf32, #tpu.memory_space<vmem>>, vector<16xf32>,
    %broadcast_in_dim3A_311 = arith.constant 0.000000e+00 : f32
    %broadcast_in_dim3A_312 = vector.broadcast %broadcast_in_dim3A_311 : f32 to vector<16xf32>
    %swap3A_313 = arith.constant 6 : i32
    %swap3A_314 = arith.index_cast %swap3A_313 : i32 to index
    %swap3A_315 = arith.constant 64 : index
    %swap3A_316 = tpu.vector_load %arg12[%swap3A_314, %swap3A_315] {strides = array<i32>} : memref<8x128xf32, #tpu.memory_space<vmem>>, vector<16xf32>,
    tpu.vector_store %arg12[%swap3A_314, %swap3A_315], %broadcast_in_dim3A_312 {strides = array<i32>} : memref<8x128xf32, #tpu.memory_space<vmem>>, vector<16xf32>,
    %broadcast_in_dim3A_317 = arith.constant 0.000000e+00 : f32
    %broadcast_in_dim3A_318 = vector.broadcast %broadcast_in_dim3A_317 : f32 to vector<16xf32>
    %swap3A_319 = arith.constant 6 : i32
    %swap3A_320 = arith.index_cast %swap3A_319 : i32 to index
    %swap3A_321 = arith.constant 80 : index
    %swap3A_322 = tpu.vector_load %arg12[%swap3A_320, %swap3A_321] {strides = array<i32>} : memref<8x128xf32, #tpu.memory_space<vmem>>, vector<16xf32>,
    tpu.vector_store %arg12[%swap3A_320, %swap3A_321], %broadcast_in_dim3A_318 {strides = array<i32>} : memref<8x128xf32, #tpu.memory_space<vmem>>, vector<16xf32>,
    %broadcast_in_dim3A_323 = arith.constant 0.000000e+00 : f32
    %broadcast_in_dim3A_324 = vector.broadcast %broadcast_in_dim3A_323 : f32 to vector<16xf32>
    %swap3A_325 = arith.constant 6 : i32
    %swap3A_326 = arith.index_cast %swap3A_325 : i32 to index
    %swap3A_327 = arith.constant 96 : index
    %swap3A_328 = tpu.vector_load %arg12[%swap3A_326, %swap3A_327] {strides = array<i32>} : memref<8x128xf32, #tpu.memory_space<vmem>>, vector<16xf32>,
    tpu.vector_store %arg12[%swap3A_326, %swap3A_327], %broadcast_in_dim3A_324 {strides = array<i32>} : memref<8x128xf32, #tpu.memory_space<vmem>>, vector<16xf32>,
    %broadcast_in_dim3A_329 = arith.constant 0.000000e+00 : f32
    %broadcast_in_dim3A_330 = vector.broadcast %broadcast_in_dim3A_329 : f32 to vector<16xf32>
    %swap3A_331 = arith.constant 6 : i32
    %swap3A_332 = arith.index_cast %swap3A_331 : i32 to index
    %swap3A_333 = arith.constant 112 : index
    %swap3A_334 = tpu.vector_load %arg12[%swap3A_332, %swap3A_333] {strides = array<i32>} : memref<8x128xf32, #tpu.memory_space<vmem>>, vector<16xf32>,
    tpu.vector_store %arg12[%swap3A_332, %swap3A_333], %broadcast_in_dim3A_330 {strides = array<i32>} : memref<8x128xf32, #tpu.memory_space<vmem>>, vector<16xf32>,
    %broadcast_in_dim3A_335 = arith.constant 0.000000e+00 : f32
    %broadcast_in_dim3A_336 = vector.broadcast %broadcast_in_dim3A_335 : f32 to vector<16xf32>
    %swap3A_337 = arith.constant 7 : i32
    %swap3A_338 = arith.index_cast %swap3A_337 : i32 to index
    %swap3A_339 = arith.constant 0 : index
    %swap3A_340 = tpu.vector_load %arg12[%swap3A_338, %swap3A_339] {strides = array<i32>} : memref<8x128xf32, #tpu.memory_space<vmem>>, vector<16xf32>,
    tpu.vector_store %arg12[%swap3A_338, %swap3A_339], %broadcast_in_dim3A_336 {strides = array<i32>} : memref<8x128xf32, #tpu.memory_space<vmem>>, vector<16xf32>,
    %broadcast_in_dim3A_341 = arith.constant 0.000000e+00 : f32
    %broadcast_in_dim3A_342 = vector.broadcast %broadcast_in_dim3A_341 : f32 to vector<16xf32>
    %swap3A_343 = arith.constant 7 : i32
    %swap3A_344 = arith.index_cast %swap3A_343 : i32 to index
    %swap3A_345 = arith.constant 16 : index
    %swap3A_346 = tpu.vector_load %arg12[%swap3A_344, %swap3A_345] {strides = array<i32>} : memref<8x128xf32, #tpu.memory_space<vmem>>, vector<16xf32>,
    tpu.vector_store %arg12[%swap3A_344, %swap3A_345], %broadcast_in_dim3A_342 {strides = array<i32>} : memref<8x128xf32, #tpu.memory_space<vmem>>, vector<16xf32>,
    %broadcast_in_dim3A_347 = arith.constant 0.000000e+00 : f32
    %broadcast_in_dim3A_348 = vector.broadcast %broadcast_in_dim3A_347 : f32 to vector<16xf32>
    %swap3A_349 = arith.constant 7 : i32
    %swap3A_350 = arith.index_cast %swap3A_349 : i32 to index
    %swap3A_351 = arith.constant 32 : index
    %swap3A_352 = tpu.vector_load %arg12[%swap3A_350, %swap3A_351] {strides = array<i32>} : memref<8x128xf32, #tpu.memory_space<vmem>>, vector<16xf32>,
    tpu.vector_store %arg12[%swap3A_350, %swap3A_351], %broadcast_in_dim3A_348 {strides = array<i32>} : memref<8x128xf32, #tpu.memory_space<vmem>>, vector<16xf32>,
    %broadcast_in_dim3A_353 = arith.constant 0.000000e+00 : f32
    %broadcast_in_dim3A_354 = vector.broadcast %broadcast_in_dim3A_353 : f32 to vector<16xf32>
    %swap3A_355 = arith.constant 7 : i32
    %swap3A_356 = arith.index_cast %swap3A_355 : i32 to index
    %swap3A_357 = arith.constant 48 : index
    %swap3A_358 = tpu.vector_load %arg12[%swap3A_356, %swap3A_357] {strides = array<i32>} : memref<8x128xf32, #tpu.memory_space<vmem>>, vector<16xf32>,
    tpu.vector_store %arg12[%swap3A_356, %swap3A_357], %broadcast_in_dim3A_354 {strides = array<i32>} : memref<8x128xf32, #tpu.memory_space<vmem>>, vector<16xf32>,
    %broadcast_in_dim3A_359 = arith.constant 0.000000e+00 : f32
    %broadcast_in_dim3A_360 = vector.broadcast %broadcast_in_dim3A_359 : f32 to vector<16xf32>
    %swap3A_361 = arith.constant 7 : i32
    %swap3A_362 = arith.index_cast %swap3A_361 : i32 to index
    %swap3A_363 = arith.constant 64 : index
    %swap3A_364 = tpu.vector_load %arg12[%swap3A_362, %swap3A_363] {strides = array<i32>} : memref<8x128xf32, #tpu.memory_space<vmem>>, vector<16xf32>,
    tpu.vector_store %arg12[%swap3A_362, %swap3A_363], %broadcast_in_dim3A_360 {strides = array<i32>} : memref<8x128xf32, #tpu.memory_space<vmem>>, vector<16xf32>,
    %broadcast_in_dim3A_365 = arith.constant 0.000000e+00 : f32
    %broadcast_in_dim3A_366 = vector.broadcast %broadcast_in_dim3A_365 : f32 to vector<16xf32>
    %swap3A_367 = arith.constant 7 : i32
    %swap3A_368 = arith.index_cast %swap3A_367 : i32 to index
    %swap3A_369 = arith.constant 80 : index
    %swap3A_370 = tpu.vector_load %arg12[%swap3A_368, %swap3A_369] {strides = array<i32>} : memref<8x128xf32, #tpu.memory_space<vmem>>, vector<16xf32>,
    tpu.vector_store %arg12[%swap3A_368, %swap3A_369], %broadcast_in_dim3A_366 {strides = array<i32>} : memref<8x128xf32, #tpu.memory_space<vmem>>, vector<16xf32>,
    %broadcast_in_dim3A_371 = arith.constant 0.000000e+00 : f32
    %broadcast_in_dim3A_372 = vector.broadcast %broadcast_in_dim3A_371 : f32 to vector<16xf32>
    %swap3A_373 = arith.constant 7 : i32
    %swap3A_374 = arith.index_cast %swap3A_373 : i32 to index
    %swap3A_375 = arith.constant 96 : index
    %swap3A_376 = tpu.vector_load %arg12[%swap3A_374, %swap3A_375] {strides = array<i32>} : memref<8x128xf32, #tpu.memory_space<vmem>>, vector<16xf32>,
    tpu.vector_store %arg12[%swap3A_374, %swap3A_375], %broadcast_in_dim3A_372 {strides = array<i32>} : memref<8x128xf32, #tpu.memory_space<vmem>>, vector<16xf32>,
    %broadcast_in_dim3A_377 = arith.constant 0.000000e+00 : f32
    %broadcast_in_dim3A_378 = vector.broadcast %broadcast_in_dim3A_377 : f32 to vector<16xf32>
    %swap3A_379 = arith.constant 7 : i32
    %swap3A_380 = arith.index_cast %swap3A_379 : i32 to index
    %swap3A_381 = arith.constant 112 : index
    %swap3A_382 = tpu.vector_load %arg12[%swap3A_380, %swap3A_381] {strides = array<i32>} : memref<8x128xf32, #tpu.memory_space<vmem>>, vector<16xf32>,
    tpu.vector_store %arg12[%swap3A_380, %swap3A_381], %broadcast_in_dim3A_378 {strides = array<i32>} : memref<8x128xf32, #tpu.memory_space<vmem>>, vector<16xf32>,
    %scan3A = arith.constant 0 : i32
    %scan3A_383 = arith.constant 0 : i32
    %scan3A_384 = arith.constant 80 : i32
    %scan3A_385 = arith.addi %scan3A_383, %scan3A_384 : i32
    %scan3A_386 = arith.constant 1 : i32
    scf.for %scan3A_464 = %scan3A_383 to %scan3A_385 step %scan3A_386  : i32 {
      %mul3A_465 = arith.constant 640 : i32
      %mul3A_466 = arith.muli %arg1, %mul3A_465 : i32
      %mul3A_467 = arith.constant 8 : i32
      %mul3A_468 = arith.muli %scan3A_464, %mul3A_467 : i32
      %add3A_469 = arith.addi %mul3A_466, %mul3A_468 : i32
      %dma_start3A_470 = arith.constant 0 : i32
      %dma_start3A_471 = tpu.memref_slice %arg13[%add3A_469, %dma_start3A_470] : memref<10240x128xf32, #tpu.memory_space<vmem_shared>> -> memref<8x128xf32, #tpu.memory_space<vmem_shared>>
      %dma_start3A_472 = arith.constant 0 : i32
      %dma_start3A_473 = tpu.memref_slice %arg13[%add3A_469, %dma_start3A_472] : memref<10240x128xf32, #tpu.memory_space<vmem_shared>> -> memref<8x128xf32, #tpu.memory_space<vmem_shared>>
      tpu.enqueue_dma source(%arg12 : memref<8x128xf32, #tpu.memory_space<vmem>>) target(%dma_start3A_473 : memref<8x128xf32, #tpu.memory_space<vmem_shared>>) target_semaphore(%arg17 : memref<!tpu.dma_semaphore, #tpu.memory_space<semaphore_mem>>)
    }
    %scan3A_387 = arith.constant 80 : i32
    %scan3A_388 = arith.constant 0 : i32
    %scan3A_389 = arith.constant 0 : i32
    %scan3A_390 = arith.constant 80 : i32
    %scan3A_391 = arith.addi %scan3A_389, %scan3A_390 : i32
    %scan3A_392 = arith.constant 1 : i32
    scf.for %scan3A_464 = %scan3A_389 to %scan3A_391 step %scan3A_392  : i32 {
      %mul3A_465 = arith.constant 640 : i32
      %mul3A_466 = arith.muli %arg1, %mul3A_465 : i32
      %dma_wait3A_467 = arith.constant 0 : i32
      %dma_wait3A_468 = tpu.memref_slice %arg13[%mul3A_466, %dma_wait3A_467] : memref<10240x128xf32, #tpu.memory_space<vmem_shared>> -> memref<8x128xf32, #tpu.memory_space<vmem_shared>>
      %dma_wait3A_469 = arith.constant 0 : i32
      %dma_wait3A_470 = tpu.memref_slice %arg13[%mul3A_466, %dma_wait3A_469] : memref<10240x128xf32, #tpu.memory_space<vmem_shared>> -> memref<8x128xf32, #tpu.memory_space<vmem_shared>>
      tpu.wait_dma2 semaphore(%arg17 : memref<!tpu.dma_semaphore, #tpu.memory_space<semaphore_mem>>) src(%arg12 : memref<8x128xf32, #tpu.memory_space<vmem>>) dst(%dma_wait3A_470 : memref<8x128xf32, #tpu.memory_space<vmem_shared>>)
    }
    %scan3A_393 = arith.constant 80 : i32
    tpu.wait_dma2 semaphore(%arg15 : memref<!tpu.dma_semaphore, #tpu.memory_space<semaphore_mem>>) src(%arg3 : memref<10000xf32, #tpu.memory_space<hbm>>) dst(%arg7 : memref<10000xf32, #tpu.memory_space<vmem>>)
    tpu.wait_dma2 semaphore(%arg16 : memref<!tpu.dma_semaphore, #tpu.memory_space<semaphore_mem>>) src(%arg4 : memref<10000xf32, #tpu.memory_space<hbm>>) dst(%arg8 : memref<10000xf32, #tpu.memory_space<vmem>>)
    %barrier3A = arith.constant 0 : index
    tpu.barrier barrier_id(%barrier3A)
    %run_scoped3A = arith.constant 0 : i32
    %run_scoped3A_394 = arith.constant 0 : i32
    "tpu.region"() ({
      %run_scoped3A_464 = tpu.sem_alloc : memref<!tpu.dma_semaphore, #tpu.memory_space<semaphore_mem>>
      %dma_start3A_465 = arith.constant 0 : i32
      %dma_start3A_466 = arith.constant 0 : i32
      %dma_start3A_467 = tpu.memref_slice %arg9[%run_scoped3A_394, %dma_start3A_465, %dma_start3A_466] : memref<4x2x80xi32, #tpu.memory_space<vmem>> -> memref<1x2x80xi32, #tpu.memory_space<vmem>>
      %dma_start3A_468 = tpu.memref_squeeze %dma_start3A_467 : memref<1x2x80xi32, #tpu.memory_space<vmem>> -> memref<2x80xi32, #tpu.memory_space<vmem>>
      %dma_start3A_469 = arith.constant 0 : i32
      %dma_start3A_470 = arith.constant 0 : i32
      %dma_start3A_471 = arith.constant 0 : i32
      %dma_start3A_472 = tpu.memref_slice %arg5[%add3A, %dma_start3A_469, %dma_start3A_470, %dma_start3A_471] : memref<32x125x2x80xi32, #tpu.memory_space<hbm>> -> memref<1x125x2x80xi32, #tpu.memory_space<hbm>>
      %dma_start3A_473 = tpu.memref_squeeze %dma_start3A_472 : memref<1x125x2x80xi32, #tpu.memory_space<hbm>> -> memref<125x2x80xi32, #tpu.memory_space<hbm>>
      %dma_start3A_474 = arith.constant 0 : i32
      %dma_start3A_475 = arith.constant 0 : i32
      %dma_start3A_476 = tpu.memref_slice %dma_start3A_473[%run_scoped3A, %dma_start3A_474, %dma_start3A_475] : memref<125x2x80xi32, #tpu.memory_space<hbm>> -> memref<1x2x80xi32, #tpu.memory_space<hbm>>
      %dma_start3A_477 = tpu.memref_squeeze %dma_start3A_476 : memref<1x2x80xi32, #tpu.memory_space<hbm>> -> memref<2x80xi32, #tpu.memory_space<hbm>>
      %dma_start3A_478 = arith.constant 0 : i32
      %dma_start3A_479 = arith.constant 0 : i32
      %dma_start3A_480 = tpu.memref_slice %arg9[%run_scoped3A_394, %dma_start3A_478, %dma_start3A_479] : memref<4x2x80xi32, #tpu.memory_space<vmem>> -> memref<1x2x80xi32, #tpu.memory_space<vmem>>
      %dma_start3A_481 = tpu.memref_squeeze %dma_start3A_480 : memref<1x2x80xi32, #tpu.memory_space<vmem>> -> memref<2x80xi32, #tpu.memory_space<vmem>>
      %dma_start3A_482 = arith.constant 0 : i32
      %dma_start3A_483 = arith.constant 0 : i32
      %dma_start3A_484 = arith.constant 0 : i32
      %dma_start3A_485 = tpu.memref_slice %arg5[%add3A, %dma_start3A_482, %dma_start3A_483, %dma_start3A_484] : memref<32x125x2x80xi32, #tpu.memory_space<hbm>> -> memref<1x125x2x80xi32, #tpu.memory_space<hbm>>
      %dma_start3A_486 = tpu.memref_squeeze %dma_start3A_485 : memref<1x125x2x80xi32, #tpu.memory_space<hbm>> -> memref<125x2x80xi32, #tpu.memory_space<hbm>>
      %dma_start3A_487 = arith.constant 0 : i32
      %dma_start3A_488 = arith.constant 0 : i32
      %dma_start3A_489 = tpu.memref_slice %dma_start3A_486[%run_scoped3A, %dma_start3A_487, %dma_start3A_488] : memref<125x2x80xi32, #tpu.memory_space<hbm>> -> memref<1x2x80xi32, #tpu.memory_space<hbm>>
      %dma_start3A_490 = tpu.memref_squeeze %dma_start3A_489 : memref<1x2x80xi32, #tpu.memory_space<hbm>> -> memref<2x80xi32, #tpu.memory_space<hbm>>
      tpu.enqueue_dma source(%dma_start3A_490 : memref<2x80xi32, #tpu.memory_space<hbm>>) target(%dma_start3A_481 : memref<2x80xi32, #tpu.memory_space<vmem>>) target_semaphore(%run_scoped3A_464 : memref<!tpu.dma_semaphore, #tpu.memory_space<semaphore_mem>>)
      %dma_wait3A_491 = arith.constant 0 : i32
      %dma_wait3A_492 = arith.constant 0 : i32
      %dma_wait3A_493 = tpu.memref_slice %arg9[%run_scoped3A_394, %dma_wait3A_491, %dma_wait3A_492] : memref<4x2x80xi32, #tpu.memory_space<vmem>> -> memref<1x2x80xi32, #tpu.memory_space<vmem>>
      %dma_wait3A_494 = tpu.memref_squeeze %dma_wait3A_493 : memref<1x2x80xi32, #tpu.memory_space<vmem>> -> memref<2x80xi32, #tpu.memory_space<vmem>>
      %dma_wait3A_495 = arith.constant 0 : i32
      %dma_wait3A_496 = arith.constant 0 : i32
      %dma_wait3A_497 = arith.constant 0 : i32
      %dma_wait3A_498 = tpu.memref_slice %arg5[%add3A, %dma_wait3A_495, %dma_wait3A_496, %dma_wait3A_497] : memref<32x125x2x80xi32, #tpu.memory_space<hbm>> -> memref<1x125x2x80xi32, #tpu.memory_space<hbm>>
      %dma_wait3A_499 = tpu.memref_squeeze %dma_wait3A_498 : memref<1x125x2x80xi32, #tpu.memory_space<hbm>> -> memref<125x2x80xi32, #tpu.memory_space<hbm>>
      %dma_wait3A_500 = arith.constant 0 : i32
      %dma_wait3A_501 = arith.constant 0 : i32
      %dma_wait3A_502 = tpu.memref_slice %dma_wait3A_499[%run_scoped3A, %dma_wait3A_500, %dma_wait3A_501] : memref<125x2x80xi32, #tpu.memory_space<hbm>> -> memref<1x2x80xi32, #tpu.memory_space<hbm>>
      %dma_wait3A_503 = tpu.memref_squeeze %dma_wait3A_502 : memref<1x2x80xi32, #tpu.memory_space<hbm>> -> memref<2x80xi32, #tpu.memory_space<hbm>>
      %dma_wait3A_504 = arith.constant 0 : i32
      %dma_wait3A_505 = arith.constant 0 : i32
      %dma_wait3A_506 = tpu.memref_slice %arg9[%run_scoped3A_394, %dma_wait3A_504, %dma_wait3A_505] : memref<4x2x80xi32, #tpu.memory_space<vmem>> -> memref<1x2x80xi32, #tpu.memory_space<vmem>>
      %dma_wait3A_507 = tpu.memref_squeeze %dma_wait3A_506 : memref<1x2x80xi32, #tpu.memory_space<vmem>> -> memref<2x80xi32, #tpu.memory_space<vmem>>
      %dma_wait3A_508 = arith.constant 0 : i32
      %dma_wait3A_509 = arith.constant 0 : i32
      %dma_wait3A_510 = arith.constant 0 : i32
      %dma_wait3A_511 = tpu.memref_slice %arg5[%add3A, %dma_wait3A_508, %dma_wait3A_509, %dma_wait3A_510] : memref<32x125x2x80xi32, #tpu.memory_space<hbm>> -> memref<1x125x2x80xi32, #tpu.memory_space<hbm>>
      %dma_wait3A_512 = tpu.memref_squeeze %dma_wait3A_511 : memref<1x125x2x80xi32, #tpu.memory_space<hbm>> -> memref<125x2x80xi32, #tpu.memory_space<hbm>>
      %dma_wait3A_513 = arith.constant 0 : i32
      %dma_wait3A_514 = arith.constant 0 : i32
      %dma_wait3A_515 = tpu.memref_slice %dma_wait3A_512[%run_scoped3A, %dma_wait3A_513, %dma_wait3A_514] : memref<125x2x80xi32, #tpu.memory_space<hbm>> -> memref<1x2x80xi32, #tpu.memory_space<hbm>>
      %dma_wait3A_516 = tpu.memref_squeeze %dma_wait3A_515 : memref<1x2x80xi32, #tpu.memory_space<hbm>> -> memref<2x80xi32, #tpu.memory_space<hbm>>
      tpu.wait_dma2 semaphore(%run_scoped3A_464 : memref<!tpu.dma_semaphore, #tpu.memory_space<semaphore_mem>>) src(%dma_wait3A_516 : memref<2x80xi32, #tpu.memory_space<hbm>>) dst(%dma_wait3A_507 : memref<2x80xi32, #tpu.memory_space<vmem>>)
      tpu.yield
    }) : () -> ()
    %dma_start3A = arith.constant 1 : i32
    %dma_start3A_395 = arith.constant 1 : i32
    %dma_start3A_396 = arith.constant 0 : i32
    %dma_start3A_397 = arith.constant 0 : i32
    %dma_start3A_398 = tpu.memref_slice %arg9[%dma_start3A_395, %dma_start3A_396, %dma_start3A_397] : memref<4x2x80xi32, #tpu.memory_space<vmem>> -> memref<1x2x80xi32, #tpu.memory_space<vmem>>
    %dma_start3A_399 = tpu.memref_squeeze %dma_start3A_398 : memref<1x2x80xi32, #tpu.memory_space<vmem>> -> memref<2x80xi32, #tpu.memory_space<vmem>>
    %dma_start3A_400 = arith.constant 0 : i32
    %dma_start3A_401 = arith.constant 0 : i32
    %dma_start3A_402 = arith.constant 0 : i32
    %dma_start3A_403 = tpu.memref_slice %arg5[%add3A, %dma_start3A_400, %dma_start3A_401, %dma_start3A_402] : memref<32x125x2x80xi32, #tpu.memory_space<hbm>> -> memref<1x125x2x80xi32, #tpu.memory_space<hbm>>
    %dma_start3A_404 = tpu.memref_squeeze %dma_start3A_403 : memref<1x125x2x80xi32, #tpu.memory_space<hbm>> -> memref<125x2x80xi32, #tpu.memory_space<hbm>>
    %dma_start3A_405 = arith.constant 0 : i32
    %dma_start3A_406 = arith.constant 0 : i32
    %dma_start3A_407 = tpu.memref_slice %dma_start3A_404[%dma_start3A, %dma_start3A_405, %dma_start3A_406] : memref<125x2x80xi32, #tpu.memory_space<hbm>> -> memref<1x2x80xi32, #tpu.memory_space<hbm>>
    %dma_start3A_408 = tpu.memref_squeeze %dma_start3A_407 : memref<1x2x80xi32, #tpu.memory_space<hbm>> -> memref<2x80xi32, #tpu.memory_space<hbm>>
    %dma_start3A_409 = arith.constant 0 : i32
    %dma_start3A_410 = arith.constant 0 : i32
    %dma_start3A_411 = tpu.memref_slice %arg9[%dma_start3A_395, %dma_start3A_409, %dma_start3A_410] : memref<4x2x80xi32, #tpu.memory_space<vmem>> -> memref<1x2x80xi32, #tpu.memory_space<vmem>>
    %dma_start3A_412 = tpu.memref_squeeze %dma_start3A_411 : memref<1x2x80xi32, #tpu.memory_space<vmem>> -> memref<2x80xi32, #tpu.memory_space<vmem>>
    %dma_start3A_413 = arith.constant 0 : i32
    %dma_start3A_414 = arith.constant 0 : i32
    %dma_start3A_415 = arith.constant 0 : i32
    %dma_start3A_416 = tpu.memref_slice %arg5[%add3A, %dma_start3A_413, %dma_start3A_414, %dma_start3A_415] : memref<32x125x2x80xi32, #tpu.memory_space<hbm>> -> memref<1x125x2x80xi32, #tpu.memory_space<hbm>>
    %dma_start3A_417 = tpu.memref_squeeze %dma_start3A_416 : memref<1x125x2x80xi32, #tpu.memory_space<hbm>> -> memref<125x2x80xi32, #tpu.memory_space<hbm>>
    %dma_start3A_418 = arith.constant 0 : i32
    %dma_start3A_419 = arith.constant 0 : i32
    %dma_start3A_420 = tpu.memref_slice %dma_start3A_417[%dma_start3A, %dma_start3A_418, %dma_start3A_419] : memref<125x2x80xi32, #tpu.memory_space<hbm>> -> memref<1x2x80xi32, #tpu.memory_space<hbm>>
    %dma_start3A_421 = tpu.memref_squeeze %dma_start3A_420 : memref<1x2x80xi32, #tpu.memory_space<hbm>> -> memref<2x80xi32, #tpu.memory_space<hbm>>
    tpu.enqueue_dma source(%dma_start3A_421 : memref<2x80xi32, #tpu.memory_space<hbm>>) target(%dma_start3A_412 : memref<2x80xi32, #tpu.memory_space<vmem>>) target_semaphore(%arg14 : memref<!tpu.dma_semaphore, #tpu.memory_space<semaphore_mem>>)
    %dma_start3A_422 = arith.constant 0 : i32
    %dma_start3A_423 = arith.constant 0 : i32
    %dma_start3A_424 = arith.constant 0 : i32
    %dma_start3A_425 = arith.constant 0 : i32
    %dma_start3A_426 = arith.constant 0 : i32
    %dma_start3A_427 = tpu.memref_slice %arg11[%dma_start3A_424, %dma_start3A_425, %dma_start3A_426] : memref<2x80x128xf32, #tpu.memory_space<vmem>> -> memref<1x80x128xf32, #tpu.memory_space<vmem>>
    %dma_start3A_428 = tpu.memref_squeeze %dma_start3A_427 : memref<1x80x128xf32, #tpu.memory_space<vmem>> -> memref<80x128xf32, #tpu.memory_space<vmem>>
    %dma_start3A_429 = arith.constant 0 : i32
    %dma_start3A_430 = arith.constant 0 : i32
    %dma_start3A_431 = tpu.memref_slice %arg9[%dma_start3A_422, %dma_start3A_429, %dma_start3A_430] : memref<4x2x80xi32, #tpu.memory_space<vmem>> -> memref<1x2x80xi32, #tpu.memory_space<vmem>>
    %dma_start3A_432 = tpu.memref_squeeze %dma_start3A_431 : memref<1x2x80xi32, #tpu.memory_space<vmem>> -> memref<2x80xi32, #tpu.memory_space<vmem>>
    %dma_start3A_433 = arith.constant 0 : i32
    %dma_start3A_434 = tpu.memref_slice %dma_start3A_432[%dma_start3A_423, %dma_start3A_433] : memref<2x80xi32, #tpu.memory_space<vmem>> -> memref<1x80xi32, #tpu.memory_space<vmem>>
    %dma_start3A_435 = tpu.memref_squeeze %dma_start3A_434 : memref<1x80xi32, #tpu.memory_space<vmem>> -> memref<80xi32, #tpu.memory_space<vmem>>
    %dma_start3A_436 = arith.constant 0 : i32
    %dma_start3A_437 = arith.constant 0 : i32
    %dma_start3A_438 = tpu.memref_slice %arg2[%dma_start3A_436, %dma_start3A_437] : memref<10000x128xf32, #tpu.memory_space<hbm>> -> memref<10000x128xf32, #tpu.memory_space<hbm>>
    tpu.enqueue_indirect_dma source(%dma_start3A_438 : memref<10000x128xf32, #tpu.memory_space<hbm>>) target(%dma_start3A_428 : memref<80x128xf32, #tpu.memory_space<vmem>>) offsets(%dma_start3A_435 : memref<80xi32, #tpu.memory_space<vmem>>) semaphore(%arg15 : memref<!tpu.dma_semaphore, #tpu.memory_space<semaphore_mem>>)
    %scan3A_439 = arith.constant 0 : i32
    %scan3A_440 = arith.constant 0 : i32
    %scan3A_441 = arith.constant 125 : i32
    %scan3A_442 = arith.addi %scan3A_440, %scan3A_441 : i32
    %scan3A_443 = arith.constant 1 : i32
    scf.for %scan3A_464 = %scan3A_440 to %scan3A_442 step %scan3A_443  : i32 {
      %and3A = arith.constant 3 : i32
      %and3A_465 = arith.andi %scan3A_464, %and3A : i32
      %and3A_466 = arith.constant 1 : i32
      %and3A_467 = arith.andi %scan3A_464, %and3A_466 : i32
      %sub3A = arith.constant 1 : i32
      %sub3A_468 = arith.subi %sub3A, %and3A_467 : i32
      %parallel_loop3A = arith.constant 0 : i32
      %parallel_loop3A_469 = arith.constant 80 : i32
      %parallel_loop3A_470 = arith.constant 16 : i32
      scf.for %parallel_loop3A_504 = %parallel_loop3A to %parallel_loop3A_469 step %parallel_loop3A_470  : i32 {
        %parallel_loop3A_505 = arith.constant 0 : i32
        %parallel_loop3A_506 = arith.index_cast %and3A_465 : i32 to index
        %parallel_loop3A_507 = arith.index_cast %parallel_loop3A_505 : i32 to index
        %parallel_loop3A_508 = arith.index_cast %parallel_loop3A_504 : i32 to index
        %parallel_loop3A_509 = tpu.vector_load %arg9[%parallel_loop3A_506, %parallel_loop3A_507, %parallel_loop3A_508] {strides = array<i32>} : memref<4x2x80xi32, #tpu.memory_space<vmem>>, vector<16xi32>,
        %parallel_loop3A_510 = arith.constant 1 : i32
        %parallel_loop3A_511 = arith.index_cast %and3A_465 : i32 to index
        %parallel_loop3A_512 = arith.index_cast %parallel_loop3A_510 : i32 to index
        %parallel_loop3A_513 = arith.index_cast %parallel_loop3A_504 : i32 to index
        %parallel_loop3A_514 = tpu.vector_load %arg9[%parallel_loop3A_511, %parallel_loop3A_512, %parallel_loop3A_513] {strides = array<i32>} : memref<4x2x80xi32, #tpu.memory_space<vmem>>, vector<16xi32>,
        %parallel_loop3A_515 = tpu.vector_load_idx %arg7[%parallel_loop3A_514] : memref<10000xf32, #tpu.memory_space<vmem>>[vector<16xi32>], vector<16xf32>,
        %parallel_loop3A_516 = tpu.vector_load_idx %arg8[%parallel_loop3A_509] : memref<10000xf32, #tpu.memory_space<vmem>>[vector<16xi32>], vector<16xf32>,
        %parallel_loop3A_517 = arith.addf %parallel_loop3A_515, %parallel_loop3A_516 : vector<16xf32>
        %parallel_loop3A_518 = arith.addf %parallel_loop3A_517, %parallel_loop3A_517 : vector<16xf32>
        %parallel_loop3A_519 = math.exp %parallel_loop3A_518 : vector<16xf32>
        %parallel_loop3A_520 = arith.constant 1.000000e+00 : f32
        %parallel_loop3A_521 = vector.broadcast %parallel_loop3A_520 : f32 to vector<16xf32>
        %parallel_loop3A_522 = arith.addf %parallel_loop3A_519, %parallel_loop3A_521 : vector<16xf32>
        %parallel_loop3A_523 = arith.constant 2.000000e+00 : f32
        %parallel_loop3A_524 = vector.broadcast %parallel_loop3A_523 : f32 to vector<16xf32>
        %parallel_loop3A_525 = arith.divf %parallel_loop3A_524, %parallel_loop3A_522 : vector<16xf32>
        %parallel_loop3A_526 = arith.constant 1.000000e+00 : f32
        %parallel_loop3A_527 = vector.broadcast %parallel_loop3A_526 : f32 to vector<16xf32>
        %parallel_loop3A_528 = arith.subf %parallel_loop3A_527, %parallel_loop3A_525 : vector<16xf32>
        %parallel_loop3A_529 = arith.index_cast %parallel_loop3A_504 : i32 to index
        %parallel_loop3A_530 = tpu.vector_load %arg10[%parallel_loop3A_529] {strides = array<i32>} : memref<80xf32, #tpu.memory_space<vmem>>, vector<16xf32>,
        tpu.vector_store %arg10[%parallel_loop3A_529], %parallel_loop3A_528 {strides = array<i32>} : memref<80xf32, #tpu.memory_space<vmem>>, vector<16xf32>,
      } {sc.loop_unroll_factor = 5 : i64, sc.parallel_access}
      %ge3A = arith.constant 1 : i32
      %ge3A_471 = arith.cmpi sge, %scan3A_464, %ge3A : i32
      %convert_element_type3A = arith.extui %ge3A_471 : i1 to i32
      %cond3A = arith.constant 0 : i32
      %cond3A_472 = arith.cmpi ne, %convert_element_type3A, %cond3A : i32
      scf.if %cond3A_472 {
        %dma_wait3A_504 = arith.constant 0 : i32
        %dma_wait3A_505 = arith.constant 0 : i32
        %dma_wait3A_506 = arith.constant 0 : i32
        %dma_wait3A_507 = tpu.memref_slice %arg11[%dma_wait3A_504, %dma_wait3A_505, %dma_wait3A_506] : memref<2x80x128xf32, #tpu.memory_space<vmem>> -> memref<1x80x128xf32, #tpu.memory_space<vmem>>
        %dma_wait3A_508 = tpu.memref_squeeze %dma_wait3A_507 : memref<1x80x128xf32, #tpu.memory_space<vmem>> -> memref<80x128xf32, #tpu.memory_space<vmem>>
        %dma_wait3A_509 = arith.constant 0 : i32
        %dma_wait3A_510 = arith.constant 0 : i32
        %dma_wait3A_511 = tpu.memref_slice %arg2[%dma_wait3A_509, %dma_wait3A_510] : memref<10000x128xf32, #tpu.memory_space<hbm>> -> memref<80x128xf32, #tpu.memory_space<hbm>>
        %dma_wait3A_512 = arith.constant 0 : i32
        %dma_wait3A_513 = arith.constant 0 : i32
        %dma_wait3A_514 = tpu.memref_slice %arg11[%dma_wait3A_504, %dma_wait3A_512, %dma_wait3A_513] : memref<2x80x128xf32, #tpu.memory_space<vmem>> -> memref<1x80x128xf32, #tpu.memory_space<vmem>>
        %dma_wait3A_515 = tpu.memref_squeeze %dma_wait3A_514 : memref<1x80x128xf32, #tpu.memory_space<vmem>> -> memref<80x128xf32, #tpu.memory_space<vmem>>
        %dma_wait3A_516 = arith.constant 0 : i32
        %dma_wait3A_517 = arith.constant 0 : i32
        %dma_wait3A_518 = tpu.memref_slice %arg2[%dma_wait3A_516, %dma_wait3A_517] : memref<10000x128xf32, #tpu.memory_space<hbm>> -> memref<80x128xf32, #tpu.memory_space<hbm>>
        tpu.wait_dma2 semaphore(%arg17 : memref<!tpu.dma_semaphore, #tpu.memory_space<semaphore_mem>>) src(%dma_wait3A_518 : memref<80x128xf32, #tpu.memory_space<hbm>>) dst(%dma_wait3A_515 : memref<80x128xf32, #tpu.memory_space<vmem>>)
      } else {
      }
      %lt3A = arith.constant 124 : i32
      %lt3A_473 = arith.cmpi slt, %scan3A_464, %lt3A : i32
      %convert_element_type3A_474 = arith.extui %lt3A_473 : i1 to i32
      %cond3A_475 = arith.constant 0 : i32
      %cond3A_476 = arith.cmpi ne, %convert_element_type3A_474, %cond3A_475 : i32
      scf.if %cond3A_476 {
        %dma_wait3A_504 = arith.constant 0 : i32
        %dma_wait3A_505 = arith.constant 0 : i32
        %dma_wait3A_506 = arith.constant 0 : i32
        %dma_wait3A_507 = arith.constant 0 : i32
        %dma_wait3A_508 = tpu.memref_slice %arg9[%dma_wait3A_505, %dma_wait3A_506, %dma_wait3A_507] : memref<4x2x80xi32, #tpu.memory_space<vmem>> -> memref<1x2x80xi32, #tpu.memory_space<vmem>>
        %dma_wait3A_509 = tpu.memref_squeeze %dma_wait3A_508 : memref<1x2x80xi32, #tpu.memory_space<vmem>> -> memref<2x80xi32, #tpu.memory_space<vmem>>
        %dma_wait3A_510 = arith.constant 0 : i32
        %dma_wait3A_511 = arith.constant 0 : i32
        %dma_wait3A_512 = arith.constant 0 : i32
        %dma_wait3A_513 = tpu.memref_slice %arg5[%add3A, %dma_wait3A_510, %dma_wait3A_511, %dma_wait3A_512] : memref<32x125x2x80xi32, #tpu.memory_space<hbm>> -> memref<1x125x2x80xi32, #tpu.memory_space<hbm>>
        %dma_wait3A_514 = tpu.memref_squeeze %dma_wait3A_513 : memref<1x125x2x80xi32, #tpu.memory_space<hbm>> -> memref<125x2x80xi32, #tpu.memory_space<hbm>>
        %dma_wait3A_515 = arith.constant 0 : i32
        %dma_wait3A_516 = arith.constant 0 : i32
        %dma_wait3A_517 = tpu.memref_slice %dma_wait3A_514[%dma_wait3A_504, %dma_wait3A_515, %dma_wait3A_516] : memref<125x2x80xi32, #tpu.memory_space<hbm>> -> memref<1x2x80xi32, #tpu.memory_space<hbm>>
        %dma_wait3A_518 = tpu.memref_squeeze %dma_wait3A_517 : memref<1x2x80xi32, #tpu.memory_space<hbm>> -> memref<2x80xi32, #tpu.memory_space<hbm>>
        %dma_wait3A_519 = arith.constant 0 : i32
        %dma_wait3A_520 = arith.constant 0 : i32
        %dma_wait3A_521 = tpu.memref_slice %arg9[%dma_wait3A_505, %dma_wait3A_519, %dma_wait3A_520] : memref<4x2x80xi32, #tpu.memory_space<vmem>> -> memref<1x2x80xi32, #tpu.memory_space<vmem>>
        %dma_wait3A_522 = tpu.memref_squeeze %dma_wait3A_521 : memref<1x2x80xi32, #tpu.memory_space<vmem>> -> memref<2x80xi32, #tpu.memory_space<vmem>>
        %dma_wait3A_523 = arith.constant 0 : i32
        %dma_wait3A_524 = arith.constant 0 : i32
        %dma_wait3A_525 = arith.constant 0 : i32
        %dma_wait3A_526 = tpu.memref_slice %arg5[%add3A, %dma_wait3A_523, %dma_wait3A_524, %dma_wait3A_525] : memref<32x125x2x80xi32, #tpu.memory_space<hbm>> -> memref<1x125x2x80xi32, #tpu.memory_space<hbm>>
        %dma_wait3A_527 = tpu.memref_squeeze %dma_wait3A_526 : memref<1x125x2x80xi32, #tpu.memory_space<hbm>> -> memref<125x2x80xi32, #tpu.memory_space<hbm>>
        %dma_wait3A_528 = arith.constant 0 : i32
        %dma_wait3A_529 = arith.constant 0 : i32
        %dma_wait3A_530 = tpu.memref_slice %dma_wait3A_527[%dma_wait3A_504, %dma_wait3A_528, %dma_wait3A_529] : memref<125x2x80xi32, #tpu.memory_space<hbm>> -> memref<1x2x80xi32, #tpu.memory_space<hbm>>
        %dma_wait3A_531 = tpu.memref_squeeze %dma_wait3A_530 : memref<1x2x80xi32, #tpu.memory_space<hbm>> -> memref<2x80xi32, #tpu.memory_space<hbm>>
        tpu.wait_dma2 semaphore(%arg14 : memref<!tpu.dma_semaphore, #tpu.memory_space<semaphore_mem>>) src(%dma_wait3A_531 : memref<2x80xi32, #tpu.memory_space<hbm>>) dst(%dma_wait3A_522 : memref<2x80xi32, #tpu.memory_space<vmem>>)
        %lt3A_532 = arith.constant 123 : i32
        %lt3A_533 = arith.cmpi slt, %scan3A_464, %lt3A_532 : i32
        %convert_element_type3A_534 = arith.extui %lt3A_533 : i1 to i32
        %cond3A_535 = arith.constant 0 : i32
        %cond3A_536 = arith.cmpi ne, %convert_element_type3A_534, %cond3A_535 : i32
        scf.if %cond3A_536 {
          %add3A_551 = arith.constant 2 : i32
          %add3A_552 = arith.addi %scan3A_464, %add3A_551 : i32
          %add3A_553 = arith.constant 2 : i32
          %add3A_554 = arith.addi %scan3A_464, %add3A_553 : i32
          %and3A_555 = arith.constant 3 : i32
          %and3A_556 = arith.andi %add3A_554, %and3A_555 : i32
          %dma_start3A_557 = arith.constant 0 : i32
          %dma_start3A_558 = arith.constant 0 : i32
          %dma_start3A_559 = tpu.memref_slice %arg9[%and3A_556, %dma_start3A_557, %dma_start3A_558] : memref<4x2x80xi32, #tpu.memory_space<vmem>> -> memref<1x2x80xi32, #tpu.memory_space<vmem>>
          %dma_start3A_560 = tpu.memref_squeeze %dma_start3A_559 : memref<1x2x80xi32, #tpu.memory_space<vmem>> -> memref<2x80xi32, #tpu.memory_space<vmem>>
          %dma_start3A_561 = arith.constant 0 : i32
          %dma_start3A_562 = arith.constant 0 : i32
          %dma_start3A_563 = arith.constant 0 : i32
          %dma_start3A_564 = tpu.memref_slice %arg5[%add3A, %dma_start3A_561, %dma_start3A_562, %dma_start3A_563] : memref<32x125x2x80xi32, #tpu.memory_space<hbm>> -> memref<1x125x2x80xi32, #tpu.memory_space<hbm>>
          %dma_start3A_565 = tpu.memref_squeeze %dma_start3A_564 : memref<1x125x2x80xi32, #tpu.memory_space<hbm>> -> memref<125x2x80xi32, #tpu.memory_space<hbm>>
          %dma_start3A_566 = arith.constant 0 : i32
          %dma_start3A_567 = arith.constant 0 : i32
          %dma_start3A_568 = tpu.memref_slice %dma_start3A_565[%add3A_552, %dma_start3A_566, %dma_start3A_567] : memref<125x2x80xi32, #tpu.memory_space<hbm>> -> memref<1x2x80xi32, #tpu.memory_space<hbm>>
          %dma_start3A_569 = tpu.memref_squeeze %dma_start3A_568 : memref<1x2x80xi32, #tpu.memory_space<hbm>> -> memref<2x80xi32, #tpu.memory_space<hbm>>
          %dma_start3A_570 = arith.constant 0 : i32
          %dma_start3A_571 = arith.constant 0 : i32
          %dma_start3A_572 = tpu.memref_slice %arg9[%and3A_556, %dma_start3A_570, %dma_start3A_571] : memref<4x2x80xi32, #tpu.memory_space<vmem>> -> memref<1x2x80xi32, #tpu.memory_space<vmem>>
          %dma_start3A_573 = tpu.memref_squeeze %dma_start3A_572 : memref<1x2x80xi32, #tpu.memory_space<vmem>> -> memref<2x80xi32, #tpu.memory_space<vmem>>
          %dma_start3A_574 = arith.constant 0 : i32
          %dma_start3A_575 = arith.constant 0 : i32
          %dma_start3A_576 = arith.constant 0 : i32
          %dma_start3A_577 = tpu.memref_slice %arg5[%add3A, %dma_start3A_574, %dma_start3A_575, %dma_start3A_576] : memref<32x125x2x80xi32, #tpu.memory_space<hbm>> -> memref<1x125x2x80xi32, #tpu.memory_space<hbm>>
          %dma_start3A_578 = tpu.memref_squeeze %dma_start3A_577 : memref<1x125x2x80xi32, #tpu.memory_space<hbm>> -> memref<125x2x80xi32, #tpu.memory_space<hbm>>
          %dma_start3A_579 = arith.constant 0 : i32
          %dma_start3A_580 = arith.constant 0 : i32
          %dma_start3A_581 = tpu.memref_slice %dma_start3A_578[%add3A_552, %dma_start3A_579, %dma_start3A_580] : memref<125x2x80xi32, #tpu.memory_space<hbm>> -> memref<1x2x80xi32, #tpu.memory_space<hbm>>
          %dma_start3A_582 = tpu.memref_squeeze %dma_start3A_581 : memref<1x2x80xi32, #tpu.memory_space<hbm>> -> memref<2x80xi32, #tpu.memory_space<hbm>>
          tpu.enqueue_dma source(%dma_start3A_582 : memref<2x80xi32, #tpu.memory_space<hbm>>) target(%dma_start3A_573 : memref<2x80xi32, #tpu.memory_space<vmem>>) target_semaphore(%arg14 : memref<!tpu.dma_semaphore, #tpu.memory_space<semaphore_mem>>)
        } else {
        }
        %add3A_537 = arith.constant 1 : i32
        %add3A_538 = arith.addi %scan3A_464, %add3A_537 : i32
        %and3A_539 = arith.constant 3 : i32
        %and3A_540 = arith.andi %add3A_538, %and3A_539 : i32
        %eq3A_541 = arith.constant 0 : i32
        %eq3A_542 = arith.cmpi eq, %sub3A_468, %eq3A_541 : i32
        %convert_element_type3A_543 = arith.extui %eq3A_542 : i1 to i32
        %cond3A_544 = arith.constant 0 : i32
        %cond3A_545 = arith.cmpi ne, %convert_element_type3A_543, %cond3A_544 : i32
        scf.if %cond3A_545 {
          %dma_start3A_551 = arith.constant 0 : i32
          %dma_start3A_552 = arith.constant 0 : i32
          %dma_start3A_553 = arith.constant 0 : i32
          %dma_start3A_554 = tpu.memref_slice %arg11[%sub3A_468, %dma_start3A_552, %dma_start3A_553] : memref<2x80x128xf32, #tpu.memory_space<vmem>> -> memref<1x80x128xf32, #tpu.memory_space<vmem>>
          %dma_start3A_555 = tpu.memref_squeeze %dma_start3A_554 : memref<1x80x128xf32, #tpu.memory_space<vmem>> -> memref<80x128xf32, #tpu.memory_space<vmem>>
          %dma_start3A_556 = arith.constant 0 : i32
          %dma_start3A_557 = arith.constant 0 : i32
          %dma_start3A_558 = tpu.memref_slice %arg9[%and3A_540, %dma_start3A_556, %dma_start3A_557] : memref<4x2x80xi32, #tpu.memory_space<vmem>> -> memref<1x2x80xi32, #tpu.memory_space<vmem>>
          %dma_start3A_559 = tpu.memref_squeeze %dma_start3A_558 : memref<1x2x80xi32, #tpu.memory_space<vmem>> -> memref<2x80xi32, #tpu.memory_space<vmem>>
          %dma_start3A_560 = arith.constant 0 : i32
          %dma_start3A_561 = tpu.memref_slice %dma_start3A_559[%dma_start3A_551, %dma_start3A_560] : memref<2x80xi32, #tpu.memory_space<vmem>> -> memref<1x80xi32, #tpu.memory_space<vmem>>
          %dma_start3A_562 = tpu.memref_squeeze %dma_start3A_561 : memref<1x80xi32, #tpu.memory_space<vmem>> -> memref<80xi32, #tpu.memory_space<vmem>>
          %dma_start3A_563 = arith.constant 0 : i32
          %dma_start3A_564 = arith.constant 0 : i32
          %dma_start3A_565 = tpu.memref_slice %arg2[%dma_start3A_563, %dma_start3A_564] : memref<10000x128xf32, #tpu.memory_space<hbm>> -> memref<10000x128xf32, #tpu.memory_space<hbm>>
          tpu.enqueue_indirect_dma source(%dma_start3A_565 : memref<10000x128xf32, #tpu.memory_space<hbm>>) target(%dma_start3A_555 : memref<80x128xf32, #tpu.memory_space<vmem>>) offsets(%dma_start3A_562 : memref<80xi32, #tpu.memory_space<vmem>>) semaphore(%arg15 : memref<!tpu.dma_semaphore, #tpu.memory_space<semaphore_mem>>)
        } else {
        }
        %eq3A_546 = arith.constant 1 : i32
        %eq3A_547 = arith.cmpi eq, %sub3A_468, %eq3A_546 : i32
        %convert_element_type3A_548 = arith.extui %eq3A_547 : i1 to i32
        %cond3A_549 = arith.constant 0 : i32
        %cond3A_550 = arith.cmpi ne, %convert_element_type3A_548, %cond3A_549 : i32
        scf.if %cond3A_550 {
          %dma_start3A_551 = arith.constant 0 : i32
          %dma_start3A_552 = arith.constant 0 : i32
          %dma_start3A_553 = arith.constant 0 : i32
          %dma_start3A_554 = tpu.memref_slice %arg11[%sub3A_468, %dma_start3A_552, %dma_start3A_553] : memref<2x80x128xf32, #tpu.memory_space<vmem>> -> memref<1x80x128xf32, #tpu.memory_space<vmem>>
          %dma_start3A_555 = tpu.memref_squeeze %dma_start3A_554 : memref<1x80x128xf32, #tpu.memory_space<vmem>> -> memref<80x128xf32, #tpu.memory_space<vmem>>
          %dma_start3A_556 = arith.constant 0 : i32
          %dma_start3A_557 = arith.constant 0 : i32
          %dma_start3A_558 = tpu.memref_slice %arg9[%and3A_540, %dma_start3A_556, %dma_start3A_557] : memref<4x2x80xi32, #tpu.memory_space<vmem>> -> memref<1x2x80xi32, #tpu.memory_space<vmem>>
          %dma_start3A_559 = tpu.memref_squeeze %dma_start3A_558 : memref<1x2x80xi32, #tpu.memory_space<vmem>> -> memref<2x80xi32, #tpu.memory_space<vmem>>
          %dma_start3A_560 = arith.constant 0 : i32
          %dma_start3A_561 = tpu.memref_slice %dma_start3A_559[%dma_start3A_551, %dma_start3A_560] : memref<2x80xi32, #tpu.memory_space<vmem>> -> memref<1x80xi32, #tpu.memory_space<vmem>>
          %dma_start3A_562 = tpu.memref_squeeze %dma_start3A_561 : memref<1x80xi32, #tpu.memory_space<vmem>> -> memref<80xi32, #tpu.memory_space<vmem>>
          %dma_start3A_563 = arith.constant 0 : i32
          %dma_start3A_564 = arith.constant 0 : i32
          %dma_start3A_565 = tpu.memref_slice %arg2[%dma_start3A_563, %dma_start3A_564] : memref<10000x128xf32, #tpu.memory_space<hbm>> -> memref<10000x128xf32, #tpu.memory_space<hbm>>
          tpu.enqueue_indirect_dma source(%dma_start3A_565 : memref<10000x128xf32, #tpu.memory_space<hbm>>) target(%dma_start3A_555 : memref<80x128xf32, #tpu.memory_space<vmem>>) offsets(%dma_start3A_562 : memref<80xi32, #tpu.memory_space<vmem>>) semaphore(%arg16 : memref<!tpu.dma_semaphore, #tpu.memory_space<semaphore_mem>>)
        } else {
        }
      } else {
      }
      %eq3A = arith.constant 0 : i32
      %eq3A_477 = arith.cmpi eq, %and3A_467, %eq3A : i32
      %convert_element_type3A_478 = arith.extui %eq3A_477 : i1 to i32
      %cond3A_479 = arith.constant 0 : i32
      %cond3A_480 = arith.cmpi ne, %convert_element_type3A_478, %cond3A_479 : i32
      scf.if %cond3A_480 {
        %dma_wait3A_504 = arith.constant 0 : i32
        %dma_wait3A_505 = arith.constant 0 : i32
        %dma_wait3A_506 = arith.constant 0 : i32
        %dma_wait3A_507 = tpu.memref_slice %arg11[%dma_wait3A_504, %dma_wait3A_505, %dma_wait3A_506] : memref<2x80x128xf32, #tpu.memory_space<vmem>> -> memref<1x80x128xf32, #tpu.memory_space<vmem>>
        %dma_wait3A_508 = tpu.memref_squeeze %dma_wait3A_507 : memref<1x80x128xf32, #tpu.memory_space<vmem>> -> memref<80x128xf32, #tpu.memory_space<vmem>>
        %dma_wait3A_509 = arith.constant 0 : i32
        %dma_wait3A_510 = arith.constant 0 : i32
        %dma_wait3A_511 = tpu.memref_slice %arg2[%dma_wait3A_509, %dma_wait3A_510] : memref<10000x128xf32, #tpu.memory_space<hbm>> -> memref<80x128xf32, #tpu.memory_space<hbm>>
        %dma_wait3A_512 = arith.constant 0 : i32
        %dma_wait3A_513 = arith.constant 0 : i32
        %dma_wait3A_514 = tpu.memref_slice %arg11[%dma_wait3A_504, %dma_wait3A_512, %dma_wait3A_513] : memref<2x80x128xf32, #tpu.memory_space<vmem>> -> memref<1x80x128xf32, #tpu.memory_space<vmem>>
        %dma_wait3A_515 = tpu.memref_squeeze %dma_wait3A_514 : memref<1x80x128xf32, #tpu.memory_space<vmem>> -> memref<80x128xf32, #tpu.memory_space<vmem>>
        %dma_wait3A_516 = arith.constant 0 : i32
        %dma_wait3A_517 = arith.constant 0 : i32
        %dma_wait3A_518 = tpu.memref_slice %arg2[%dma_wait3A_516, %dma_wait3A_517] : memref<10000x128xf32, #tpu.memory_space<hbm>> -> memref<80x128xf32, #tpu.memory_space<hbm>>
        tpu.wait_dma2 semaphore(%arg15 : memref<!tpu.dma_semaphore, #tpu.memory_space<semaphore_mem>>) src(%dma_wait3A_518 : memref<80x128xf32, #tpu.memory_space<hbm>>) dst(%dma_wait3A_515 : memref<80x128xf32, #tpu.memory_space<vmem>>)
      } else {
      }
      %eq3A_481 = arith.constant 1 : i32
      %eq3A_482 = arith.cmpi eq, %and3A_467, %eq3A_481 : i32
      %convert_element_type3A_483 = arith.extui %eq3A_482 : i1 to i32
      %cond3A_484 = arith.constant 0 : i32
      %cond3A_485 = arith.cmpi ne, %convert_element_type3A_483, %cond3A_484 : i32
      scf.if %cond3A_485 {
        %dma_wait3A_504 = arith.constant 0 : i32
        %dma_wait3A_505 = arith.constant 0 : i32
        %dma_wait3A_506 = arith.constant 0 : i32
        %dma_wait3A_507 = tpu.memref_slice %arg11[%dma_wait3A_504, %dma_wait3A_505, %dma_wait3A_506] : memref<2x80x128xf32, #tpu.memory_space<vmem>> -> memref<1x80x128xf32, #tpu.memory_space<vmem>>
        %dma_wait3A_508 = tpu.memref_squeeze %dma_wait3A_507 : memref<1x80x128xf32, #tpu.memory_space<vmem>> -> memref<80x128xf32, #tpu.memory_space<vmem>>
        %dma_wait3A_509 = arith.constant 0 : i32
        %dma_wait3A_510 = arith.constant 0 : i32
        %dma_wait3A_511 = tpu.memref_slice %arg2[%dma_wait3A_509, %dma_wait3A_510] : memref<10000x128xf32, #tpu.memory_space<hbm>> -> memref<80x128xf32, #tpu.memory_space<hbm>>
        %dma_wait3A_512 = arith.constant 0 : i32
        %dma_wait3A_513 = arith.constant 0 : i32
        %dma_wait3A_514 = tpu.memref_slice %arg11[%dma_wait3A_504, %dma_wait3A_512, %dma_wait3A_513] : memref<2x80x128xf32, #tpu.memory_space<vmem>> -> memref<1x80x128xf32, #tpu.memory_space<vmem>>
        %dma_wait3A_515 = tpu.memref_squeeze %dma_wait3A_514 : memref<1x80x128xf32, #tpu.memory_space<vmem>> -> memref<80x128xf32, #tpu.memory_space<vmem>>
        %dma_wait3A_516 = arith.constant 0 : i32
        %dma_wait3A_517 = arith.constant 0 : i32
        %dma_wait3A_518 = tpu.memref_slice %arg2[%dma_wait3A_516, %dma_wait3A_517] : memref<10000x128xf32, #tpu.memory_space<hbm>> -> memref<80x128xf32, #tpu.memory_space<hbm>>
        tpu.wait_dma2 semaphore(%arg16 : memref<!tpu.dma_semaphore, #tpu.memory_space<semaphore_mem>>) src(%dma_wait3A_518 : memref<80x128xf32, #tpu.memory_space<hbm>>) dst(%dma_wait3A_515 : memref<80x128xf32, #tpu.memory_space<vmem>>)
      } else {
      }
      %parallel_loop3A_486 = arith.constant 0 : i32
      %parallel_loop3A_487 = arith.constant 80 : i32
      %parallel_loop3A_488 = arith.constant 1 : i32
      scf.for %parallel_loop3A_504 = %parallel_loop3A_486 to %parallel_loop3A_487 step %parallel_loop3A_488  : i32 {
        %parallel_loop3A_505 = vector.broadcast %parallel_loop3A_504 : i32 to vector<16xi32>
        %parallel_loop3A_506 = tpu.vector_load_idx %arg10[%parallel_loop3A_505] : memref<80xf32, #tpu.memory_space<vmem>>[vector<16xi32>], vector<16xf32>,
        %parallel_loop3A_507 = arith.index_cast %and3A_467 : i32 to index
        %parallel_loop3A_508 = arith.index_cast %parallel_loop3A_504 : i32 to index
        %parallel_loop3A_509 = arith.constant 0 : index
        %parallel_loop3A_510 = tpu.vector_load %arg11[%parallel_loop3A_507, %parallel_loop3A_508, %parallel_loop3A_509] {strides = array<i32>} : memref<2x80x128xf32, #tpu.memory_space<vmem>>, vector<16xf32>,
        %parallel_loop3A_511 = arith.mulf %parallel_loop3A_510, %parallel_loop3A_506 : vector<16xf32>
        %parallel_loop3A_512 = arith.index_cast %and3A_467 : i32 to index
        %parallel_loop3A_513 = arith.index_cast %parallel_loop3A_504 : i32 to index
        %parallel_loop3A_514 = arith.constant 0 : index
        %parallel_loop3A_515 = tpu.vector_load %arg11[%parallel_loop3A_512, %parallel_loop3A_513, %parallel_loop3A_514] {strides = array<i32>} : memref<2x80x128xf32, #tpu.memory_space<vmem>>, vector<16xf32>,
        tpu.vector_store %arg11[%parallel_loop3A_512, %parallel_loop3A_513, %parallel_loop3A_514], %parallel_loop3A_511 {strides = array<i32>} : memref<2x80x128xf32, #tpu.memory_space<vmem>>, vector<16xf32>,
        %parallel_loop3A_516 = arith.index_cast %and3A_467 : i32 to index
        %parallel_loop3A_517 = arith.index_cast %parallel_loop3A_504 : i32 to index
        %parallel_loop3A_518 = arith.constant 16 : index
        %parallel_loop3A_519 = tpu.vector_load %arg11[%parallel_loop3A_516, %parallel_loop3A_517, %parallel_loop3A_518] {strides = array<i32>} : memref<2x80x128xf32, #tpu.memory_space<vmem>>, vector<16xf32>,
        %parallel_loop3A_520 = arith.mulf %parallel_loop3A_519, %parallel_loop3A_506 : vector<16xf32>
        %parallel_loop3A_521 = arith.index_cast %and3A_467 : i32 to index
        %parallel_loop3A_522 = arith.index_cast %parallel_loop3A_504 : i32 to index
        %parallel_loop3A_523 = arith.constant 16 : index
        %parallel_loop3A_524 = tpu.vector_load %arg11[%parallel_loop3A_521, %parallel_loop3A_522, %parallel_loop3A_523] {strides = array<i32>} : memref<2x80x128xf32, #tpu.memory_space<vmem>>, vector<16xf32>,
        tpu.vector_store %arg11[%parallel_loop3A_521, %parallel_loop3A_522, %parallel_loop3A_523], %parallel_loop3A_520 {strides = array<i32>} : memref<2x80x128xf32, #tpu.memory_space<vmem>>, vector<16xf32>,
        %parallel_loop3A_525 = arith.index_cast %and3A_467 : i32 to index
        %parallel_loop3A_526 = arith.index_cast %parallel_loop3A_504 : i32 to index
        %parallel_loop3A_527 = arith.constant 32 : index
        %parallel_loop3A_528 = tpu.vector_load %arg11[%parallel_loop3A_525, %parallel_loop3A_526, %parallel_loop3A_527] {strides = array<i32>} : memref<2x80x128xf32, #tpu.memory_space<vmem>>, vector<16xf32>,
        %parallel_loop3A_529 = arith.mulf %parallel_loop3A_528, %parallel_loop3A_506 : vector<16xf32>
        %parallel_loop3A_530 = arith.index_cast %and3A_467 : i32 to index
        %parallel_loop3A_531 = arith.index_cast %parallel_loop3A_504 : i32 to index
        %parallel_loop3A_532 = arith.constant 32 : index
        %parallel_loop3A_533 = tpu.vector_load %arg11[%parallel_loop3A_530, %parallel_loop3A_531, %parallel_loop3A_532] {strides = array<i32>} : memref<2x80x128xf32, #tpu.memory_space<vmem>>, vector<16xf32>,
        tpu.vector_store %arg11[%parallel_loop3A_530, %parallel_loop3A_531, %parallel_loop3A_532], %parallel_loop3A_529 {strides = array<i32>} : memref<2x80x128xf32, #tpu.memory_space<vmem>>, vector<16xf32>,
        %parallel_loop3A_534 = arith.index_cast %and3A_467 : i32 to index
        %parallel_loop3A_535 = arith.index_cast %parallel_loop3A_504 : i32 to index
        %parallel_loop3A_536 = arith.constant 48 : index
        %parallel_loop3A_537 = tpu.vector_load %arg11[%parallel_loop3A_534, %parallel_loop3A_535, %parallel_loop3A_536] {strides = array<i32>} : memref<2x80x128xf32, #tpu.memory_space<vmem>>, vector<16xf32>,
        %parallel_loop3A_538 = arith.mulf %parallel_loop3A_537, %parallel_loop3A_506 : vector<16xf32>
        %parallel_loop3A_539 = arith.index_cast %and3A_467 : i32 to index
        %parallel_loop3A_540 = arith.index_cast %parallel_loop3A_504 : i32 to index
        %parallel_loop3A_541 = arith.constant 48 : index
        %parallel_loop3A_542 = tpu.vector_load %arg11[%parallel_loop3A_539, %parallel_loop3A_540, %parallel_loop3A_541] {strides = array<i32>} : memref<2x80x128xf32, #tpu.memory_space<vmem>>, vector<16xf32>,
        tpu.vector_store %arg11[%parallel_loop3A_539, %parallel_loop3A_540, %parallel_loop3A_541], %parallel_loop3A_538 {strides = array<i32>} : memref<2x80x128xf32, #tpu.memory_space<vmem>>, vector<16xf32>,
        %parallel_loop3A_543 = arith.index_cast %and3A_467 : i32 to index
        %parallel_loop3A_544 = arith.index_cast %parallel_loop3A_504 : i32 to index
        %parallel_loop3A_545 = arith.constant 64 : index
        %parallel_loop3A_546 = tpu.vector_load %arg11[%parallel_loop3A_543, %parallel_loop3A_544, %parallel_loop3A_545] {strides = array<i32>} : memref<2x80x128xf32, #tpu.memory_space<vmem>>, vector<16xf32>,
        %parallel_loop3A_547 = arith.mulf %parallel_loop3A_546, %parallel_loop3A_506 : vector<16xf32>
        %parallel_loop3A_548 = arith.index_cast %and3A_467 : i32 to index
        %parallel_loop3A_549 = arith.index_cast %parallel_loop3A_504 : i32 to index
        %parallel_loop3A_550 = arith.constant 64 : index
        %parallel_loop3A_551 = tpu.vector_load %arg11[%parallel_loop3A_548, %parallel_loop3A_549, %parallel_loop3A_550] {strides = array<i32>} : memref<2x80x128xf32, #tpu.memory_space<vmem>>, vector<16xf32>,
        tpu.vector_store %arg11[%parallel_loop3A_548, %parallel_loop3A_549, %parallel_loop3A_550], %parallel_loop3A_547 {strides = array<i32>} : memref<2x80x128xf32, #tpu.memory_space<vmem>>, vector<16xf32>,
        %parallel_loop3A_552 = arith.index_cast %and3A_467 : i32 to index
        %parallel_loop3A_553 = arith.index_cast %parallel_loop3A_504 : i32 to index
        %parallel_loop3A_554 = arith.constant 80 : index
        %parallel_loop3A_555 = tpu.vector_load %arg11[%parallel_loop3A_552, %parallel_loop3A_553, %parallel_loop3A_554] {strides = array<i32>} : memref<2x80x128xf32, #tpu.memory_space<vmem>>, vector<16xf32>,
        %parallel_loop3A_556 = arith.mulf %parallel_loop3A_555, %parallel_loop3A_506 : vector<16xf32>
        %parallel_loop3A_557 = arith.index_cast %and3A_467 : i32 to index
        %parallel_loop3A_558 = arith.index_cast %parallel_loop3A_504 : i32 to index
        %parallel_loop3A_559 = arith.constant 80 : index
        %parallel_loop3A_560 = tpu.vector_load %arg11[%parallel_loop3A_557, %parallel_loop3A_558, %parallel_loop3A_559] {strides = array<i32>} : memref<2x80x128xf32, #tpu.memory_space<vmem>>, vector<16xf32>,
        tpu.vector_store %arg11[%parallel_loop3A_557, %parallel_loop3A_558, %parallel_loop3A_559], %parallel_loop3A_556 {strides = array<i32>} : memref<2x80x128xf32, #tpu.memory_space<vmem>>, vector<16xf32>,
        %parallel_loop3A_561 = arith.index_cast %and3A_467 : i32 to index
        %parallel_loop3A_562 = arith.index_cast %parallel_loop3A_504 : i32 to index
        %parallel_loop3A_563 = arith.constant 96 : index
        %parallel_loop3A_564 = tpu.vector_load %arg11[%parallel_loop3A_561, %parallel_loop3A_562, %parallel_loop3A_563] {strides = array<i32>} : memref<2x80x128xf32, #tpu.memory_space<vmem>>, vector<16xf32>,
        %parallel_loop3A_565 = arith.mulf %parallel_loop3A_564, %parallel_loop3A_506 : vector<16xf32>
        %parallel_loop3A_566 = arith.index_cast %and3A_467 : i32 to index
        %parallel_loop3A_567 = arith.index_cast %parallel_loop3A_504 : i32 to index
        %parallel_loop3A_568 = arith.constant 96 : index
        %parallel_loop3A_569 = tpu.vector_load %arg11[%parallel_loop3A_566, %parallel_loop3A_567, %parallel_loop3A_568] {strides = array<i32>} : memref<2x80x128xf32, #tpu.memory_space<vmem>>, vector<16xf32>,
        tpu.vector_store %arg11[%parallel_loop3A_566, %parallel_loop3A_567, %parallel_loop3A_568], %parallel_loop3A_565 {strides = array<i32>} : memref<2x80x128xf32, #tpu.memory_space<vmem>>, vector<16xf32>,
        %parallel_loop3A_570 = arith.index_cast %and3A_467 : i32 to index
        %parallel_loop3A_571 = arith.index_cast %parallel_loop3A_504 : i32 to index
        %parallel_loop3A_572 = arith.constant 112 : index
        %parallel_loop3A_573 = tpu.vector_load %arg11[%parallel_loop3A_570, %parallel_loop3A_571, %parallel_loop3A_572] {strides = array<i32>} : memref<2x80x128xf32, #tpu.memory_space<vmem>>, vector<16xf32>,
        %parallel_loop3A_574 = arith.mulf %parallel_loop3A_573, %parallel_loop3A_506 : vector<16xf32>
        %parallel_loop3A_575 = arith.index_cast %and3A_467 : i32 to index
        %parallel_loop3A_576 = arith.index_cast %parallel_loop3A_504 : i32 to index
        %parallel_loop3A_577 = arith.constant 112 : index
        %parallel_loop3A_578 = tpu.vector_load %arg11[%parallel_loop3A_575, %parallel_loop3A_576, %parallel_loop3A_577] {strides = array<i32>} : memref<2x80x128xf32, #tpu.memory_space<vmem>>, vector<16xf32>,
        tpu.vector_store %arg11[%parallel_loop3A_575, %parallel_loop3A_576, %parallel_loop3A_577], %parallel_loop3A_574 {strides = array<i32>} : memref<2x80x128xf32, #tpu.memory_space<vmem>>, vector<16xf32>,
      } {sc.loop_unroll_factor = 16 : i64, sc.parallel_access}
      %dma_start3A_489 = arith.constant 1 : i32
      %dma_start3A_490 = arith.constant 0 : i32
      %dma_start3A_491 = arith.constant 0 : i32
      %dma_start3A_492 = tpu.memref_slice %arg11[%and3A_467, %dma_start3A_490, %dma_start3A_491] : memref<2x80x128xf32, #tpu.memory_space<vmem>> -> memref<1x80x128xf32, #tpu.memory_space<vmem>>
      %dma_start3A_493 = tpu.memref_squeeze %dma_start3A_492 : memref<1x80x128xf32, #tpu.memory_space<vmem>> -> memref<80x128xf32, #tpu.memory_space<vmem>>
      %dma_start3A_494 = arith.constant 0 : i32
      %dma_start3A_495 = arith.constant 0 : i32
      %dma_start3A_496 = tpu.memref_slice %arg9[%and3A_465, %dma_start3A_494, %dma_start3A_495] : memref<4x2x80xi32, #tpu.memory_space<vmem>> -> memref<1x2x80xi32, #tpu.memory_space<vmem>>
      %dma_start3A_497 = tpu.memref_squeeze %dma_start3A_496 : memref<1x2x80xi32, #tpu.memory_space<vmem>> -> memref<2x80xi32, #tpu.memory_space<vmem>>
      %dma_start3A_498 = arith.constant 0 : i32
      %dma_start3A_499 = tpu.memref_slice %dma_start3A_497[%dma_start3A_489, %dma_start3A_498] : memref<2x80xi32, #tpu.memory_space<vmem>> -> memref<1x80xi32, #tpu.memory_space<vmem>>
      %dma_start3A_500 = tpu.memref_squeeze %dma_start3A_499 : memref<1x80xi32, #tpu.memory_space<vmem>> -> memref<80xi32, #tpu.memory_space<vmem>>
      %dma_start3A_501 = arith.constant 0 : i32
      %dma_start3A_502 = arith.constant 0 : i32
      %dma_start3A_503 = tpu.memref_slice %arg13[%dma_start3A_501, %dma_start3A_502] : memref<10240x128xf32, #tpu.memory_space<vmem_shared>> -> memref<10240x128xf32, #tpu.memory_space<vmem_shared>>
      tpu.enqueue_indirect_dma source(%dma_start3A_493 : memref<80x128xf32, #tpu.memory_space<vmem>>) target(%dma_start3A_503 : memref<10240x128xf32, #tpu.memory_space<vmem_shared>>) offsets(%dma_start3A_500 : memref<80xi32, #tpu.memory_space<vmem>>) semaphore(%arg17 : memref<!tpu.dma_semaphore, #tpu.memory_space<semaphore_mem>>) {add = true}
    }
    %scan3A_444 = arith.constant 125 : i32
    %dma_wait3A = arith.constant 0 : i32
    %dma_wait3A_445 = arith.constant 0 : i32
    %dma_wait3A_446 = arith.constant 0 : i32
    %dma_wait3A_447 = tpu.memref_slice %arg11[%dma_wait3A, %dma_wait3A_445, %dma_wait3A_446] : memref<2x80x128xf32, #tpu.memory_space<vmem>> -> memref<1x80x128xf32, #tpu.memory_space<vmem>>
    %dma_wait3A_448 = tpu.memref_squeeze %dma_wait3A_447 : memref<1x80x128xf32, #tpu.memory_space<vmem>> -> memref<80x128xf32, #tpu.memory_space<vmem>>
    %dma_wait3A_449 = arith.constant 0 : i32
    %dma_wait3A_450 = arith.constant 0 : i32
    %dma_wait3A_451 = tpu.memref_slice %arg2[%dma_wait3A_449, %dma_wait3A_450] : memref<10000x128xf32, #tpu.memory_space<hbm>> -> memref<80x128xf32, #tpu.memory_space<hbm>>
    %dma_wait3A_452 = arith.constant 0 : i32
    %dma_wait3A_453 = arith.constant 0 : i32
    %dma_wait3A_454 = tpu.memref_slice %arg11[%dma_wait3A, %dma_wait3A_452, %dma_wait3A_453] : memref<2x80x128xf32, #tpu.memory_space<vmem>> -> memref<1x80x128xf32, #tpu.memory_space<vmem>>
    %dma_wait3A_455 = tpu.memref_squeeze %dma_wait3A_454 : memref<1x80x128xf32, #tpu.memory_space<vmem>> -> memref<80x128xf32, #tpu.memory_space<vmem>>
    %dma_wait3A_456 = arith.constant 0 : i32
    %dma_wait3A_457 = arith.constant 0 : i32
    %dma_wait3A_458 = tpu.memref_slice %arg2[%dma_wait3A_456, %dma_wait3A_457] : memref<10000x128xf32, #tpu.memory_space<hbm>> -> memref<80x128xf32, #tpu.memory_space<hbm>>
    tpu.wait_dma2 semaphore(%arg17 : memref<!tpu.dma_semaphore, #tpu.memory_space<semaphore_mem>>) src(%dma_wait3A_458 : memref<80x128xf32, #tpu.memory_space<hbm>>) dst(%dma_wait3A_455 : memref<80x128xf32, #tpu.memory_space<vmem>>)
    %barrier3A_459 = arith.constant 0 : index
    tpu.barrier barrier_id(%barrier3A_459)
    %mul3A_460 = arith.constant 640 : i32
    %mul3A_461 = arith.muli %arg1, %mul3A_460 : i32
    %mul3A_462 = arith.constant 640 : i32
    %mul3A_463 = arith.muli %arg1, %mul3A_462 : i32
    "tpu.region"() ({
      %run_scoped3A_464 = tpu.sem_alloc : memref<!tpu.dma_semaphore, #tpu.memory_space<semaphore_mem>>
      %dma_start3A_465 = arith.constant 0 : i32
      %dma_start3A_466 = arith.constant 0 : i32
      %dma_start3A_467 = tpu.memref_slice %arg6[%arg0, %dma_start3A_465, %dma_start3A_466] : memref<2x10240x128xf32, #tpu.memory_space<hbm>> -> memref<1x10240x128xf32, #tpu.memory_space<hbm>>
      %dma_start3A_468 = tpu.memref_squeeze %dma_start3A_467 : memref<1x10240x128xf32, #tpu.memory_space<hbm>> -> memref<10240x128xf32, #tpu.memory_space<hbm>>
      %dma_start3A_469 = arith.constant 0 : i32
      %dma_start3A_470 = tpu.memref_slice %dma_start3A_468[%mul3A_463, %dma_start3A_469] : memref<10240x128xf32, #tpu.memory_space<hbm>> -> memref<640x128xf32, #tpu.memory_space<hbm>>
      %dma_start3A_471 = arith.constant 0 : i32
      %dma_start3A_472 = tpu.memref_slice %arg13[%mul3A_461, %dma_start3A_471] : memref<10240x128xf32, #tpu.memory_space<vmem_shared>> -> memref<640x128xf32, #tpu.memory_space<vmem_shared>>
      tpu.enqueue_dma source(%dma_start3A_472 : memref<640x128xf32, #tpu.memory_space<vmem_shared>>) target(%dma_start3A_470 : memref<640x128xf32, #tpu.memory_space<hbm>>) target_semaphore(%run_scoped3A_464 : memref<!tpu.dma_semaphore, #tpu.memory_space<semaphore_mem>>)
      %dma_wait3A_473 = arith.constant 0 : i32
      %dma_wait3A_474 = arith.constant 0 : i32
      %dma_wait3A_475 = tpu.memref_slice %arg6[%arg0, %dma_wait3A_473, %dma_wait3A_474] : memref<2x10240x128xf32, #tpu.memory_space<hbm>> -> memref<1x10240x128xf32, #tpu.memory_space<hbm>>
      %dma_wait3A_476 = tpu.memref_squeeze %dma_wait3A_475 : memref<1x10240x128xf32, #tpu.memory_space<hbm>> -> memref<10240x128xf32, #tpu.memory_space<hbm>>
      %dma_wait3A_477 = arith.constant 0 : i32
      %dma_wait3A_478 = tpu.memref_slice %dma_wait3A_476[%mul3A_463, %dma_wait3A_477] : memref<10240x128xf32, #tpu.memory_space<hbm>> -> memref<640x128xf32, #tpu.memory_space<hbm>>
      %dma_wait3A_479 = arith.constant 0 : i32
      %dma_wait3A_480 = tpu.memref_slice %arg13[%mul3A_461, %dma_wait3A_479] : memref<10240x128xf32, #tpu.memory_space<vmem_shared>> -> memref<640x128xf32, #tpu.memory_space<vmem_shared>>
      tpu.wait_dma2 semaphore(%run_scoped3A_464 : memref<!tpu.dma_semaphore, #tpu.memory_space<semaphore_mem>>) src(%dma_wait3A_480 : memref<640x128xf32, #tpu.memory_space<vmem_shared>>) dst(%dma_wait3A_478 : memref<640x128xf32, #tpu.memory_space<hbm>>)
      tpu.yield
    }) : () -> ()
    return
  }
}

module attributes {stable_mosaic.version = 14 : i64} {
  func.func @_k1_body(%arg0: i32, %arg1: memref<2000x128xf32, #tpu.memory_space<vmem>>, %arg2: memref<128x128xf32, #tpu.memory_space<vmem>>, %arg3: memref<1x128xf32, #tpu.memory_space<vmem>>, %arg4: memref<1x128xf32, #tpu.memory_space<vmem>>, %arg5: memref<1x128xf32, #tpu.memory_space<vmem>>, %arg6: memref<1x1xf32, #tpu.memory_space<vmem>>, %arg7: memref<2000x2xf32, #tpu.memory_space<vmem>>, %arg8: memref<2000x128xf32, #tpu.memory_space<vmem>>, %arg9: memref<2000x128xf32, #tpu.memory_space<vmem>>, %arg10: memref<2000x1xf32, #tpu.memory_space<vmem>>, %arg11: memref<2000x1xf32, #tpu.memory_space<vmem>>, %arg12: memref<2000x1xf32, #tpu.memory_space<vmem>>) attributes {dimension_semantics = [#tpu.dimension_semantics<arbitrary>], iteration_bounds = array<i64: 5>, scalar_prefetch = 0 : i64, scratch_operands = 0 : i64, tpu.core_type = #tpu.core_type<tc>, window_params = [{transform_indices = @transform_0, window_bounds = array<i64: 2000, 128>}, {pipeline_mode = #tpu.pipeline_mode<synchronous>, transform_indices = @transform_1, window_bounds = array<i64: 128, 128>}, {pipeline_mode = #tpu.pipeline_mode<synchronous>, transform_indices = @transform_2, window_bounds = array<i64: 1, 128>}, {pipeline_mode = #tpu.pipeline_mode<synchronous>, transform_indices = @transform_3, window_bounds = array<i64: 1, 128>}, {pipeline_mode = #tpu.pipeline_mode<synchronous>, transform_indices = @transform_4, window_bounds = array<i64: 1, 128>}, {pipeline_mode = #tpu.pipeline_mode<synchronous>, transform_indices = @transform_5, window_bounds = array<i64: 1, 1>}, {transform_indices = @transform_6, window_bounds = array<i64: 2000, 2>}, {transform_indices = @transform_7, window_bounds = array<i64: 2000, 128>}, {transform_indices = @transform_8, window_bounds = array<i64: 2000, 128>}, {transform_indices = @transform_9, window_bounds = array<i64: 2000, 1>}, {transform_indices = @transform_10, window_bounds = array<i64: 2000, 1>}, {transform_indices = @transform_11, window_bounds = array<i64: 2000, 1>}]} {
    %get3A = arith.constant 0 : index
    %get3A_0 = arith.constant 0 : index
    %get3A_1 = vector.load %arg1[%get3A, %get3A_0] : memref<2000x128xf32, #tpu.memory_space<vmem>>, vector<2000x128xf32>
    %get3A_2 = arith.constant 0 : index
    %get3A_3 = arith.constant 0 : index
    %get3A_4 = vector.load %arg2[%get3A_2, %get3A_3] : memref<128x128xf32, #tpu.memory_space<vmem>>, vector<128x128xf32>
    %dot_general3A = arith.constant dense<0.000000e+00> : vector<2000x128xf32>
    %dot_general3A_5 = tpu.matmul %get3A_1, %get3A_4, %dot_general3A {dimension_numbers = #tpu.dot_dimension_numbers<[1], [0], [0], [1], [0, 0, 1, 1], [], []>, transpose_lhs_hint = false} : vector<2000x128xf32>, vector<128x128xf32>, vector<2000x128xf32> -> vector<2000x128xf32>
    %get3A_6 = arith.constant 0 : index
    %get3A_7 = arith.constant 0 : index
    %get3A_8 = vector.load %arg3[%get3A_6, %get3A_7] : memref<1x128xf32, #tpu.memory_space<vmem>>, vector<1x128xf32>
    %add3A = vector.broadcast %get3A_8 : vector<1x128xf32> to vector<2000x128xf32>
    %add3A_9 = arith.addf %dot_general3A_5, %add3A : vector<2000x128xf32>
    %max3A = arith.constant 0.000000e+00 : f32
    %max3A_10 = vector.broadcast %max3A : f32 to vector<2000x128xf32>
    %max3A_11 = arith.maximumf %add3A_9, %max3A_10 : vector<2000x128xf32>
    %swap3A = arith.constant 0 : index
    %swap3A_12 = arith.constant 0 : index
    %swap3A_13 = vector.load %arg8[%swap3A, %swap3A_12] : memref<2000x128xf32, #tpu.memory_space<vmem>>, vector<2000x128xf32>
    tpu.vector_store %arg8[%swap3A, %swap3A_12], %max3A_11 {strides = array<i32>} : memref<2000x128xf32, #tpu.memory_space<vmem>>, vector<2000x128xf32>,
    %get3A_14 = arith.constant 0 : index
    %get3A_15 = arith.constant 0 : index
    %get3A_16 = vector.load %arg4[%get3A_14, %get3A_15] : memref<1x128xf32, #tpu.memory_space<vmem>>, vector<1x128xf32>
    %mul3A = vector.broadcast %get3A_16 : vector<1x128xf32> to vector<2000x128xf32>
    %mul3A_17 = arith.mulf %max3A_11, %mul3A : vector<2000x128xf32>
    %reduce_sum3A = arith.constant dense<0.000000e+00> : vector<2000xf32>
    %reduce_sum3A_18 = vector.multi_reduction <add>, %mul3A_17, %reduce_sum3A [1] : vector<2000x128xf32> to vector<2000xf32>
    %broadcast_in_dim3A = vector.shape_cast %reduce_sum3A_18 : vector<2000xf32> to vector<2000x1xf32>
    %get3A_19 = arith.constant 0 : index
    %get3A_20 = arith.constant 0 : index
    %get3A_21 = vector.load %arg6[%get3A_19, %get3A_20] : memref<1x1xf32, #tpu.memory_space<vmem>>, vector<1x1xf32>
    %add3A_22 = vector.broadcast %get3A_21 : vector<1x1xf32> to vector<2000x1xf32>
    %add3A_23 = arith.addf %broadcast_in_dim3A, %add3A_22 : vector<2000x1xf32>
    %swap3A_24 = arith.constant 0 : index
    %swap3A_25 = arith.constant 0 : index
    %swap3A_26 = vector.load %arg10[%swap3A_24, %swap3A_25] : memref<2000x1xf32, #tpu.memory_space<vmem>>, vector<2000x1xf32>
    tpu.vector_store %arg10[%swap3A_24, %swap3A_25], %add3A_23 {strides = array<i32>} : memref<2000x1xf32, #tpu.memory_space<vmem>>, vector<2000x1xf32>,
    %get3A_27 = arith.constant 0 : index
    %get3A_28 = arith.constant 0 : index
    %get3A_29 = vector.load %arg5[%get3A_27, %get3A_28] : memref<1x128xf32, #tpu.memory_space<vmem>>, vector<1x128xf32>
    %mul3A_30 = vector.broadcast %get3A_29 : vector<1x128xf32> to vector<2000x128xf32>
    %mul3A_31 = arith.mulf %max3A_11, %mul3A_30 : vector<2000x128xf32>
    %reduce_sum3A_32 = arith.constant dense<0.000000e+00> : vector<2000xf32>
    %reduce_sum3A_33 = vector.multi_reduction <add>, %mul3A_31, %reduce_sum3A_32 [1] : vector<2000x128xf32> to vector<2000xf32>
    %broadcast_in_dim3A_34 = vector.shape_cast %reduce_sum3A_33 : vector<2000xf32> to vector<2000x1xf32>
    %swap3A_35 = arith.constant 0 : index
    %swap3A_36 = arith.constant 0 : index
    %swap3A_37 = vector.load %arg11[%swap3A_35, %swap3A_36] : memref<2000x1xf32, #tpu.memory_space<vmem>>, vector<2000x1xf32>
    tpu.vector_store %arg11[%swap3A_35, %swap3A_36], %broadcast_in_dim3A_34 {strides = array<i32>} : memref<2000x1xf32, #tpu.memory_space<vmem>>, vector<2000x1xf32>,
    %get3A_38 = arith.constant 0 : index
    %get3A_39 = arith.constant 0 : index
    %get3A_40 = vector.load %arg7[%get3A_38, %get3A_39] : memref<2000x2xf32, #tpu.memory_space<vmem>>, vector<2000x2xf32>
    %reduce_sum3A_41 = arith.constant dense<0.000000e+00> : vector<2000xf32>
    %reduce_sum3A_42 = vector.multi_reduction <add>, %get3A_40, %reduce_sum3A_41 [1] : vector<2000x2xf32> to vector<2000xf32>
    %broadcast_in_dim3A_43 = vector.shape_cast %reduce_sum3A_42 : vector<2000xf32> to vector<2000x1xf32>
    %max3A_44 = arith.constant 1.000000e+00 : f32
    %max3A_45 = vector.broadcast %max3A_44 : f32 to vector<2000x1xf32>
    %max3A_46 = arith.maximumf %broadcast_in_dim3A_43, %max3A_45 : vector<2000x1xf32>
    %rsqrt3A = math.rsqrt %max3A_46 : vector<2000x1xf32>
    %swap3A_47 = arith.constant 0 : index
    %swap3A_48 = arith.constant 0 : index
    %swap3A_49 = vector.load %arg12[%swap3A_47, %swap3A_48] : memref<2000x1xf32, #tpu.memory_space<vmem>>, vector<2000x1xf32>
    tpu.vector_store %arg12[%swap3A_47, %swap3A_48], %rsqrt3A {strides = array<i32>} : memref<2000x1xf32, #tpu.memory_space<vmem>>, vector<2000x1xf32>,
    %mul3A_50 = vector.broadcast %rsqrt3A : vector<2000x1xf32> to vector<2000x128xf32>
    %mul3A_51 = arith.mulf %max3A_11, %mul3A_50 : vector<2000x128xf32>
    %swap3A_52 = arith.constant 0 : index
    %swap3A_53 = arith.constant 0 : index
    %swap3A_54 = vector.load %arg9[%swap3A_52, %swap3A_53] : memref<2000x128xf32, #tpu.memory_space<vmem>>, vector<2000x128xf32>
    tpu.vector_store %arg9[%swap3A_52, %swap3A_53], %mul3A_51 {strides = array<i32>} : memref<2000x128xf32, #tpu.memory_space<vmem>>, vector<2000x128xf32>,
    return
  }
  func.func @transform_0(%arg0: i32) -> (i32, i32) {
    %c0_i32 = arith.constant 0 : i32
    %c0_i32_0 = arith.constant 0 : i32
    return %arg0, %c0_i32 : i32, i32
  }
  func.func @transform_1(%arg0: i32) -> (i32, i32) {
    %c0_i32 = arith.constant 0 : i32
    %c0_i32_0 = arith.constant 0 : i32
    %c0_i32_1 = arith.constant 0 : i32
    return %c0_i32, %c0_i32_0 : i32, i32
  }
  func.func @transform_2(%arg0: i32) -> (i32, i32) {
    %c0_i32 = arith.constant 0 : i32
    %c0_i32_0 = arith.constant 0 : i32
    %c0_i32_1 = arith.constant 0 : i32
    return %c0_i32, %c0_i32_0 : i32, i32
  }
  func.func @transform_3(%arg0: i32) -> (i32, i32) {
    %c0_i32 = arith.constant 0 : i32
    %c0_i32_0 = arith.constant 0 : i32
    %c0_i32_1 = arith.constant 0 : i32
    return %c0_i32, %c0_i32_0 : i32, i32
  }
  func.func @transform_4(%arg0: i32) -> (i32, i32) {
    %c0_i32 = arith.constant 0 : i32
    %c0_i32_0 = arith.constant 0 : i32
    %c0_i32_1 = arith.constant 0 : i32
    return %c0_i32, %c0_i32_0 : i32, i32
  }
  func.func @transform_5(%arg0: i32) -> (i32, i32) {
    %c0_i32 = arith.constant 0 : i32
    %c0_i32_0 = arith.constant 0 : i32
    %c0_i32_1 = arith.constant 0 : i32
    return %c0_i32, %c0_i32_0 : i32, i32
  }
  func.func @transform_6(%arg0: i32) -> (i32, i32) {
    %c0_i32 = arith.constant 0 : i32
    %c0_i32_0 = arith.constant 0 : i32
    return %arg0, %c0_i32 : i32, i32
  }
  func.func @transform_7(%arg0: i32) -> (i32, i32) {
    %c0_i32 = arith.constant 0 : i32
    %c0_i32_0 = arith.constant 0 : i32
    return %arg0, %c0_i32 : i32, i32
  }
  func.func @transform_8(%arg0: i32) -> (i32, i32) {
    %c0_i32 = arith.constant 0 : i32
    %c0_i32_0 = arith.constant 0 : i32
    return %arg0, %c0_i32 : i32, i32
  }
  func.func @transform_9(%arg0: i32) -> (i32, i32) {
    %c0_i32 = arith.constant 0 : i32
    %c0_i32_0 = arith.constant 0 : i32
    return %arg0, %c0_i32 : i32, i32
  }
  func.func @transform_10(%arg0: i32) -> (i32, i32) {
    %c0_i32 = arith.constant 0 : i32
    %c0_i32_0 = arith.constant 0 : i32
    return %arg0, %c0_i32 : i32, i32
  }
  func.func @transform_11(%arg0: i32) -> (i32, i32) {
    %c0_i32 = arith.constant 0 : i32
    %c0_i32_0 = arith.constant 0 : i32
    return %arg0, %c0_i32 : i32, i32
  }
}

module attributes {stable_mosaic.version = 14 : i64} {
  func.func @_k2_body(%arg0: i32, %arg1: memref<2000x128xf32, #tpu.memory_space<vmem>>, %arg2: memref<1x2000x128xf32, #tpu.memory_space<vmem>>, %arg3: memref<1x2000x128xf32, #tpu.memory_space<vmem>>, %arg4: memref<2000x1xf32, #tpu.memory_space<vmem>>, %arg5: memref<1x128xf32, #tpu.memory_space<vmem>>, %arg6: memref<1x128xf32, #tpu.memory_space<vmem>>, %arg7: memref<1x1xf32, #tpu.memory_space<vmem>>, %arg8: memref<2000x128xf32, #tpu.memory_space<vmem>>, %arg9: memref<2000x1xf32, #tpu.memory_space<vmem>>, %arg10: memref<2000x1xf32, #tpu.memory_space<vmem>>) attributes {dimension_semantics = [#tpu.dimension_semantics<arbitrary>], iteration_bounds = array<i64: 5>, scalar_prefetch = 0 : i64, scratch_operands = 0 : i64, tpu.core_type = #tpu.core_type<tc>, window_params = [{transform_indices = @transform_0, window_bounds = array<i64: 2000, 128>}, {transform_indices = @transform_1, window_bounds = array<i64: 1, 2000, 128>}, {transform_indices = @transform_2, window_bounds = array<i64: 1, 2000, 128>}, {transform_indices = @transform_3, window_bounds = array<i64: 2000, 1>}, {pipeline_mode = #tpu.pipeline_mode<synchronous>, transform_indices = @transform_4, window_bounds = array<i64: 1, 128>}, {pipeline_mode = #tpu.pipeline_mode<synchronous>, transform_indices = @transform_5, window_bounds = array<i64: 1, 128>}, {pipeline_mode = #tpu.pipeline_mode<synchronous>, transform_indices = @transform_6, window_bounds = array<i64: 1, 1>}, {transform_indices = @transform_7, window_bounds = array<i64: 2000, 128>}, {transform_indices = @transform_8, window_bounds = array<i64: 2000, 1>}, {transform_indices = @transform_9, window_bounds = array<i64: 2000, 1>}]} {
    %get3A = arith.constant 0 : index
    %get3A_0 = arith.constant 0 : index
    %get3A_1 = vector.load %arg4[%get3A, %get3A_0] : memref<2000x1xf32, #tpu.memory_space<vmem>>, vector<2000x1xf32>
    %get3A_2 = arith.constant 0 : index
    %get3A_3 = arith.constant 0 : index
    %get3A_4 = vector.load %arg1[%get3A_2, %get3A_3] : memref<2000x128xf32, #tpu.memory_space<vmem>>, vector<2000x128xf32>
    %mul3A = arith.constant 1.000000e-01 : f32
    %mul3A_5 = vector.broadcast %mul3A : f32 to vector<2000x128xf32>
    %mul3A_6 = arith.mulf %mul3A_5, %get3A_4 : vector<2000x128xf32>
    %get3A_7 = arith.constant 0 : index
    %get3A_8 = arith.constant 0 : index
    %get3A_9 = arith.constant 0 : index
    %get3A_10 = vector.load %arg2[%get3A_7, %get3A_8, %get3A_9] : memref<1x2000x128xf32, #tpu.memory_space<vmem>>, vector<1x2000x128xf32>
    %get3A_11 = vector.shape_cast %get3A_10 : vector<1x2000x128xf32> to vector<2000x128xf32>
    %get3A_12 = arith.constant 0 : index
    %get3A_13 = arith.constant 0 : index
    %get3A_14 = arith.constant 0 : index
    %get3A_15 = vector.load %arg3[%get3A_12, %get3A_13, %get3A_14] : memref<1x2000x128xf32, #tpu.memory_space<vmem>>, vector<1x2000x128xf32>
    %get3A_16 = vector.shape_cast %get3A_15 : vector<1x2000x128xf32> to vector<2000x128xf32>
    %add3A = arith.addf %get3A_11, %get3A_16 : vector<2000x128xf32>
    %mul3A_17 = vector.broadcast %get3A_1 : vector<2000x1xf32> to vector<2000x128xf32>
    %mul3A_18 = arith.mulf %mul3A_17, %add3A : vector<2000x128xf32>
    %add3A_19 = arith.addf %mul3A_6, %mul3A_18 : vector<2000x128xf32>
    %mul3A_20 = vector.broadcast %get3A_1 : vector<2000x1xf32> to vector<2000x128xf32>
    %mul3A_21 = arith.mulf %add3A_19, %mul3A_20 : vector<2000x128xf32>
    %swap3A = arith.constant 0 : index
    %swap3A_22 = arith.constant 0 : index
    %swap3A_23 = vector.load %arg8[%swap3A, %swap3A_22] : memref<2000x128xf32, #tpu.memory_space<vmem>>, vector<2000x128xf32>
    tpu.vector_store %arg8[%swap3A, %swap3A_22], %mul3A_21 {strides = array<i32>} : memref<2000x128xf32, #tpu.memory_space<vmem>>, vector<2000x128xf32>,
    %get3A_24 = arith.constant 0 : index
    %get3A_25 = arith.constant 0 : index
    %get3A_26 = vector.load %arg5[%get3A_24, %get3A_25] : memref<1x128xf32, #tpu.memory_space<vmem>>, vector<1x128xf32>
    %mul3A_27 = vector.broadcast %get3A_26 : vector<1x128xf32> to vector<2000x128xf32>
    %mul3A_28 = arith.mulf %add3A_19, %mul3A_27 : vector<2000x128xf32>
    %reduce_sum3A = arith.constant dense<0.000000e+00> : vector<2000xf32>
    %reduce_sum3A_29 = vector.multi_reduction <add>, %mul3A_28, %reduce_sum3A [1] : vector<2000x128xf32> to vector<2000xf32>
    %broadcast_in_dim3A = vector.shape_cast %reduce_sum3A_29 : vector<2000xf32> to vector<2000x1xf32>
    %get3A_30 = arith.constant 0 : index
    %get3A_31 = arith.constant 0 : index
    %get3A_32 = vector.load %arg7[%get3A_30, %get3A_31] : memref<1x1xf32, #tpu.memory_space<vmem>>, vector<1x1xf32>
    %add3A_33 = vector.broadcast %get3A_32 : vector<1x1xf32> to vector<2000x1xf32>
    %add3A_34 = arith.addf %broadcast_in_dim3A, %add3A_33 : vector<2000x1xf32>
    %swap3A_35 = arith.constant 0 : index
    %swap3A_36 = arith.constant 0 : index
    %swap3A_37 = vector.load %arg9[%swap3A_35, %swap3A_36] : memref<2000x1xf32, #tpu.memory_space<vmem>>, vector<2000x1xf32>
    tpu.vector_store %arg9[%swap3A_35, %swap3A_36], %add3A_34 {strides = array<i32>} : memref<2000x1xf32, #tpu.memory_space<vmem>>, vector<2000x1xf32>,
    %get3A_38 = arith.constant 0 : index
    %get3A_39 = arith.constant 0 : index
    %get3A_40 = vector.load %arg6[%get3A_38, %get3A_39] : memref<1x128xf32, #tpu.memory_space<vmem>>, vector<1x128xf32>
    %mul3A_41 = vector.broadcast %get3A_40 : vector<1x128xf32> to vector<2000x128xf32>
    %mul3A_42 = arith.mulf %add3A_19, %mul3A_41 : vector<2000x128xf32>
    %reduce_sum3A_43 = arith.constant dense<0.000000e+00> : vector<2000xf32>
    %reduce_sum3A_44 = vector.multi_reduction <add>, %mul3A_42, %reduce_sum3A_43 [1] : vector<2000x128xf32> to vector<2000xf32>
    %broadcast_in_dim3A_45 = vector.shape_cast %reduce_sum3A_44 : vector<2000xf32> to vector<2000x1xf32>
    %swap3A_46 = arith.constant 0 : index
    %swap3A_47 = arith.constant 0 : index
    %swap3A_48 = vector.load %arg10[%swap3A_46, %swap3A_47] : memref<2000x1xf32, #tpu.memory_space<vmem>>, vector<2000x1xf32>
    tpu.vector_store %arg10[%swap3A_46, %swap3A_47], %broadcast_in_dim3A_45 {strides = array<i32>} : memref<2000x1xf32, #tpu.memory_space<vmem>>, vector<2000x1xf32>,
    return
  }
  func.func @transform_0(%arg0: i32) -> (i32, i32) {
    %c0_i32 = arith.constant 0 : i32
    %c0_i32_0 = arith.constant 0 : i32
    return %arg0, %c0_i32 : i32, i32
  }
  func.func @transform_1(%arg0: i32) -> (i32, i32, i32) {
    %c0_i32 = arith.constant 0 : i32
    %c0_i32_0 = arith.constant 0 : i32
    %c0_i32_1 = arith.constant 0 : i32
    return %c0_i32, %arg0, %c0_i32_0 : i32, i32, i32
  }
  func.func @transform_2(%arg0: i32) -> (i32, i32, i32) {
    %c1_i32 = arith.constant 1 : i32
    %c0_i32 = arith.constant 0 : i32
    %c0_i32_0 = arith.constant 0 : i32
    return %c1_i32, %arg0, %c0_i32 : i32, i32, i32
  }
  func.func @transform_3(%arg0: i32) -> (i32, i32) {
    %c0_i32 = arith.constant 0 : i32
    %c0_i32_0 = arith.constant 0 : i32
    return %arg0, %c0_i32 : i32, i32
  }
  func.func @transform_4(%arg0: i32) -> (i32, i32) {
    %c0_i32 = arith.constant 0 : i32
    %c0_i32_0 = arith.constant 0 : i32
    %c0_i32_1 = arith.constant 0 : i32
    return %c0_i32, %c0_i32_0 : i32, i32
  }
  func.func @transform_5(%arg0: i32) -> (i32, i32) {
    %c0_i32 = arith.constant 0 : i32
    %c0_i32_0 = arith.constant 0 : i32
    %c0_i32_1 = arith.constant 0 : i32
    return %c0_i32, %c0_i32_0 : i32, i32
  }
  func.func @transform_6(%arg0: i32) -> (i32, i32) {
    %c0_i32 = arith.constant 0 : i32
    %c0_i32_0 = arith.constant 0 : i32
    %c0_i32_1 = arith.constant 0 : i32
    return %c0_i32, %c0_i32_0 : i32, i32
  }
  func.func @transform_7(%arg0: i32) -> (i32, i32) {
    %c0_i32 = arith.constant 0 : i32
    %c0_i32_0 = arith.constant 0 : i32
    return %arg0, %c0_i32 : i32, i32
  }
  func.func @transform_8(%arg0: i32) -> (i32, i32) {
    %c0_i32 = arith.constant 0 : i32
    %c0_i32_0 = arith.constant 0 : i32
    return %arg0, %c0_i32 : i32, i32
  }
  func.func @transform_9(%arg0: i32) -> (i32, i32) {
    %c0_i32 = arith.constant 0 : i32
    %c0_i32_0 = arith.constant 0 : i32
    return %arg0, %c0_i32 : i32, i32
  }
}

module attributes {stable_mosaic.version = 14 : i64} {
  func.func @_k3_body(%arg0: i32, %arg1: memref<2000x128xf32, #tpu.memory_space<vmem>>, %arg2: memref<1x2000x128xf32, #tpu.memory_space<vmem>>, %arg3: memref<1x2000x128xf32, #tpu.memory_space<vmem>>, %arg4: memref<2000x1xf32, #tpu.memory_space<vmem>>, %arg5: memref<128x128xf32, #tpu.memory_space<vmem>>, %arg6: memref<1x128xf32, #tpu.memory_space<vmem>>, %arg7: memref<1x128xf32, #tpu.memory_space<vmem>>, %arg8: memref<2000x128xf32, #tpu.memory_space<vmem>>) attributes {dimension_semantics = [#tpu.dimension_semantics<arbitrary>], iteration_bounds = array<i64: 5>, scalar_prefetch = 0 : i64, scratch_operands = 0 : i64, tpu.core_type = #tpu.core_type<tc>, window_params = [{transform_indices = @transform_0, window_bounds = array<i64: 2000, 128>}, {transform_indices = @transform_1, window_bounds = array<i64: 1, 2000, 128>}, {transform_indices = @transform_2, window_bounds = array<i64: 1, 2000, 128>}, {transform_indices = @transform_3, window_bounds = array<i64: 2000, 1>}, {pipeline_mode = #tpu.pipeline_mode<synchronous>, transform_indices = @transform_4, window_bounds = array<i64: 128, 128>}, {pipeline_mode = #tpu.pipeline_mode<synchronous>, transform_indices = @transform_5, window_bounds = array<i64: 1, 128>}, {pipeline_mode = #tpu.pipeline_mode<synchronous>, transform_indices = @transform_6, window_bounds = array<i64: 1, 128>}, {transform_indices = @transform_7, window_bounds = array<i64: 2000, 128>}]} {
    %get3A = arith.constant 0 : index
    %get3A_0 = arith.constant 0 : index
    %get3A_1 = vector.load %arg1[%get3A, %get3A_0] : memref<2000x128xf32, #tpu.memory_space<vmem>>, vector<2000x128xf32>
    %mul3A = arith.constant 1.000000e-01 : f32
    %mul3A_2 = vector.broadcast %mul3A : f32 to vector<2000x128xf32>
    %mul3A_3 = arith.mulf %mul3A_2, %get3A_1 : vector<2000x128xf32>
    %get3A_4 = arith.constant 0 : index
    %get3A_5 = arith.constant 0 : index
    %get3A_6 = vector.load %arg4[%get3A_4, %get3A_5] : memref<2000x1xf32, #tpu.memory_space<vmem>>, vector<2000x1xf32>
    %get3A_7 = arith.constant 0 : index
    %get3A_8 = arith.constant 0 : index
    %get3A_9 = arith.constant 0 : index
    %get3A_10 = vector.load %arg2[%get3A_7, %get3A_8, %get3A_9] : memref<1x2000x128xf32, #tpu.memory_space<vmem>>, vector<1x2000x128xf32>
    %get3A_11 = vector.shape_cast %get3A_10 : vector<1x2000x128xf32> to vector<2000x128xf32>
    %get3A_12 = arith.constant 0 : index
    %get3A_13 = arith.constant 0 : index
    %get3A_14 = arith.constant 0 : index
    %get3A_15 = vector.load %arg3[%get3A_12, %get3A_13, %get3A_14] : memref<1x2000x128xf32, #tpu.memory_space<vmem>>, vector<1x2000x128xf32>
    %get3A_16 = vector.shape_cast %get3A_15 : vector<1x2000x128xf32> to vector<2000x128xf32>
    %add3A = arith.addf %get3A_11, %get3A_16 : vector<2000x128xf32>
    %mul3A_17 = vector.broadcast %get3A_6 : vector<2000x1xf32> to vector<2000x128xf32>
    %mul3A_18 = arith.mulf %mul3A_17, %add3A : vector<2000x128xf32>
    %add3A_19 = arith.addf %mul3A_3, %mul3A_18 : vector<2000x128xf32>
    %get3A_20 = arith.constant 0 : index
    %get3A_21 = arith.constant 0 : index
    %get3A_22 = vector.load %arg5[%get3A_20, %get3A_21] : memref<128x128xf32, #tpu.memory_space<vmem>>, vector<128x128xf32>
    %dot_general3A = arith.constant dense<0.000000e+00> : vector<2000x128xf32>
    %dot_general3A_23 = tpu.matmul %add3A_19, %get3A_22, %dot_general3A {dimension_numbers = #tpu.dot_dimension_numbers<[1], [0], [0], [1], [0, 0, 1, 1], [], []>, transpose_lhs_hint = false} : vector<2000x128xf32>, vector<128x128xf32>, vector<2000x128xf32> -> vector<2000x128xf32>
    %get3A_24 = arith.constant 0 : index
    %get3A_25 = arith.constant 0 : index
    %get3A_26 = vector.load %arg6[%get3A_24, %get3A_25] : memref<1x128xf32, #tpu.memory_space<vmem>>, vector<1x128xf32>
    %add3A_27 = vector.broadcast %get3A_26 : vector<1x128xf32> to vector<2000x128xf32>
    %add3A_28 = arith.addf %dot_general3A_23, %add3A_27 : vector<2000x128xf32>
    %get3A_29 = arith.constant 0 : index
    %get3A_30 = arith.constant 0 : index
    %get3A_31 = vector.load %arg7[%get3A_29, %get3A_30] : memref<1x128xf32, #tpu.memory_space<vmem>>, vector<1x128xf32>
    %add3A_32 = vector.broadcast %get3A_31 : vector<1x128xf32> to vector<2000x128xf32>
    %add3A_33 = arith.addf %add3A_28, %add3A_32 : vector<2000x128xf32>
    %swap3A = arith.constant 0 : index
    %swap3A_34 = arith.constant 0 : index
    %swap3A_35 = vector.load %arg8[%swap3A, %swap3A_34] : memref<2000x128xf32, #tpu.memory_space<vmem>>, vector<2000x128xf32>
    tpu.vector_store %arg8[%swap3A, %swap3A_34], %add3A_33 {strides = array<i32>} : memref<2000x128xf32, #tpu.memory_space<vmem>>, vector<2000x128xf32>,
    return
  }
  func.func @transform_0(%arg0: i32) -> (i32, i32) {
    %c0_i32 = arith.constant 0 : i32
    %c0_i32_0 = arith.constant 0 : i32
    return %arg0, %c0_i32 : i32, i32
  }
  func.func @transform_1(%arg0: i32) -> (i32, i32, i32) {
    %c0_i32 = arith.constant 0 : i32
    %c0_i32_0 = arith.constant 0 : i32
    %c0_i32_1 = arith.constant 0 : i32
    return %c0_i32, %arg0, %c0_i32_0 : i32, i32, i32
  }
  func.func @transform_2(%arg0: i32) -> (i32, i32, i32) {
    %c1_i32 = arith.constant 1 : i32
    %c0_i32 = arith.constant 0 : i32
    %c0_i32_0 = arith.constant 0 : i32
    return %c1_i32, %arg0, %c0_i32 : i32, i32, i32
  }
  func.func @transform_3(%arg0: i32) -> (i32, i32) {
    %c0_i32 = arith.constant 0 : i32
    %c0_i32_0 = arith.constant 0 : i32
    return %arg0, %c0_i32 : i32, i32
  }
  func.func @transform_4(%arg0: i32) -> (i32, i32) {
    %c0_i32 = arith.constant 0 : i32
    %c0_i32_0 = arith.constant 0 : i32
    %c0_i32_1 = arith.constant 0 : i32
    return %c0_i32, %c0_i32_0 : i32, i32
  }
  func.func @transform_5(%arg0: i32) -> (i32, i32) {
    %c0_i32 = arith.constant 0 : i32
    %c0_i32_0 = arith.constant 0 : i32
    %c0_i32_1 = arith.constant 0 : i32
    return %c0_i32, %c0_i32_0 : i32, i32
  }
  func.func @transform_6(%arg0: i32) -> (i32, i32) {
    %c0_i32 = arith.constant 0 : i32
    %c0_i32_0 = arith.constant 0 : i32
    %c0_i32_1 = arith.constant 0 : i32
    return %c0_i32, %c0_i32_0 : i32, i32
  }
  func.func @transform_7(%arg0: i32) -> (i32, i32) {
    %c0_i32 = arith.constant 0 : i32
    %c0_i32_0 = arith.constant 0 : i32
    return %arg0, %c0_i32 : i32, i32
  }
}

</mosaic_0001>

<sc_bundles>
// kernel: kernel.11.cloned.1.call-start
scs
__scs_entry_jumppad:
0x0: {  	(pc) =	sbr.rel $0x88, $3  }
0x1: {  	(tag) =	ssettag $0x0;
	lr =	simm.s32 $0x1  }
0x2: {  	[smem:$0x3F98] =	sst lr;
	_ =	strace $0xD0000000  }
0x3: {  	_ = 	snop  }
0x4: {  	_ = 	snop  }
0x5: {  	_ = 	snop  }
0x6: {  	_ = 	snop  }
0x7: {  	_ = 	snop  }
__scs_overlays_trampoline_lowered:
0x8: {  	[smem:$0x3FA7] =	sst s0  }
0x9: {  	[smem:$0x3FA8] =	sst s1  }
0xa: {  	[smem:$0x3FA9] =	sst s2  }
0xb: {  	[smem:$0x3FAA] =	sst s3  }
0xc: {  	[smem:$0x3FAB] =	sst s4  }
0xd: {  	[smem:$0x3FAC] =	sst s5  }
0xe: {  	[smem:$0x3FAD] =	sst s6  }
0xf: {  	[smem:$0x3FAE] =	sst s7  }
0x10: {  	[smem:$0x3FAF] =	sst s8  }
0x11: {  	[smem:$0x3FB0] =	sst s9;
	s0 =	simm.s32 @!p0 $0x0  }
0x12: {  	s1 =	sld [smem:$0x3F96];
	s0 =	simm.s32 @p0 $0x1  }
0x13: {  	[smem:$0x3FB1] =	sst s0;
	s0 =	simm.s32 @!p1 $0x0  }
0x14: {  	s2 =	sld [smem:$0x3F95];
	s0 =	simm.s32 @p1 $0x1  }
0x15: {  	[smem:$0x3FB2] =	sst s0;
	s0 =	simm.s32 @!p2 $0x0  }
0x16: {  	s3 =	sld [smem:$0x3FDB];
	s0 =	simm.s32 @p2 $0x1  }
0x17: {  	s4 =	simm.s32 $0x1BF5;
	[smem:$0x3FB4] =	sst s0  }
0x18: {  	s0 =	sld [smem:$0x3F97];
	_ =	swait.ge [sflag:s4], $0x0  }
0x19: {  	s7 =	sld [smem:$0x3F98]  }
0x1a: {  	s8 =	sadd.s32 $0xFFFFE003, lr  }
0x1b: {  	s9 =	sadd.s32 $0xFFFFFEF7, lr;
	s5 =	simm.s32 $0xFFFFFFFF;
	p2 =	slt.u32 s8, $0xFFFFF086  }
0x1c: {  	p1 =	slt.u32 s9, $0xF7A;
	s5 =	simm.s32 @!p2 $0x0  }
0x1d: {  	s5 =	simm.s32 @p1 $0x1;
	p0 =	seq.s32 s7, s2  }
0x1e: {  	s7 =	smul.u32 @!p0 $0xF7A, s2;
	p2 =	seq.s32 @!p0 s5, $0x0  }
0x1f: {  	s9 =	smul.u32 $0xF7A, s1;
	s8 =	simm.s32 @!p0 $0x1BF5;
	p2 =	por !p2, p0  }
0x20: {  	[sflag:s8] =	ssyncset.s32 @!p0 $0xFFFFF086;
	s6 =	sadd.s32 @!p0 s3, s7;
	s7 =	simm.s32 @!p0 $0x108  }
0x21: {  	s3 =	sadd.s32 s3, s9;
	s6 =	sadd.s32 @!p0 $0x88, s6;
	s7 =	simm.s32 @p2 $0x1082  }
0x22: {  	[simem:s7], [sflag:s8] =	dma.local @!p0 [hbm:s6], $0xF7A  }
0x23: {  	s9 =	sor.u32 $0xD0000000, s2;
	s6 =	simm.s32 $0x108;
	_ =	swait.ge @!p0 [sflag:s8], $0x0  }
0x24: {  	s3 =	sadd.s32 $0x88, s3;
	s6 =	simm.s32 @!p1 $0x1082;
	[sflag:s4] =	ssyncset.s32 $0xFFFFF086  }
0x25: {  	[simem:s6], [sflag:s4] =	dma.local [hbm:s3], $0xF7A  }
0x26: {  	[smem:$0x3F98] =	sst s1;
	(tag) =	ssettag s2;
	_ =	strace s9  }
0x27: {  	s1 =	sld [smem:$0x3FA8]  }
0x28: {  	s2 =	sld [smem:$0x3FA9]  }
0x29: {  	s4 =	sld [smem:$0x3FAB]  }
0x2a: {  	p0 =	seq.s32 s5, $0x0;
	s5 =	sld [smem:$0x3FAC]  }
0x2b: {  	s6 =	sld [smem:$0x3FAD]  }
0x2c: {  	s7 =	sld [smem:$0x3FAE]  }
0x2d: {  	s3 =	simm.s32 $0x108;
	s8 =	sld [smem:$0x3FAF]  }
0x2e: {  	s3 =	simm.s32 @!p0 $0x1082;
	s9 =	sld [smem:$0x3FB0]  }
0x2f: {  	lr =	sadd.s32 s0, s3;
	s0 =	sld [smem:$0x3FA7]  }
0x30: {  	s3 =	sld [smem:$0x3FAA]  }
0x31: {  	[smem:$0x3FB3] =	sst s10  }
0x32: {  	s10 =	sld [smem:$0x3FB1];
	_ =	sdelay $0x3  }
0x33: {  	p0 =	seq.s32 s10, $0x1;
	s10 =	sld [smem:$0x3FB3];
	_ =	sdelay $0x3  }
0x34: {  	[smem:$0x3FB3] =	sst s10  }
0x35: {  	s10 =	sld [smem:$0x3FB2];
	_ =	sdelay $0x3  }
0x36: {  	p1 =	seq.s32 s10, $0x1;
	s10 =	sld [smem:$0x3FB3];
	_ =	sdelay $0x3  }
0x37: {  	[smem:$0x3FB3] =	sst s10  }
0x38: {  	s10 =	sld [smem:$0x3FB4]  }
0x39: {  	_ = 	snop;
	(pc) =	sbr.ind lr, $3  }
0x3a: {  	_ = 	snop  }
0x3b: {  	_ = 	snop  }
0x3c: {  	p2 =	seq.s32 s10, $0x1;
	s10 =	sld [smem:$0x3FB3]  }
0x3d: {  	_ =	shalt  }
0x3e: {  	_ =	shalt  }
0x3f: {  	_ =	shalt  }
0x40: {  	_ =	shalt  }
0x41: {  	_ =	shalt  }
0x42: {  	_ =	shalt  }
0x43: {  	_ =	shalt  }
0x44: {  	_ =	shalt  }
0x45: {  	_ =	shalt  }
0x46: {  	_ =	shalt  }
0x47: {  	_ =	shalt  }
0x48: {  	_ =	shalt  }
0x49: {  	_ =	shalt  }
0x4a: {  	_ =	shalt  }
0x4b: {  	_ =	shalt  }
0x4c: {  	_ =	shalt  }
0x4d: {  	_ =	shalt  }
0x4e: {  	_ =	shalt  }
0x4f: {  	_ =	shalt  }
0x50: {  	_ =	shalt  }
0x51: {  	_ =	shalt  }
0x52: {  	_ =	shalt  }
0x53: {  	_ =	shalt  }
0x54: {  	_ =	shalt  }
0x55: {  	_ =	shalt  }
0x56: {  	_ =	shalt  }
0x57: {  	_ =	shalt  }
0x58: {  	_ =	shalt  }
0x59: {  	_ =	shalt  }
0x5a: {  	_ =	shalt  }
0x5b: {  	_ =	shalt  }
0x5c: {  	_ =	shalt  }
0x5d: {  	_ =	shalt  }
0x5e: {  	_ =	shalt  }
0x5f: {  	_ =	shalt  }
0x60: {  	_ =	shalt  }
0x61: {  	_ =	shalt  }
0x62: {  	_ =	shalt  }
0x63: {  	_ =	shalt  }
0x64: {  	_ =	shalt  }
0x65: {  	_ =	shalt  }
0x66: {  	_ =	shalt  }
0x67: {  	_ =	shalt  }
0x68: {  	_ =	shalt  }
0x69: {  	_ =	shalt  }
0x6a: {  	_ =	shalt  }
0x6b: {  	_ =	shalt  }
0x6c: {  	_ =	shalt  }
0x6d: {  	_ =	shalt  }
0x6e: {  	_ =	shalt  }
0x6f: {  	_ =	shalt  }
0x70: {  	_ =	shalt  }
0x71: {  	_ =	shalt  }
0x72: {  	_ =	shalt  }
0x73: {  	_ =	shalt  }
0x74: {  	_ =	shalt  }
0x75: {  	_ =	shalt  }
0x76: {  	_ =	shalt  }
0x77: {  	_ =	shalt  }
0x78: {  	_ =	shalt  }
0x79: {  	_ =	shalt  }
0x7a: {  	_ =	shalt  }
0x7b: {  	_ =	shalt  }
0x7c: {  	_ =	shalt  }
0x7d: {  	_ =	shalt  }
0x7e: {  	_ =	shalt  }
0x7f: {  	_ =	shalt  }
0x80: {  	_ =	shalt  }
0x81: {  	_ =	shalt  }
0x82: {  	_ =	shalt  }
0x83: {  	_ =	shalt  }
0x84: {  	_ =	shalt  }
0x85: {  	_ =	shalt  }
0x86: {  	_ =	shalt  }
0x87: {  	_ =	shalt  }
.Lfunc_end0:
.L_simem_size_0:
called_computation.1_lowered:
.L_overlay_start_0:
0x88: {  	s2 =	sld [smem:$0x3FD9]  }
0x89: {  	s3 =	sld [smem:$0x3FFE];
	_ =	sdelay $0x1  }
0x8a: {  	s1 =	srdreg.scid  }
0x8b: {  	s0 =	sand.u32 $0x1, s1  }
0x8c: {  	s17 =	sshll.u32 s0, $0xA;
	s2 =	sadd.s32 s3, s2  }
0x8d: {  	s2 =	sadd.s32 s2, s17  }
0x8e: {  	[smem:$0x3FBF] =	sst s2  }
0x8f: {  	_ = 	snop  }
0x90: {  	s2 =	sld [smem:$0x3FD0];
	(tm) =	ssettm $0x1  }
0x91: {  	s18 =	sld [smem:$0x3FFB];
	_ =	sdelay $0x3  }
0x92: {  	_ =	strace s18  }
0x93: {  	s3 =	sld [smem:$0x3FFC];
	_ =	sdelay $0x3  }
0x94: {  	_ =	strace s3  }
0x95: {  	s3 =	sld [smem:$0x3FFD];
	_ =	sdelay $0x3  }
0x96: {  	_ =	strace s3  }
0x97: {  	_ =	strace $0x8FFFFFFF  }
0x98: {  	s19 =	sld [smem:$0x3FDB];
	_ =	sdelay $0x1  }
0x99: {  	s4 =	simm.s32 $_scs_section_size  }
0x9a: {  	s5 =	simm.s32 $_size__tile_overlayer_lowered;
	s6 =	simm.s32 $_tile_overlayer_lowered  }
0x9b: {  	s22 =	simm.s32 $0x1BFF;
	s21 =	sshll.u32 s6, $0x1;
	s3 =	sadd.s32 s4, s19  }
0x9c: {  	s7 =	simm.s32 $0x0;
	s20 =	sshll.u32 s5, $0x1;
	s5 =	sadd.s32 s21, s3  }
0x9d: {  	[timem:s7], [sflag:s22] =	dma.local [hbm:s5], s20  }
0x9e: {  	_ =	swait.ge [sflag:s22], s20  }
0x9f: {  	s4 =	ssub.s32 $0x0, s20;
	[sflag:s22] =	ssyncset.done $0x0  }
0xa0: {  	[sflag:s22] =	ssyncadd.s32 s4;
	_ =	sdelay $0x1  }
0xa1: {  	s23 =	simm.s32 $0x1B8B  }
0xa2: {  	_ =	swait.ge [sflag:s23], $0x1  }
0xa3: {  	[sflag:s23] =	ssyncset.done $0x0  }
0xa4: {  	s25 =	simm.s32 $0x1B8E;
	s24 =	sld [smem:$0x3FFE];
	[sflag:s23] =	ssyncadd.s32 $0xFFFFFFFF  }
0xa5: {  	s26 =	simm.s32 $execute0_lowered;
	[smem:$0x3FD2] =	sst s25  }
0xa6: {  	s5 =	sshll.u32 s26, $0x1;
	_ =	strace $0x80000049;
	[dreg:$0x1] =	wrdreg $0xFFFFFFFF  }
0xa7: {  	s28 =	simm.s32 $_size_execute0_lowered;
	s3 =	sadd.s32 s3, s5;
	[dreg:$0x0] =	wrdreg $0x0  }
0xa8: {  	s5 =	sshll.u32 s28, $0x1;
	[dreg:$0x2] =	wrdreg s3  }
0xa9: {  	[dreg:$0x3] =	wrdreg s5  }
0xaa: {  	[dreg:$0x4] =	wrdreg $0xC0  }
0xab: {  	_ =	task [dreg:s7], $0x5FFFF  }
0xac: {  	[dreg:$0x1] =	wrdreg $0xFFFFFFFF  }
0xad: {  	[dreg:$0x0] =	wrdreg $0x60  }
0xae: {  	[dreg:$0x2] =	wrdreg s2  }
0xaf: {  	[dreg:$0x3] =	wrdreg s24  }
0xb0: {  	[dreg:$0x4] =	wrdreg $0xA7800  }
0xb1: {  	[dreg:$0x5] =	wrdreg $0x9  }
0xb2: {  	_ =	task.clear_ibuf [dreg:s7], $0x6FFFF;
	_ =	strace $0x90000049  }
0xb3: {  	s29 =	simm.s32 $0x9;
	_ =	strace $0x8000004B  }
0xb4: {  	_ =	swait.ge [sflag:s29], $0x1  }
0xb5: {  	[sflag:s29] =	ssyncadd.s32 $0xFFFFFFFF  }
0xb6: {  	_ =	strace $0x9000004B  }
0xb7: {  	_ =	sfence  }
0xb8: {  	s30 =	sld [smem:$0x0];
	_ =	sdelay $0x2  }
0xb9: {  	s31 =	sshll.u32 s1, $0xD;
	s1 =	sshrl.u32 s1, $0x2  }
0xba: {  	s3 =	sand.u32 $0x4000, s31;
	s1 =	sadd.s32 s1, s30  }
0xbb: {  	s0 =	sor.u32 s3, s0;
	s1 =	sshll.u32 s1, $0x11  }
0xbc: {  	s0 =	sor.u32 s1, s0  }
0xbd: {  	s0 =	sadd.s32 $0x8F2B, s0  }
0xbe: {  	[sflag:s0] =	ssyncadd.remote.s32 $0x1  }
0xbf: {  	_ =	sfence.sel $0xFFFF  }
0xc0: {  	[dreg:$0x0] =	wrdreg $0xFFFFFFFF;
	(pc) =	sbr.abs _section_cstart, $3  }
0xc1: {  	[dreg:$0x1] =	wrdreg $0xFFFFFFFF  }
0xc2: {  	_ =	task.clear_ibuf [dreg:s7], $0x2FFFF;
	_ =	strace $0x9FFFFFFF  }
0xc3: {  	(tm) =	ssettm $0x7FFFFFFF  }
tec
execute0_lowered:
.L_overlay_start_1:
0x0: {  	(tag) =	ssettag $0x1  }
0x1: {  	s1 =	rddreg [dreg:$0x0]  }
0x2: {  	s0 =	srdreg.scid;
	s2 =	rddreg [dreg:$0x1]  }
0x3: {  	s9 =	stileid.u32;
	s3 =	rddreg [dreg:$0x2];
	s10 =	simm.s32 $0x2780  }
0x4: {  	s11 =	simm.s32 $0xA380;
	s12 =	simm.s32 $0x4;
	s19 =	simm.s32 $0x50  }
0x5: {  	s21 =	simm.s32 $0x5300;
	s23 =	simm.s32 $0x1;
	s0 =	sand.u32 $0x1, s0  }
0x6: {  	s4 =	sshll.u32 s9, $0x1;
	s7 =	sadd.s32 $0x47E00, s2;
	s26 =	smul.u32 $0x50000, s9  }
0x7: {  	s8 =	sadd.s32 $0x48400, s2;
	s5 =	sor.u32 s0, s4;
	s4 =	simm.s32 $0x0  }
0x8: {  	s6 =	smul.u32 $0x28000, s0;
	s0 =	ssub.s32 $0x2, s0;
	[smem:$0x7FF] =	sst s4  }
0x9: {  	s5 =	smul.u32 $0xFA0, s5;
	_ =	strace $0x8000004A;
	[dreg:$0x4] =	wrdreg s7  }
0xa: {  	s29 =	smul.u32 $0x2800, s9;
	s28 =	sshrl.u32 s0, $0x1;
	[dreg:$0x5] =	wrdreg s8  }
0xb: {  	s7 =	sshrl.u32 s26, $0x2;
	s0 =	ssub.s32 s0, s28;
	s5 =	sadd.s32 s5, s2  }
0xc: {  	s2 =	sadd.s32 s6, s2;
	s0 =	smax.u32 s0, $0x1;
	s8 =	sadd.s32 $0x1600, s5  }
0xd: {  	s2 =	sadd.s32 $0x48A00, s2;
	[dreg:$0x6] =	wrdreg s0;
	s30 =	sadd.s32 $0x20, s8  }
0xe: {  	s7 =	sadd.s32 s7, s3;
	s31 =	sadd.s32 s29, s2;
	[dreg:$0x7] =	wrdreg s30  }
0xf: {  	v0 =	vimm.f32 $0.0e+00;
	s6 =	simm.s32 $0x5;
	s2 =	simm.s32 $0x0;
	[dreg:$0x8] =	wrdreg s31  }
.LBB2_1:
0x10: {  	s0 =	rddreg [dreg:$0x4]  }
0x11: {  	[tilespmem:s4], [sflag:$0x2] =	stream.linear.gather [hbm4b:s0+s4], $0x2780, $0x38;
	[tilespmem:$0x1E780] =	vst v63  }
0x12: {  	s31 =	rddreg [dreg:$0x5]  }
0x13: {  	[tilespmem:s10], [sflag:$0x3] =	stream.linear.gather [hbm4b:s31+s4], $0x2780, $0x38;
	[tilespmem:$0x1E780] =	vst v63  }
0x14: {  	[tilespmem:$0xA380] =	vst v0  }
0x15: {  	[tilespmem:$0xA390] =	vst v0  }
0x16: {  	[tilespmem:$0xA3A0] =	vst v0  }
0x17: {  	[tilespmem:$0xA3B0] =	vst v0  }
0x18: {  	[tilespmem:$0xA3C0] =	vst v0  }
0x19: {  	[tilespmem:$0xA3D0] =	vst v0  }
0x1a: {  	[tilespmem:$0xA3E0] =	vst v0  }
0x1b: {  	[tilespmem:$0xA3F0] =	vst v0  }
0x1c: {  	[tilespmem:$0xA400] =	vst v0  }
0x1d: {  	[tilespmem:$0xA410] =	vst v0  }
0x1e: {  	[tilespmem:$0xA420] =	vst v0  }
0x1f: {  	[tilespmem:$0xA430] =	vst v0  }
0x20: {  	[tilespmem:$0xA440] =	vst v0  }
0x21: {  	[tilespmem:$0xA450] =	vst v0  }
0x22: {  	[tilespmem:$0xA460] =	vst v0  }
0x23: {  	[tilespmem:$0xA470] =	vst v0  }
0x24: {  	[tilespmem:$0xA480] =	vst v0  }
0x25: {  	[tilespmem:$0xA490] =	vst v0  }
0x26: {  	[tilespmem:$0xA4A0] =	vst v0  }
0x27: {  	[tilespmem:$0xA4B0] =	vst v0  }
0x28: {  	[tilespmem:$0xA4C0] =	vst v0  }
0x29: {  	[tilespmem:$0xA4D0] =	vst v0  }
0x2a: {  	[tilespmem:$0xA4E0] =	vst v0  }
0x2b: {  	[tilespmem:$0xA4F0] =	vst v0  }
0x2c: {  	[tilespmem:$0xA500] =	vst v0  }
0x2d: {  	[tilespmem:$0xA510] =	vst v0  }
0x2e: {  	[tilespmem:$0xA520] =	vst v0  }
0x2f: {  	[tilespmem:$0xA530] =	vst v0  }
0x30: {  	[tilespmem:$0xA540] =	vst v0  }
0x31: {  	[tilespmem:$0xA550] =	vst v0  }
0x32: {  	[tilespmem:$0xA560] =	vst v0  }
0x33: {  	[tilespmem:$0xA570] =	vst v0  }
0x34: {  	[tilespmem:$0xA580] =	vst v0  }
0x35: {  	[tilespmem:$0xA590] =	vst v0  }
0x36: {  	[tilespmem:$0xA5A0] =	vst v0  }
0x37: {  	[tilespmem:$0xA5B0] =	vst v0  }
0x38: {  	[tilespmem:$0xA5C0] =	vst v0  }
0x39: {  	[tilespmem:$0xA5D0] =	vst v0  }
0x3a: {  	[tilespmem:$0xA5E0] =	vst v0  }
0x3b: {  	[tilespmem:$0xA5F0] =	vst v0  }
0x3c: {  	[tilespmem:$0xA600] =	vst v0  }
0x3d: {  	[tilespmem:$0xA610] =	vst v0  }
0x3e: {  	[tilespmem:$0xA620] =	vst v0  }
0x3f: {  	[tilespmem:$0xA630] =	vst v0  }
0x40: {  	[tilespmem:$0xA640] =	vst v0  }
0x41: {  	[tilespmem:$0xA650] =	vst v0  }
0x42: {  	[tilespmem:$0xA660] =	vst v0  }
0x43: {  	[tilespmem:$0xA670] =	vst v0  }
0x44: {  	[tilespmem:$0xA680] =	vst v0  }
0x45: {  	[tilespmem:$0xA690] =	vst v0  }
0x46: {  	[tilespmem:$0xA6A0] =	vst v0  }
0x47: {  	[tilespmem:$0xA6B0] =	vst v0  }
0x48: {  	[tilespmem:$0xA6C0] =	vst v0  }
0x49: {  	[tilespmem:$0xA6D0] =	vst v0  }
0x4a: {  	[tilespmem:$0xA6E0] =	vst v0  }
0x4b: {  	[tilespmem:$0xA6F0] =	vst v0  }
0x4c: {  	[tilespmem:$0xA700] =	vst v0  }
0x4d: {  	[tilespmem:$0xA710] =	vst v0  }
0x4e: {  	[tilespmem:$0xA720] =	vst v0  }
0x4f: {  	[tilespmem:$0xA730] =	vst v0  }
0x50: {  	[tilespmem:$0xA740] =	vst v0  }
0x51: {  	[tilespmem:$0xA750] =	vst v0  }
0x52: {  	[tilespmem:$0xA760] =	vst v0  }
0x53: {  	[dreg:$0x9] =	wrdreg s2;
	s0 =	simm.s32 $0x0;
	[tilespmem:$0xA770] =	vst v0  }
.LBB2_2:
0x54: {  	p0 =	sne.s32 s0, $0x4F000  }
.Ltmp0:
0x55: {  	_ = 	snop;
	(pc) =	sbr.rel @p0 .LBB2_2-.Ltmp0, $4  }
0x56: {  	_ = 	snop  }
0x57: {  	s2 =	sshra.s32 s0, $0x2  }
0x58: {  	s0 =	sadd.s32 $0x1000, s0;
	s2 =	sadd.s32 s2, s7  }
0x59: {  	[spmem:s2] =	stream.linear.scatter [tilespmem:s11], [sflag:$0x4], $0x400, $0x38;
	[tilespmem:$0x1E780] =	vst v63  }
0x5a: {  	_ =	swait.ge [sflag:s12], $0x400  }
0x5b: {  	s0 =	simm.s32 $0x4F;
	[sflag:s12] =	ssyncset.done $0x0  }
.LBB2_4:
0x5c: {  	p0 =	sne.s32 s0, $0x1;
	s0 =	sadd.s32 $0xFFFFFFFF, s0;
	[sflag:s12] =	ssyncadd.s32 $0xFFFFFC00  }
.Ltmp1:
0x5d: {  	(pc) =	sbr.rel @p0 .LBB2_4-.Ltmp1, $3  }
0x5e: {  	_ =	sdelay $0x1  }
0x5f: {  	_ =	swait.ge [sflag:s12], $0x400  }
0x60: {  	[sflag:s12] =	ssyncset.done $0x0  }
0x61: {  	[sflag:s12] =	ssyncadd.s32 $0xFFFFFC00;
	s0 =	simm.s32 $0x2  }
0x62: {  	_ =	swait.ge [sflag:s0], $0x2780  }
0x63: {  	[sflag:s0] =	ssyncset.done $0x0  }
0x64: {  	s29 =	simm.s32 $0x3;
	[sflag:s0] =	ssyncadd.s32 $0xFFFFD880  }
0x65: {  	_ =	swait.ge [sflag:s29], $0x2780  }
0x66: {  	[sflag:s29] =	ssyncset.done $0x0  }
0x67: {  	[sflag:s29] =	ssyncadd.s32 $0xFFFFD880  }
0x68: {  	s25 =	simm.s32 $0x0;
	s30 =	simm.s32 $0x4F00;
	[bflag:$0x0] =	sbarrier.arrive $0xFFFF  }
0x69: {  	[tilespmem:s30], [sflag:$0x5] =	stream.linear.gather [hbm4b:s8+s25], $0x100, $0x38;
	[tilespmem:$0x1E780] =	vst v63  }
0x6a: {  	_ =	swait.ge [sflag:s6], $0x100  }
0x6b: {  	[sflag:s6] =	ssyncset.done $0x0  }
0x6c: {  	s5 =	simm.s32 $0x5000;
	s2 =	rddreg [dreg:$0x7];
	[sflag:s6] =	ssyncadd.s32 $0xFFFFFF00  }
0x6d: {  	[tilespmem:s5], [sflag:$0x1] =	stream.linear.gather [hbm4b:s2+s25], $0x100, $0x38;
	[tilespmem:$0x1E780] =	vst v63  }
0x6e: {  	s31 =	simm.s32 $0x5380  }
0x6f: {  	[tilespmem:s31], [sflag:$0x2] =	stream.indirect.gather [hbm4b:s1+s19], $0x80, s30, s19, $0xb8;
	[tilespmem:$0x1E780] =	vst v63  }
.LBB2_6:
0x70: {  	s0 =	sshll.u32 s25, $0x8  }
0x71: {  	s0 =	sand.u32 $0x300, s0  }
0x72: {  	v1 =	vld [tilespmem:s0+$0x4F80]  }
0x73: {  	v2 =	vld [tilespmem:s0+$0x4F00];
	_ =	sdelay $0x6  }
0x74: {  	v1 =	vld.idx.msk [tilespmem:v1+s4+$0x0], $0xffff  }
0x75: {  	v2 =	vld.idx.msk [tilespmem:v2+s10+$0x0], $0xffff;
	_ =	sdelay $0x3  }
0x76: {  	v3 =	vld [tilespmem:s0+$0x4F90]  }
0x77: {  	v1 =	vadd.f32 v2, v1;
	v2 =	vld [tilespmem:s0+$0x4F10];
	_ =	sdelay $0x1  }
0x78: {  	v1 =	vadd.f32 v1, v1;
	_ =	sdelay $0x1  }
0x79: {  	v1 =	vmul.f32 $1.442695020e+00, v1;
	_ =	sdelay $0x1  }
0x7a: {  	(erf) = vpow2.f32 v1  }
0x7b: {  	v1 =	vld.idx.msk [tilespmem:v3+s4+$0x0], $0xffff  }
0x7c: {  	v2 =	vld.idx.msk [tilespmem:v2+s10+$0x0], $0xffff;
	_ =	sdelay $0x3  }
0x7d: {  	v3 =	vld [tilespmem:s0+$0x4FA0]  }
0x7e: {  	v1 =	vadd.f32 v2, v1;
	v2 =	vld [tilespmem:s0+$0x4F20];
	_ =	sdelay $0x1  }
0x7f: {  	v4 =	vpop (erf);
	v1 =	vadd.f32 v1, v1  }
0x80: {  	v4 =	vadd.f32 $1.000000000e+00, v4  }
0x81: {  	v1 =	vmul.f32 $1.442695020e+00, v1  }
0x82: {  	(erf) = vrcp.f32 v4  }
0x83: {  	(erf) = vpow2.f32 v1  }
0x84: {  	v1 =	vld.idx.msk [tilespmem:v3+s4+$0x0], $0xffff  }
0x85: {  	v2 =	vld.idx.msk [tilespmem:v2+s10+$0x0], $0xffff;
	_ =	sdelay $0x3  }
0x86: {  	v3 =	vld [tilespmem:s0+$0x4FB0]  }
0x87: {  	v1 =	vadd.f32 v2, v1;
	v2 =	vld [tilespmem:s0+$0x4F30]  }
0x88: {  	v4 =	vpop (erf)  }
0x89: {  	v5 =	vpop (erf);
	v1 =	vadd.f32 v1, v1  }
0x8a: {  	v5 =	vadd.f32 $1.000000000e+00, v5  }
0x8b: {  	v1 =	vmul.f32 $1.442695020e+00, v1  }
0x8c: {  	(erf) = vrcp.f32 v5  }
0x8d: {  	(erf) = vpow2.f32 v1  }
0x8e: {  	v1 =	vld.idx.msk [tilespmem:v3+s4+$0x0], $0xffff  }
0x8f: {  	v2 =	vld.idx.msk [tilespmem:v2+s10+$0x0], $0xffff;
	_ =	sdelay $0x3  }
0x90: {  	v3 =	vld [tilespmem:s0+$0x4FC0]  }
0x91: {  	v1 =	vadd.f32 v2, v1;
	v2 =	vld [tilespmem:s0+$0x4F40]  }
0x92: {  	v5 =	vpop (erf)  }
0x93: {  	v6 =	vpop (erf);
	v1 =	vadd.f32 v1, v1  }
0x94: {  	v6 =	vadd.f32 $1.000000000e+00, v6  }
0x95: {  	v1 =	vmul.f32 $1.442695020e+00, v1  }
0x96: {  	(erf) = vrcp.f32 v6  }
0x97: {  	(erf) = vpow2.f32 v1  }
0x98: {  	v1 =	vld.idx.msk [tilespmem:v3+s4+$0x0], $0xffff  }
0x99: {  	v2 =	vld.idx.msk [tilespmem:v2+s10+$0x0], $0xffff;
	_ =	sdelay $0x4  }
0x9a: {  	v1 =	vadd.f32 v2, v1  }
0x9b: {  	v2 =	vpop (erf)  }
0x9c: {  	v3 =	vpop (erf);
	v1 =	vadd.f32 v1, v1  }
0x9d: {  	v3 =	vadd.f32 $1.000000000e+00, v3  }
0x9e: {  	v1 =	vmul.f32 $1.442695020e+00, v1  }
0x9f: {  	(erf) = vrcp.f32 v3  }
0xa0: {  	(erf) = vpow2.f32 v1;
	_ =	sdelay $0x7  }
0xa1: {  	v1 =	vpop (erf)  }
0xa2: {  	v3 =	vpop (erf)  }
0xa3: {  	v3 =	vadd.f32 $1.000000000e+00, v3;
	_ =	sdelay $0x1  }
0xa4: {  	(erf) = vrcp.f32 v3;
	_ =	sdelay $0x5  }
0xa5: {  	v3 =	vadd.f32 v4, v4  }
0xa6: {  	v2 =	vadd.f32 v2, v2  }
0xa7: {  	v1 =	vadd.f32 v1, v1;
	v3 =	vsub.f32 $1.000000000e+00, v3  }
0xa8: {  	v62 =	vadd.f32 v5, v5;
	v2 =	vsub.f32 $1.000000000e+00, v2;
	v63 =	vpop (erf)  }
0xa9: {  	p0 =	seq.s32 s25, $0x0;
	v1 =	vsub.f32 $1.000000000e+00, v1;
	[tilespmem:$0x5300] =	vst v3;
	v3 =	vadd.f32 v63, v63  }
0xaa: {  	p1 =	seq.s32 @!p0 s25, $0x7C;
	[tilespmem:$0x5320] =	vst v2;
	v4 =	vsub.f32 $1.000000000e+00, v62  }
0xab: {  	p1 =	por p0, !p1;
	[tilespmem:$0x5330] =	vst v1;
	v2 =	vsub.f32 $1.000000000e+00, v3  }
.Ltmp2:
0xac: {  	[tilespmem:$0x5310] =	vst v4;
	(pc) =	sbr.rel @!p1 .LBB2_8-.Ltmp2, $4  }
0xad: {  	s5 =	simm.s32 @!p0 $0x4;
	[tilespmem:$0x5340] =	vst v2  }
0xae: {  	_ =	swait.ge @!p0 [sflag:s5], $0x2800  }
0xaf: {  	[sflag:s5] =	ssyncset.done @!p0 $0x0  }
0xb0: {  	s2 =	sand.u32 $0x1, s25;
	[sflag:s5] =	ssyncadd.s32 @!p0 $0xFFFFD800;
	s5 =	simm.s32 @!p0 $0x2  }
0xb1: {  	p0 =	sgt.u32 s25, $0x7A  }
0xb2: {  	_ =	swait.ge [sflag:s23], $0x100;
	s30 =	sxor.u32 $0x1, s2;
	s5 =	sadd.s32 @!p0 $0x2, s25  }
0xb3: {  	s31 =	sshll.u32 s25, $0xA;
	[sflag:s23] =	ssyncset.done $0x0;
	s6 =	sshll.u32 @!p0 s5, $0x8  }
0xb4: {  	s9 =	simm.s32 @!p0 $0x0;
	s5 =	sshll.u32 @!p0 s5, $0x5;
	s6 =	sand.u32 @!p0 $0x300, s6  }
0xb5: {  	[sflag:s23] =	ssyncadd.s32 $0xFFFFFF00;
	s5 =	sadd.s32 @!p0 s8, s5;
	s6 =	sadd.s32 @!p0 $0x4F00, s6  }
0xb6: {  	[tilespmem:s6], [sflag:$0x1] =	stream.linear.gather @!p0 [hbm4b:s5+s9], $0x100, $0x38;
	[tilespmem:$0x1E780] =	vst v63  }
0xb7: {  	s5 =	smul.u32 $0xA000, s30;
	s6 =	sadd.s32 $0x400, s31  }
0xb8: {  	p0 =	seq.s32 s2, $0x0;
	s6 =	sand.u32 $0xC00, s6  }
0xb9: {  	s9 =	simm.s32 $0x3;
	s5 =	sshrl.u32 s5, $0x2;
	s6 =	sshrl.u32 s6, $0x2  }
0xba: {  	s9 =	simm.s32 @!p0 $0x2;
	s5 =	sadd.s32 $0x5380, s5;
	s6 =	sadd.s32 $0x4F00, s6  }
0xbb: {  	[tilespmem:s5], [sflag:s9] =	stream.indirect.gather [hbm4b:s1+s19], $0x80, s6, s19, $0xb8;
	[tilespmem:$0x1E780] =	vst v63  }
0xbc: {  	p0 =	seq.s32 s2, $0x1;
	s5 =	simm.s32 $0x3  }
0xbd: {  	s5 =	simm.s32 @!p0 $0x2  }
.LBB2_8:
0xbe: {  	s2 =	smul.u32 $0xA000, s2;
	_ =	sdelay $0x1  }
0xbf: {  	s2 =	sshrl.u32 s2, $0x2  }
0xc0: {  	s26 =	sadd.s32 $0x5380, s2  }
0xc1: {  	_ =	swait.ge [sflag:s5], $0x2800;
	v1 =	vmov s26  }
0xc2: {  	[sflag:s5] =	ssyncset.done $0x0  }
0xc3: {  	s28 =	sadd.s32 $0x4F80, s0;
	s29 =	simm.s32 $0x0;
	[sflag:s5] =	ssyncadd.s32 $0xFFFFD800  }
.LBB2_9:
0xc4: {  	s0 =	sor.u32 $0x1, s29;
	s6 =	sshll.u32 s29, $0x7  }
0xc5: {  	s2 =	sor.u32 $0x2, s29;
	v3 =	vmov s0;
	s30 =	sand.u32 $0x3FFFFF80, s6;
	s0 =	sshll.u32 s0, $0x7  }
0xc6: {  	v2 =	vmov s29;
	s5 =	sor.u32 $0x3, s29;
	s22 =	sshll.u32 s2, $0x7;
	v9 =	vld.idx.msk [tilespmem:v1+s30+$0x0 ss:$0x1], $0xffff;
	s31 =	sand.u32 $0x3FFFFF80, s0  }
0xc7: {  	s9 =	sor.u32 $0x4, s29;
	v2 =	vand.u32 $0xFFFFFFF0, v2;
	v4 =	vmov s2;
	v5 =	vmov s5;
	s24 =	sshll.u32 s5, $0x7;
	s2 =	sand.u32 $0x3FFFFF80, s22;
	v10 =	vld.idx.msk [tilespmem:v1+s31+$0x0 ss:$0x1], $0xffff  }
0xc8: {  	s16 =	sor.u32 $0x5, s29;
	v6 =	vmov s9;
	s5 =	sshll.u32 s9, $0x7;
	v2 =	vbroadcast v2, $0x0;
	v3 =	vand.u32 $0xFFFFFFF1, v3;
	s18 =	sand.u32 $0x3FFFFF80, s24;
	v11 =	vld.idx.msk [tilespmem:v1+s2+$0x0 ss:$0x1], $0xffff  }
0xc9: {  	s15 =	sor.u32 $0x6, s29;
	v7 =	vmov s16;
	s9 =	sshll.u32 s16, $0x7;
	v4 =	vand.u32 $0xFFFFFFF2, v4;
	s20 =	sand.u32 $0x3FFFFF80, s5;
	v3 =	vbroadcast v3, $0x0;
	v13 =	vld.idx.msk [tilespmem:v1+s18+$0x0 ss:$0x1], $0xffff  }
0xca: {  	s17 =	sor.u32 $0x7, s29;
	s13 =	sshll.u32 s15, $0x7;
	v7 =	vand.u32 $0xFFFFFFF5, v7;
	s0 =	sand.u32 $0x3FFFFF80, s9;
	v4 =	vbroadcast v4, $0x0;
	v14 =	vld.idx.msk [tilespmem:v1+s20+$0x0 ss:$0x1], $0xffff  }
0xcb: {  	s14 =	sshll.u32 s17, $0x7;
	v5 =	vand.u32 $0xFFFFFFF3, v5;
	s5 =	sand.u32 $0x3FFFFF80, s13;
	v7 =	vbroadcast v7, $0x0;
	v15 =	vld.idx.msk [tilespmem:v1+s0+$0x0 ss:$0x1], $0xffff  }
0xcc: {  	v8 =	vmov s15;
	v6 =	vand.u32 $0xFFFFFFF4, v6;
	s6 =	sand.u32 $0x3FFFFF80, s14;
	v5 =	vbroadcast v5, $0x0;
	v17 =	vld.idx.msk [tilespmem:v1+s5+$0x0 ss:$0x1], $0xffff  }
0xcd: {  	v12 =	vmov s17;
	v8 =	vand.u32 $0xFFFFFFF6, v8;
	v6 =	vbroadcast v6, $0x0;
	v39 =	vld.idx.msk [tilespmem:v1+s6+$0x0 ss:$0x1], $0xffff  }
0xce: {  	v12 =	vand.u32 $0xFFFFFFF7, v12;
	v8 =	vbroadcast v8, $0x0;
	v2 =	vld.idx.msk [tilespmem:v2+s21+$0x0], $0xffff  }
0xcf: {  	v12 =	vbroadcast v12, $0x0;
	v3 =	vld.idx.msk [tilespmem:v3+s21+$0x0], $0xffff  }
0xd0: {  	v4 =	vld.idx.msk [tilespmem:v4+s21+$0x0], $0xffff  }
0xd1: {  	v7 =	vld.idx.msk [tilespmem:v7+s21+$0x0], $0xffff  }
0xd2: {  	v5 =	vld.idx.msk [tilespmem:v5+s21+$0x0], $0xffff  }
0xd3: {  	v6 =	vld.idx.msk [tilespmem:v6+s21+$0x0], $0xffff;
	v16 =	vmul.f32 v9, v2  }
0xd4: {  	v8 =	vld.idx.msk [tilespmem:v8+s21+$0x0], $0xffff;
	v10 =	vmul.f32 v10, v3  }
0xd5: {  	v9 =	vld.idx.msk [tilespmem:v12+s21+$0x0], $0xffff;
	v11 =	vmul.f32 v11, v4;
	[tilespmem:v1+s30+$0x0 ss:$0x1] =	vst.idx.msk $0xffff, v16  }
0xd6: {  	v44 =	vmul.f32 v15, v7;
	v16 =	vld.idx.msk [tilespmem:v1+s30+$0x10 ss:$0x1], $0xffff;
	[tilespmem:v1+s31+$0x0 ss:$0x1] =	vst.idx.msk $0xffff, v10  }
0xd7: {  	v40 =	vmul.f32 v13, v5;
	[tilespmem:v1+s2+$0x0 ss:$0x1] =	vst.idx.msk $0xffff, v11;
	v41 =	vld.idx.msk [tilespmem:v1+s31+$0x10 ss:$0x1], $0xffff  }
0xd8: {  	v42 =	vmul.f32 v14, v6;
	[tilespmem:v1+s0+$0x0 ss:$0x1] =	vst.idx.msk $0xffff, v44;
	v43 =	vld.idx.msk [tilespmem:v1+s2+$0x10 ss:$0x1], $0xffff  }
0xd9: {  	v46 =	vmul.f32 v17, v8;
	[tilespmem:v1+s18+$0x0 ss:$0x1] =	vst.idx.msk $0xffff, v40;
	v50 =	vld.idx.msk [tilespmem:v1+s0+$0x10 ss:$0x1], $0xffff  }
0xda: {  	[tilespmem:v1+s20+$0x0 ss:$0x1] =	vst.idx.msk $0xffff, v42;
	v45 =	vld.idx.msk [tilespmem:v1+s18+$0x10 ss:$0x1], $0xffff;
	v48 =	vmul.f32 v39, v9  }
0xdb: {  	[tilespmem:v1+s5+$0x0 ss:$0x1] =	vst.idx.msk $0xffff, v46;
	v47 =	vld.idx.msk [tilespmem:v1+s20+$0x10 ss:$0x1], $0xffff;
	v49 =	vmul.f32 v16, v2  }
0xdc: {  	v52 =	vld.idx.msk [tilespmem:v1+s5+$0x10 ss:$0x1], $0xffff;
	[tilespmem:v1+s6+$0x0 ss:$0x1] =	vst.idx.msk $0xffff, v48;
	v51 =	vmul.f32 v41, v3  }
0xdd: {  	v54 =	vld.idx.msk [tilespmem:v1+s6+$0x10 ss:$0x1], $0xffff;
	v53 =	vmul.f32 v43, v4;
	[tilespmem:v1+s30+$0x10 ss:$0x1] =	vst.idx.msk $0xffff, v49  }
0xde: {  	v60 =	vmul.f32 v50, v7;
	v55 =	vld.idx.msk [tilespmem:v1+s30+$0x20 ss:$0x1], $0xffff;
	[tilespmem:v1+s31+$0x10 ss:$0x1] =	vst.idx.msk $0xffff, v51  }
0xdf: {  	v56 =	vmul.f32 v45, v5;
	[tilespmem:v1+s2+$0x10 ss:$0x1] =	vst.idx.msk $0xffff, v53;
	v57 =	vld.idx.msk [tilespmem:v1+s31+$0x20 ss:$0x1], $0xffff  }
0xe0: {  	v58 =	vmul.f32 v47, v6;
	[tilespmem:v1+s0+$0x10 ss:$0x1] =	vst.idx.msk $0xffff, v60;
	v59 =	vld.idx.msk [tilespmem:v1+s2+$0x20 ss:$0x1], $0xffff  }
0xe1: {  	v62 =	vmul.f32 v52, v8;
	[tilespmem:v1+s18+$0x10 ss:$0x1] =	vst.idx.msk $0xffff, v56;
	v22 =	vld.idx.msk [tilespmem:v1+s0+$0x20 ss:$0x1], $0xffff  }
0xe2: {  	[tilespmem:v1+s20+$0x10 ss:$0x1] =	vst.idx.msk $0xffff, v58;
	v61 =	vld.idx.msk [tilespmem:v1+s18+$0x20 ss:$0x1], $0xffff;
	v20 =	vmul.f32 v54, v9  }
0xe3: {  	[tilespmem:v1+s5+$0x10 ss:$0x1] =	vst.idx.msk $0xffff, v62;
	v63 =	vld.idx.msk [tilespmem:v1+s20+$0x20 ss:$0x1], $0xffff;
	v21 =	vmul.f32 v55, v2  }
0xe4: {  	v24 =	vld.idx.msk [tilespmem:v1+s5+$0x20 ss:$0x1], $0xffff;
	[tilespmem:v1+s6+$0x10 ss:$0x1] =	vst.idx.msk $0xffff, v20;
	v23 =	vmul.f32 v57, v3  }
0xe5: {  	v26 =	vld.idx.msk [tilespmem:v1+s6+$0x20 ss:$0x1], $0xffff;
	v25 =	vmul.f32 v59, v4;
	[tilespmem:v1+s30+$0x20 ss:$0x1] =	vst.idx.msk $0xffff, v21  }
0xe6: {  	v32 =	vmul.f32 v22, v7;
	v27 =	vld.idx.msk [tilespmem:v1+s30+$0x30 ss:$0x1], $0xffff;
	[tilespmem:v1+s31+$0x20 ss:$0x1] =	vst.idx.msk $0xffff, v23  }
0xe7: {  	v28 =	vmul.f32 v61, v5;
	[tilespmem:v1+s2+$0x20 ss:$0x1] =	vst.idx.msk $0xffff, v25;
	v29 =	vld.idx.msk [tilespmem:v1+s31+$0x30 ss:$0x1], $0xffff  }
0xe8: {  	v30 =	vmul.f32 v63, v6;
	[tilespmem:v1+s0+$0x20 ss:$0x1] =	vst.idx.msk $0xffff, v32;
	v31 =	vld.idx.msk [tilespmem:v1+s2+$0x30 ss:$0x1], $0xffff  }
0xe9: {  	v34 =	vmul.f32 v24, v8;
	[tilespmem:v1+s18+$0x20 ss:$0x1] =	vst.idx.msk $0xffff, v28;
	v38 =	vld.idx.msk [tilespmem:v1+s0+$0x30 ss:$0x1], $0xffff  }
0xea: {  	[tilespmem:v1+s20+$0x20 ss:$0x1] =	vst.idx.msk $0xffff, v30;
	v33 =	vld.idx.msk [tilespmem:v1+s18+$0x30 ss:$0x1], $0xffff;
	v36 =	vmul.f32 v26, v9  }
0xeb: {  	[tilespmem:v1+s5+$0x20 ss:$0x1] =	vst.idx.msk $0xffff, v34;
	v35 =	vld.idx.msk [tilespmem:v1+s20+$0x30 ss:$0x1], $0xffff;
	v37 =	vmul.f32 v27, v2  }
0xec: {  	[tilespmem:v1+s6+$0x20 ss:$0x1] =	vst.idx.msk $0xffff, v36;
	v39 =	vmul.f32 v29, v3  }
0xed: {  	v40 =	vld.idx.msk [tilespmem:v1+s5+$0x30 ss:$0x1], $0xffff;
	v41 =	vmul.f32 v31, v4;
	[tilespmem:v1+s30+$0x30 ss:$0x1] =	vst.idx.msk $0xffff, v37  }
0xee: {  	v42 =	vld.idx.msk [tilespmem:v1+s6+$0x30 ss:$0x1], $0xffff;
	v48 =	vmul.f32 v38, v7;
	[tilespmem:v1+s31+$0x30 ss:$0x1] =	vst.idx.msk $0xffff, v39  }
0xef: {  	s15 =	sor.u32 $0x8, s29;
	v44 =	vmul.f32 v33, v5;
	v43 =	vld.idx.msk [tilespmem:v1+s30+$0x40 ss:$0x1], $0xffff;
	[tilespmem:v1+s2+$0x30 ss:$0x1] =	vst.idx.msk $0xffff, v41  }
0xf0: {  	v46 =	vmul.f32 v35, v6;
	[tilespmem:v1+s0+$0x30 ss:$0x1] =	vst.idx.msk $0xffff, v48;
	v48 =	vmov s15;
	v45 =	vld.idx.msk [tilespmem:v1+s31+$0x40 ss:$0x1], $0xffff  }
0xf1: {  	[tilespmem:v1+s18+$0x30 ss:$0x1] =	vst.idx.msk $0xffff, v44;
	v47 =	vld.idx.msk [tilespmem:v1+s2+$0x40 ss:$0x1], $0xffff;
	v15 =	vand.u32 $0xFFFFFFF8, v48  }
0xf2: {  	v50 =	vmul.f32 v40, v8;
	[tilespmem:v1+s20+$0x30 ss:$0x1] =	vst.idx.msk $0xffff, v46;
	v49 =	vld.idx.msk [tilespmem:v1+s18+$0x40 ss:$0x1], $0xffff;
	v15 =	vbroadcast v15, $0x0  }
0xf3: {  	v51 =	vld.idx.msk [tilespmem:v1+s20+$0x40 ss:$0x1], $0xffff;
	v52 =	vmul.f32 v42, v9  }
0xf4: {  	[tilespmem:v1+s5+$0x30 ss:$0x1] =	vst.idx.msk $0xffff, v50;
	v54 =	vld.idx.msk [tilespmem:v1+s0+$0x40 ss:$0x1], $0xffff;
	v53 =	vmul.f32 v43, v2  }
0xf5: {  	v56 =	vld.idx.msk [tilespmem:v1+s5+$0x40 ss:$0x1], $0xffff;
	[tilespmem:v1+s6+$0x30 ss:$0x1] =	vst.idx.msk $0xffff, v52  }
0xf6: {  	v58 =	vld.idx.msk [tilespmem:v1+s6+$0x40 ss:$0x1], $0xffff;
	v55 =	vmul.f32 v45, v3;
	[tilespmem:v1+s30+$0x40 ss:$0x1] =	vst.idx.msk $0xffff, v53  }
0xf7: {  	v57 =	vmul.f32 v47, v4;
	v59 =	vld.idx.msk [tilespmem:v1+s30+$0x50 ss:$0x1], $0xffff  }
0xf8: {  	s16 =	sor.u32 $0x9, s29;
	v60 =	vmul.f32 v49, v5;
	[tilespmem:v1+s31+$0x40 ss:$0x1] =	vst.idx.msk $0xffff, v55;
	v10 =	vld.idx.msk [tilespmem:v15+s21+$0x0], $0xffff  }
0xf9: {  	v52 =	vmov s16;
	v62 =	vmul.f32 v51, v6;
	[tilespmem:v1+s2+$0x40 ss:$0x1] =	vst.idx.msk $0xffff, v57;
	v61 =	vld.idx.msk [tilespmem:v1+s31+$0x50 ss:$0x1], $0xffff  }
0xfa: {  	v19 =	vmul.f32 v54, v7;
	v54 =	vand.u32 $0xFFFFFFF9, v52;
	[tilespmem:v1+s18+$0x40 ss:$0x1] =	vst.idx.msk $0xffff, v60;
	v63 =	vld.idx.msk [tilespmem:v1+s2+$0x50 ss:$0x1], $0xffff  }
0xfb: {  	v21 =	vmul.f32 v56, v8;
	[tilespmem:v1+s20+$0x40 ss:$0x1] =	vst.idx.msk $0xffff, v62;
	v57 =	vbroadcast v54, $0x0;
	v20 =	vld.idx.msk [tilespmem:v1+s18+$0x50 ss:$0x1], $0xffff  }
0xfc: {  	[tilespmem:v1+s0+$0x40 ss:$0x1] =	vst.idx.msk $0xffff, v19;
	v22 =	vld.idx.msk [tilespmem:v1+s20+$0x50 ss:$0x1], $0xffff  }
0xfd: {  	s9 =	sshll.u32 s15, $0x7;
	[tilespmem:v1+s5+$0x40 ss:$0x1] =	vst.idx.msk $0xffff, v21;
	v25 =	vld.idx.msk [tilespmem:v1+s0+$0x50 ss:$0x1], $0xffff;
	v23 =	vmul.f32 v58, v9  }
0xfe: {  	s15 =	sand.u32 $0x3FFFFF80, s9;
	v27 =	vld.idx.msk [tilespmem:v1+s5+$0x50 ss:$0x1], $0xffff  }
0xff: {  	[tilespmem:v1+s6+$0x40 ss:$0x1] =	vst.idx.msk $0xffff, v23;
	v23 =	vld.idx.msk [tilespmem:v1+s15+$0x0 ss:$0x1], $0xffff  }
0x100: {  	s22 =	sor.u32 $0xA, s29;
	s17 =	sshll.u32 s16, $0x7;
	v29 =	vld.idx.msk [tilespmem:v1+s6+$0x50 ss:$0x1], $0xffff  }
0x101: {  	s9 =	sand.u32 $0x3FFFFF80, s17;
	v58 =	vmov s22;
	s22 =	sshll.u32 s22, $0x7;
	v24 =	vmul.f32 v59, v2;
	v11 =	vld.idx.msk [tilespmem:v57+s21+$0x0], $0xffff  }
0x102: {  	s17 =	sand.u32 $0x3FFFFF80, s22;
	v26 =	vmul.f32 v61, v3;
	v35 =	vmul.f32 v25, v7;
	v25 =	vld.idx.msk [tilespmem:v1+s9+$0x0 ss:$0x1], $0xffff  }
0x103: {  	v28 =	vmul.f32 v63, v4;
	v37 =	vmul.f32 v27, v8;
	v27 =	vld.idx.msk [tilespmem:v1+s17+$0x0 ss:$0x1], $0xffff;
	[tilespmem:v1+s30+$0x50 ss:$0x1] =	vst.idx.msk $0xffff, v24  }
0x104: {  	v59 =	vand.u32 $0xFFFFFFFA, v58;
	v31 =	vmul.f32 v20, v5;
	v30 =	vld.idx.msk [tilespmem:v1+s30+$0x60 ss:$0x1], $0xffff;
	[tilespmem:v1+s31+$0x50 ss:$0x1] =	vst.idx.msk $0xffff, v26  }
0x105: {  	v33 =	vmul.f32 v22, v6;
	v21 =	vbroadcast v59, $0x0;
	[tilespmem:v1+s2+$0x50 ss:$0x1] =	vst.idx.msk $0xffff, v28;
	v32 =	vld.idx.msk [tilespmem:v1+s31+$0x60 ss:$0x1], $0xffff  }
0x106: {  	[tilespmem:v1+s18+$0x50 ss:$0x1] =	vst.idx.msk $0xffff, v31;
	v34 =	vld.idx.msk [tilespmem:v1+s2+$0x60 ss:$0x1], $0xffff  }
0x107: {  	[tilespmem:v1+s20+$0x50 ss:$0x1] =	vst.idx.msk $0xffff, v33;
	v36 =	vld.idx.msk [tilespmem:v1+s18+$0x60 ss:$0x1], $0xffff  }
0x108: {  	[tilespmem:v1+s0+$0x50 ss:$0x1] =	vst.idx.msk $0xffff, v35;
	v38 =	vld.idx.msk [tilespmem:v1+s20+$0x60 ss:$0x1], $0xffff  }
0x109: {  	[tilespmem:v1+s5+$0x50 ss:$0x1] =	vst.idx.msk $0xffff, v37;
	v41 =	vld.idx.msk [tilespmem:v1+s0+$0x60 ss:$0x1], $0xffff;
	v39 =	vmul.f32 v29, v9  }
0x10a: {  	s13 =	sor.u32 $0xB, s29;
	v43 =	vld.idx.msk [tilespmem:v1+s5+$0x60 ss:$0x1], $0xffff  }
0x10b: {  	v61 =	vmov s13;
	s13 =	sshll.u32 s13, $0x7;
	[tilespmem:v1+s6+$0x50 ss:$0x1] =	vst.idx.msk $0xffff, v39;
	v12 =	vld.idx.msk [tilespmem:v21+s21+$0x0], $0xffff;
	v40 =	vmul.f32 v30, v2  }
0x10c: {  	s22 =	sand.u32 $0x3FFFFF80, s13;
	v45 =	vld.idx.msk [tilespmem:v1+s6+$0x60 ss:$0x1], $0xffff;
	v42 =	vmul.f32 v32, v3  }
0x10d: {  	v44 =	vmul.f32 v34, v4;
	v34 =	vld.idx.msk [tilespmem:v1+s22+$0x0 ss:$0x1], $0xffff;
	[tilespmem:v1+s30+$0x60 ss:$0x1] =	vst.idx.msk $0xffff, v40  }
0x10e: {  	s14 =	sor.u32 $0xC, s29;
	v47 =	vmul.f32 v36, v5;
	v46 =	vld.idx.msk [tilespmem:v1+s30+$0x70 ss:$0x1], $0xffff;
	[tilespmem:v1+s31+$0x60 ss:$0x1] =	vst.idx.msk $0xffff, v42  }
0x10f: {  	v62 =	vand.u32 $0xFFFFFFFB, v61;
	v29 =	vmov s14;
	v49 =	vmul.f32 v38, v6;
	[tilespmem:v1+s2+$0x60 ss:$0x1] =	vst.idx.msk $0xffff, v44;
	v18 =	vld.idx.msk [tilespmem:v1+s31+$0x70 ss:$0x1], $0xffff  }
0x110: {  	s16 =	sor.u32 $0xD, s29;
	v63 =	vbroadcast v62, $0x0;
	v24 =	vand.u32 $0xFFFFFFFC, v29;
	v51 =	vmul.f32 v41, v7;
	[tilespmem:v1+s18+$0x60 ss:$0x1] =	vst.idx.msk $0xffff, v47;
	v50 =	vld.idx.msk [tilespmem:v1+s2+$0x70 ss:$0x1], $0xffff  }
0x111: {  	s24 =	sor.u32 $0xE, s29;
	v24 =	vbroadcast v24, $0x0;
	v30 =	vmov s16;
	v53 =	vmul.f32 v43, v8;
	[tilespmem:v1+s20+$0x60 ss:$0x1] =	vst.idx.msk $0xffff, v49;
	v19 =	vld.idx.msk [tilespmem:v1+s18+$0x70 ss:$0x1], $0xffff  }
0x112: {  	v26 =	vand.u32 $0xFFFFFFFD, v30;
	v32 =	vmov s24;
	v43 =	vmul.f32 v25, v11;
	[tilespmem:v1+s0+$0x60 ss:$0x1] =	vst.idx.msk $0xffff, v51;
	v55 =	vld.idx.msk [tilespmem:v1+s20+$0x70 ss:$0x1], $0xffff  }
0x113: {  	v31 =	vbroadcast v26, $0x0;
	v26 =	vand.u32 $0xFFFFFFFE, v32;
	[tilespmem:v1+s5+$0x60 ss:$0x1] =	vst.idx.msk $0xffff, v53;
	v20 =	vld.idx.msk [tilespmem:v1+s0+$0x70 ss:$0x1], $0xffff;
	v44 =	vmul.f32 v27, v12  }
0x114: {  	v33 =	vbroadcast v26, $0x0;
	[tilespmem:v1+s9+$0x0 ss:$0x1] =	vst.idx.msk $0xffff, v43;
	v60 =	vld.idx.msk [tilespmem:v1+s5+$0x70 ss:$0x1], $0xffff  }
0x115: {  	v47 =	vld.idx.msk [tilespmem:v1+s9+$0x10 ss:$0x1], $0xffff;
	[tilespmem:v1+s17+$0x0 ss:$0x1] =	vst.idx.msk $0xffff, v44;
	v14 =	vmul.f32 v46, v2  }
0x116: {  	v48 =	vld.idx.msk [tilespmem:v1+s17+$0x10 ss:$0x1], $0xffff;
	v3 =	vmul.f32 v18, v3  }
0x117: {  	v2 =	vld.idx.msk [tilespmem:v63+s21+$0x0], $0xffff;
	v4 =	vmul.f32 v50, v4;
	[tilespmem:v1+s30+$0x70 ss:$0x1] =	vst.idx.msk $0xffff, v14  }
0x118: {  	v5 =	vmul.f32 v19, v5;
	[tilespmem:v1+s31+$0x70 ss:$0x1] =	vst.idx.msk $0xffff, v3;
	v3 =	vld.idx.msk [tilespmem:v24+s21+$0x0], $0xffff  }
0x119: {  	v6 =	vmul.f32 v55, v6;
	s30 =	sshll.u32 s14, $0x7;
	s31 =	sor.u32 $0xF, s29;
	[tilespmem:v1+s2+$0x70 ss:$0x1] =	vst.idx.msk $0xffff, v4;
	v4 =	vld.idx.msk [tilespmem:v31+s21+$0x0], $0xffff  }
0x11a: {  	s16 =	sshll.u32 s16, $0x7;
	s30 =	sand.u32 $0x3FFFFF80, s30;
	[tilespmem:v1+s18+$0x70 ss:$0x1] =	vst.idx.msk $0xffff, v5;
	v5 =	vld.idx.msk [tilespmem:v33+s21+$0x0], $0xffff;
	v36 =	vmov s31  }
0x11b: {  	v38 =	vmul.f32 v60, v8;
	s2 =	sand.u32 $0x3FFFFF80, s16;
	[tilespmem:v1+s20+$0x70 ss:$0x1] =	vst.idx.msk $0xffff, v6;
	s20 =	sshll.u32 s24, $0x7;
	v35 =	vld.idx.msk [tilespmem:v1+s30+$0x0 ss:$0x1], $0xffff  }
0x11c: {  	v41 =	vmul.f32 v23, v10;
	v39 =	vld.idx.msk [tilespmem:v1+s2+$0x0 ss:$0x1], $0xffff;
	s24 =	sand.u32 $0x3FFFFF80, s20;
	s31 =	sshll.u32 s31, $0x7  }
0x11d: {  	v56 =	vmul.f32 v45, v9;
	[tilespmem:v1+s5+$0x70 ss:$0x1] =	vst.idx.msk $0xffff, v38;
	v42 =	vld.idx.msk [tilespmem:v1+s24+$0x0 ss:$0x1], $0xffff;
	s5 =	sand.u32 $0x3FFFFF80, s31  }
0x11e: {  	[tilespmem:v1+s15+$0x0 ss:$0x1] =	vst.idx.msk $0xffff, v41;
	v37 =	vmul.f32 v20, v7;
	v45 =	vld.idx.msk [tilespmem:v1+s5+$0x0 ss:$0x1], $0xffff  }
0x11f: {  	[tilespmem:v1+s6+$0x60 ss:$0x1] =	vst.idx.msk $0xffff, v56;
	v53 =	vmul.f32 v48, v12;
	v6 =	vld.idx.msk [tilespmem:v36+s21+$0x0], $0xffff  }
0x120: {  	v46 =	vld.idx.msk [tilespmem:v1+s15+$0x10 ss:$0x1], $0xffff;
	[tilespmem:v1+s0+$0x70 ss:$0x1] =	vst.idx.msk $0xffff, v37;
	v14 =	vmul.f32 v34, v2  }
0x121: {  	v22 =	vld.idx.msk [tilespmem:v1+s6+$0x70 ss:$0x1], $0xffff;
	[tilespmem:v1+s17+$0x10 ss:$0x1] =	vst.idx.msk $0xffff, v53;
	v16 =	vmul.f32 v35, v3  }
0x122: {  	[tilespmem:v1+s22+$0x0 ss:$0x1] =	vst.idx.msk $0xffff, v14;
	v7 =	vmul.f32 v39, v4  }
0x123: {  	v49 =	vld.idx.msk [tilespmem:v1+s22+$0x10 ss:$0x1], $0xffff;
	v13 =	vmul.f32 v42, v5;
	[tilespmem:v1+s30+$0x0 ss:$0x1] =	vst.idx.msk $0xffff, v16  }
0x124: {  	[tilespmem:v1+s2+$0x0 ss:$0x1] =	vst.idx.msk $0xffff, v7;
	v50 =	vld.idx.msk [tilespmem:v1+s30+$0x10 ss:$0x1], $0xffff;
	v15 =	vmul.f32 v45, v6  }
0x125: {  	v8 =	vmul.f32 v46, v10;
	[tilespmem:v1+s24+$0x0 ss:$0x1] =	vst.idx.msk $0xffff, v13;
	v51 =	vld.idx.msk [tilespmem:v1+s2+$0x10 ss:$0x1], $0xffff  }
0x126: {  	v40 =	vmul.f32 v22, v9;
	v9 =	vmul.f32 v47, v11;
	v52 =	vld.idx.msk [tilespmem:v1+s24+$0x10 ss:$0x1], $0xffff;
	[tilespmem:v1+s5+$0x0 ss:$0x1] =	vst.idx.msk $0xffff, v15  }
0x127: {  	[tilespmem:v1+s15+$0x10 ss:$0x1] =	vst.idx.msk $0xffff, v8;
	v54 =	vld.idx.msk [tilespmem:v1+s5+$0x10 ss:$0x1], $0xffff  }
0x128: {  	[tilespmem:v1+s9+$0x10 ss:$0x1] =	vst.idx.msk $0xffff, v9;
	v55 =	vld.idx.msk [tilespmem:v1+s15+$0x20 ss:$0x1], $0xffff;
	v16 =	vmul.f32 v49, v2  }
0x129: {  	[tilespmem:v1+s6+$0x70 ss:$0x1] =	vst.idx.msk $0xffff, v40;
	v56 =	vld.idx.msk [tilespmem:v1+s9+$0x20 ss:$0x1], $0xffff;
	v7 =	vmul.f32 v50, v3  }
0x12a: {  	v57 =	vld.idx.msk [tilespmem:v1+s17+$0x20 ss:$0x1], $0xffff;
	[tilespmem:v1+s22+$0x10 ss:$0x1] =	vst.idx.msk $0xffff, v16;
	v13 =	vmul.f32 v51, v4  }
0x12b: {  	v58 =	vld.idx.msk [tilespmem:v1+s22+$0x20 ss:$0x1], $0xffff;
	v15 =	vmul.f32 v52, v5;
	[tilespmem:v1+s30+$0x10 ss:$0x1] =	vst.idx.msk $0xffff, v7  }
0x12c: {  	[tilespmem:v1+s2+$0x10 ss:$0x1] =	vst.idx.msk $0xffff, v13;
	v59 =	vld.idx.msk [tilespmem:v1+s30+$0x20 ss:$0x1], $0xffff;
	v14 =	vmul.f32 v54, v6  }
0x12d: {  	v9 =	vmul.f32 v55, v10;
	[tilespmem:v1+s24+$0x10 ss:$0x1] =	vst.idx.msk $0xffff, v15;
	v60 =	vld.idx.msk [tilespmem:v1+s2+$0x20 ss:$0x1], $0xffff  }
0x12e: {  	v8 =	vmul.f32 v56, v11;
	v61 =	vld.idx.msk [tilespmem:v1+s24+$0x20 ss:$0x1], $0xffff;
	[tilespmem:v1+s5+$0x10 ss:$0x1] =	vst.idx.msk $0xffff, v14  }
0x12f: {  	v62 =	vmul.f32 v57, v12;
	[tilespmem:v1+s15+$0x20 ss:$0x1] =	vst.idx.msk $0xffff, v9;
	v63 =	vld.idx.msk [tilespmem:v1+s5+$0x20 ss:$0x1], $0xffff  }
0x130: {  	[tilespmem:v1+s9+$0x20 ss:$0x1] =	vst.idx.msk $0xffff, v8;
	v20 =	vld.idx.msk [tilespmem:v1+s15+$0x30 ss:$0x1], $0xffff;
	v7 =	vmul.f32 v58, v2  }
0x131: {  	[tilespmem:v1+s17+$0x20 ss:$0x1] =	vst.idx.msk $0xffff, v62;
	v21 =	vld.idx.msk [tilespmem:v1+s9+$0x30 ss:$0x1], $0xffff;
	v13 =	vmul.f32 v59, v3  }
0x132: {  	v22 =	vld.idx.msk [tilespmem:v1+s17+$0x30 ss:$0x1], $0xffff;
	[tilespmem:v1+s22+$0x20 ss:$0x1] =	vst.idx.msk $0xffff, v7;
	v15 =	vmul.f32 v60, v4  }
0x133: {  	v23 =	vld.idx.msk [tilespmem:v1+s22+$0x30 ss:$0x1], $0xffff;
	v14 =	vmul.f32 v61, v5;
	[tilespmem:v1+s30+$0x20 ss:$0x1] =	vst.idx.msk $0xffff, v13  }
0x134: {  	[tilespmem:v1+s2+$0x20 ss:$0x1] =	vst.idx.msk $0xffff, v15;
	v24 =	vld.idx.msk [tilespmem:v1+s30+$0x30 ss:$0x1], $0xffff;
	v16 =	vmul.f32 v63, v6  }
0x135: {  	v8 =	vmul.f32 v20, v10;
	[tilespmem:v1+s24+$0x20 ss:$0x1] =	vst.idx.msk $0xffff, v14;
	v25 =	vld.idx.msk [tilespmem:v1+s2+$0x30 ss:$0x1], $0xffff  }
0x136: {  	v9 =	vmul.f32 v21, v11;
	v26 =	vld.idx.msk [tilespmem:v1+s24+$0x30 ss:$0x1], $0xffff;
	[tilespmem:v1+s5+$0x20 ss:$0x1] =	vst.idx.msk $0xffff, v16  }
0x137: {  	[tilespmem:v1+s15+$0x30 ss:$0x1] =	vst.idx.msk $0xffff, v8;
	v7 =	vmul.f32 v22, v12;
	v27 =	vld.idx.msk [tilespmem:v1+s5+$0x30 ss:$0x1], $0xffff  }
0x138: {  	[tilespmem:v1+s9+$0x30 ss:$0x1] =	vst.idx.msk $0xffff, v9;
	v28 =	vld.idx.msk [tilespmem:v1+s15+$0x40 ss:$0x1], $0xffff;
	v13 =	vmul.f32 v23, v2  }
0x139: {  	v29 =	vld.idx.msk [tilespmem:v1+s9+$0x40 ss:$0x1], $0xffff;
	[tilespmem:v1+s17+$0x30 ss:$0x1] =	vst.idx.msk $0xffff, v7;
	v15 =	vmul.f32 v24, v3  }
0x13a: {  	v30 =	vld.idx.msk [tilespmem:v1+s17+$0x40 ss:$0x1], $0xffff;
	[tilespmem:v1+s22+$0x30 ss:$0x1] =	vst.idx.msk $0xffff, v13;
	v14 =	vmul.f32 v25, v4  }
0x13b: {  	v31 =	vld.idx.msk [tilespmem:v1+s22+$0x40 ss:$0x1], $0xffff;
	v16 =	vmul.f32 v26, v5;
	[tilespmem:v1+s30+$0x30 ss:$0x1] =	vst.idx.msk $0xffff, v15  }
0x13c: {  	[tilespmem:v1+s2+$0x30 ss:$0x1] =	vst.idx.msk $0xffff, v14;
	v32 =	vld.idx.msk [tilespmem:v1+s30+$0x40 ss:$0x1], $0xffff;
	v8 =	vmul.f32 v27, v6  }
0x13d: {  	v9 =	vmul.f32 v28, v10;
	[tilespmem:v1+s24+$0x30 ss:$0x1] =	vst.idx.msk $0xffff, v16;
	v33 =	vld.idx.msk [tilespmem:v1+s2+$0x40 ss:$0x1], $0xffff  }
0x13e: {  	v7 =	vmul.f32 v29, v11;
	v34 =	vld.idx.msk [tilespmem:v1+s24+$0x40 ss:$0x1], $0xffff;
	[tilespmem:v1+s5+$0x30 ss:$0x1] =	vst.idx.msk $0xffff, v8  }
0x13f: {  	[tilespmem:v1+s15+$0x40 ss:$0x1] =	vst.idx.msk $0xffff, v9;
	v35 =	vmul.f32 v30, v12;
	v36 =	vld.idx.msk [tilespmem:v1+s5+$0x40 ss:$0x1], $0xffff  }
0x140: {  	[tilespmem:v1+s9+$0x40 ss:$0x1] =	vst.idx.msk $0xffff, v7;
	v37 =	vld.idx.msk [tilespmem:v1+s15+$0x50 ss:$0x1], $0xffff;
	v15 =	vmul.f32 v31, v2  }
0x141: {  	v38 =	vld.idx.msk [tilespmem:v1+s9+$0x50 ss:$0x1], $0xffff;
	[tilespmem:v1+s17+$0x40 ss:$0x1] =	vst.idx.msk $0xffff, v35;
	v14 =	vmul.f32 v32, v3  }
0x142: {  	v39 =	vld.idx.msk [tilespmem:v1+s17+$0x50 ss:$0x1], $0xffff;
	[tilespmem:v1+s22+$0x40 ss:$0x1] =	vst.idx.msk $0xffff, v15;
	v16 =	vmul.f32 v33, v4  }
0x143: {  	v40 =	vld.idx.msk [tilespmem:v1+s22+$0x50 ss:$0x1], $0xffff;
	v8 =	vmul.f32 v34, v5;
	[tilespmem:v1+s30+$0x40 ss:$0x1] =	vst.idx.msk $0xffff, v14  }
0x144: {  	[tilespmem:v1+s2+$0x40 ss:$0x1] =	vst.idx.msk $0xffff, v16;
	v41 =	vld.idx.msk [tilespmem:v1+s30+$0x50 ss:$0x1], $0xffff;
	v13 =	vmul.f32 v36, v6  }
0x145: {  	v7 =	vmul.f32 v37, v10;
	[tilespmem:v1+s24+$0x40 ss:$0x1] =	vst.idx.msk $0xffff, v8;
	v42 =	vld.idx.msk [tilespmem:v1+s2+$0x50 ss:$0x1], $0xffff  }
0x146: {  	v9 =	vmul.f32 v38, v11;
	v43 =	vld.idx.msk [tilespmem:v1+s24+$0x50 ss:$0x1], $0xffff;
	[tilespmem:v1+s5+$0x40 ss:$0x1] =	vst.idx.msk $0xffff, v13  }
0x147: {  	[tilespmem:v1+s15+$0x50 ss:$0x1] =	vst.idx.msk $0xffff, v7;
	v44 =	vmul.f32 v39, v12;
	v45 =	vld.idx.msk [tilespmem:v1+s5+$0x50 ss:$0x1], $0xffff  }
0x148: {  	[tilespmem:v1+s9+$0x50 ss:$0x1] =	vst.idx.msk $0xffff, v9;
	v46 =	vld.idx.msk [tilespmem:v1+s15+$0x60 ss:$0x1], $0xffff;
	v14 =	vmul.f32 v40, v2  }
0x149: {  	v47 =	vld.idx.msk [tilespmem:v1+s9+$0x60 ss:$0x1], $0xffff;
	[tilespmem:v1+s17+$0x50 ss:$0x1] =	vst.idx.msk $0xffff, v44;
	v16 =	vmul.f32 v41, v3  }
0x14a: {  	v48 =	vld.idx.msk [tilespmem:v1+s17+$0x60 ss:$0x1], $0xffff;
	[tilespmem:v1+s22+$0x50 ss:$0x1] =	vst.idx.msk $0xffff, v14;
	v8 =	vmul.f32 v42, v4  }
0x14b: {  	v49 =	vld.idx.msk [tilespmem:v1+s22+$0x60 ss:$0x1], $0xffff;
	v13 =	vmul.f32 v43, v5;
	[tilespmem:v1+s30+$0x50 ss:$0x1] =	vst.idx.msk $0xffff, v16  }
0x14c: {  	[tilespmem:v1+s2+$0x50 ss:$0x1] =	vst.idx.msk $0xffff, v8;
	v50 =	vld.idx.msk [tilespmem:v1+s30+$0x60 ss:$0x1], $0xffff;
	v15 =	vmul.f32 v45, v6  }
0x14d: {  	v9 =	vmul.f32 v46, v10;
	[tilespmem:v1+s24+$0x50 ss:$0x1] =	vst.idx.msk $0xffff, v13;
	v51 =	vld.idx.msk [tilespmem:v1+s2+$0x60 ss:$0x1], $0xffff  }
0x14e: {  	v7 =	vmul.f32 v47, v11;
	v52 =	vld.idx.msk [tilespmem:v1+s24+$0x60 ss:$0x1], $0xffff;
	[tilespmem:v1+s5+$0x50 ss:$0x1] =	vst.idx.msk $0xffff, v15  }
0x14f: {  	[tilespmem:v1+s15+$0x60 ss:$0x1] =	vst.idx.msk $0xffff, v9;
	v53 =	vmul.f32 v48, v12;
	v54 =	vld.idx.msk [tilespmem:v1+s5+$0x60 ss:$0x1], $0xffff  }
0x150: {  	[tilespmem:v1+s9+$0x60 ss:$0x1] =	vst.idx.msk $0xffff, v7;
	v55 =	vld.idx.msk [tilespmem:v1+s15+$0x70 ss:$0x1], $0xffff;
	v16 =	vmul.f32 v49, v2  }
0x151: {  	v56 =	vld.idx.msk [tilespmem:v1+s9+$0x70 ss:$0x1], $0xffff;
	[tilespmem:v1+s17+$0x60 ss:$0x1] =	vst.idx.msk $0xffff, v53;
	v8 =	vmul.f32 v50, v3  }
0x152: {  	v57 =	vld.idx.msk [tilespmem:v1+s17+$0x70 ss:$0x1], $0xffff;
	[tilespmem:v1+s22+$0x60 ss:$0x1] =	vst.idx.msk $0xffff, v16;
	v13 =	vmul.f32 v51, v4  }
0x153: {  	v58 =	vld.idx.msk [tilespmem:v1+s22+$0x70 ss:$0x1], $0xffff;
	v15 =	vmul.f32 v52, v5;
	[tilespmem:v1+s30+$0x60 ss:$0x1] =	vst.idx.msk $0xffff, v8  }
0x154: {  	[tilespmem:v1+s2+$0x60 ss:$0x1] =	vst.idx.msk $0xffff, v13;
	v59 =	vld.idx.msk [tilespmem:v1+s30+$0x70 ss:$0x1], $0xffff;
	v14 =	vmul.f32 v54, v6  }
0x155: {  	v7 =	vmul.f32 v55, v10;
	[tilespmem:v1+s24+$0x60 ss:$0x1] =	vst.idx.msk $0xffff, v15;
	v60 =	vld.idx.msk [tilespmem:v1+s2+$0x70 ss:$0x1], $0xffff  }
0x156: {  	v9 =	vmul.f32 v56, v11;
	v61 =	vld.idx.msk [tilespmem:v1+s24+$0x70 ss:$0x1], $0xffff;
	[tilespmem:v1+s5+$0x60 ss:$0x1] =	vst.idx.msk $0xffff, v14  }
0x157: {  	[tilespmem:v1+s15+$0x70 ss:$0x1] =	vst.idx.msk $0xffff, v7;
	v62 =	vmul.f32 v57, v12;
	v63 =	vld.idx.msk [tilespmem:v1+s5+$0x70 ss:$0x1], $0xffff  }
0x158: {  	[tilespmem:v1+s9+$0x70 ss:$0x1] =	vst.idx.msk $0xffff, v9;
	v2 =	vmul.f32 v58, v2  }
0x159: {  	p0 =	slt.u32 s29, $0x40;
	[tilespmem:v1+s17+$0x70 ss:$0x1] =	vst.idx.msk $0xffff, v62;
	v3 =	vmul.f32 v59, v3  }
.Ltmp3:
0x15a: {  	[tilespmem:v1+s22+$0x70 ss:$0x1] =	vst.idx.msk $0xffff, v2;
	v2 =	vmul.f32 v60, v4;
	(pc) =	sbr.rel @p0 .LBB2_9-.Ltmp3, $4  }
0x15b: {  	[tilespmem:v1+s30+$0x70 ss:$0x1] =	vst.idx.msk $0xffff, v3;
	v3 =	vmul.f32 v61, v5  }
0x15c: {  	[tilespmem:v1+s2+$0x70 ss:$0x1] =	vst.idx.msk $0xffff, v2;
	v2 =	vmul.f32 v63, v6  }
0x15d: {  	[tilespmem:v1+s24+$0x70 ss:$0x1] =	vst.idx.msk $0xffff, v3  }
0x15e: {  	s29 =	sadd.s32 $0x10, s29;
	[tilespmem:v1+s5+$0x70 ss:$0x1] =	vst.idx.msk $0xffff, v2  }
0x15f: {  	s25 =	sadd.s32 $0x1, s25  }
0x160: {  	p0 =	sne.s32 s25, $0x7D  }
.Ltmp4:
0x161: {  	_ = 	snop;
	(pc) =	sbr.rel @p0 .LBB2_6-.Ltmp4, $2  }
0x162: {  	_ =	sdelay $0x2  }
0x163: {  	[spmem:s3] =	stream.indirect.scatter.add.f32 [tilespmem:s26], [sflag:$0x4], $0x80, s28, s19, $0xb8;
	[tilespmem:$0x1E780] =	vst v63  }
0x164: {  	_ =	swait.ge [sflag:s12], $0x2800  }
0x165: {  	[sflag:s12] =	ssyncset.done $0x0  }
0x166: {  	s0 =	stileid.u32;
	[sflag:s12] =	ssyncadd.s32 $0xFFFFD800  }
0x167: {  	s2 =	sshrl.u32 s7, $0x3;
	s0 =	sshll.u32 s0, $0x6;
	[bflag:$0x0] =	sbarrier.arrive $0xFFFF  }
0x168: {  	s6 =	simm.s32 $0x5;
	s0 =	sor.u32 $0x1C05, s0;
	s5 =	rddreg [dreg:$0x8]  }
0x169: {  	[hbm:s5], [sflag:s0] =	dma.local [spmem:s2], $0x2800  }
0x16a: {  	_ =	swait.ge [sflag:s6], $0x2800  }
0x16b: {  	s30 =	rddreg [dreg:$0x9]  }
0x16c: {  	s31 =	rddreg [dreg:$0x6];
	s2 =	sadd.s32 $0x1, s30  }
0x16d: {  	p0 =	sne.s32 s2, s31  }
.Ltmp5:
0x16e: {  	_ = 	snop;
	(pc) =	sbr.rel @p0 .LBB2_1-.Ltmp5, $3  }
0x16f: {  	_ =	sdelay $0x1  }
0x170: {  	[sflag:s6] =	ssyncset.done $0x0  }
0x171: {  	[sflag:s6] =	ssyncadd.s32 $0xFFFFD800  }
0x172: {  	_ =	sfence.sel $0x180000  }
0x173: {  	[bflag:$0x0] =	sbarrier.arrive $0xFFFF  }
0x174: {  	_ =	strace $0x9000004A  }
0x175: {  	s0 =	stileid.u32;
	[bflag:$0x2] =	sbarrier.arrive $0xFFFF  }
0x176: {  	p0 =	sne.s32 s0, $0x0;
	s0 =	rddreg [dreg:$0x3]  }
0x177: {  	s0 =	sadd.s32 @!p0 $0x100000, s0  }
0x178: {  	[sflag:s0] =	ssyncadd.tile.s32 @!p0 $0x1;
	_ =	shalt  }
.Lfunc_end2:
_tile_overlayer_lowered:
.L_overlay_start_2:
0x179: {  	(tag) =	ssettag $0x2  }
0x17a: {  	s0 =	rddreg [dreg:$0x0];
	s2 =	stileid.u32  }
0x17b: {  	s1 =	rddreg [dreg:$0x1];
	p0 =	sne.s32 s2, $0x0  }
0x17c: {  	s3 =	rddreg [dreg:$0x2];
	[bflag:$0x3] =	sbarrier.arrive $0xFFFF;
	s2 =	simm.s32 @!p0 $0x1C05  }
0x17d: {  	[timem:s3], [sflag:s2] =	dma.local @!p0 [hbm:s0], s1  }
0x17e: {  	s0 =	simm.s32 @!p0 $0x5  }
0x17f: {  	_ =	swait.ge @!p0 [sflag:s0], s1  }
0x180: {  	s1 =	ssub.s32 @!p0 $0x0, s1;
	[sflag:s0] =	ssyncset.done @!p0 $0x0  }
0x181: {  	[sflag:s0] =	ssyncadd.s32 @!p0 s1  }
0x182: {  	[bflag:$0x3] =	sbarrier.arrive $0xFFFF  }
0x183: {  	_ =	shalt  }

// kernel: kernel.14.cloned.1.call-start
scs
__scs_entry_jumppad:
0x0: {  	(pc) =	sbr.rel $0x88, $3  }
0x1: {  	(tag) =	ssettag $0x0;
	lr =	simm.s32 $0x1  }
0x2: {  	[smem:$0x3F98] =	sst lr;
	_ =	strace $0xD0000000  }
0x3: {  	_ = 	snop  }
0x4: {  	_ = 	snop  }
0x5: {  	_ = 	snop  }
0x6: {  	_ = 	snop  }
0x7: {  	_ = 	snop  }
__scs_overlays_trampoline_lowered:
0x8: {  	[smem:$0x3FA7] =	sst s0  }
0x9: {  	[smem:$0x3FA8] =	sst s1  }
0xa: {  	[smem:$0x3FA9] =	sst s2  }
0xb: {  	[smem:$0x3FAA] =	sst s3  }
0xc: {  	[smem:$0x3FAB] =	sst s4  }
0xd: {  	[smem:$0x3FAC] =	sst s5  }
0xe: {  	[smem:$0x3FAD] =	sst s6  }
0xf: {  	[smem:$0x3FAE] =	sst s7  }
0x10: {  	[smem:$0x3FAF] =	sst s8  }
0x11: {  	[smem:$0x3FB0] =	sst s9;
	s0 =	simm.s32 @!p0 $0x0  }
0x12: {  	s1 =	sld [smem:$0x3F96];
	s0 =	simm.s32 @p0 $0x1  }
0x13: {  	[smem:$0x3FB1] =	sst s0;
	s0 =	simm.s32 @!p1 $0x0  }
0x14: {  	s2 =	sld [smem:$0x3F95];
	s0 =	simm.s32 @p1 $0x1  }
0x15: {  	[smem:$0x3FB2] =	sst s0;
	s0 =	simm.s32 @!p2 $0x0  }
0x16: {  	s3 =	sld [smem:$0x3FDB];
	s0 =	simm.s32 @p2 $0x1  }
0x17: {  	s4 =	simm.s32 $0x1BF5;
	[smem:$0x3FB4] =	sst s0  }
0x18: {  	s0 =	sld [smem:$0x3F97];
	_ =	swait.ge [sflag:s4], $0x0  }
0x19: {  	s7 =	sld [smem:$0x3F98]  }
0x1a: {  	s8 =	sadd.s32 $0xFFFFE003, lr  }
0x1b: {  	s9 =	sadd.s32 $0xFFFFFEF7, lr;
	s5 =	simm.s32 $0xFFFFFFFF;
	p2 =	slt.u32 s8, $0xFFFFF086  }
0x1c: {  	p1 =	slt.u32 s9, $0xF7A;
	s5 =	simm.s32 @!p2 $0x0  }
0x1d: {  	s5 =	simm.s32 @p1 $0x1;
	p0 =	seq.s32 s7, s2  }
0x1e: {  	s7 =	smul.u32 @!p0 $0xF7A, s2;
	p2 =	seq.s32 @!p0 s5, $0x0  }
0x1f: {  	s9 =	smul.u32 $0xF7A, s1;
	s8 =	simm.s32 @!p0 $0x1BF5;
	p2 =	por !p2, p0  }
0x20: {  	[sflag:s8] =	ssyncset.s32 @!p0 $0xFFFFF086;
	s6 =	sadd.s32 @!p0 s3, s7;
	s7 =	simm.s32 @!p0 $0x108  }
0x21: {  	s3 =	sadd.s32 s3, s9;
	s6 =	sadd.s32 @!p0 $0x88, s6;
	s7 =	simm.s32 @p2 $0x1082  }
0x22: {  	[simem:s7], [sflag:s8] =	dma.local @!p0 [hbm:s6], $0xF7A  }
0x23: {  	s9 =	sor.u32 $0xD0000000, s2;
	s6 =	simm.s32 $0x108;
	_ =	swait.ge @!p0 [sflag:s8], $0x0  }
0x24: {  	s3 =	sadd.s32 $0x88, s3;
	s6 =	simm.s32 @!p1 $0x1082;
	[sflag:s4] =	ssyncset.s32 $0xFFFFF086  }
0x25: {  	[simem:s6], [sflag:s4] =	dma.local [hbm:s3], $0xF7A  }
0x26: {  	[smem:$0x3F98] =	sst s1;
	(tag) =	ssettag s2;
	_ =	strace s9  }
0x27: {  	s1 =	sld [smem:$0x3FA8]  }
0x28: {  	s2 =	sld [smem:$0x3FA9]  }
0x29: {  	s4 =	sld [smem:$0x3FAB]  }
0x2a: {  	p0 =	seq.s32 s5, $0x0;
	s5 =	sld [smem:$0x3FAC]  }
0x2b: {  	s6 =	sld [smem:$0x3FAD]  }
0x2c: {  	s7 =	sld [smem:$0x3FAE]  }
0x2d: {  	s3 =	simm.s32 $0x108;
	s8 =	sld [smem:$0x3FAF]  }
0x2e: {  	s3 =	simm.s32 @!p0 $0x1082;
	s9 =	sld [smem:$0x3FB0]  }
0x2f: {  	lr =	sadd.s32 s0, s3;
	s0 =	sld [smem:$0x3FA7]  }
0x30: {  	s3 =	sld [smem:$0x3FAA]  }
0x31: {  	[smem:$0x3FB3] =	sst s10  }
0x32: {  	s10 =	sld [smem:$0x3FB1];
	_ =	sdelay $0x3  }
0x33: {  	p0 =	seq.s32 s10, $0x1;
	s10 =	sld [smem:$0x3FB3];
	_ =	sdelay $0x3  }
0x34: {  	[smem:$0x3FB3] =	sst s10  }
0x35: {  	s10 =	sld [smem:$0x3FB2];
	_ =	sdelay $0x3  }
0x36: {  	p1 =	seq.s32 s10, $0x1;
	s10 =	sld [smem:$0x3FB3];
	_ =	sdelay $0x3  }
0x37: {  	[smem:$0x3FB3] =	sst s10  }
0x38: {  	s10 =	sld [smem:$0x3FB4]  }
0x39: {  	_ = 	snop;
	(pc) =	sbr.ind lr, $3  }
0x3a: {  	_ = 	snop  }
0x3b: {  	_ = 	snop  }
0x3c: {  	p2 =	seq.s32 s10, $0x1;
	s10 =	sld [smem:$0x3FB3]  }
0x3d: {  	_ =	shalt  }
0x3e: {  	_ =	shalt  }
0x3f: {  	_ =	shalt  }
0x40: {  	_ =	shalt  }
0x41: {  	_ =	shalt  }
0x42: {  	_ =	shalt  }
0x43: {  	_ =	shalt  }
0x44: {  	_ =	shalt  }
0x45: {  	_ =	shalt  }
0x46: {  	_ =	shalt  }
0x47: {  	_ =	shalt  }
0x48: {  	_ =	shalt  }
0x49: {  	_ =	shalt  }
0x4a: {  	_ =	shalt  }
0x4b: {  	_ =	shalt  }
0x4c: {  	_ =	shalt  }
0x4d: {  	_ =	shalt  }
0x4e: {  	_ =	shalt  }
0x4f: {  	_ =	shalt  }
0x50: {  	_ =	shalt  }
0x51: {  	_ =	shalt  }
0x52: {  	_ =	shalt  }
0x53: {  	_ =	shalt  }
0x54: {  	_ =	shalt  }
0x55: {  	_ =	shalt  }
0x56: {  	_ =	shalt  }
0x57: {  	_ =	shalt  }
0x58: {  	_ =	shalt  }
0x59: {  	_ =	shalt  }
0x5a: {  	_ =	shalt  }
0x5b: {  	_ =	shalt  }
0x5c: {  	_ =	shalt  }
0x5d: {  	_ =	shalt  }
0x5e: {  	_ =	shalt  }
0x5f: {  	_ =	shalt  }
0x60: {  	_ =	shalt  }
0x61: {  	_ =	shalt  }
0x62: {  	_ =	shalt  }
0x63: {  	_ =	shalt  }
0x64: {  	_ =	shalt  }
0x65: {  	_ =	shalt  }
0x66: {  	_ =	shalt  }
0x67: {  	_ =	shalt  }
0x68: {  	_ =	shalt  }
0x69: {  	_ =	shalt  }
0x6a: {  	_ =	shalt  }
0x6b: {  	_ =	shalt  }
0x6c: {  	_ =	shalt  }
0x6d: {  	_ =	shalt  }
0x6e: {  	_ =	shalt  }
0x6f: {  	_ =	shalt  }
0x70: {  	_ =	shalt  }
0x71: {  	_ =	shalt  }
0x72: {  	_ =	shalt  }
0x73: {  	_ =	shalt  }
0x74: {  	_ =	shalt  }
0x75: {  	_ =	shalt  }
0x76: {  	_ =	shalt  }
0x77: {  	_ =	shalt  }
0x78: {  	_ =	shalt  }
0x79: {  	_ =	shalt  }
0x7a: {  	_ =	shalt  }
0x7b: {  	_ =	shalt  }
0x7c: {  	_ =	shalt  }
0x7d: {  	_ =	shalt  }
0x7e: {  	_ =	shalt  }
0x7f: {  	_ =	shalt  }
0x80: {  	_ =	shalt  }
0x81: {  	_ =	shalt  }
0x82: {  	_ =	shalt  }
0x83: {  	_ =	shalt  }
0x84: {  	_ =	shalt  }
0x85: {  	_ =	shalt  }
0x86: {  	_ =	shalt  }
0x87: {  	_ =	shalt  }
.Lfunc_end0:
.L_simem_size_0:
called_computation.2_lowered:
.L_overlay_start_0:
0x88: {  	s2 =	sld [smem:$0x3FD9]  }
0x89: {  	s3 =	sld [smem:$0x3FFE];
	_ =	sdelay $0x1  }
0x8a: {  	s1 =	srdreg.scid  }
0x8b: {  	s0 =	sand.u32 $0x1, s1  }
0x8c: {  	s17 =	sshll.u32 s0, $0xA;
	s2 =	sadd.s32 s3, s2  }
0x8d: {  	s2 =	sadd.s32 s2, s17  }
0x8e: {  	[smem:$0x3FBF] =	sst s2  }
0x8f: {  	_ = 	snop  }
0x90: {  	s2 =	sld [smem:$0x3FD0];
	(tm) =	ssettm $0x1  }
0x91: {  	s18 =	sld [smem:$0x3FFB];
	_ =	sdelay $0x3  }
0x92: {  	_ =	strace s18  }
0x93: {  	s3 =	sld [smem:$0x3FFC];
	_ =	sdelay $0x3  }
0x94: {  	_ =	strace s3  }
0x95: {  	s3 =	sld [smem:$0x3FFD];
	_ =	sdelay $0x3  }
0x96: {  	_ =	strace s3  }
0x97: {  	_ =	strace $0x8FFFFFFF  }
0x98: {  	s19 =	sld [smem:$0x3FDB];
	_ =	sdelay $0x1  }
0x99: {  	s4 =	simm.s32 $_scs_section_size  }
0x9a: {  	s5 =	simm.s32 $_size__tile_overlayer_lowered;
	s6 =	simm.s32 $_tile_overlayer_lowered  }
0x9b: {  	s22 =	simm.s32 $0x1BFF;
	s21 =	sshll.u32 s6, $0x1;
	s3 =	sadd.s32 s4, s19  }
0x9c: {  	s7 =	simm.s32 $0x0;
	s20 =	sshll.u32 s5, $0x1;
	s5 =	sadd.s32 s21, s3  }
0x9d: {  	[timem:s7], [sflag:s22] =	dma.local [hbm:s5], s20  }
0x9e: {  	_ =	swait.ge [sflag:s22], s20  }
0x9f: {  	s4 =	ssub.s32 $0x0, s20;
	[sflag:s22] =	ssyncset.done $0x0  }
0xa0: {  	[sflag:s22] =	ssyncadd.s32 s4;
	_ =	sdelay $0x1  }
0xa1: {  	s23 =	simm.s32 $0x1B8B  }
0xa2: {  	_ =	swait.ge [sflag:s23], $0x1  }
0xa3: {  	[sflag:s23] =	ssyncset.done $0x0  }
0xa4: {  	s25 =	simm.s32 $0x1B8E;
	s24 =	sld [smem:$0x3FFE];
	[sflag:s23] =	ssyncadd.s32 $0xFFFFFFFF  }
0xa5: {  	s26 =	simm.s32 $execute0_lowered;
	[smem:$0x3FD2] =	sst s25  }
0xa6: {  	s5 =	sshll.u32 s26, $0x1;
	_ =	strace $0x8000004C;
	[dreg:$0x1] =	wrdreg $0xFFFFFFFF  }
0xa7: {  	s28 =	simm.s32 $_size_execute0_lowered;
	s3 =	sadd.s32 s3, s5;
	[dreg:$0x0] =	wrdreg $0x0  }
0xa8: {  	s5 =	sshll.u32 s28, $0x1;
	[dreg:$0x2] =	wrdreg s3  }
0xa9: {  	[dreg:$0x3] =	wrdreg s5  }
0xaa: {  	[dreg:$0x4] =	wrdreg $0xC0  }
0xab: {  	_ =	task [dreg:s7], $0x5FFFF  }
0xac: {  	[dreg:$0x1] =	wrdreg $0xFFFFFFFF  }
0xad: {  	[dreg:$0x0] =	wrdreg $0x60  }
0xae: {  	[dreg:$0x2] =	wrdreg s2  }
0xaf: {  	[dreg:$0x3] =	wrdreg s24  }
0xb0: {  	[dreg:$0x4] =	wrdreg $0xA7800  }
0xb1: {  	[dreg:$0x5] =	wrdreg $0x9  }
0xb2: {  	_ =	task.clear_ibuf [dreg:s7], $0x6FFFF;
	_ =	strace $0x9000004C  }
0xb3: {  	s29 =	simm.s32 $0x9;
	_ =	strace $0x8000004E  }
0xb4: {  	_ =	swait.ge [sflag:s29], $0x1  }
0xb5: {  	[sflag:s29] =	ssyncadd.s32 $0xFFFFFFFF  }
0xb6: {  	_ =	strace $0x9000004E  }
0xb7: {  	_ =	sfence  }
0xb8: {  	s30 =	sld [smem:$0x0];
	_ =	sdelay $0x2  }
0xb9: {  	s31 =	sshll.u32 s1, $0xD;
	s1 =	sshrl.u32 s1, $0x2  }
0xba: {  	s3 =	sand.u32 $0x4000, s31;
	s1 =	sadd.s32 s1, s30  }
0xbb: {  	s0 =	sor.u32 s3, s0;
	s1 =	sshll.u32 s1, $0x11  }
0xbc: {  	s0 =	sor.u32 s1, s0  }
0xbd: {  	s0 =	sadd.s32 $0x8F2B, s0  }
0xbe: {  	[sflag:s0] =	ssyncadd.remote.s32 $0x1  }
0xbf: {  	_ =	sfence.sel $0xFFFF  }
0xc0: {  	[dreg:$0x0] =	wrdreg $0xFFFFFFFF;
	(pc) =	sbr.abs _section_cstart, $3  }
0xc1: {  	[dreg:$0x1] =	wrdreg $0xFFFFFFFF  }
0xc2: {  	_ =	task.clear_ibuf [dreg:s7], $0x2FFFF;
	_ =	strace $0x9FFFFFFF  }
0xc3: {  	(tm) =	ssettm $0x7FFFFFFF  }
tec
execute0_lowered:
.L_overlay_start_1:
0x0: {  	(tag) =	ssettag $0x1  }
0x1: {  	s1 =	rddreg [dreg:$0x0]  }
0x2: {  	s0 =	srdreg.scid;
	s2 =	rddreg [dreg:$0x1]  }
0x3: {  	s9 =	stileid.u32;
	s3 =	rddreg [dreg:$0x2];
	s10 =	simm.s32 $0x2780  }
0x4: {  	s11 =	simm.s32 $0xA380;
	s12 =	simm.s32 $0x4;
	s19 =	simm.s32 $0x50  }
0x5: {  	s21 =	simm.s32 $0x5300;
	s23 =	simm.s32 $0x1;
	s0 =	sand.u32 $0x1, s0  }
0x6: {  	s4 =	sshll.u32 s9, $0x1;
	s7 =	sadd.s32 $0x47E00, s2;
	s26 =	smul.u32 $0x50000, s9  }
0x7: {  	s8 =	sadd.s32 $0x48400, s2;
	s5 =	sor.u32 s0, s4;
	s4 =	simm.s32 $0x0  }
0x8: {  	s6 =	smul.u32 $0x28000, s0;
	s0 =	ssub.s32 $0x2, s0;
	[smem:$0x7FF] =	sst s4  }
0x9: {  	s5 =	smul.u32 $0xFA0, s5;
	_ =	strace $0x8000004D;
	[dreg:$0x4] =	wrdreg s7  }
0xa: {  	s29 =	smul.u32 $0x2800, s9;
	s28 =	sshrl.u32 s0, $0x1;
	[dreg:$0x5] =	wrdreg s8  }
0xb: {  	s7 =	sshrl.u32 s26, $0x2;
	s0 =	ssub.s32 s0, s28;
	s5 =	sadd.s32 s5, s2  }
0xc: {  	s2 =	sadd.s32 s6, s2;
	s0 =	smax.u32 s0, $0x1;
	s8 =	sadd.s32 $0x1600, s5  }
0xd: {  	s2 =	sadd.s32 $0x48A00, s2;
	[dreg:$0x6] =	wrdreg s0;
	s30 =	sadd.s32 $0x20, s8  }
0xe: {  	s7 =	sadd.s32 s7, s3;
	s31 =	sadd.s32 s29, s2;
	[dreg:$0x7] =	wrdreg s30  }
0xf: {  	v0 =	vimm.f32 $0.0e+00;
	s6 =	simm.s32 $0x5;
	s2 =	simm.s32 $0x0;
	[dreg:$0x8] =	wrdreg s31  }
.LBB2_1:
0x10: {  	s0 =	rddreg [dreg:$0x4]  }
0x11: {  	[tilespmem:s4], [sflag:$0x2] =	stream.linear.gather [hbm4b:s0+s4], $0x2780, $0x38;
	[tilespmem:$0x1E780] =	vst v63  }
0x12: {  	s31 =	rddreg [dreg:$0x5]  }
0x13: {  	[tilespmem:s10], [sflag:$0x3] =	stream.linear.gather [hbm4b:s31+s4], $0x2780, $0x38;
	[tilespmem:$0x1E780] =	vst v63  }
0x14: {  	[tilespmem:$0xA380] =	vst v0  }
0x15: {  	[tilespmem:$0xA390] =	vst v0  }
0x16: {  	[tilespmem:$0xA3A0] =	vst v0  }
0x17: {  	[tilespmem:$0xA3B0] =	vst v0  }
0x18: {  	[tilespmem:$0xA3C0] =	vst v0  }
0x19: {  	[tilespmem:$0xA3D0] =	vst v0  }
0x1a: {  	[tilespmem:$0xA3E0] =	vst v0  }
0x1b: {  	[tilespmem:$0xA3F0] =	vst v0  }
0x1c: {  	[tilespmem:$0xA400] =	vst v0  }
0x1d: {  	[tilespmem:$0xA410] =	vst v0  }
0x1e: {  	[tilespmem:$0xA420] =	vst v0  }
0x1f: {  	[tilespmem:$0xA430] =	vst v0  }
0x20: {  	[tilespmem:$0xA440] =	vst v0  }
0x21: {  	[tilespmem:$0xA450] =	vst v0  }
0x22: {  	[tilespmem:$0xA460] =	vst v0  }
0x23: {  	[tilespmem:$0xA470] =	vst v0  }
0x24: {  	[tilespmem:$0xA480] =	vst v0  }
0x25: {  	[tilespmem:$0xA490] =	vst v0  }
0x26: {  	[tilespmem:$0xA4A0] =	vst v0  }
0x27: {  	[tilespmem:$0xA4B0] =	vst v0  }
0x28: {  	[tilespmem:$0xA4C0] =	vst v0  }
0x29: {  	[tilespmem:$0xA4D0] =	vst v0  }
0x2a: {  	[tilespmem:$0xA4E0] =	vst v0  }
0x2b: {  	[tilespmem:$0xA4F0] =	vst v0  }
0x2c: {  	[tilespmem:$0xA500] =	vst v0  }
0x2d: {  	[tilespmem:$0xA510] =	vst v0  }
0x2e: {  	[tilespmem:$0xA520] =	vst v0  }
0x2f: {  	[tilespmem:$0xA530] =	vst v0  }
0x30: {  	[tilespmem:$0xA540] =	vst v0  }
0x31: {  	[tilespmem:$0xA550] =	vst v0  }
0x32: {  	[tilespmem:$0xA560] =	vst v0  }
0x33: {  	[tilespmem:$0xA570] =	vst v0  }
0x34: {  	[tilespmem:$0xA580] =	vst v0  }
0x35: {  	[tilespmem:$0xA590] =	vst v0  }
0x36: {  	[tilespmem:$0xA5A0] =	vst v0  }
0x37: {  	[tilespmem:$0xA5B0] =	vst v0  }
0x38: {  	[tilespmem:$0xA5C0] =	vst v0  }
0x39: {  	[tilespmem:$0xA5D0] =	vst v0  }
0x3a: {  	[tilespmem:$0xA5E0] =	vst v0  }
0x3b: {  	[tilespmem:$0xA5F0] =	vst v0  }
0x3c: {  	[tilespmem:$0xA600] =	vst v0  }
0x3d: {  	[tilespmem:$0xA610] =	vst v0  }
0x3e: {  	[tilespmem:$0xA620] =	vst v0  }
0x3f: {  	[tilespmem:$0xA630] =	vst v0  }
0x40: {  	[tilespmem:$0xA640] =	vst v0  }
0x41: {  	[tilespmem:$0xA650] =	vst v0  }
0x42: {  	[tilespmem:$0xA660] =	vst v0  }
0x43: {  	[tilespmem:$0xA670] =	vst v0  }
0x44: {  	[tilespmem:$0xA680] =	vst v0  }
0x45: {  	[tilespmem:$0xA690] =	vst v0  }
0x46: {  	[tilespmem:$0xA6A0] =	vst v0  }
0x47: {  	[tilespmem:$0xA6B0] =	vst v0  }
0x48: {  	[tilespmem:$0xA6C0] =	vst v0  }
0x49: {  	[tilespmem:$0xA6D0] =	vst v0  }
0x4a: {  	[tilespmem:$0xA6E0] =	vst v0  }
0x4b: {  	[tilespmem:$0xA6F0] =	vst v0  }
0x4c: {  	[tilespmem:$0xA700] =	vst v0  }
0x4d: {  	[tilespmem:$0xA710] =	vst v0  }
0x4e: {  	[tilespmem:$0xA720] =	vst v0  }
0x4f: {  	[tilespmem:$0xA730] =	vst v0  }
0x50: {  	[tilespmem:$0xA740] =	vst v0  }
0x51: {  	[tilespmem:$0xA750] =	vst v0  }
0x52: {  	[tilespmem:$0xA760] =	vst v0  }
0x53: {  	[dreg:$0x9] =	wrdreg s2;
	s0 =	simm.s32 $0x0;
	[tilespmem:$0xA770] =	vst v0  }
.LBB2_2:
0x54: {  	p0 =	sne.s32 s0, $0x4F000  }
.Ltmp0:
0x55: {  	_ = 	snop;
	(pc) =	sbr.rel @p0 .LBB2_2-.Ltmp0, $4  }
0x56: {  	_ = 	snop  }
0x57: {  	s2 =	sshra.s32 s0, $0x2  }
0x58: {  	s0 =	sadd.s32 $0x1000, s0;
	s2 =	sadd.s32 s2, s7  }
0x59: {  	[spmem:s2] =	stream.linear.scatter [tilespmem:s11], [sflag:$0x4], $0x400, $0x38;
	[tilespmem:$0x1E780] =	vst v63  }
0x5a: {  	_ =	swait.ge [sflag:s12], $0x400  }
0x5b: {  	s0 =	simm.s32 $0x4F;
	[sflag:s12] =	ssyncset.done $0x0  }
.LBB2_4:
0x5c: {  	p0 =	sne.s32 s0, $0x1;
	s0 =	sadd.s32 $0xFFFFFFFF, s0;
	[sflag:s12] =	ssyncadd.s32 $0xFFFFFC00  }
.Ltmp1:
0x5d: {  	(pc) =	sbr.rel @p0 .LBB2_4-.Ltmp1, $3  }
0x5e: {  	_ =	sdelay $0x1  }
0x5f: {  	_ =	swait.ge [sflag:s12], $0x400  }
0x60: {  	[sflag:s12] =	ssyncset.done $0x0  }
0x61: {  	[sflag:s12] =	ssyncadd.s32 $0xFFFFFC00;
	s0 =	simm.s32 $0x2  }
0x62: {  	_ =	swait.ge [sflag:s0], $0x2780  }
0x63: {  	[sflag:s0] =	ssyncset.done $0x0  }
0x64: {  	s29 =	simm.s32 $0x3;
	[sflag:s0] =	ssyncadd.s32 $0xFFFFD880  }
0x65: {  	_ =	swait.ge [sflag:s29], $0x2780  }
0x66: {  	[sflag:s29] =	ssyncset.done $0x0  }
0x67: {  	[sflag:s29] =	ssyncadd.s32 $0xFFFFD880  }
0x68: {  	s25 =	simm.s32 $0x0;
	s30 =	simm.s32 $0x4F00;
	[bflag:$0x0] =	sbarrier.arrive $0xFFFF  }
0x69: {  	[tilespmem:s30], [sflag:$0x5] =	stream.linear.gather [hbm4b:s8+s25], $0x100, $0x38;
	[tilespmem:$0x1E780] =	vst v63  }
0x6a: {  	_ =	swait.ge [sflag:s6], $0x100  }
0x6b: {  	[sflag:s6] =	ssyncset.done $0x0  }
0x6c: {  	s5 =	simm.s32 $0x5000;
	s2 =	rddreg [dreg:$0x7];
	[sflag:s6] =	ssyncadd.s32 $0xFFFFFF00  }
0x6d: {  	[tilespmem:s5], [sflag:$0x1] =	stream.linear.gather [hbm4b:s2+s25], $0x100, $0x38;
	[tilespmem:$0x1E780] =	vst v63  }
0x6e: {  	s31 =	simm.s32 $0x5380  }
0x6f: {  	[tilespmem:s31], [sflag:$0x2] =	stream.indirect.gather [hbm4b:s1+s19], $0x80, s30, s19, $0xb8;
	[tilespmem:$0x1E780] =	vst v63  }
.LBB2_6:
0x70: {  	s0 =	sshll.u32 s25, $0x8  }
0x71: {  	s0 =	sand.u32 $0x300, s0  }
0x72: {  	v1 =	vld [tilespmem:s0+$0x4F80]  }
0x73: {  	v2 =	vld [tilespmem:s0+$0x4F00];
	_ =	sdelay $0x6  }
0x74: {  	v1 =	vld.idx.msk [tilespmem:v1+s4+$0x0], $0xffff  }
0x75: {  	v2 =	vld.idx.msk [tilespmem:v2+s10+$0x0], $0xffff;
	_ =	sdelay $0x3  }
0x76: {  	v3 =	vld [tilespmem:s0+$0x4F90]  }
0x77: {  	v1 =	vadd.f32 v2, v1;
	v2 =	vld [tilespmem:s0+$0x4F10];
	_ =	sdelay $0x1  }
0x78: {  	v1 =	vadd.f32 v1, v1;
	_ =	sdelay $0x1  }
0x79: {  	v1 =	vmul.f32 $1.442695020e+00, v1;
	_ =	sdelay $0x1  }
0x7a: {  	(erf) = vpow2.f32 v1  }
0x7b: {  	v1 =	vld.idx.msk [tilespmem:v3+s4+$0x0], $0xffff  }
0x7c: {  	v2 =	vld.idx.msk [tilespmem:v2+s10+$0x0], $0xffff;
	_ =	sdelay $0x3  }
0x7d: {  	v3 =	vld [tilespmem:s0+$0x4FA0]  }
0x7e: {  	v1 =	vadd.f32 v2, v1;
	v2 =	vld [tilespmem:s0+$0x4F20];
	_ =	sdelay $0x1  }
0x7f: {  	v4 =	vpop (erf);
	v1 =	vadd.f32 v1, v1  }
0x80: {  	v4 =	vadd.f32 $1.000000000e+00, v4  }
0x81: {  	v1 =	vmul.f32 $1.442695020e+00, v1  }
0x82: {  	(erf) = vrcp.f32 v4  }
0x83: {  	(erf) = vpow2.f32 v1  }
0x84: {  	v1 =	vld.idx.msk [tilespmem:v3+s4+$0x0], $0xffff  }
0x85: {  	v2 =	vld.idx.msk [tilespmem:v2+s10+$0x0], $0xffff;
	_ =	sdelay $0x3  }
0x86: {  	v3 =	vld [tilespmem:s0+$0x4FB0]  }
0x87: {  	v1 =	vadd.f32 v2, v1;
	v2 =	vld [tilespmem:s0+$0x4F30]  }
0x88: {  	v4 =	vpop (erf)  }
0x89: {  	v5 =	vpop (erf);
	v1 =	vadd.f32 v1, v1  }
0x8a: {  	v5 =	vadd.f32 $1.000000000e+00, v5  }
0x8b: {  	v1 =	vmul.f32 $1.442695020e+00, v1  }
0x8c: {  	(erf) = vrcp.f32 v5  }
0x8d: {  	(erf) = vpow2.f32 v1  }
0x8e: {  	v1 =	vld.idx.msk [tilespmem:v3+s4+$0x0], $0xffff  }
0x8f: {  	v2 =	vld.idx.msk [tilespmem:v2+s10+$0x0], $0xffff;
	_ =	sdelay $0x3  }
0x90: {  	v3 =	vld [tilespmem:s0+$0x4FC0]  }
0x91: {  	v1 =	vadd.f32 v2, v1;
	v2 =	vld [tilespmem:s0+$0x4F40]  }
0x92: {  	v5 =	vpop (erf)  }
0x93: {  	v6 =	vpop (erf);
	v1 =	vadd.f32 v1, v1  }
0x94: {  	v6 =	vadd.f32 $1.000000000e+00, v6  }
0x95: {  	v1 =	vmul.f32 $1.442695020e+00, v1  }
0x96: {  	(erf) = vrcp.f32 v6  }
0x97: {  	(erf) = vpow2.f32 v1  }
0x98: {  	v1 =	vld.idx.msk [tilespmem:v3+s4+$0x0], $0xffff  }
0x99: {  	v2 =	vld.idx.msk [tilespmem:v2+s10+$0x0], $0xffff;
	_ =	sdelay $0x4  }
0x9a: {  	v1 =	vadd.f32 v2, v1  }
0x9b: {  	v2 =	vpop (erf)  }
0x9c: {  	v3 =	vpop (erf);
	v1 =	vadd.f32 v1, v1  }
0x9d: {  	v3 =	vadd.f32 $1.000000000e+00, v3  }
0x9e: {  	v1 =	vmul.f32 $1.442695020e+00, v1  }
0x9f: {  	(erf) = vrcp.f32 v3  }
0xa0: {  	(erf) = vpow2.f32 v1;
	_ =	sdelay $0x7  }
0xa1: {  	v1 =	vpop (erf)  }
0xa2: {  	v3 =	vpop (erf)  }
0xa3: {  	v3 =	vadd.f32 $1.000000000e+00, v3;
	_ =	sdelay $0x1  }
0xa4: {  	(erf) = vrcp.f32 v3;
	_ =	sdelay $0x5  }
0xa5: {  	v3 =	vadd.f32 v4, v4  }
0xa6: {  	v2 =	vadd.f32 v2, v2  }
0xa7: {  	v1 =	vadd.f32 v1, v1;
	v3 =	vsub.f32 $1.000000000e+00, v3  }
0xa8: {  	v62 =	vadd.f32 v5, v5;
	v2 =	vsub.f32 $1.000000000e+00, v2;
	v63 =	vpop (erf)  }
0xa9: {  	p0 =	seq.s32 s25, $0x0;
	v1 =	vsub.f32 $1.000000000e+00, v1;
	[tilespmem:$0x5300] =	vst v3;
	v3 =	vadd.f32 v63, v63  }
0xaa: {  	p1 =	seq.s32 @!p0 s25, $0x7C;
	[tilespmem:$0x5320] =	vst v2;
	v4 =	vsub.f32 $1.000000000e+00, v62  }
0xab: {  	p1 =	por p0, !p1;
	[tilespmem:$0x5330] =	vst v1;
	v2 =	vsub.f32 $1.000000000e+00, v3  }
.Ltmp2:
0xac: {  	[tilespmem:$0x5310] =	vst v4;
	(pc) =	sbr.rel @!p1 .LBB2_8-.Ltmp2, $4  }
0xad: {  	s5 =	simm.s32 @!p0 $0x4;
	[tilespmem:$0x5340] =	vst v2  }
0xae: {  	_ =	swait.ge @!p0 [sflag:s5], $0x2800  }
0xaf: {  	[sflag:s5] =	ssyncset.done @!p0 $0x0  }
0xb0: {  	s2 =	sand.u32 $0x1, s25;
	[sflag:s5] =	ssyncadd.s32 @!p0 $0xFFFFD800;
	s5 =	simm.s32 @!p0 $0x2  }
0xb1: {  	p0 =	sgt.u32 s25, $0x7A  }
0xb2: {  	_ =	swait.ge [sflag:s23], $0x100;
	s30 =	sxor.u32 $0x1, s2;
	s5 =	sadd.s32 @!p0 $0x2, s25  }
0xb3: {  	s31 =	sshll.u32 s25, $0xA;
	[sflag:s23] =	ssyncset.done $0x0;
	s6 =	sshll.u32 @!p0 s5, $0x8  }
0xb4: {  	s9 =	simm.s32 @!p0 $0x0;
	s5 =	sshll.u32 @!p0 s5, $0x5;
	s6 =	sand.u32 @!p0 $0x300, s6  }
0xb5: {  	[sflag:s23] =	ssyncadd.s32 $0xFFFFFF00;
	s5 =	sadd.s32 @!p0 s8, s5;
	s6 =	sadd.s32 @!p0 $0x4F00, s6  }
0xb6: {  	[tilespmem:s6], [sflag:$0x1] =	stream.linear.gather @!p0 [hbm4b:s5+s9], $0x100, $0x38;
	[tilespmem:$0x1E780] =	vst v63  }
0xb7: {  	s5 =	smul.u32 $0xA000, s30;
	s6 =	sadd.s32 $0x400, s31  }
0xb8: {  	p0 =	seq.s32 s2, $0x0;
	s6 =	sand.u32 $0xC00, s6  }
0xb9: {  	s9 =	simm.s32 $0x3;
	s5 =	sshrl.u32 s5, $0x2;
	s6 =	sshrl.u32 s6, $0x2  }
0xba: {  	s9 =	simm.s32 @!p0 $0x2;
	s5 =	sadd.s32 $0x5380, s5;
	s6 =	sadd.s32 $0x4F00, s6  }
0xbb: {  	[tilespmem:s5], [sflag:s9] =	stream.indirect.gather [hbm4b:s1+s19], $0x80, s6, s19, $0xb8;
	[tilespmem:$0x1E780] =	vst v63  }
0xbc: {  	p0 =	seq.s32 s2, $0x1;
	s5 =	simm.s32 $0x3  }
0xbd: {  	s5 =	simm.s32 @!p0 $0x2  }
.LBB2_8:
0xbe: {  	s2 =	smul.u32 $0xA000, s2;
	_ =	sdelay $0x1  }
0xbf: {  	s2 =	sshrl.u32 s2, $0x2  }
0xc0: {  	s26 =	sadd.s32 $0x5380, s2  }
0xc1: {  	_ =	swait.ge [sflag:s5], $0x2800;
	v1 =	vmov s26  }
0xc2: {  	[sflag:s5] =	ssyncset.done $0x0  }
0xc3: {  	s28 =	sadd.s32 $0x4F80, s0;
	s29 =	simm.s32 $0x0;
	[sflag:s5] =	ssyncadd.s32 $0xFFFFD800  }
.LBB2_9:
0xc4: {  	s0 =	sor.u32 $0x1, s29;
	s6 =	sshll.u32 s29, $0x7  }
0xc5: {  	s2 =	sor.u32 $0x2, s29;
	v3 =	vmov s0;
	s30 =	sand.u32 $0x3FFFFF80, s6;
	s0 =	sshll.u32 s0, $0x7  }
0xc6: {  	v2 =	vmov s29;
	s5 =	sor.u32 $0x3, s29;
	s22 =	sshll.u32 s2, $0x7;
	v9 =	vld.idx.msk [tilespmem:v1+s30+$0x0 ss:$0x1], $0xffff;
	s31 =	sand.u32 $0x3FFFFF80, s0  }
0xc7: {  	s9 =	sor.u32 $0x4, s29;
	v2 =	vand.u32 $0xFFFFFFF0, v2;
	v4 =	vmov s2;
	v5 =	vmov s5;
	s24 =	sshll.u32 s5, $0x7;
	s2 =	sand.u32 $0x3FFFFF80, s22;
	v10 =	vld.idx.msk [tilespmem:v1+s31+$0x0 ss:$0x1], $0xffff  }
0xc8: {  	s16 =	sor.u32 $0x5, s29;
	v6 =	vmov s9;
	s5 =	sshll.u32 s9, $0x7;
	v2 =	vbroadcast v2, $0x0;
	v3 =	vand.u32 $0xFFFFFFF1, v3;
	s18 =	sand.u32 $0x3FFFFF80, s24;
	v11 =	vld.idx.msk [tilespmem:v1+s2+$0x0 ss:$0x1], $0xffff  }
0xc9: {  	s15 =	sor.u32 $0x6, s29;
	v7 =	vmov s16;
	s9 =	sshll.u32 s16, $0x7;
	v4 =	vand.u32 $0xFFFFFFF2, v4;
	s20 =	sand.u32 $0x3FFFFF80, s5;
	v3 =	vbroadcast v3, $0x0;
	v13 =	vld.idx.msk [tilespmem:v1+s18+$0x0 ss:$0x1], $0xffff  }
0xca: {  	s17 =	sor.u32 $0x7, s29;
	s13 =	sshll.u32 s15, $0x7;
	v7 =	vand.u32 $0xFFFFFFF5, v7;
	s0 =	sand.u32 $0x3FFFFF80, s9;
	v4 =	vbroadcast v4, $0x0;
	v14 =	vld.idx.msk [tilespmem:v1+s20+$0x0 ss:$0x1], $0xffff  }
0xcb: {  	s14 =	sshll.u32 s17, $0x7;
	v5 =	vand.u32 $0xFFFFFFF3, v5;
	s5 =	sand.u32 $0x3FFFFF80, s13;
	v7 =	vbroadcast v7, $0x0;
	v15 =	vld.idx.msk [tilespmem:v1+s0+$0x0 ss:$0x1], $0xffff  }
0xcc: {  	v8 =	vmov s15;
	v6 =	vand.u32 $0xFFFFFFF4, v6;
	s6 =	sand.u32 $0x3FFFFF80, s14;
	v5 =	vbroadcast v5, $0x0;
	v17 =	vld.idx.msk [tilespmem:v1+s5+$0x0 ss:$0x1], $0xffff  }
0xcd: {  	v12 =	vmov s17;
	v8 =	vand.u32 $0xFFFFFFF6, v8;
	v6 =	vbroadcast v6, $0x0;
	v39 =	vld.idx.msk [tilespmem:v1+s6+$0x0 ss:$0x1], $0xffff  }
0xce: {  	v12 =	vand.u32 $0xFFFFFFF7, v12;
	v8 =	vbroadcast v8, $0x0;
	v2 =	vld.idx.msk [tilespmem:v2+s21+$0x0], $0xffff  }
0xcf: {  	v12 =	vbroadcast v12, $0x0;
	v3 =	vld.idx.msk [tilespmem:v3+s21+$0x0], $0xffff  }
0xd0: {  	v4 =	vld.idx.msk [tilespmem:v4+s21+$0x0], $0xffff  }
0xd1: {  	v7 =	vld.idx.msk [tilespmem:v7+s21+$0x0], $0xffff  }
0xd2: {  	v5 =	vld.idx.msk [tilespmem:v5+s21+$0x0], $0xffff  }
0xd3: {  	v6 =	vld.idx.msk [tilespmem:v6+s21+$0x0], $0xffff;
	v16 =	vmul.f32 v9, v2  }
0xd4: {  	v8 =	vld.idx.msk [tilespmem:v8+s21+$0x0], $0xffff;
	v10 =	vmul.f32 v10, v3  }
0xd5: {  	v9 =	vld.idx.msk [tilespmem:v12+s21+$0x0], $0xffff;
	v11 =	vmul.f32 v11, v4;
	[tilespmem:v1+s30+$0x0 ss:$0x1] =	vst.idx.msk $0xffff, v16  }
0xd6: {  	v44 =	vmul.f32 v15, v7;
	v16 =	vld.idx.msk [tilespmem:v1+s30+$0x10 ss:$0x1], $0xffff;
	[tilespmem:v1+s31+$0x0 ss:$0x1] =	vst.idx.msk $0xffff, v10  }
0xd7: {  	v40 =	vmul.f32 v13, v5;
	[tilespmem:v1+s2+$0x0 ss:$0x1] =	vst.idx.msk $0xffff, v11;
	v41 =	vld.idx.msk [tilespmem:v1+s31+$0x10 ss:$0x1], $0xffff  }
0xd8: {  	v42 =	vmul.f32 v14, v6;
	[tilespmem:v1+s0+$0x0 ss:$0x1] =	vst.idx.msk $0xffff, v44;
	v43 =	vld.idx.msk [tilespmem:v1+s2+$0x10 ss:$0x1], $0xffff  }
0xd9: {  	v46 =	vmul.f32 v17, v8;
	[tilespmem:v1+s18+$0x0 ss:$0x1] =	vst.idx.msk $0xffff, v40;
	v50 =	vld.idx.msk [tilespmem:v1+s0+$0x10 ss:$0x1], $0xffff  }
0xda: {  	[tilespmem:v1+s20+$0x0 ss:$0x1] =	vst.idx.msk $0xffff, v42;
	v45 =	vld.idx.msk [tilespmem:v1+s18+$0x10 ss:$0x1], $0xffff;
	v48 =	vmul.f32 v39, v9  }
0xdb: {  	[tilespmem:v1+s5+$0x0 ss:$0x1] =	vst.idx.msk $0xffff, v46;
	v47 =	vld.idx.msk [tilespmem:v1+s20+$0x10 ss:$0x1], $0xffff;
	v49 =	vmul.f32 v16, v2  }
0xdc: {  	v52 =	vld.idx.msk [tilespmem:v1+s5+$0x10 ss:$0x1], $0xffff;
	[tilespmem:v1+s6+$0x0 ss:$0x1] =	vst.idx.msk $0xffff, v48;
	v51 =	vmul.f32 v41, v3  }
0xdd: {  	v54 =	vld.idx.msk [tilespmem:v1+s6+$0x10 ss:$0x1], $0xffff;
	v53 =	vmul.f32 v43, v4;
	[tilespmem:v1+s30+$0x10 ss:$0x1] =	vst.idx.msk $0xffff, v49  }
0xde: {  	v60 =	vmul.f32 v50, v7;
	v55 =	vld.idx.msk [tilespmem:v1+s30+$0x20 ss:$0x1], $0xffff;
	[tilespmem:v1+s31+$0x10 ss:$0x1] =	vst.idx.msk $0xffff, v51  }
0xdf: {  	v56 =	vmul.f32 v45, v5;
	[tilespmem:v1+s2+$0x10 ss:$0x1] =	vst.idx.msk $0xffff, v53;
	v57 =	vld.idx.msk [tilespmem:v1+s31+$0x20 ss:$0x1], $0xffff  }
0xe0: {  	v58 =	vmul.f32 v47, v6;
	[tilespmem:v1+s0+$0x10 ss:$0x1] =	vst.idx.msk $0xffff, v60;
	v59 =	vld.idx.msk [tilespmem:v1+s2+$0x20 ss:$0x1], $0xffff  }
0xe1: {  	v62 =	vmul.f32 v52, v8;
	[tilespmem:v1+s18+$0x10 ss:$0x1] =	vst.idx.msk $0xffff, v56;
	v22 =	vld.idx.msk [tilespmem:v1+s0+$0x20 ss:$0x1], $0xffff  }
0xe2: {  	[tilespmem:v1+s20+$0x10 ss:$0x1] =	vst.idx.msk $0xffff, v58;
	v61 =	vld.idx.msk [tilespmem:v1+s18+$0x20 ss:$0x1], $0xffff;
	v20 =	vmul.f32 v54, v9  }
0xe3: {  	[tilespmem:v1+s5+$0x10 ss:$0x1] =	vst.idx.msk $0xffff, v62;
	v63 =	vld.idx.msk [tilespmem:v1+s20+$0x20 ss:$0x1], $0xffff;
	v21 =	vmul.f32 v55, v2  }
0xe4: {  	v24 =	vld.idx.msk [tilespmem:v1+s5+$0x20 ss:$0x1], $0xffff;
	[tilespmem:v1+s6+$0x10 ss:$0x1] =	vst.idx.msk $0xffff, v20;
	v23 =	vmul.f32 v57, v3  }
0xe5: {  	v26 =	vld.idx.msk [tilespmem:v1+s6+$0x20 ss:$0x1], $0xffff;
	v25 =	vmul.f32 v59, v4;
	[tilespmem:v1+s30+$0x20 ss:$0x1] =	vst.idx.msk $0xffff, v21  }
0xe6: {  	v32 =	vmul.f32 v22, v7;
	v27 =	vld.idx.msk [tilespmem:v1+s30+$0x30 ss:$0x1], $0xffff;
	[tilespmem:v1+s31+$0x20 ss:$0x1] =	vst.idx.msk $0xffff, v23  }
0xe7: {  	v28 =	vmul.f32 v61, v5;
	[tilespmem:v1+s2+$0x20 ss:$0x1] =	vst.idx.msk $0xffff, v25;
	v29 =	vld.idx.msk [tilespmem:v1+s31+$0x30 ss:$0x1], $0xffff  }
0xe8: {  	v30 =	vmul.f32 v63, v6;
	[tilespmem:v1+s0+$0x20 ss:$0x1] =	vst.idx.msk $0xffff, v32;
	v31 =	vld.idx.msk [tilespmem:v1+s2+$0x30 ss:$0x1], $0xffff  }
0xe9: {  	v34 =	vmul.f32 v24, v8;
	[tilespmem:v1+s18+$0x20 ss:$0x1] =	vst.idx.msk $0xffff, v28;
	v38 =	vld.idx.msk [tilespmem:v1+s0+$0x30 ss:$0x1], $0xffff  }
0xea: {  	[tilespmem:v1+s20+$0x20 ss:$0x1] =	vst.idx.msk $0xffff, v30;
	v33 =	vld.idx.msk [tilespmem:v1+s18+$0x30 ss:$0x1], $0xffff;
	v36 =	vmul.f32 v26, v9  }
0xeb: {  	[tilespmem:v1+s5+$0x20 ss:$0x1] =	vst.idx.msk $0xffff, v34;
	v35 =	vld.idx.msk [tilespmem:v1+s20+$0x30 ss:$0x1], $0xffff;
	v37 =	vmul.f32 v27, v2  }
0xec: {  	[tilespmem:v1+s6+$0x20 ss:$0x1] =	vst.idx.msk $0xffff, v36;
	v39 =	vmul.f32 v29, v3  }
0xed: {  	v40 =	vld.idx.msk [tilespmem:v1+s5+$0x30 ss:$0x1], $0xffff;
	v41 =	vmul.f32 v31, v4;
	[tilespmem:v1+s30+$0x30 ss:$0x1] =	vst.idx.msk $0xffff, v37  }
0xee: {  	v42 =	vld.idx.msk [tilespmem:v1+s6+$0x30 ss:$0x1], $0xffff;
	v48 =	vmul.f32 v38, v7;
	[tilespmem:v1+s31+$0x30 ss:$0x1] =	vst.idx.msk $0xffff, v39  }
0xef: {  	s15 =	sor.u32 $0x8, s29;
	v44 =	vmul.f32 v33, v5;
	v43 =	vld.idx.msk [tilespmem:v1+s30+$0x40 ss:$0x1], $0xffff;
	[tilespmem:v1+s2+$0x30 ss:$0x1] =	vst.idx.msk $0xffff, v41  }
0xf0: {  	v46 =	vmul.f32 v35, v6;
	[tilespmem:v1+s0+$0x30 ss:$0x1] =	vst.idx.msk $0xffff, v48;
	v48 =	vmov s15;
	v45 =	vld.idx.msk [tilespmem:v1+s31+$0x40 ss:$0x1], $0xffff  }
0xf1: {  	[tilespmem:v1+s18+$0x30 ss:$0x1] =	vst.idx.msk $0xffff, v44;
	v47 =	vld.idx.msk [tilespmem:v1+s2+$0x40 ss:$0x1], $0xffff;
	v15 =	vand.u32 $0xFFFFFFF8, v48  }
0xf2: {  	v50 =	vmul.f32 v40, v8;
	[tilespmem:v1+s20+$0x30 ss:$0x1] =	vst.idx.msk $0xffff, v46;
	v49 =	vld.idx.msk [tilespmem:v1+s18+$0x40 ss:$0x1], $0xffff;
	v15 =	vbroadcast v15, $0x0  }
0xf3: {  	v51 =	vld.idx.msk [tilespmem:v1+s20+$0x40 ss:$0x1], $0xffff;
	v52 =	vmul.f32 v42, v9  }
0xf4: {  	[tilespmem:v1+s5+$0x30 ss:$0x1] =	vst.idx.msk $0xffff, v50;
	v54 =	vld.idx.msk [tilespmem:v1+s0+$0x40 ss:$0x1], $0xffff;
	v53 =	vmul.f32 v43, v2  }
0xf5: {  	v56 =	vld.idx.msk [tilespmem:v1+s5+$0x40 ss:$0x1], $0xffff;
	[tilespmem:v1+s6+$0x30 ss:$0x1] =	vst.idx.msk $0xffff, v52  }
0xf6: {  	v58 =	vld.idx.msk [tilespmem:v1+s6+$0x40 ss:$0x1], $0xffff;
	v55 =	vmul.f32 v45, v3;
	[tilespmem:v1+s30+$0x40 ss:$0x1] =	vst.idx.msk $0xffff, v53  }
0xf7: {  	v57 =	vmul.f32 v47, v4;
	v59 =	vld.idx.msk [tilespmem:v1+s30+$0x50 ss:$0x1], $0xffff  }
0xf8: {  	s16 =	sor.u32 $0x9, s29;
	v60 =	vmul.f32 v49, v5;
	[tilespmem:v1+s31+$0x40 ss:$0x1] =	vst.idx.msk $0xffff, v55;
	v10 =	vld.idx.msk [tilespmem:v15+s21+$0x0], $0xffff  }
0xf9: {  	v52 =	vmov s16;
	v62 =	vmul.f32 v51, v6;
	[tilespmem:v1+s2+$0x40 ss:$0x1] =	vst.idx.msk $0xffff, v57;
	v61 =	vld.idx.msk [tilespmem:v1+s31+$0x50 ss:$0x1], $0xffff  }
0xfa: {  	v19 =	vmul.f32 v54, v7;
	v54 =	vand.u32 $0xFFFFFFF9, v52;
	[tilespmem:v1+s18+$0x40 ss:$0x1] =	vst.idx.msk $0xffff, v60;
	v63 =	vld.idx.msk [tilespmem:v1+s2+$0x50 ss:$0x1], $0xffff  }
0xfb: {  	v21 =	vmul.f32 v56, v8;
	[tilespmem:v1+s20+$0x40 ss:$0x1] =	vst.idx.msk $0xffff, v62;
	v57 =	vbroadcast v54, $0x0;
	v20 =	vld.idx.msk [tilespmem:v1+s18+$0x50 ss:$0x1], $0xffff  }
0xfc: {  	[tilespmem:v1+s0+$0x40 ss:$0x1] =	vst.idx.msk $0xffff, v19;
	v22 =	vld.idx.msk [tilespmem:v1+s20+$0x50 ss:$0x1], $0xffff  }
0xfd: {  	s9 =	sshll.u32 s15, $0x7;
	[tilespmem:v1+s5+$0x40 ss:$0x1] =	vst.idx.msk $0xffff, v21;
	v25 =	vld.idx.msk [tilespmem:v1+s0+$0x50 ss:$0x1], $0xffff;
	v23 =	vmul.f32 v58, v9  }
0xfe: {  	s15 =	sand.u32 $0x3FFFFF80, s9;
	v27 =	vld.idx.msk [tilespmem:v1+s5+$0x50 ss:$0x1], $0xffff  }
0xff: {  	[tilespmem:v1+s6+$0x40 ss:$0x1] =	vst.idx.msk $0xffff, v23;
	v23 =	vld.idx.msk [tilespmem:v1+s15+$0x0 ss:$0x1], $0xffff  }
0x100: {  	s22 =	sor.u32 $0xA, s29;
	s17 =	sshll.u32 s16, $0x7;
	v29 =	vld.idx.msk [tilespmem:v1+s6+$0x50 ss:$0x1], $0xffff  }
0x101: {  	s9 =	sand.u32 $0x3FFFFF80, s17;
	v58 =	vmov s22;
	s22 =	sshll.u32 s22, $0x7;
	v24 =	vmul.f32 v59, v2;
	v11 =	vld.idx.msk [tilespmem:v57+s21+$0x0], $0xffff  }
0x102: {  	s17 =	sand.u32 $0x3FFFFF80, s22;
	v26 =	vmul.f32 v61, v3;
	v35 =	vmul.f32 v25, v7;
	v25 =	vld.idx.msk [tilespmem:v1+s9+$0x0 ss:$0x1], $0xffff  }
0x103: {  	v28 =	vmul.f32 v63, v4;
	v37 =	vmul.f32 v27, v8;
	v27 =	vld.idx.msk [tilespmem:v1+s17+$0x0 ss:$0x1], $0xffff;
	[tilespmem:v1+s30+$0x50 ss:$0x1] =	vst.idx.msk $0xffff, v24  }
0x104: {  	v59 =	vand.u32 $0xFFFFFFFA, v58;
	v31 =	vmul.f32 v20, v5;
	v30 =	vld.idx.msk [tilespmem:v1+s30+$0x60 ss:$0x1], $0xffff;
	[tilespmem:v1+s31+$0x50 ss:$0x1] =	vst.idx.msk $0xffff, v26  }
0x105: {  	v33 =	vmul.f32 v22, v6;
	v21 =	vbroadcast v59, $0x0;
	[tilespmem:v1+s2+$0x50 ss:$0x1] =	vst.idx.msk $0xffff, v28;
	v32 =	vld.idx.msk [tilespmem:v1+s31+$0x60 ss:$0x1], $0xffff  }
0x106: {  	[tilespmem:v1+s18+$0x50 ss:$0x1] =	vst.idx.msk $0xffff, v31;
	v34 =	vld.idx.msk [tilespmem:v1+s2+$0x60 ss:$0x1], $0xffff  }
0x107: {  	[tilespmem:v1+s20+$0x50 ss:$0x1] =	vst.idx.msk $0xffff, v33;
	v36 =	vld.idx.msk [tilespmem:v1+s18+$0x60 ss:$0x1], $0xffff  }
0x108: {  	[tilespmem:v1+s0+$0x50 ss:$0x1] =	vst.idx.msk $0xffff, v35;
	v38 =	vld.idx.msk [tilespmem:v1+s20+$0x60 ss:$0x1], $0xffff  }
0x109: {  	[tilespmem:v1+s5+$0x50 ss:$0x1] =	vst.idx.msk $0xffff, v37;
	v41 =	vld.idx.msk [tilespmem:v1+s0+$0x60 ss:$0x1], $0xffff;
	v39 =	vmul.f32 v29, v9  }
0x10a: {  	s13 =	sor.u32 $0xB, s29;
	v43 =	vld.idx.msk [tilespmem:v1+s5+$0x60 ss:$0x1], $0xffff  }
0x10b: {  	v61 =	vmov s13;
	s13 =	sshll.u32 s13, $0x7;
	[tilespmem:v1+s6+$0x50 ss:$0x1] =	vst.idx.msk $0xffff, v39;
	v12 =	vld.idx.msk [tilespmem:v21+s21+$0x0], $0xffff;
	v40 =	vmul.f32 v30, v2  }
0x10c: {  	s22 =	sand.u32 $0x3FFFFF80, s13;
	v45 =	vld.idx.msk [tilespmem:v1+s6+$0x60 ss:$0x1], $0xffff;
	v42 =	vmul.f32 v32, v3  }
0x10d: {  	v44 =	vmul.f32 v34, v4;
	v34 =	vld.idx.msk [tilespmem:v1+s22+$0x0 ss:$0x1], $0xffff;
	[tilespmem:v1+s30+$0x60 ss:$0x1] =	vst.idx.msk $0xffff, v40  }
0x10e: {  	s14 =	sor.u32 $0xC, s29;
	v47 =	vmul.f32 v36, v5;
	v46 =	vld.idx.msk [tilespmem:v1+s30+$0x70 ss:$0x1], $0xffff;
	[tilespmem:v1+s31+$0x60 ss:$0x1] =	vst.idx.msk $0xffff, v42  }
0x10f: {  	v62 =	vand.u32 $0xFFFFFFFB, v61;
	v29 =	vmov s14;
	v49 =	vmul.f32 v38, v6;
	[tilespmem:v1+s2+$0x60 ss:$0x1] =	vst.idx.msk $0xffff, v44;
	v18 =	vld.idx.msk [tilespmem:v1+s31+$0x70 ss:$0x1], $0xffff  }
0x110: {  	s16 =	sor.u32 $0xD, s29;
	v63 =	vbroadcast v62, $0x0;
	v24 =	vand.u32 $0xFFFFFFFC, v29;
	v51 =	vmul.f32 v41, v7;
	[tilespmem:v1+s18+$0x60 ss:$0x1] =	vst.idx.msk $0xffff, v47;
	v50 =	vld.idx.msk [tilespmem:v1+s2+$0x70 ss:$0x1], $0xffff  }
0x111: {  	s24 =	sor.u32 $0xE, s29;
	v24 =	vbroadcast v24, $0x0;
	v30 =	vmov s16;
	v53 =	vmul.f32 v43, v8;
	[tilespmem:v1+s20+$0x60 ss:$0x1] =	vst.idx.msk $0xffff, v49;
	v19 =	vld.idx.msk [tilespmem:v1+s18+$0x70 ss:$0x1], $0xffff  }
0x112: {  	v26 =	vand.u32 $0xFFFFFFFD, v30;
	v32 =	vmov s24;
	v43 =	vmul.f32 v25, v11;
	[tilespmem:v1+s0+$0x60 ss:$0x1] =	vst.idx.msk $0xffff, v51;
	v55 =	vld.idx.msk [tilespmem:v1+s20+$0x70 ss:$0x1], $0xffff  }
0x113: {  	v31 =	vbroadcast v26, $0x0;
	v26 =	vand.u32 $0xFFFFFFFE, v32;
	[tilespmem:v1+s5+$0x60 ss:$0x1] =	vst.idx.msk $0xffff, v53;
	v20 =	vld.idx.msk [tilespmem:v1+s0+$0x70 ss:$0x1], $0xffff;
	v44 =	vmul.f32 v27, v12  }
0x114: {  	v33 =	vbroadcast v26, $0x0;
	[tilespmem:v1+s9+$0x0 ss:$0x1] =	vst.idx.msk $0xffff, v43;
	v60 =	vld.idx.msk [tilespmem:v1+s5+$0x70 ss:$0x1], $0xffff  }
0x115: {  	v47 =	vld.idx.msk [tilespmem:v1+s9+$0x10 ss:$0x1], $0xffff;
	[tilespmem:v1+s17+$0x0 ss:$0x1] =	vst.idx.msk $0xffff, v44;
	v14 =	vmul.f32 v46, v2  }
0x116: {  	v48 =	vld.idx.msk [tilespmem:v1+s17+$0x10 ss:$0x1], $0xffff;
	v3 =	vmul.f32 v18, v3  }
0x117: {  	v2 =	vld.idx.msk [tilespmem:v63+s21+$0x0], $0xffff;
	v4 =	vmul.f32 v50, v4;
	[tilespmem:v1+s30+$0x70 ss:$0x1] =	vst.idx.msk $0xffff, v14  }
0x118: {  	v5 =	vmul.f32 v19, v5;
	[tilespmem:v1+s31+$0x70 ss:$0x1] =	vst.idx.msk $0xffff, v3;
	v3 =	vld.idx.msk [tilespmem:v24+s21+$0x0], $0xffff  }
0x119: {  	v6 =	vmul.f32 v55, v6;
	s30 =	sshll.u32 s14, $0x7;
	s31 =	sor.u32 $0xF, s29;
	[tilespmem:v1+s2+$0x70 ss:$0x1] =	vst.idx.msk $0xffff, v4;
	v4 =	vld.idx.msk [tilespmem:v31+s21+$0x0], $0xffff  }
0x11a: {  	s16 =	sshll.u32 s16, $0x7;
	s30 =	sand.u32 $0x3FFFFF80, s30;
	[tilespmem:v1+s18+$0x70 ss:$0x1] =	vst.idx.msk $0xffff, v5;
	v5 =	vld.idx.msk [tilespmem:v33+s21+$0x0], $0xffff;
	v36 =	vmov s31  }
0x11b: {  	v38 =	vmul.f32 v60, v8;
	s2 =	sand.u32 $0x3FFFFF80, s16;
	[tilespmem:v1+s20+$0x70 ss:$0x1] =	vst.idx.msk $0xffff, v6;
	s20 =	sshll.u32 s24, $0x7;
	v35 =	vld.idx.msk [tilespmem:v1+s30+$0x0 ss:$0x1], $0xffff  }
0x11c: {  	v41 =	vmul.f32 v23, v10;
	v39 =	vld.idx.msk [tilespmem:v1+s2+$0x0 ss:$0x1], $0xffff;
	s24 =	sand.u32 $0x3FFFFF80, s20;
	s31 =	sshll.u32 s31, $0x7  }
0x11d: {  	v56 =	vmul.f32 v45, v9;
	[tilespmem:v1+s5+$0x70 ss:$0x1] =	vst.idx.msk $0xffff, v38;
	v42 =	vld.idx.msk [tilespmem:v1+s24+$0x0 ss:$0x1], $0xffff;
	s5 =	sand.u32 $0x3FFFFF80, s31  }
0x11e: {  	[tilespmem:v1+s15+$0x0 ss:$0x1] =	vst.idx.msk $0xffff, v41;
	v37 =	vmul.f32 v20, v7;
	v45 =	vld.idx.msk [tilespmem:v1+s5+$0x0 ss:$0x1], $0xffff  }
0x11f: {  	[tilespmem:v1+s6+$0x60 ss:$0x1] =	vst.idx.msk $0xffff, v56;
	v53 =	vmul.f32 v48, v12;
	v6 =	vld.idx.msk [tilespmem:v36+s21+$0x0], $0xffff  }
0x120: {  	v46 =	vld.idx.msk [tilespmem:v1+s15+$0x10 ss:$0x1], $0xffff;
	[tilespmem:v1+s0+$0x70 ss:$0x1] =	vst.idx.msk $0xffff, v37;
	v14 =	vmul.f32 v34, v2  }
0x121: {  	v22 =	vld.idx.msk [tilespmem:v1+s6+$0x70 ss:$0x1], $0xffff;
	[tilespmem:v1+s17+$0x10 ss:$0x1] =	vst.idx.msk $0xffff, v53;
	v16 =	vmul.f32 v35, v3  }
0x122: {  	[tilespmem:v1+s22+$0x0 ss:$0x1] =	vst.idx.msk $0xffff, v14;
	v7 =	vmul.f32 v39, v4  }
0x123: {  	v49 =	vld.idx.msk [tilespmem:v1+s22+$0x10 ss:$0x1], $0xffff;
	v13 =	vmul.f32 v42, v5;
	[tilespmem:v1+s30+$0x0 ss:$0x1] =	vst.idx.msk $0xffff, v16  }
0x124: {  	[tilespmem:v1+s2+$0x0 ss:$0x1] =	vst.idx.msk $0xffff, v7;
	v50 =	vld.idx.msk [tilespmem:v1+s30+$0x10 ss:$0x1], $0xffff;
	v15 =	vmul.f32 v45, v6  }
0x125: {  	v8 =	vmul.f32 v46, v10;
	[tilespmem:v1+s24+$0x0 ss:$0x1] =	vst.idx.msk $0xffff, v13;
	v51 =	vld.idx.msk [tilespmem:v1+s2+$0x10 ss:$0x1], $0xffff  }
0x126: {  	v40 =	vmul.f32 v22, v9;
	v9 =	vmul.f32 v47, v11;
	v52 =	vld.idx.msk [tilespmem:v1+s24+$0x10 ss:$0x1], $0xffff;
	[tilespmem:v1+s5+$0x0 ss:$0x1] =	vst.idx.msk $0xffff, v15  }
0x127: {  	[tilespmem:v1+s15+$0x10 ss:$0x1] =	vst.idx.msk $0xffff, v8;
	v54 =	vld.idx.msk [tilespmem:v1+s5+$0x10 ss:$0x1], $0xffff  }
0x128: {  	[tilespmem:v1+s9+$0x10 ss:$0x1] =	vst.idx.msk $0xffff, v9;
	v55 =	vld.idx.msk [tilespmem:v1+s15+$0x20 ss:$0x1], $0xffff;
	v16 =	vmul.f32 v49, v2  }
0x129: {  	[tilespmem:v1+s6+$0x70 ss:$0x1] =	vst.idx.msk $0xffff, v40;
	v56 =	vld.idx.msk [tilespmem:v1+s9+$0x20 ss:$0x1], $0xffff;
	v7 =	vmul.f32 v50, v3  }
0x12a: {  	v57 =	vld.idx.msk [tilespmem:v1+s17+$0x20 ss:$0x1], $0xffff;
	[tilespmem:v1+s22+$0x10 ss:$0x1] =	vst.idx.msk $0xffff, v16;
	v13 =	vmul.f32 v51, v4  }
0x12b: {  	v58 =	vld.idx.msk [tilespmem:v1+s22+$0x20 ss:$0x1], $0xffff;
	v15 =	vmul.f32 v52, v5;
	[tilespmem:v1+s30+$0x10 ss:$0x1] =	vst.idx.msk $0xffff, v7  }
0x12c: {  	[tilespmem:v1+s2+$0x10 ss:$0x1] =	vst.idx.msk $0xffff, v13;
	v59 =	vld.idx.msk [tilespmem:v1+s30+$0x20 ss:$0x1], $0xffff;
	v14 =	vmul.f32 v54, v6  }
0x12d: {  	v9 =	vmul.f32 v55, v10;
	[tilespmem:v1+s24+$0x10 ss:$0x1] =	vst.idx.msk $0xffff, v15;
	v60 =	vld.idx.msk [tilespmem:v1+s2+$0x20 ss:$0x1], $0xffff  }
0x12e: {  	v8 =	vmul.f32 v56, v11;
	v61 =	vld.idx.msk [tilespmem:v1+s24+$0x20 ss:$0x1], $0xffff;
	[tilespmem:v1+s5+$0x10 ss:$0x1] =	vst.idx.msk $0xffff, v14  }
0x12f: {  	v62 =	vmul.f32 v57, v12;
	[tilespmem:v1+s15+$0x20 ss:$0x1] =	vst.idx.msk $0xffff, v9;
	v63 =	vld.idx.msk [tilespmem:v1+s5+$0x20 ss:$0x1], $0xffff  }
0x130: {  	[tilespmem:v1+s9+$0x20 ss:$0x1] =	vst.idx.msk $0xffff, v8;
	v20 =	vld.idx.msk [tilespmem:v1+s15+$0x30 ss:$0x1], $0xffff;
	v7 =	vmul.f32 v58, v2  }
0x131: {  	[tilespmem:v1+s17+$0x20 ss:$0x1] =	vst.idx.msk $0xffff, v62;
	v21 =	vld.idx.msk [tilespmem:v1+s9+$0x30 ss:$0x1], $0xffff;
	v13 =	vmul.f32 v59, v3  }
0x132: {  	v22 =	vld.idx.msk [tilespmem:v1+s17+$0x30 ss:$0x1], $0xffff;
	[tilespmem:v1+s22+$0x20 ss:$0x1] =	vst.idx.msk $0xffff, v7;
	v15 =	vmul.f32 v60, v4  }
0x133: {  	v23 =	vld.idx.msk [tilespmem:v1+s22+$0x30 ss:$0x1], $0xffff;
	v14 =	vmul.f32 v61, v5;
	[tilespmem:v1+s30+$0x20 ss:$0x1] =	vst.idx.msk $0xffff, v13  }
0x134: {  	[tilespmem:v1+s2+$0x20 ss:$0x1] =	vst.idx.msk $0xffff, v15;
	v24 =	vld.idx.msk [tilespmem:v1+s30+$0x30 ss:$0x1], $0xffff;
	v16 =	vmul.f32 v63, v6  }
0x135: {  	v8 =	vmul.f32 v20, v10;
	[tilespmem:v1+s24+$0x20 ss:$0x1] =	vst.idx.msk $0xffff, v14;
	v25 =	vld.idx.msk [tilespmem:v1+s2+$0x30 ss:$0x1], $0xffff  }
0x136: {  	v9 =	vmul.f32 v21, v11;
	v26 =	vld.idx.msk [tilespmem:v1+s24+$0x30 ss:$0x1], $0xffff;
	[tilespmem:v1+s5+$0x20 ss:$0x1] =	vst.idx.msk $0xffff, v16  }
0x137: {  	[tilespmem:v1+s15+$0x30 ss:$0x1] =	vst.idx.msk $0xffff, v8;
	v7 =	vmul.f32 v22, v12;
	v27 =	vld.idx.msk [tilespmem:v1+s5+$0x30 ss:$0x1], $0xffff  }
0x138: {  	[tilespmem:v1+s9+$0x30 ss:$0x1] =	vst.idx.msk $0xffff, v9;
	v28 =	vld.idx.msk [tilespmem:v1+s15+$0x40 ss:$0x1], $0xffff;
	v13 =	vmul.f32 v23, v2  }
0x139: {  	v29 =	vld.idx.msk [tilespmem:v1+s9+$0x40 ss:$0x1], $0xffff;
	[tilespmem:v1+s17+$0x30 ss:$0x1] =	vst.idx.msk $0xffff, v7;
	v15 =	vmul.f32 v24, v3  }
0x13a: {  	v30 =	vld.idx.msk [tilespmem:v1+s17+$0x40 ss:$0x1], $0xffff;
	[tilespmem:v1+s22+$0x30 ss:$0x1] =	vst.idx.msk $0xffff, v13;
	v14 =	vmul.f32 v25, v4  }
0x13b: {  	v31 =	vld.idx.msk [tilespmem:v1+s22+$0x40 ss:$0x1], $0xffff;
	v16 =	vmul.f32 v26, v5;
	[tilespmem:v1+s30+$0x30 ss:$0x1] =	vst.idx.msk $0xffff, v15  }
0x13c: {  	[tilespmem:v1+s2+$0x30 ss:$0x1] =	vst.idx.msk $0xffff, v14;
	v32 =	vld.idx.msk [tilespmem:v1+s30+$0x40 ss:$0x1], $0xffff;
	v8 =	vmul.f32 v27, v6  }
0x13d: {  	v9 =	vmul.f32 v28, v10;
	[tilespmem:v1+s24+$0x30 ss:$0x1] =	vst.idx.msk $0xffff, v16;
	v33 =	vld.idx.msk [tilespmem:v1+s2+$0x40 ss:$0x1], $0xffff  }
0x13e: {  	v7 =	vmul.f32 v29, v11;
	v34 =	vld.idx.msk [tilespmem:v1+s24+$0x40 ss:$0x1], $0xffff;
	[tilespmem:v1+s5+$0x30 ss:$0x1] =	vst.idx.msk $0xffff, v8  }
0x13f: {  	[tilespmem:v1+s15+$0x40 ss:$0x1] =	vst.idx.msk $0xffff, v9;
	v35 =	vmul.f32 v30, v12;
	v36 =	vld.idx.msk [tilespmem:v1+s5+$0x40 ss:$0x1], $0xffff  }
0x140: {  	[tilespmem:v1+s9+$0x40 ss:$0x1] =	vst.idx.msk $0xffff, v7;
	v37 =	vld.idx.msk [tilespmem:v1+s15+$0x50 ss:$0x1], $0xffff;
	v15 =	vmul.f32 v31, v2  }
0x141: {  	v38 =	vld.idx.msk [tilespmem:v1+s9+$0x50 ss:$0x1], $0xffff;
	[tilespmem:v1+s17+$0x40 ss:$0x1] =	vst.idx.msk $0xffff, v35;
	v14 =	vmul.f32 v32, v3  }
0x142: {  	v39 =	vld.idx.msk [tilespmem:v1+s17+$0x50 ss:$0x1], $0xffff;
	[tilespmem:v1+s22+$0x40 ss:$0x1] =	vst.idx.msk $0xffff, v15;
	v16 =	vmul.f32 v33, v4  }
0x143: {  	v40 =	vld.idx.msk [tilespmem:v1+s22+$0x50 ss:$0x1], $0xffff;
	v8 =	vmul.f32 v34, v5;
	[tilespmem:v1+s30+$0x40 ss:$0x1] =	vst.idx.msk $0xffff, v14  }
0x144: {  	[tilespmem:v1+s2+$0x40 ss:$0x1] =	vst.idx.msk $0xffff, v16;
	v41 =	vld.idx.msk [tilespmem:v1+s30+$0x50 ss:$0x1], $0xffff;
	v13 =	vmul.f32 v36, v6  }
0x145: {  	v7 =	vmul.f32 v37, v10;
	[tilespmem:v1+s24+$0x40 ss:$0x1] =	vst.idx.msk $0xffff, v8;
	v42 =	vld.idx.msk [tilespmem:v1+s2+$0x50 ss:$0x1], $0xffff  }
0x146: {  	v9 =	vmul.f32 v38, v11;
	v43 =	vld.idx.msk [tilespmem:v1+s24+$0x50 ss:$0x1], $0xffff;
	[tilespmem:v1+s5+$0x40 ss:$0x1] =	vst.idx.msk $0xffff, v13  }
0x147: {  	[tilespmem:v1+s15+$0x50 ss:$0x1] =	vst.idx.msk $0xffff, v7;
	v44 =	vmul.f32 v39, v12;
	v45 =	vld.idx.msk [tilespmem:v1+s5+$0x50 ss:$0x1], $0xffff  }
0x148: {  	[tilespmem:v1+s9+$0x50 ss:$0x1] =	vst.idx.msk $0xffff, v9;
	v46 =	vld.idx.msk [tilespmem:v1+s15+$0x60 ss:$0x1], $0xffff;
	v14 =	vmul.f32 v40, v2  }
0x149: {  	v47 =	vld.idx.msk [tilespmem:v1+s9+$0x60 ss:$0x1], $0xffff;
	[tilespmem:v1+s17+$0x50 ss:$0x1] =	vst.idx.msk $0xffff, v44;
	v16 =	vmul.f32 v41, v3  }
0x14a: {  	v48 =	vld.idx.msk [tilespmem:v1+s17+$0x60 ss:$0x1], $0xffff;
	[tilespmem:v1+s22+$0x50 ss:$0x1] =	vst.idx.msk $0xffff, v14;
	v8 =	vmul.f32 v42, v4  }
0x14b: {  	v49 =	vld.idx.msk [tilespmem:v1+s22+$0x60 ss:$0x1], $0xffff;
	v13 =	vmul.f32 v43, v5;
	[tilespmem:v1+s30+$0x50 ss:$0x1] =	vst.idx.msk $0xffff, v16  }
0x14c: {  	[tilespmem:v1+s2+$0x50 ss:$0x1] =	vst.idx.msk $0xffff, v8;
	v50 =	vld.idx.msk [tilespmem:v1+s30+$0x60 ss:$0x1], $0xffff;
	v15 =	vmul.f32 v45, v6  }
0x14d: {  	v9 =	vmul.f32 v46, v10;
	[tilespmem:v1+s24+$0x50 ss:$0x1] =	vst.idx.msk $0xffff, v13;
	v51 =	vld.idx.msk [tilespmem:v1+s2+$0x60 ss:$0x1], $0xffff  }
0x14e: {  	v7 =	vmul.f32 v47, v11;
	v52 =	vld.idx.msk [tilespmem:v1+s24+$0x60 ss:$0x1], $0xffff;
	[tilespmem:v1+s5+$0x50 ss:$0x1] =	vst.idx.msk $0xffff, v15  }
0x14f: {  	[tilespmem:v1+s15+$0x60 ss:$0x1] =	vst.idx.msk $0xffff, v9;
	v53 =	vmul.f32 v48, v12;
	v54 =	vld.idx.msk [tilespmem:v1+s5+$0x60 ss:$0x1], $0xffff  }
0x150: {  	[tilespmem:v1+s9+$0x60 ss:$0x1] =	vst.idx.msk $0xffff, v7;
	v55 =	vld.idx.msk [tilespmem:v1+s15+$0x70 ss:$0x1], $0xffff;
	v16 =	vmul.f32 v49, v2  }
0x151: {  	v56 =	vld.idx.msk [tilespmem:v1+s9+$0x70 ss:$0x1], $0xffff;
	[tilespmem:v1+s17+$0x60 ss:$0x1] =	vst.idx.msk $0xffff, v53;
	v8 =	vmul.f32 v50, v3  }
0x152: {  	v57 =	vld.idx.msk [tilespmem:v1+s17+$0x70 ss:$0x1], $0xffff;
	[tilespmem:v1+s22+$0x60 ss:$0x1] =	vst.idx.msk $0xffff, v16;
	v13 =	vmul.f32 v51, v4  }
0x153: {  	v58 =	vld.idx.msk [tilespmem:v1+s22+$0x70 ss:$0x1], $0xffff;
	v15 =	vmul.f32 v52, v5;
	[tilespmem:v1+s30+$0x60 ss:$0x1] =	vst.idx.msk $0xffff, v8  }
0x154: {  	[tilespmem:v1+s2+$0x60 ss:$0x1] =	vst.idx.msk $0xffff, v13;
	v59 =	vld.idx.msk [tilespmem:v1+s30+$0x70 ss:$0x1], $0xffff;
	v14 =	vmul.f32 v54, v6  }
0x155: {  	v7 =	vmul.f32 v55, v10;
	[tilespmem:v1+s24+$0x60 ss:$0x1] =	vst.idx.msk $0xffff, v15;
	v60 =	vld.idx.msk [tilespmem:v1+s2+$0x70 ss:$0x1], $0xffff  }
0x156: {  	v9 =	vmul.f32 v56, v11;
	v61 =	vld.idx.msk [tilespmem:v1+s24+$0x70 ss:$0x1], $0xffff;
	[tilespmem:v1+s5+$0x60 ss:$0x1] =	vst.idx.msk $0xffff, v14  }
0x157: {  	[tilespmem:v1+s15+$0x70 ss:$0x1] =	vst.idx.msk $0xffff, v7;
	v62 =	vmul.f32 v57, v12;
	v63 =	vld.idx.msk [tilespmem:v1+s5+$0x70 ss:$0x1], $0xffff  }
0x158: {  	[tilespmem:v1+s9+$0x70 ss:$0x1] =	vst.idx.msk $0xffff, v9;
	v2 =	vmul.f32 v58, v2  }
0x159: {  	p0 =	slt.u32 s29, $0x40;
	[tilespmem:v1+s17+$0x70 ss:$0x1] =	vst.idx.msk $0xffff, v62;
	v3 =	vmul.f32 v59, v3  }
.Ltmp3:
0x15a: {  	[tilespmem:v1+s22+$0x70 ss:$0x1] =	vst.idx.msk $0xffff, v2;
	v2 =	vmul.f32 v60, v4;
	(pc) =	sbr.rel @p0 .LBB2_9-.Ltmp3, $4  }
0x15b: {  	[tilespmem:v1+s30+$0x70 ss:$0x1] =	vst.idx.msk $0xffff, v3;
	v3 =	vmul.f32 v61, v5  }
0x15c: {  	[tilespmem:v1+s2+$0x70 ss:$0x1] =	vst.idx.msk $0xffff, v2;
	v2 =	vmul.f32 v63, v6  }
0x15d: {  	[tilespmem:v1+s24+$0x70 ss:$0x1] =	vst.idx.msk $0xffff, v3  }
0x15e: {  	s29 =	sadd.s32 $0x10, s29;
	[tilespmem:v1+s5+$0x70 ss:$0x1] =	vst.idx.msk $0xffff, v2  }
0x15f: {  	s25 =	sadd.s32 $0x1, s25  }
0x160: {  	p0 =	sne.s32 s25, $0x7D  }
.Ltmp4:
0x161: {  	_ = 	snop;
	(pc) =	sbr.rel @p0 .LBB2_6-.Ltmp4, $2  }
0x162: {  	_ =	sdelay $0x2  }
0x163: {  	[spmem:s3] =	stream.indirect.scatter.add.f32 [tilespmem:s26], [sflag:$0x4], $0x80, s28, s19, $0xb8;
	[tilespmem:$0x1E780] =	vst v63  }
0x164: {  	_ =	swait.ge [sflag:s12], $0x2800  }
0x165: {  	[sflag:s12] =	ssyncset.done $0x0  }
0x166: {  	s0 =	stileid.u32;
	[sflag:s12] =	ssyncadd.s32 $0xFFFFD800  }
0x167: {  	s2 =	sshrl.u32 s7, $0x3;
	s0 =	sshll.u32 s0, $0x6;
	[bflag:$0x0] =	sbarrier.arrive $0xFFFF  }
0x168: {  	s6 =	simm.s32 $0x5;
	s0 =	sor.u32 $0x1C05, s0;
	s5 =	rddreg [dreg:$0x8]  }
0x169: {  	[hbm:s5], [sflag:s0] =	dma.local [spmem:s2], $0x2800  }
0x16a: {  	_ =	swait.ge [sflag:s6], $0x2800  }
0x16b: {  	s30 =	rddreg [dreg:$0x9]  }
0x16c: {  	s31 =	rddreg [dreg:$0x6];
	s2 =	sadd.s32 $0x1, s30  }
0x16d: {  	p0 =	sne.s32 s2, s31  }
.Ltmp5:
0x16e: {  	_ = 	snop;
	(pc) =	sbr.rel @p0 .LBB2_1-.Ltmp5, $3  }
0x16f: {  	_ =	sdelay $0x1  }
0x170: {  	[sflag:s6] =	ssyncset.done $0x0  }
0x171: {  	[sflag:s6] =	ssyncadd.s32 $0xFFFFD800  }
0x172: {  	_ =	sfence.sel $0x180000  }
0x173: {  	[bflag:$0x0] =	sbarrier.arrive $0xFFFF  }
0x174: {  	_ =	strace $0x9000004D  }
0x175: {  	s0 =	stileid.u32;
	[bflag:$0x2] =	sbarrier.arrive $0xFFFF  }
0x176: {  	p0 =	sne.s32 s0, $0x0;
	s0 =	rddreg [dreg:$0x3]  }
0x177: {  	s0 =	sadd.s32 @!p0 $0x100000, s0  }
0x178: {  	[sflag:s0] =	ssyncadd.tile.s32 @!p0 $0x1;
	_ =	shalt  }
.Lfunc_end2:
_tile_overlayer_lowered:
.L_overlay_start_2:
0x179: {  	(tag) =	ssettag $0x2  }
0x17a: {  	s0 =	rddreg [dreg:$0x0];
	s2 =	stileid.u32  }
0x17b: {  	s1 =	rddreg [dreg:$0x1];
	p0 =	sne.s32 s2, $0x0  }
0x17c: {  	s3 =	rddreg [dreg:$0x2];
	[bflag:$0x3] =	sbarrier.arrive $0xFFFF;
	s2 =	simm.s32 @!p0 $0x1C05  }
0x17d: {  	[timem:s3], [sflag:s2] =	dma.local @!p0 [hbm:s0], s1  }
0x17e: {  	s0 =	simm.s32 @!p0 $0x5  }
0x17f: {  	_ =	swait.ge @!p0 [sflag:s0], s1  }
0x180: {  	s1 =	ssub.s32 @!p0 $0x0, s1;
	[sflag:s0] =	ssyncset.done @!p0 $0x0  }
0x181: {  	[sflag:s0] =	ssyncadd.s32 @!p0 s1  }
0x182: {  	[bflag:$0x3] =	sbarrier.arrive $0xFFFF  }
0x183: {  	_ =	shalt  }

// kernel: kernel.8.cloned.1.call-start
scs
__scs_entry_jumppad:
0x0: {  	(pc) =	sbr.rel $0x88, $3  }
0x1: {  	(tag) =	ssettag $0x0;
	lr =	simm.s32 $0x1  }
0x2: {  	[smem:$0x3F98] =	sst lr;
	_ =	strace $0xD0000000  }
0x3: {  	_ = 	snop  }
0x4: {  	_ = 	snop  }
0x5: {  	_ = 	snop  }
0x6: {  	_ = 	snop  }
0x7: {  	_ = 	snop  }
__scs_overlays_trampoline_lowered:
0x8: {  	[smem:$0x3FA7] =	sst s0  }
0x9: {  	[smem:$0x3FA8] =	sst s1  }
0xa: {  	[smem:$0x3FA9] =	sst s2  }
0xb: {  	[smem:$0x3FAA] =	sst s3  }
0xc: {  	[smem:$0x3FAB] =	sst s4  }
0xd: {  	[smem:$0x3FAC] =	sst s5  }
0xe: {  	[smem:$0x3FAD] =	sst s6  }
0xf: {  	[smem:$0x3FAE] =	sst s7  }
0x10: {  	[smem:$0x3FAF] =	sst s8  }
0x11: {  	[smem:$0x3FB0] =	sst s9;
	s0 =	simm.s32 @!p0 $0x0  }
0x12: {  	s1 =	sld [smem:$0x3F96];
	s0 =	simm.s32 @p0 $0x1  }
0x13: {  	[smem:$0x3FB1] =	sst s0;
	s0 =	simm.s32 @!p1 $0x0  }
0x14: {  	s2 =	sld [smem:$0x3F95];
	s0 =	simm.s32 @p1 $0x1  }
0x15: {  	[smem:$0x3FB2] =	sst s0;
	s0 =	simm.s32 @!p2 $0x0  }
0x16: {  	s3 =	sld [smem:$0x3FDB];
	s0 =	simm.s32 @p2 $0x1  }
0x17: {  	s4 =	simm.s32 $0x1BF5;
	[smem:$0x3FB4] =	sst s0  }
0x18: {  	s0 =	sld [smem:$0x3F97];
	_ =	swait.ge [sflag:s4], $0x0  }
0x19: {  	s7 =	sld [smem:$0x3F98]  }
0x1a: {  	s8 =	sadd.s32 $0xFFFFE003, lr  }
0x1b: {  	s9 =	sadd.s32 $0xFFFFFEF7, lr;
	s5 =	simm.s32 $0xFFFFFFFF;
	p2 =	slt.u32 s8, $0xFFFFF086  }
0x1c: {  	p1 =	slt.u32 s9, $0xF7A;
	s5 =	simm.s32 @!p2 $0x0  }
0x1d: {  	s5 =	simm.s32 @p1 $0x1;
	p0 =	seq.s32 s7, s2  }
0x1e: {  	s7 =	smul.u32 @!p0 $0xF7A, s2;
	p2 =	seq.s32 @!p0 s5, $0x0  }
0x1f: {  	s9 =	smul.u32 $0xF7A, s1;
	s8 =	simm.s32 @!p0 $0x1BF5;
	p2 =	por !p2, p0  }
0x20: {  	[sflag:s8] =	ssyncset.s32 @!p0 $0xFFFFF086;
	s6 =	sadd.s32 @!p0 s3, s7;
	s7 =	simm.s32 @!p0 $0x108  }
0x21: {  	s3 =	sadd.s32 s3, s9;
	s6 =	sadd.s32 @!p0 $0x88, s6;
	s7 =	simm.s32 @p2 $0x1082  }
0x22: {  	[simem:s7], [sflag:s8] =	dma.local @!p0 [hbm:s6], $0xF7A  }
0x23: {  	s9 =	sor.u32 $0xD0000000, s2;
	s6 =	simm.s32 $0x108;
	_ =	swait.ge @!p0 [sflag:s8], $0x0  }
0x24: {  	s3 =	sadd.s32 $0x88, s3;
	s6 =	simm.s32 @!p1 $0x1082;
	[sflag:s4] =	ssyncset.s32 $0xFFFFF086  }
0x25: {  	[simem:s6], [sflag:s4] =	dma.local [hbm:s3], $0xF7A  }
0x26: {  	[smem:$0x3F98] =	sst s1;
	(tag) =	ssettag s2;
	_ =	strace s9  }
0x27: {  	s1 =	sld [smem:$0x3FA8]  }
0x28: {  	s2 =	sld [smem:$0x3FA9]  }
0x29: {  	s4 =	sld [smem:$0x3FAB]  }
0x2a: {  	p0 =	seq.s32 s5, $0x0;
	s5 =	sld [smem:$0x3FAC]  }
0x2b: {  	s6 =	sld [smem:$0x3FAD]  }
0x2c: {  	s7 =	sld [smem:$0x3FAE]  }
0x2d: {  	s3 =	simm.s32 $0x108;
	s8 =	sld [smem:$0x3FAF]  }
0x2e: {  	s3 =	simm.s32 @!p0 $0x1082;
	s9 =	sld [smem:$0x3FB0]  }
0x2f: {  	lr =	sadd.s32 s0, s3;
	s0 =	sld [smem:$0x3FA7]  }
0x30: {  	s3 =	sld [smem:$0x3FAA]  }
0x31: {  	[smem:$0x3FB3] =	sst s10  }
0x32: {  	s10 =	sld [smem:$0x3FB1];
	_ =	sdelay $0x3  }
0x33: {  	p0 =	seq.s32 s10, $0x1;
	s10 =	sld [smem:$0x3FB3];
	_ =	sdelay $0x3  }
0x34: {  	[smem:$0x3FB3] =	sst s10  }
0x35: {  	s10 =	sld [smem:$0x3FB2];
	_ =	sdelay $0x3  }
0x36: {  	p1 =	seq.s32 s10, $0x1;
	s10 =	sld [smem:$0x3FB3];
	_ =	sdelay $0x3  }
0x37: {  	[smem:$0x3FB3] =	sst s10  }
0x38: {  	s10 =	sld [smem:$0x3FB4]  }
0x39: {  	_ = 	snop;
	(pc) =	sbr.ind lr, $3  }
0x3a: {  	_ = 	snop  }
0x3b: {  	_ = 	snop  }
0x3c: {  	p2 =	seq.s32 s10, $0x1;
	s10 =	sld [smem:$0x3FB3]  }
0x3d: {  	_ =	shalt  }
0x3e: {  	_ =	shalt  }
0x3f: {  	_ =	shalt  }
0x40: {  	_ =	shalt  }
0x41: {  	_ =	shalt  }
0x42: {  	_ =	shalt  }
0x43: {  	_ =	shalt  }
0x44: {  	_ =	shalt  }
0x45: {  	_ =	shalt  }
0x46: {  	_ =	shalt  }
0x47: {  	_ =	shalt  }
0x48: {  	_ =	shalt  }
0x49: {  	_ =	shalt  }
0x4a: {  	_ =	shalt  }
0x4b: {  	_ =	shalt  }
0x4c: {  	_ =	shalt  }
0x4d: {  	_ =	shalt  }
0x4e: {  	_ =	shalt  }
0x4f: {  	_ =	shalt  }
0x50: {  	_ =	shalt  }
0x51: {  	_ =	shalt  }
0x52: {  	_ =	shalt  }
0x53: {  	_ =	shalt  }
0x54: {  	_ =	shalt  }
0x55: {  	_ =	shalt  }
0x56: {  	_ =	shalt  }
0x57: {  	_ =	shalt  }
0x58: {  	_ =	shalt  }
0x59: {  	_ =	shalt  }
0x5a: {  	_ =	shalt  }
0x5b: {  	_ =	shalt  }
0x5c: {  	_ =	shalt  }
0x5d: {  	_ =	shalt  }
0x5e: {  	_ =	shalt  }
0x5f: {  	_ =	shalt  }
0x60: {  	_ =	shalt  }
0x61: {  	_ =	shalt  }
0x62: {  	_ =	shalt  }
0x63: {  	_ =	shalt  }
0x64: {  	_ =	shalt  }
0x65: {  	_ =	shalt  }
0x66: {  	_ =	shalt  }
0x67: {  	_ =	shalt  }
0x68: {  	_ =	shalt  }
0x69: {  	_ =	shalt  }
0x6a: {  	_ =	shalt  }
0x6b: {  	_ =	shalt  }
0x6c: {  	_ =	shalt  }
0x6d: {  	_ =	shalt  }
0x6e: {  	_ =	shalt  }
0x6f: {  	_ =	shalt  }
0x70: {  	_ =	shalt  }
0x71: {  	_ =	shalt  }
0x72: {  	_ =	shalt  }
0x73: {  	_ =	shalt  }
0x74: {  	_ =	shalt  }
0x75: {  	_ =	shalt  }
0x76: {  	_ =	shalt  }
0x77: {  	_ =	shalt  }
0x78: {  	_ =	shalt  }
0x79: {  	_ =	shalt  }
0x7a: {  	_ =	shalt  }
0x7b: {  	_ =	shalt  }
0x7c: {  	_ =	shalt  }
0x7d: {  	_ =	shalt  }
0x7e: {  	_ =	shalt  }
0x7f: {  	_ =	shalt  }
0x80: {  	_ =	shalt  }
0x81: {  	_ =	shalt  }
0x82: {  	_ =	shalt  }
0x83: {  	_ =	shalt  }
0x84: {  	_ =	shalt  }
0x85: {  	_ =	shalt  }
0x86: {  	_ =	shalt  }
0x87: {  	_ =	shalt  }
.Lfunc_end0:
.L_simem_size_0:
called_computation_lowered:
.L_overlay_start_0:
0x88: {  	s2 =	sld [smem:$0x3FD9]  }
0x89: {  	s3 =	sld [smem:$0x3FFE];
	_ =	sdelay $0x1  }
0x8a: {  	s1 =	srdreg.scid  }
0x8b: {  	s0 =	sand.u32 $0x1, s1  }
0x8c: {  	s17 =	sshll.u32 s0, $0xA;
	s2 =	sadd.s32 s3, s2  }
0x8d: {  	s2 =	sadd.s32 s2, s17  }
0x8e: {  	[smem:$0x3FBF] =	sst s2  }
0x8f: {  	_ = 	snop  }
0x90: {  	s2 =	sld [smem:$0x3FD0];
	(tm) =	ssettm $0x1  }
0x91: {  	s18 =	sld [smem:$0x3FFB];
	_ =	sdelay $0x3  }
0x92: {  	_ =	strace s18  }
0x93: {  	s3 =	sld [smem:$0x3FFC];
	_ =	sdelay $0x3  }
0x94: {  	_ =	strace s3  }
0x95: {  	s3 =	sld [smem:$0x3FFD];
	_ =	sdelay $0x3  }
0x96: {  	_ =	strace s3  }
0x97: {  	_ =	strace $0x8FFFFFFF  }
0x98: {  	s19 =	sld [smem:$0x3FDB];
	_ =	sdelay $0x1  }
0x99: {  	s4 =	simm.s32 $_scs_section_size  }
0x9a: {  	s5 =	simm.s32 $_size__tile_overlayer_lowered;
	s6 =	simm.s32 $_tile_overlayer_lowered  }
0x9b: {  	s22 =	simm.s32 $0x1BFF;
	s21 =	sshll.u32 s6, $0x1;
	s3 =	sadd.s32 s4, s19  }
0x9c: {  	s7 =	simm.s32 $0x0;
	s20 =	sshll.u32 s5, $0x1;
	s5 =	sadd.s32 s21, s3  }
0x9d: {  	[timem:s7], [sflag:s22] =	dma.local [hbm:s5], s20  }
0x9e: {  	_ =	swait.ge [sflag:s22], s20  }
0x9f: {  	s4 =	ssub.s32 $0x0, s20;
	[sflag:s22] =	ssyncset.done $0x0  }
0xa0: {  	[sflag:s22] =	ssyncadd.s32 s4;
	_ =	sdelay $0x1  }
0xa1: {  	s23 =	simm.s32 $0x1B8B  }
0xa2: {  	_ =	swait.ge [sflag:s23], $0x1  }
0xa3: {  	[sflag:s23] =	ssyncset.done $0x0  }
0xa4: {  	s25 =	simm.s32 $0x1B8E;
	s24 =	sld [smem:$0x3FFE];
	[sflag:s23] =	ssyncadd.s32 $0xFFFFFFFF  }
0xa5: {  	s26 =	simm.s32 $execute0_lowered;
	[smem:$0x3FD2] =	sst s25  }
0xa6: {  	s5 =	sshll.u32 s26, $0x1;
	_ =	strace $0x80000046;
	[dreg:$0x1] =	wrdreg $0xFFFFFFFF  }
0xa7: {  	s28 =	simm.s32 $_size_execute0_lowered;
	s3 =	sadd.s32 s3, s5;
	[dreg:$0x0] =	wrdreg $0x0  }
0xa8: {  	s5 =	sshll.u32 s28, $0x1;
	[dreg:$0x2] =	wrdreg s3  }
0xa9: {  	[dreg:$0x3] =	wrdreg s5  }
0xaa: {  	[dreg:$0x4] =	wrdreg $0xC0  }
0xab: {  	_ =	task [dreg:s7], $0x5FFFF  }
0xac: {  	[dreg:$0x1] =	wrdreg $0xFFFFFFFF  }
0xad: {  	[dreg:$0x0] =	wrdreg $0x60  }
0xae: {  	[dreg:$0x2] =	wrdreg s24  }
0xaf: {  	[dreg:$0x3] =	wrdreg s2  }
0xb0: {  	[dreg:$0x4] =	wrdreg $0x80000  }
0xb1: {  	[dreg:$0x5] =	wrdreg $0x9  }
0xb2: {  	_ =	task.clear_ibuf [dreg:s7], $0x6FFFF;
	_ =	strace $0x90000046  }
0xb3: {  	s29 =	simm.s32 $0x9;
	_ =	strace $0x80000048  }
0xb4: {  	_ =	swait.ge [sflag:s29], $0x1  }
0xb5: {  	[sflag:s29] =	ssyncadd.s32 $0xFFFFFFFF  }
0xb6: {  	_ =	strace $0x90000048  }
0xb7: {  	_ =	sfence  }
0xb8: {  	s30 =	sld [smem:$0x0];
	_ =	sdelay $0x2  }
0xb9: {  	s31 =	sshll.u32 s1, $0xD;
	s1 =	sshrl.u32 s1, $0x2  }
0xba: {  	s3 =	sand.u32 $0x4000, s31;
	s1 =	sadd.s32 s1, s30  }
0xbb: {  	s0 =	sor.u32 s3, s0;
	s1 =	sshll.u32 s1, $0x11  }
0xbc: {  	s0 =	sor.u32 s1, s0  }
0xbd: {  	s0 =	sadd.s32 $0x8F2B, s0  }
0xbe: {  	[sflag:s0] =	ssyncadd.remote.s32 $0x1  }
0xbf: {  	_ =	sfence.sel $0xFFFF  }
0xc0: {  	[dreg:$0x0] =	wrdreg $0xFFFFFFFF;
	(pc) =	sbr.abs _section_cstart, $3  }
0xc1: {  	[dreg:$0x1] =	wrdreg $0xFFFFFFFF  }
0xc2: {  	_ =	task.clear_ibuf [dreg:s7], $0x2FFFF;
	_ =	strace $0x9FFFFFFF  }
0xc3: {  	(tm) =	ssettm $0x7FFFFFFF  }
tec
execute0_lowered:
.L_overlay_start_1:
0x0: {  	(tag) =	ssettag $0x1  }
0x1: {  	s4 =	rddreg [dreg:$0x0];
	s1 =	srdreg.scid  }
0x2: {  	s0 =	stileid.u32;
	s6 =	rddreg [dreg:$0x1]  }
0x3: {  	s2 =	rddreg [dreg:$0x2];
	s3 =	simm.s32 $0x0;
	s11 =	simm.s32 $0x1  }
0x4: {  	s15 =	simm.s32 $0x20;
	s16 =	simm.s32 $0x10;
	s17 =	simm.s32 $0x0  }
0x5: {  	s7 =	sand.u32 $0x1, s1;
	s1 =	rddreg [dreg:$0x3];
	s9 =	smul.u32 $0xA00, s0  }
0x6: {  	s30 =	sshll.u32 s0, $0x1;
	[smem:$0x7FF] =	sst s3;
	s13 =	smul.u32 $0xA0, s0  }
0x7: {  	s14 =	sshll.u32 s0, $0x6;
	s5 =	sor.u32 s7, s30;
	s8 =	ssub.s32 $0x2, s7  }
0x8: {  	_ =	strace $0x80000047;
	s7 =	sshll.u32 s7, $0x4;
	s5 =	smul.u32 $0xFA0, s5  }
0x9: {  	s10 =	sshrl.u32 s8, $0x1;
	s31 =	sshrl.u32 s9, $0x2;
	s12 =	sadd.s32 s6, s7  }
0xa: {  	s7 =	simm.s32 $0x7D80;
	s9 =	simm.s32 $0x50;
	s8 =	ssub.s32 s8, s10  }
0xb: {  	s10 =	simm.s32 $0x7D00;
	s12 =	sadd.s32 s13, s12;
	s13 =	sor.u32 $0x1C02, s14  }
0xc: {  	s5 =	sadd.s32 s5, s4;
	s4 =	sadd.s32 s31, s2;
	s6 =	smax.u32 s8, $0x1  }
0xd: {  	v0 =	vimm.f32 $1.000000000e+00;
	v1 =	vimm.f32 $0.0e+00;
	s8 =	simm.s32 $0x2;
	s5 =	sadd.s32 $0x1600, s5;
	s14 =	sshrl.u32 s4, $0x3  }
.LBB2_1:
0xe: {  	[tilespmem:$0x7D00] =	vst v0  }
0xf: {  	[tilespmem:$0x7D10] =	vst v0  }
0x10: {  	[tilespmem:$0x7D20] =	vst v0  }
0x11: {  	[tilespmem:$0x7D30] =	vst v0  }
0x12: {  	[tilespmem:$0x7D40] =	vst v0  }
0x13: {  	[tilespmem:$0x7D80] =	vst v1  }
0x14: {  	[tilespmem:$0x7D90] =	vst v1  }
0x15: {  	[tilespmem:$0x7DA0] =	vst v1  }
0x16: {  	[tilespmem:$0x7DB0] =	vst v1  }
0x17: {  	[tilespmem:$0x7DC0] =	vst v1  }
0x18: {  	[tilespmem:$0x7DD0] =	vst v1  }
0x19: {  	[tilespmem:$0x7DE0] =	vst v1  }
0x1a: {  	[tilespmem:$0x7DF0] =	vst v1  }
0x1b: {  	[tilespmem:$0x7E00] =	vst v1  }
0x1c: {  	[tilespmem:$0x7E10] =	vst v1  }
0x1d: {  	[tilespmem:$0x7E20] =	vst v1  }
0x1e: {  	[tilespmem:$0x7E30] =	vst v1  }
0x1f: {  	[tilespmem:$0x7E40] =	vst v1  }
0x20: {  	[tilespmem:$0x7E50] =	vst v1  }
0x21: {  	[tilespmem:$0x7E60] =	vst v1  }
0x22: {  	[tilespmem:$0x7E70] =	vst v1  }
0x23: {  	[tilespmem:$0x7E80] =	vst v1  }
0x24: {  	[tilespmem:$0x7E90] =	vst v1  }
0x25: {  	[tilespmem:$0x7EA0] =	vst v1  }
0x26: {  	[tilespmem:$0x7EB0] =	vst v1  }
0x27: {  	[tilespmem:$0x7EC0] =	vst v1  }
0x28: {  	[tilespmem:$0x7ED0] =	vst v1  }
0x29: {  	[tilespmem:$0x7EE0] =	vst v1  }
0x2a: {  	[tilespmem:$0x7EF0] =	vst v1  }
0x2b: {  	[tilespmem:$0x7F00] =	vst v1  }
0x2c: {  	[tilespmem:$0x7F10] =	vst v1  }
0x2d: {  	[tilespmem:$0x7F20] =	vst v1  }
0x2e: {  	[tilespmem:$0x7F30] =	vst v1  }
0x2f: {  	[tilespmem:$0x7F40] =	vst v1  }
0x30: {  	[tilespmem:$0x7F50] =	vst v1  }
0x31: {  	[tilespmem:$0x7F60] =	vst v1  }
0x32: {  	[tilespmem:$0x7F70] =	vst v1  }
0x33: {  	[tilespmem:$0x7F80] =	vst v1  }
0x34: {  	[tilespmem:$0x7F90] =	vst v1  }
0x35: {  	[tilespmem:$0x7FA0] =	vst v1  }
0x36: {  	[tilespmem:$0x7FB0] =	vst v1  }
0x37: {  	[tilespmem:$0x7FC0] =	vst v1  }
0x38: {  	[tilespmem:$0x7FD0] =	vst v1  }
0x39: {  	[tilespmem:$0x7FE0] =	vst v1  }
0x3a: {  	[tilespmem:$0x7FF0] =	vst v1  }
0x3b: {  	[spmem:s4] =	stream.linear.scatter [tilespmem:s7], [sflag:$0x2], $0x280, $0x38;
	[tilespmem:$0x8280] =	vst v63  }
0x3c: {  	_ =	swait.ge [sflag:s8], $0x280  }
0x3d: {  	[sflag:s8] =	ssyncset.done $0x0  }
0x3e: {  	[sflag:s8] =	ssyncadd.s32 $0xFFFFFD80  }
0x3f: {  	[tilespmem:s3], [sflag:$0x2] =	stream.linear.gather [hbm4b:s5+s3], $0x7D00, $0x38;
	[tilespmem:$0x8280] =	vst v63  }
0x40: {  	_ =	swait.ge [sflag:s8], $0x7D00  }
0x41: {  	[sflag:s8] =	ssyncset.done $0x0  }
0x42: {  	[sflag:s8] =	ssyncadd.s32 $0xFFFF8300  }
0x43: {  	s18 =	simm.s32 $0x200;
	[bflag:$0x0] =	sbarrier.arrive $0xFFFF  }
.LBB2_2:
0x44: {  	p0 =	sne.s32 s18, $0x1F200  }
.Ltmp0:
0x45: {  	_ = 	snop;
	(pc) =	sbr.rel @p0 .LBB2_2-.Ltmp0, $3  }
0x46: {  	_ =	sdelay $0x1  }
0x47: {  	s19 =	sshra.s32 s18, $0x2;
	s18 =	sadd.s32 $0x400, s18  }
0x48: {  	[spmem:s2] =	stream.indirect.scatter.add.f32 [tilespmem:s10], [sflag:$0x1], $0x1, s19, s9, $0xb8;
	[tilespmem:$0x8280] =	vst v63  }
0x49: {  	_ =	swait.ge [sflag:s11], $0x50  }
0x4a: {  	s18 =	simm.s32 $0x7C;
	[sflag:s11] =	ssyncset.done $0x0  }
.LBB2_4:
0x4b: {  	p0 =	sne.s32 s18, $0x1;
	s18 =	sadd.s32 $0xFFFFFFFF, s18;
	[sflag:s11] =	ssyncadd.s32 $0xFFFFFFB0  }
.Ltmp1:
0x4c: {  	(pc) =	sbr.rel @p0 .LBB2_4-.Ltmp1, $3  }
0x4d: {  	_ =	sdelay $0x1  }
0x4e: {  	_ =	swait.ge [sflag:s11], $0x50  }
0x4f: {  	[sflag:s11] =	ssyncset.done $0x0  }
0x50: {  	s17 =	sadd.s32 $0x1, s17  }
0x51: {  	[sflag:s11] =	ssyncadd.s32 $0xFFFFFFB0;
	p0 =	sne.s32 s17, s6  }
.Ltmp2:
0x52: {  	[bflag:$0x0] =	sbarrier.arrive $0xFFFF;
	(pc) =	sbr.rel @p0 .LBB2_1-.Ltmp2, $4  }
0x53: {  	[hbm:s12@s15], [sflag:s13] =	dma.strided [spmem:s14@s16], $0x50, s11, $0x10   }
0x54: {  	_ =	swait.ge [sflag:s8], $0x50  }
0x55: {  	[sflag:s8] =	ssyncset.done $0x0  }
0x56: {  	[sflag:s8] =	ssyncadd.s32 $0xFFFFFFB0  }
0x57: {  	_ =	sfence.sel $0x180000  }
0x58: {  	[bflag:$0x0] =	sbarrier.arrive $0xFFFF  }
0x59: {  	p0 =	sne.s32 s0, $0x0;
	_ =	strace $0x90000047  }
0x5a: {  	s0 =	sadd.s32 @!p0 $0x100000, s1;
	[bflag:$0x2] =	sbarrier.arrive $0xFFFF  }
0x5b: {  	[sflag:s0] =	ssyncadd.tile.s32 @!p0 $0x1;
	_ =	shalt  }
.Lfunc_end2:
_tile_overlayer_lowered:
.L_overlay_start_2:
0x5c: {  	(tag) =	ssettag $0x2  }
0x5d: {  	s0 =	rddreg [dreg:$0x0];
	s2 =	stileid.u32  }
0x5e: {  	s1 =	rddreg [dreg:$0x1];
	p0 =	sne.s32 s2, $0x0  }
0x5f: {  	s3 =	rddreg [dreg:$0x2];
	[bflag:$0x3] =	sbarrier.arrive $0xFFFF;
	s2 =	simm.s32 @!p0 $0x1C02  }
0x60: {  	[timem:s3], [sflag:s2] =	dma.local @!p0 [hbm:s0], s1  }
0x61: {  	s0 =	simm.s32 @!p0 $0x2  }
0x62: {  	_ =	swait.ge @!p0 [sflag:s0], s1  }
0x63: {  	s1 =	ssub.s32 @!p0 $0x0, s1;
	[sflag:s0] =	ssyncset.done @!p0 $0x0  }
0x64: {  	[sflag:s0] =	ssyncadd.s32 @!p0 s1  }
0x65: {  	[bflag:$0x3] =	sbarrier.arrive $0xFFFF  }
0x66: {  	_ =	shalt  }

</sc_bundles>
